<compile_context>
chip_gen: v7x
topology: tpu7x:2x2x1
jax: 0.10.2.dev20260603
libtpu: 0.0.44.dev20260713+nightly
codegen_flags: <defaults>
</compile_context>

<pallas_src>
import functools

import jax
import jax.numpy as jnp
from jax import lax
from jax.experimental import pallas as pl
from jax.experimental.pallas import tpu as pltpu
from jax.experimental.pallas import tpu_sc as plsc

N = 10000
E = 320000
BLK = 2000
GRID = N // BLK

NC = 2
NS = 16
NW = NC * NS
EPT = E // NW
K = 125
CH = EPT // K
RPT = 624
ZR = 16

_sc_mesh = functools.partial(plsc.VectorSubcoreMesh,
                             core_axis_name="c", subcore_axis_name="s")



def _sc_deg_body(dst_hbm, out_hbm, acc, idx, _sem):
    wid = lax.axis_index("c") * NS + lax.axis_index("s")

    @pl.loop(0, N // 16)
    def _(i):
        acc[pl.ds(i * 16, 16)] = jnp.zeros((16,), jnp.float32)

    pltpu.sync_copy(dst_hbm.at[pl.ds(wid * EPT, EPT)], idx)

    ones = jnp.ones((16,), jnp.float32)

    @pl.loop(0, EPT // 16)
    def _(j):
        plsc.addupdate_scatter(acc, [idx[pl.ds(j * 16, 16)]], ones)

    pltpu.sync_copy(acc, out_hbm.at[wid])


def _sc_deg(dst):
    return pl.kernel(
        _sc_deg_body,
        out_type=jax.ShapeDtypeStruct((NW, N), jnp.float32),
        mesh=_sc_mesh(),
        compiler_params=pltpu.CompilerParams(needs_layout_passes=False),
        scratch_types=[
            pltpu.VMEM((N,), jnp.float32),
            pltpu.VMEM((EPT,), jnp.int32),
            pltpu.SemaphoreType.DMA,
        ],
    )(dst)



GRP = 40


def _sc_conv_body(g_hbm, srcm_hbm, dstm_hbm, out_hbm,
                  acc, sidx, didx, rows0, rows1, gsem, ssem):
    c = lax.axis_index("c")
    sid = lax.axis_index("s")
    tg = c * NS + sid
    bufs = [rows0, rows1]
    nb = len(bufs)

    @pl.loop(0, ZR)
    def _(i):
        for k in range(128 // 16):
            rows0[i, pl.ds(k * 16, 16)] = jnp.zeros((16,), jnp.float32)

    zsrc = rows0.at[pl.ds(0, ZR)]

    @pl.loop(0, RPT // ZR)
    def _(m):
        pltpu.sync_copy(zsrc, acc.at[pl.ds(sid * RPT + m * ZR, ZR)])

    @pl.when(sid == NS - 1)
    def _():
        pltpu.sync_copy(zsrc, acc.at[pl.ds(N - ZR, ZR)])

    plsc.subcore_barrier()

    @pl.loop(0, CH // GRP)
    def _(grp):
        base = tg * CH + grp * GRP
        pltpu.sync_copy(srcm_hbm.at[pl.ds(base, GRP)], sidx)
        pltpu.sync_copy(dstm_hbm.at[pl.ds(base, GRP)], didx)
        pg = [pltpu.async_copy(g_hbm.at[sidx.at[j]], bufs[j], gsem)
              for j in range(nb)]
        for j in range(GRP):
            pg[j].wait()
            pltpu.sync_copy(bufs[j % nb], acc.at[didx.at[j]], add=True)
            if j + nb < GRP:
                pg.append(pltpu.async_copy(
                    g_hbm.at[sidx.at[j + nb]], bufs[j % nb], gsem))

    plsc.subcore_barrier()
    pltpu.sync_copy(acc.at[pl.ds(sid * RPT, RPT)],
                    out_hbm.at[c, pl.ds(sid * RPT, RPT)])

    @pl.when(sid == NS - 1)
    def _():
        pltpu.sync_copy(acc.at[pl.ds(NS * RPT, N - NS * RPT)],
                        out_hbm.at[c, pl.ds(NS * RPT, N - NS * RPT)])


def _sc_conv(g, srcm, dstm):
    return pl.kernel(
        _sc_conv_body,
        out_type=jax.ShapeDtypeStruct((NC, N, 128), jnp.float32),
        mesh=_sc_mesh(),
        compiler_params=pltpu.CompilerParams(needs_layout_passes=False),
        scratch_types=[
            pltpu.VMEM_SHARED((N, 128), jnp.float32),
            pltpu.VMEM((GRP, K), jnp.int32),
            pltpu.VMEM((GRP, K), jnp.int32),
            pltpu.VMEM((K, 128), jnp.float32),
            pltpu.VMEM((K, 128), jnp.float32),
            pltpu.SemaphoreType.DMA,
            pltpu.SemaphoreType.DMA,
        ],
    )(g, srcm, dstm)


def _leaky(x):
    return jnp.where(x > 0, x, 0.01 * x)


def _dot(a, b):
    return jnp.dot(a, b, preferred_element_type=jnp.float32)



def _tc1_body(des_ref, tw_ref, np_ref, cp_ref, nf_ref, dp_ref,
              Wdes, bdes, Wtw, btw, Wnp, bnp, Wcp, bcp, Wnf, bnf,
              Wind, Wint, Winn, Winc, Winf, bin_, Wg1,
              g1_ref, dis_ref):
    bf = jnp.bfloat16
    d = _leaky(_dot(des_ref[...].astype(bf), Wdes[...]) + bdes[...])
    t = _leaky(_dot(tw_ref[...].astype(bf), Wtw[...]) + btw[...])
    n = _leaky(_dot(np_ref[...], Wnp[...]) + bnp[...])
    c = _leaky(_dot(cp_ref[...], Wcp[...]) + bcp[...])
    f = _leaky(_dot(nf_ref[...], Wnf[...]) + bnf[...])
    x = _leaky(_dot(d, Wind[...]) + _dot(t, Wint[...]) + _dot(n, Winn[...])
               + _dot(c, Winc[...]) + _dot(f, Winf[...]) + bin_[...])
    h = _dot(x, Wg1[...])
    deg = jnp.sum(dp_ref[...], axis=1) + 1.0
    dis = jax.lax.rsqrt(deg)[:, None]
    dis_ref[...] = dis
    g1_ref[...] = h * dis


def _tc1(des, tweet, num_prop, cat_prop, new_feature, deg_parts,
         W_des, b_des, W_tw, b_tw, W_np, b_np, W_cp, b_cp, W_nf, b_nf,
         W_in, b_in, Wg1, *, interpret=False):
    P = deg_parts.shape[1]
    row = lambda i: (i, 0)
    full = lambda shape: pl.BlockSpec(shape, lambda i: (0, 0))
    in_specs = [
        pl.BlockSpec((BLK, 768), row), pl.BlockSpec((BLK, 768), row),
        pl.BlockSpec((BLK, 7), row), pl.BlockSpec((BLK, 11), row),
        pl.BlockSpec((BLK, 1), row),
        pl.BlockSpec((BLK, P), row),
        full((768, 28)), full((1, 28)), full((768, 36)), full((1, 36)),
        full((7, 12)), full((1, 12)), full((11, 40)), full((1, 40)),
        full((1, 12)), full((1, 12)),
        full((28, 128)), full((36, 128)), full((12, 128)), full((40, 128)),
        full((12, 128)), full((1, 128)), full((128, 128)),
    ]
    out_specs = [pl.BlockSpec((BLK, 128), row), pl.BlockSpec((BLK, 1), row)]
    Wind = W_in[0:28]
    Wint = W_in[28:64]
    Winn = W_in[64:76]
    Winc = W_in[76:116]
    Winf = W_in[116:128]
    bf = jnp.bfloat16
    return pl.pallas_call(
        _tc1_body,
        grid=(GRID,),
        in_specs=in_specs,
        out_specs=out_specs,
        out_shape=[jax.ShapeDtypeStruct((N, 128), jnp.float32),
                   jax.ShapeDtypeStruct((N, 1), jnp.float32)],
        interpret=interpret,
    )(des, tweet, num_prop, cat_prop, new_feature,
      deg_parts,
      W_des.astype(bf), b_des.reshape(1, -1), W_tw.astype(bf),
      b_tw.reshape(1, -1),
      W_np, b_np.reshape(1, -1), W_cp, b_cp.reshape(1, -1),
      W_nf, b_nf.reshape(1, -1),
      Wind, Wint, Winn, Winc, Winf, b_in.reshape(1, -1), Wg1)



def _tc2_body(Sa_ref, Sb_ref, g_ref, dis_ref, bg, Wg2, g2_ref):
    dis = dis_ref[...]
    out1 = (Sa_ref[0] + Sb_ref[0] + g_ref[...]) * dis + bg[...]
    g2_ref[...] = _dot(out1, Wg2[...]) * dis


def _tc2(S, g1, dis, bg1, Wg2, *, interpret=False):
    row = lambda i: (i, 0)
    full = lambda shape: pl.BlockSpec(shape, lambda i: (0, 0))
    return pl.pallas_call(
        _tc2_body,
        grid=(GRID,),
        in_specs=[pl.BlockSpec((1, BLK, 128), lambda i: (0, i, 0)),
                  pl.BlockSpec((1, BLK, 128), lambda i: (1, i, 0)),
                  pl.BlockSpec((BLK, 128), row),
                  pl.BlockSpec((BLK, 1), row), full((1, 128)),
                  full((128, 128))],
        out_specs=pl.BlockSpec((BLK, 128), row),
        out_shape=jax.ShapeDtypeStruct((N, 128), jnp.float32),
        interpret=interpret,
    )(S, S, g1, dis, bg1.reshape(1, -1), Wg2)



def _tc3_body(Sa_ref, Sb_ref, g_ref, dis_ref, bg, Wo1, bo1, Wo2, bo2, y_ref):
    out2 = (Sa_ref[0] + Sb_ref[0] + g_ref[...]) * dis_ref[...] + bg[...]
    t = _leaky(_dot(out2, Wo1[...]) + bo1[...])
    y_ref[...] = _dot(t, Wo2[...]) + bo2[...]


def _tc3(S, g2, dis, bg2, W_o1, b_o1, W_o2, b_o2, *, interpret=False):
    row = lambda i: (i, 0)
    full = lambda shape: pl.BlockSpec(shape, lambda i: (0, 0))
    return pl.pallas_call(
        _tc3_body,
        grid=(GRID,),
        in_specs=[pl.BlockSpec((1, BLK, 128), lambda i: (0, i, 0)),
                  pl.BlockSpec((1, BLK, 128), lambda i: (1, i, 0)),
                  pl.BlockSpec((BLK, 128), row),
                  pl.BlockSpec((BLK, 1), row), full((1, 128)),
                  full((128, 128)), full((1, 128)), full((128, 2)),
                  full((1, 2))],
        out_specs=pl.BlockSpec((BLK, 2), row),
        out_shape=jax.ShapeDtypeStruct((N, 2), jnp.float32),
        interpret=interpret,
    )(S, S, g2, dis, bg2.reshape(1, -1), W_o1, b_o1.reshape(1, -1),
      W_o2, b_o2.reshape(1, -1))



def kernel(des, tweet, num_prop, cat_prop, new_feature, edge_index, edge_type,
           W_des, b_des, W_tw, b_tw, W_np, b_np, W_cp, b_cp, W_nf, b_nf,
           W_in, b_in, Wg1, bg1, Wg2, bg2, W_o1, b_o1, W_o2, b_o2):
    src, dst = edge_index[0], edge_index[1]
    srcm = src.reshape(NW * CH, K)
    dstm = dst.reshape(NW * CH, K)

    deg_parts = _sc_deg(dst).T

    g1, dis = _tc1(des, tweet, num_prop, cat_prop, new_feature, deg_parts,
                   W_des, b_des, W_tw, b_tw, W_np, b_np, W_cp, b_cp,
                   W_nf, b_nf, W_in, b_in, Wg1)

    S1 = _sc_conv(g1, srcm, dstm)
    g2 = _tc2(S1, g1, dis, bg1, Wg2)
    S2 = _sc_conv(g2, srcm, dstm)
    y = _tc3(S2, g2, dis, bg2, W_o1, b_o1, W_o2, b_o2)
    return y

# --- scband reference (transcript-rebuilt; emitter-appended) ---
"""Pipeline reference for scband-esabot-gcn-32590211842598 (READ-ONLY COPY).

The authoritative reference and input builder live on the scoring server;
editing this copy changes nothing except your own understanding.
"""

import jax, jax.numpy as jnp
import numpy as np

N = 10000
E = 320000


def leaky(x):
    return jnp.where(x > 0, x, 0.01 * x)


def gcn_conv(x, src, dst, W, b):
    n = x.shape[0]
    sl = jnp.arange(n, dtype=src.dtype)
    s = jnp.concatenate([src, sl])
    d = jnp.concatenate([dst, sl])
    deg = jnp.zeros((n,), x.dtype).at[d].add(1.0)
    dis = jnp.where(deg > 0, jax.lax.rsqrt(deg), 0.0)
    norm = dis[s] * dis[d]
    h = x @ W
    out = jnp.zeros_like(h).at[d].add(h[s] * norm[:, None])
    return out + b


def setup_inputs(seed: int = 0):
    key = jax.random.key(seed)
    ks = iter(jax.random.split(key, 40))
    def nx(shape):
        return jax.random.normal(next(ks), shape, dtype=jnp.float32)
    def p(shape):
        return jax.random.normal(next(ks), shape, dtype=jnp.float32) * 0.05
    inp = dict(
        des=nx((N, 768)), tweet=nx((N, 768)), num_prop=nx((N, 7)),
        cat_prop=nx((N, 11)), new_feature=nx((N, 1)),
        edge_index=jax.random.randint(next(ks), (2, E), 0, N, dtype=jnp.int32),
        edge_type=jax.random.randint(next(ks), (E,), 0, 3, dtype=jnp.int32),
        W_des=p((768, 28)), b_des=p((28,)),
        W_tw=p((768, 36)), b_tw=p((36,)),
        W_np=p((7, 12)), b_np=p((12,)),
        W_cp=p((11, 40)), b_cp=p((40,)),
        W_nf=p((1, 12)), b_nf=p((12,)),
        W_in=p((128, 128)), b_in=p((128,)),
        Wg1=p((128, 128)), bg1=p((128,)),
        Wg2=p((128, 128)), bg2=p((128,)),
        W_o1=p((128, 128)), b_o1=p((128,)),
        W_o2=p((128, 2)), b_o2=p((2,)),
    )
    return inp


def reference(des, tweet, num_prop, cat_prop, new_feature, edge_index, edge_type,
              W_des, b_des, W_tw, b_tw, W_np, b_np, W_cp, b_cp, W_nf, b_nf,
              W_in, b_in, Wg1, bg1, Wg2, bg2, W_o1, b_o1, W_o2, b_o2):
    d = leaky(des @ W_des + b_des)
    t = leaky(tweet @ W_tw + b_tw)
    n = leaky(num_prop @ W_np + b_np)
    c = leaky(cat_prop @ W_cp + b_cp)
    nf = leaky(new_feature @ W_nf + b_nf)
    x = jnp.concatenate([d, t, n, c, nf], axis=1)
    x = leaky(x @ W_in + b_in)
    src, dst = edge_index[0], edge_index[1]
    x = gcn_conv(x, src, dst, Wg1, bg1)
    # dropout is identity in eval mode
    x = gcn_conv(x, src, dst, Wg2, bg2)
    x = leaky(x @ W_o1 + b_o1)
    x = x @ W_o2 + b_o2
    return x

if __name__ == "__main__":
    import jax
    _d = setup_inputs()
    print(jax.jit(kernel)(*tuple(_d.values())))

</pallas_src>

<mosaic_0001>
#map = affine_map<(d0, d1) -> (0)>
#map1 = affine_map<(d0, d1) -> (0, 0)>
module attributes {stable_mosaic.version = 14 : i64} {
  func.func @_sc_deg_body(%arg0: i32, %arg1: i32, %arg2: memref<320000xi32, #tpu.memory_space<hbm>>, %arg3: memref<32x10000xf32, #tpu.memory_space<hbm>>, %arg4: memref<10000xf32, #tpu.memory_space<vmem>>, %arg5: memref<10000xi32, #tpu.memory_space<vmem>>, %arg6: memref<!tpu.dma_semaphore, #tpu.memory_space<semaphore_mem>>) attributes {dimension_semantics = [#tpu.dimension_semantics<core_parallel>, #tpu.dimension_semantics<subcore_parallel>], iteration_bounds = array<i64: 2, 16>, scalar_prefetch = 0 : i64, scratch_operands = 3 : i64, tpu.core_type = #tpu.core_type<sc_vector_subcore>, window_params = [{transform_indices = #map}, {transform_indices = #map1}]} {
    %mul3A = arith.constant 16 : i32
    %mul3A_0 = arith.muli %arg0, %mul3A : i32
    %add3A = arith.addi %mul3A_0, %arg1 : i32
    %scan3A = arith.constant 0 : i32
    %scan3A_1 = arith.constant 625 : i32
    %scan3A_2 = arith.addi %scan3A, %scan3A_1 : i32
    %scan3A_3 = arith.constant 1 : i32
    scf.for %scan3A_13 = %scan3A to %scan3A_2 step %scan3A_3  : i32 {
      %mul3A_14 = arith.constant 1 : i32
      %mul3A_15 = arith.muli %scan3A_13, %mul3A_14 : i32
      %add3A_16 = arith.constant 0 : i32
      %add3A_17 = arith.addi %add3A_16, %mul3A_15 : i32
      %broadcast_in_dim3A_18 = arith.constant 0.000000e+00 : f32
      %broadcast_in_dim3A_19 = vector.broadcast %broadcast_in_dim3A_18 : f32 to vector<16xf32>
      %mul3A_20 = arith.constant 16 : i32
      %mul3A_21 = arith.muli %add3A_17, %mul3A_20 : i32
      %swap3A = arith.index_cast %mul3A_21 : i32 to index
      %swap3A_22 = tpu.vector_load %arg4[%swap3A] {strides = array<i32>} : memref<10000xf32, #tpu.memory_space<vmem>>, vector<16xf32>,
      tpu.vector_store %arg4[%swap3A], %broadcast_in_dim3A_19 {strides = array<i32>} : memref<10000xf32, #tpu.memory_space<vmem>>, vector<16xf32>,
    }
    %scan3A_4 = arith.constant 625 : i32
    %mul3A_5 = arith.constant 10000 : i32
    %mul3A_6 = arith.muli %add3A, %mul3A_5 : i32
    "tpu.region"() ({
      %run_scoped3A = tpu.sem_alloc : memref<!tpu.dma_semaphore, #tpu.memory_space<semaphore_mem>>
      %dma_start3A = tpu.memref_slice %arg2[%mul3A_6] : memref<320000xi32, #tpu.memory_space<hbm>> -> memref<10000xi32, #tpu.memory_space<hbm>>
      %dma_start3A_13 = tpu.memref_slice %arg2[%mul3A_6] : memref<320000xi32, #tpu.memory_space<hbm>> -> memref<10000xi32, #tpu.memory_space<hbm>>
      tpu.enqueue_dma source(%dma_start3A_13 : memref<10000xi32, #tpu.memory_space<hbm>>) target(%arg5 : memref<10000xi32, #tpu.memory_space<vmem>>) target_semaphore(%run_scoped3A : memref<!tpu.dma_semaphore, #tpu.memory_space<semaphore_mem>>)
      %dma_wait3A = tpu.memref_slice %arg2[%mul3A_6] : memref<320000xi32, #tpu.memory_space<hbm>> -> memref<10000xi32, #tpu.memory_space<hbm>>
      %dma_wait3A_14 = tpu.memref_slice %arg2[%mul3A_6] : memref<320000xi32, #tpu.memory_space<hbm>> -> memref<10000xi32, #tpu.memory_space<hbm>>
      tpu.wait_dma2 semaphore(%run_scoped3A : memref<!tpu.dma_semaphore, #tpu.memory_space<semaphore_mem>>) src(%dma_wait3A_14 : memref<10000xi32, #tpu.memory_space<hbm>>) dst(%arg5 : memref<10000xi32, #tpu.memory_space<vmem>>)
      tpu.yield
    }) : () -> ()
    %broadcast_in_dim3A = arith.constant 1.000000e+00 : f32
    %broadcast_in_dim3A_7 = vector.broadcast %broadcast_in_dim3A : f32 to vector<16xf32>
    %scan3A_8 = arith.constant 0 : i32
    %scan3A_9 = arith.constant 625 : i32
    %scan3A_10 = arith.addi %scan3A_8, %scan3A_9 : i32
    %scan3A_11 = arith.constant 1 : i32
    scf.for %scan3A_13 = %scan3A_8 to %scan3A_10 step %scan3A_11  : i32 {
      %mul3A_14 = arith.constant 1 : i32
      %mul3A_15 = arith.muli %scan3A_13, %mul3A_14 : i32
      %add3A_16 = arith.constant 0 : i32
      %add3A_17 = arith.addi %add3A_16, %mul3A_15 : i32
      %mul3A_18 = arith.constant 16 : i32
      %mul3A_19 = arith.muli %add3A_17, %mul3A_18 : i32
      %get3A = arith.index_cast %mul3A_19 : i32 to index
      %get3A_20 = tpu.vector_load %arg5[%get3A] {strides = array<i32>} : memref<10000xi32, #tpu.memory_space<vmem>>, vector<16xi32>,
      tpu.vector_store_idx %arg4[%get3A_20], %broadcast_in_dim3A_7 {add = true} : memref<10000xf32, #tpu.memory_space<vmem>>[vector<16xi32>], vector<16xf32>,
    }
    %scan3A_12 = arith.constant 625 : i32
    "tpu.region"() ({
      %run_scoped3A = tpu.sem_alloc : memref<!tpu.dma_semaphore, #tpu.memory_space<semaphore_mem>>
      %dma_start3A = arith.constant 0 : i32
      %dma_start3A_13 = tpu.memref_slice %arg3[%add3A, %dma_start3A] : memref<32x10000xf32, #tpu.memory_space<hbm>> -> memref<1x10000xf32, #tpu.memory_space<hbm>>
      %dma_start3A_14 = tpu.memref_squeeze %dma_start3A_13 : memref<1x10000xf32, #tpu.memory_space<hbm>> -> memref<10000xf32, #tpu.memory_space<hbm>>
      %dma_start3A_15 = arith.constant 0 : i32
      %dma_start3A_16 = tpu.memref_slice %arg3[%add3A, %dma_start3A_15] : memref<32x10000xf32, #tpu.memory_space<hbm>> -> memref<1x10000xf32, #tpu.memory_space<hbm>>
      %dma_start3A_17 = tpu.memref_squeeze %dma_start3A_16 : memref<1x10000xf32, #tpu.memory_space<hbm>> -> memref<10000xf32, #tpu.memory_space<hbm>>
      tpu.enqueue_dma source(%arg4 : memref<10000xf32, #tpu.memory_space<vmem>>) target(%dma_start3A_17 : memref<10000xf32, #tpu.memory_space<hbm>>) target_semaphore(%run_scoped3A : memref<!tpu.dma_semaphore, #tpu.memory_space<semaphore_mem>>)
      %dma_wait3A = arith.constant 0 : i32
      %dma_wait3A_18 = tpu.memref_slice %arg3[%add3A, %dma_wait3A] : memref<32x10000xf32, #tpu.memory_space<hbm>> -> memref<1x10000xf32, #tpu.memory_space<hbm>>
      %dma_wait3A_19 = tpu.memref_squeeze %dma_wait3A_18 : memref<1x10000xf32, #tpu.memory_space<hbm>> -> memref<10000xf32, #tpu.memory_space<hbm>>
      %dma_wait3A_20 = arith.constant 0 : i32
      %dma_wait3A_21 = tpu.memref_slice %arg3[%add3A, %dma_wait3A_20] : memref<32x10000xf32, #tpu.memory_space<hbm>> -> memref<1x10000xf32, #tpu.memory_space<hbm>>
      %dma_wait3A_22 = tpu.memref_squeeze %dma_wait3A_21 : memref<1x10000xf32, #tpu.memory_space<hbm>> -> memref<10000xf32, #tpu.memory_space<hbm>>
      tpu.wait_dma2 semaphore(%run_scoped3A : memref<!tpu.dma_semaphore, #tpu.memory_space<semaphore_mem>>) src(%arg4 : memref<10000xf32, #tpu.memory_space<vmem>>) dst(%dma_wait3A_22 : memref<10000xf32, #tpu.memory_space<hbm>>)
      tpu.yield
    }) : () -> ()
    return
  }
}

#map = affine_map<(d0, d1) -> (0, 0)>
#map1 = affine_map<(d0, d1) -> (0, 0, 0)>
module attributes {stable_mosaic.version = 14 : i64} {
  func.func @_sc_conv_body(%arg0: i32, %arg1: i32, %arg2: memref<10000x128xf32, #tpu.memory_space<hbm>>, %arg3: memref<2560x125xi32, #tpu.memory_space<hbm>>, %arg4: memref<2560x125xi32, #tpu.memory_space<hbm>>, %arg5: memref<2x10000x128xf32, #tpu.memory_space<hbm>>, %arg6: memref<10000x128xf32, #tpu.memory_space<vmem_shared>>, %arg7: memref<40x125xi32, #tpu.memory_space<vmem>>, %arg8: memref<40x125xi32, #tpu.memory_space<vmem>>, %arg9: memref<125x128xf32, #tpu.memory_space<vmem>>, %arg10: memref<125x128xf32, #tpu.memory_space<vmem>>, %arg11: memref<!tpu.dma_semaphore, #tpu.memory_space<semaphore_mem>>, %arg12: memref<!tpu.dma_semaphore, #tpu.memory_space<semaphore_mem>>) attributes {dimension_semantics = [#tpu.dimension_semantics<core_parallel>, #tpu.dimension_semantics<subcore_parallel>], iteration_bounds = array<i64: 2, 16>, scalar_prefetch = 0 : i64, scratch_operands = 7 : i64, tpu.core_type = #tpu.core_type<sc_vector_subcore>, window_params = [{transform_indices = #map}, {transform_indices = #map}, {transform_indices = #map}, {transform_indices = #map1}]} {
    %mul3A = arith.constant 16 : i32
    %mul3A_0 = arith.muli %arg0, %mul3A : i32
    %add3A = arith.addi %mul3A_0, %arg1 : i32
    %scan3A = arith.constant 0 : i32
    %scan3A_1 = arith.constant 16 : i32
    %scan3A_2 = arith.addi %scan3A, %scan3A_1 : i32
    %scan3A_3 = arith.constant 1 : i32
    scf.for %scan3A_27 = %scan3A to %scan3A_2 step %scan3A_3  : i32 {
      %mul3A_28 = arith.constant 1 : i32
      %mul3A_29 = arith.muli %scan3A_27, %mul3A_28 : i32
      %add3A_30 = arith.constant 0 : i32
      %add3A_31 = arith.addi %add3A_30, %mul3A_29 : i32
      %broadcast_in_dim3A = arith.constant 0.000000e+00 : f32
      %broadcast_in_dim3A_32 = vector.broadcast %broadcast_in_dim3A : f32 to vector<16xf32>
      %swap3A = arith.index_cast %add3A_31 : i32 to index
      %swap3A_33 = arith.constant 0 : index
      %swap3A_34 = tpu.vector_load %arg9[%swap3A, %swap3A_33] {strides = array<i32>} : memref<125x128xf32, #tpu.memory_space<vmem>>, vector<16xf32>,
      tpu.vector_store %arg9[%swap3A, %swap3A_33], %broadcast_in_dim3A_32 {strides = array<i32>} : memref<125x128xf32, #tpu.memory_space<vmem>>, vector<16xf32>,
      %broadcast_in_dim3A_35 = arith.constant 0.000000e+00 : f32
      %broadcast_in_dim3A_36 = vector.broadcast %broadcast_in_dim3A_35 : f32 to vector<16xf32>
      %swap3A_37 = arith.index_cast %add3A_31 : i32 to index
      %swap3A_38 = arith.constant 16 : index
      %swap3A_39 = tpu.vector_load %arg9[%swap3A_37, %swap3A_38] {strides = array<i32>} : memref<125x128xf32, #tpu.memory_space<vmem>>, vector<16xf32>,
      tpu.vector_store %arg9[%swap3A_37, %swap3A_38], %broadcast_in_dim3A_36 {strides = array<i32>} : memref<125x128xf32, #tpu.memory_space<vmem>>, vector<16xf32>,
      %broadcast_in_dim3A_40 = arith.constant 0.000000e+00 : f32
      %broadcast_in_dim3A_41 = vector.broadcast %broadcast_in_dim3A_40 : f32 to vector<16xf32>
      %swap3A_42 = arith.index_cast %add3A_31 : i32 to index
      %swap3A_43 = arith.constant 32 : index
      %swap3A_44 = tpu.vector_load %arg9[%swap3A_42, %swap3A_43] {strides = array<i32>} : memref<125x128xf32, #tpu.memory_space<vmem>>, vector<16xf32>,
      tpu.vector_store %arg9[%swap3A_42, %swap3A_43], %broadcast_in_dim3A_41 {strides = array<i32>} : memref<125x128xf32, #tpu.memory_space<vmem>>, vector<16xf32>,
      %broadcast_in_dim3A_45 = arith.constant 0.000000e+00 : f32
      %broadcast_in_dim3A_46 = vector.broadcast %broadcast_in_dim3A_45 : f32 to vector<16xf32>
      %swap3A_47 = arith.index_cast %add3A_31 : i32 to index
      %swap3A_48 = arith.constant 48 : index
      %swap3A_49 = tpu.vector_load %arg9[%swap3A_47, %swap3A_48] {strides = array<i32>} : memref<125x128xf32, #tpu.memory_space<vmem>>, vector<16xf32>,
      tpu.vector_store %arg9[%swap3A_47, %swap3A_48], %broadcast_in_dim3A_46 {strides = array<i32>} : memref<125x128xf32, #tpu.memory_space<vmem>>, vector<16xf32>,
      %broadcast_in_dim3A_50 = arith.constant 0.000000e+00 : f32
      %broadcast_in_dim3A_51 = vector.broadcast %broadcast_in_dim3A_50 : f32 to vector<16xf32>
      %swap3A_52 = arith.index_cast %add3A_31 : i32 to index
      %swap3A_53 = arith.constant 64 : index
      %swap3A_54 = tpu.vector_load %arg9[%swap3A_52, %swap3A_53] {strides = array<i32>} : memref<125x128xf32, #tpu.memory_space<vmem>>, vector<16xf32>,
      tpu.vector_store %arg9[%swap3A_52, %swap3A_53], %broadcast_in_dim3A_51 {strides = array<i32>} : memref<125x128xf32, #tpu.memory_space<vmem>>, vector<16xf32>,
      %broadcast_in_dim3A_55 = arith.constant 0.000000e+00 : f32
      %broadcast_in_dim3A_56 = vector.broadcast %broadcast_in_dim3A_55 : f32 to vector<16xf32>
      %swap3A_57 = arith.index_cast %add3A_31 : i32 to index
      %swap3A_58 = arith.constant 80 : index
      %swap3A_59 = tpu.vector_load %arg9[%swap3A_57, %swap3A_58] {strides = array<i32>} : memref<125x128xf32, #tpu.memory_space<vmem>>, vector<16xf32>,
      tpu.vector_store %arg9[%swap3A_57, %swap3A_58], %broadcast_in_dim3A_56 {strides = array<i32>} : memref<125x128xf32, #tpu.memory_space<vmem>>, vector<16xf32>,
      %broadcast_in_dim3A_60 = arith.constant 0.000000e+00 : f32
      %broadcast_in_dim3A_61 = vector.broadcast %broadcast_in_dim3A_60 : f32 to vector<16xf32>
      %swap3A_62 = arith.index_cast %add3A_31 : i32 to index
      %swap3A_63 = arith.constant 96 : index
      %swap3A_64 = tpu.vector_load %arg9[%swap3A_62, %swap3A_63] {strides = array<i32>} : memref<125x128xf32, #tpu.memory_space<vmem>>, vector<16xf32>,
      tpu.vector_store %arg9[%swap3A_62, %swap3A_63], %broadcast_in_dim3A_61 {strides = array<i32>} : memref<125x128xf32, #tpu.memory_space<vmem>>, vector<16xf32>,
      %broadcast_in_dim3A_65 = arith.constant 0.000000e+00 : f32
      %broadcast_in_dim3A_66 = vector.broadcast %broadcast_in_dim3A_65 : f32 to vector<16xf32>
      %swap3A_67 = arith.index_cast %add3A_31 : i32 to index
      %swap3A_68 = arith.constant 112 : index
      %swap3A_69 = tpu.vector_load %arg9[%swap3A_67, %swap3A_68] {strides = array<i32>} : memref<125x128xf32, #tpu.memory_space<vmem>>, vector<16xf32>,
      tpu.vector_store %arg9[%swap3A_67, %swap3A_68], %broadcast_in_dim3A_66 {strides = array<i32>} : memref<125x128xf32, #tpu.memory_space<vmem>>, vector<16xf32>,
    }
    %scan3A_4 = arith.constant 16 : i32
    %scan3A_5 = arith.constant 0 : i32
    %scan3A_6 = arith.constant 39 : i32
    %scan3A_7 = arith.addi %scan3A_5, %scan3A_6 : i32
    %scan3A_8 = arith.constant 1 : i32
    scf.for %scan3A_27 = %scan3A_5 to %scan3A_7 step %scan3A_8  : i32 {
      %mul3A_28 = arith.constant 1 : i32
      %mul3A_29 = arith.muli %scan3A_27, %mul3A_28 : i32
      %add3A_30 = arith.constant 0 : i32
      %add3A_31 = arith.addi %add3A_30, %mul3A_29 : i32
      %mul3A_32 = arith.constant 624 : i32
      %mul3A_33 = arith.muli %arg1, %mul3A_32 : i32
      %mul3A_34 = arith.constant 16 : i32
      %mul3A_35 = arith.muli %add3A_31, %mul3A_34 : i32
      %add3A_36 = arith.addi %mul3A_33, %mul3A_35 : i32
      "tpu.region"() ({
        %run_scoped3A = tpu.sem_alloc : memref<!tpu.dma_semaphore, #tpu.memory_space<semaphore_mem>>
        %dma_start3A = arith.constant 0 : i32
        %dma_start3A_37 = arith.constant 0 : i32
        %dma_start3A_38 = tpu.memref_slice %arg9[%dma_start3A, %dma_start3A_37] : memref<125x128xf32, #tpu.memory_space<vmem>> -> memref<16x128xf32, #tpu.memory_space<vmem>>
        %dma_start3A_39 = arith.constant 0 : i32
        %dma_start3A_40 = tpu.memref_slice %arg6[%add3A_36, %dma_start3A_39] : memref<10000x128xf32, #tpu.memory_space<vmem_shared>> -> memref<16x128xf32, #tpu.memory_space<vmem_shared>>
        %dma_start3A_41 = arith.constant 0 : i32
        %dma_start3A_42 = tpu.memref_slice %arg6[%add3A_36, %dma_start3A_41] : memref<10000x128xf32, #tpu.memory_space<vmem_shared>> -> memref<16x128xf32, #tpu.memory_space<vmem_shared>>
        %dma_start3A_43 = arith.constant 0 : i32
        %dma_start3A_44 = arith.constant 0 : i32
        %dma_start3A_45 = tpu.memref_slice %arg9[%dma_start3A_43, %dma_start3A_44] : memref<125x128xf32, #tpu.memory_space<vmem>> -> memref<16x128xf32, #tpu.memory_space<vmem>>
        tpu.enqueue_dma source(%dma_start3A_45 : memref<16x128xf32, #tpu.memory_space<vmem>>) target(%dma_start3A_42 : memref<16x128xf32, #tpu.memory_space<vmem_shared>>) target_semaphore(%run_scoped3A : memref<!tpu.dma_semaphore, #tpu.memory_space<semaphore_mem>>)
        %dma_wait3A = arith.constant 0 : i32
        %dma_wait3A_46 = arith.constant 0 : i32
        %dma_wait3A_47 = tpu.memref_slice %arg9[%dma_wait3A, %dma_wait3A_46] : memref<125x128xf32, #tpu.memory_space<vmem>> -> memref<16x128xf32, #tpu.memory_space<vmem>>
        %dma_wait3A_48 = arith.constant 0 : i32
        %dma_wait3A_49 = tpu.memref_slice %arg6[%add3A_36, %dma_wait3A_48] : memref<10000x128xf32, #tpu.memory_space<vmem_shared>> -> memref<16x128xf32, #tpu.memory_space<vmem_shared>>
        %dma_wait3A_50 = arith.constant 0 : i32
        %dma_wait3A_51 = tpu.memref_slice %arg6[%add3A_36, %dma_wait3A_50] : memref<10000x128xf32, #tpu.memory_space<vmem_shared>> -> memref<16x128xf32, #tpu.memory_space<vmem_shared>>
        %dma_wait3A_52 = arith.constant 0 : i32
        %dma_wait3A_53 = arith.constant 0 : i32
        %dma_wait3A_54 = tpu.memref_slice %arg9[%dma_wait3A_52, %dma_wait3A_53] : memref<125x128xf32, #tpu.memory_space<vmem>> -> memref<16x128xf32, #tpu.memory_space<vmem>>
        tpu.wait_dma2 semaphore(%run_scoped3A : memref<!tpu.dma_semaphore, #tpu.memory_space<semaphore_mem>>) src(%dma_wait3A_54 : memref<16x128xf32, #tpu.memory_space<vmem>>) dst(%dma_wait3A_51 : memref<16x128xf32, #tpu.memory_space<vmem_shared>>)
        tpu.yield
      }) : () -> ()
    }
    %scan3A_9 = arith.constant 39 : i32
    %eq3A = arith.constant 15 : i32
    %eq3A_10 = arith.cmpi eq, %arg1, %eq3A : i32
    %convert_element_type3A = arith.extui %eq3A_10 : i1 to i32
    %cond3A = arith.constant 0 : i32
    %cond3A_11 = arith.cmpi ne, %convert_element_type3A, %cond3A : i32
    scf.if %cond3A_11 {
      "tpu.region"() ({
        %run_scoped3A = tpu.sem_alloc : memref<!tpu.dma_semaphore, #tpu.memory_space<semaphore_mem>>
        %dma_start3A = arith.constant 0 : i32
        %dma_start3A_27 = arith.constant 0 : i32
        %dma_start3A_28 = tpu.memref_slice %arg9[%dma_start3A, %dma_start3A_27] : memref<125x128xf32, #tpu.memory_space<vmem>> -> memref<16x128xf32, #tpu.memory_space<vmem>>
        %dma_start3A_29 = arith.constant 9984 : i32
        %dma_start3A_30 = arith.constant 0 : i32
        %dma_start3A_31 = tpu.memref_slice %arg6[%dma_start3A_29, %dma_start3A_30] : memref<10000x128xf32, #tpu.memory_space<vmem_shared>> -> memref<16x128xf32, #tpu.memory_space<vmem_shared>>
        %dma_start3A_32 = arith.constant 9984 : i32
        %dma_start3A_33 = arith.constant 0 : i32
        %dma_start3A_34 = tpu.memref_slice %arg6[%dma_start3A_32, %dma_start3A_33] : memref<10000x128xf32, #tpu.memory_space<vmem_shared>> -> memref<16x128xf32, #tpu.memory_space<vmem_shared>>
        %dma_start3A_35 = arith.constant 0 : i32
        %dma_start3A_36 = arith.constant 0 : i32
        %dma_start3A_37 = tpu.memref_slice %arg9[%dma_start3A_35, %dma_start3A_36] : memref<125x128xf32, #tpu.memory_space<vmem>> -> memref<16x128xf32, #tpu.memory_space<vmem>>
        tpu.enqueue_dma source(%dma_start3A_37 : memref<16x128xf32, #tpu.memory_space<vmem>>) target(%dma_start3A_34 : memref<16x128xf32, #tpu.memory_space<vmem_shared>>) target_semaphore(%run_scoped3A : memref<!tpu.dma_semaphore, #tpu.memory_space<semaphore_mem>>)
        %dma_wait3A = arith.constant 0 : i32
        %dma_wait3A_38 = arith.constant 0 : i32
        %dma_wait3A_39 = tpu.memref_slice %arg9[%dma_wait3A, %dma_wait3A_38] : memref<125x128xf32, #tpu.memory_space<vmem>> -> memref<16x128xf32, #tpu.memory_space<vmem>>
        %dma_wait3A_40 = arith.constant 9984 : i32
        %dma_wait3A_41 = arith.constant 0 : i32
        %dma_wait3A_42 = tpu.memref_slice %arg6[%dma_wait3A_40, %dma_wait3A_41] : memref<10000x128xf32, #tpu.memory_space<vmem_shared>> -> memref<16x128xf32, #tpu.memory_space<vmem_shared>>
        %dma_wait3A_43 = arith.constant 9984 : i32
        %dma_wait3A_44 = arith.constant 0 : i32
        %dma_wait3A_45 = tpu.memref_slice %arg6[%dma_wait3A_43, %dma_wait3A_44] : memref<10000x128xf32, #tpu.memory_space<vmem_shared>> -> memref<16x128xf32, #tpu.memory_space<vmem_shared>>
        %dma_wait3A_46 = arith.constant 0 : i32
        %dma_wait3A_47 = arith.constant 0 : i32
        %dma_wait3A_48 = tpu.memref_slice %arg9[%dma_wait3A_46, %dma_wait3A_47] : memref<125x128xf32, #tpu.memory_space<vmem>> -> memref<16x128xf32, #tpu.memory_space<vmem>>
        tpu.wait_dma2 semaphore(%run_scoped3A : memref<!tpu.dma_semaphore, #tpu.memory_space<semaphore_mem>>) src(%dma_wait3A_48 : memref<16x128xf32, #tpu.memory_space<vmem>>) dst(%dma_wait3A_45 : memref<16x128xf32, #tpu.memory_space<vmem_shared>>)
        tpu.yield
      }) : () -> ()
    } else {
    }
    %barrier3A = arith.constant 0 : index
    tpu.barrier barrier_id(%barrier3A)
    %scan3A_12 = arith.constant 0 : i32
    %scan3A_13 = arith.constant 2 : i32
    %scan3A_14 = arith.addi %scan3A_12, %scan3A_13 : i32
    %scan3A_15 = arith.constant 1 : i32
    scf.for %scan3A_27 = %scan3A_12 to %scan3A_14 step %scan3A_15  : i32 {
      %mul3A_28 = arith.constant 1 : i32
      %mul3A_29 = arith.muli %scan3A_27, %mul3A_28 : i32
      %add3A_30 = arith.constant 0 : i32
      %add3A_31 = arith.addi %add3A_30, %mul3A_29 : i32
      %mul3A_32 = arith.constant 80 : i32
      %mul3A_33 = arith.muli %add3A, %mul3A_32 : i32
      %mul3A_34 = arith.constant 40 : i32
      %mul3A_35 = arith.muli %add3A_31, %mul3A_34 : i32
      %add3A_36 = arith.addi %mul3A_33, %mul3A_35 : i32
      "tpu.region"() ({
        %run_scoped3A_634 = tpu.sem_alloc : memref<!tpu.dma_semaphore, #tpu.memory_space<semaphore_mem>>
        %dma_start3A_635 = arith.constant 0 : i32
        %dma_start3A_636 = tpu.memref_slice %arg3[%add3A_36, %dma_start3A_635] : memref<2560x125xi32, #tpu.memory_space<hbm>> -> memref<40x125xi32, #tpu.memory_space<hbm>>
        %dma_start3A_637 = arith.constant 0 : i32
        %dma_start3A_638 = tpu.memref_slice %arg3[%add3A_36, %dma_start3A_637] : memref<2560x125xi32, #tpu.memory_space<hbm>> -> memref<40x125xi32, #tpu.memory_space<hbm>>
        tpu.enqueue_dma source(%dma_start3A_638 : memref<40x125xi32, #tpu.memory_space<hbm>>) target(%arg7 : memref<40x125xi32, #tpu.memory_space<vmem>>) target_semaphore(%run_scoped3A_634 : memref<!tpu.dma_semaphore, #tpu.memory_space<semaphore_mem>>)
        %dma_wait3A_639 = arith.constant 0 : i32
        %dma_wait3A_640 = tpu.memref_slice %arg3[%add3A_36, %dma_wait3A_639] : memref<2560x125xi32, #tpu.memory_space<hbm>> -> memref<40x125xi32, #tpu.memory_space<hbm>>
        %dma_wait3A_641 = arith.constant 0 : i32
        %dma_wait3A_642 = tpu.memref_slice %arg3[%add3A_36, %dma_wait3A_641] : memref<2560x125xi32, #tpu.memory_space<hbm>> -> memref<40x125xi32, #tpu.memory_space<hbm>>
        tpu.wait_dma2 semaphore(%run_scoped3A_634 : memref<!tpu.dma_semaphore, #tpu.memory_space<semaphore_mem>>) src(%dma_wait3A_642 : memref<40x125xi32, #tpu.memory_space<hbm>>) dst(%arg7 : memref<40x125xi32, #tpu.memory_space<vmem>>)
        tpu.yield
      }) : () -> ()
      "tpu.region"() ({
        %run_scoped3A_634 = tpu.sem_alloc : memref<!tpu.dma_semaphore, #tpu.memory_space<semaphore_mem>>
        %dma_start3A_635 = arith.constant 0 : i32
        %dma_start3A_636 = tpu.memref_slice %arg4[%add3A_36, %dma_start3A_635] : memref<2560x125xi32, #tpu.memory_space<hbm>> -> memref<40x125xi32, #tpu.memory_space<hbm>>
        %dma_start3A_637 = arith.constant 0 : i32
        %dma_start3A_638 = tpu.memref_slice %arg4[%add3A_36, %dma_start3A_637] : memref<2560x125xi32, #tpu.memory_space<hbm>> -> memref<40x125xi32, #tpu.memory_space<hbm>>
        tpu.enqueue_dma source(%dma_start3A_638 : memref<40x125xi32, #tpu.memory_space<hbm>>) target(%arg8 : memref<40x125xi32, #tpu.memory_space<vmem>>) target_semaphore(%run_scoped3A_634 : memref<!tpu.dma_semaphore, #tpu.memory_space<semaphore_mem>>)
        %dma_wait3A_639 = arith.constant 0 : i32
        %dma_wait3A_640 = tpu.memref_slice %arg4[%add3A_36, %dma_wait3A_639] : memref<2560x125xi32, #tpu.memory_space<hbm>> -> memref<40x125xi32, #tpu.memory_space<hbm>>
        %dma_wait3A_641 = arith.constant 0 : i32
        %dma_wait3A_642 = tpu.memref_slice %arg4[%add3A_36, %dma_wait3A_641] : memref<2560x125xi32, #tpu.memory_space<hbm>> -> memref<40x125xi32, #tpu.memory_space<hbm>>
        tpu.wait_dma2 semaphore(%run_scoped3A_634 : memref<!tpu.dma_semaphore, #tpu.memory_space<semaphore_mem>>) src(%dma_wait3A_642 : memref<40x125xi32, #tpu.memory_space<hbm>>) dst(%arg8 : memref<40x125xi32, #tpu.memory_space<vmem>>)
        tpu.yield
      }) : () -> ()
      %dma_start3A = arith.constant 0 : i32
      %dma_start3A_37 = arith.constant 0 : i32
      %dma_start3A_38 = tpu.memref_slice %arg7[%dma_start3A, %dma_start3A_37] : memref<40x125xi32, #tpu.memory_space<vmem>> -> memref<1x125xi32, #tpu.memory_space<vmem>>
      %dma_start3A_39 = tpu.memref_squeeze %dma_start3A_38 : memref<1x125xi32, #tpu.memory_space<vmem>> -> memref<125xi32, #tpu.memory_space<vmem>>
      %dma_start3A_40 = arith.constant 0 : i32
      %dma_start3A_41 = arith.constant 0 : i32
      %dma_start3A_42 = tpu.memref_slice %arg2[%dma_start3A_40, %dma_start3A_41] : memref<10000x128xf32, #tpu.memory_space<hbm>> -> memref<10000x128xf32, #tpu.memory_space<hbm>>
      tpu.enqueue_indirect_dma source(%dma_start3A_42 : memref<10000x128xf32, #tpu.memory_space<hbm>>) target(%arg9 : memref<125x128xf32, #tpu.memory_space<vmem>>) offsets(%dma_start3A_39 : memref<125xi32, #tpu.memory_space<vmem>>) semaphore(%arg11 : memref<!tpu.dma_semaphore, #tpu.memory_space<semaphore_mem>>)
      %dma_start3A_43 = arith.constant 1 : i32
      %dma_start3A_44 = arith.constant 0 : i32
      %dma_start3A_45 = tpu.memref_slice %arg7[%dma_start3A_43, %dma_start3A_44] : memref<40x125xi32, #tpu.memory_space<vmem>> -> memref<1x125xi32, #tpu.memory_space<vmem>>
      %dma_start3A_46 = tpu.memref_squeeze %dma_start3A_45 : memref<1x125xi32, #tpu.memory_space<vmem>> -> memref<125xi32, #tpu.memory_space<vmem>>
      %dma_start3A_47 = arith.constant 0 : i32
      %dma_start3A_48 = arith.constant 0 : i32
      %dma_start3A_49 = tpu.memref_slice %arg2[%dma_start3A_47, %dma_start3A_48] : memref<10000x128xf32, #tpu.memory_space<hbm>> -> memref<10000x128xf32, #tpu.memory_space<hbm>>
      tpu.enqueue_indirect_dma source(%dma_start3A_49 : memref<10000x128xf32, #tpu.memory_space<hbm>>) target(%arg10 : memref<125x128xf32, #tpu.memory_space<vmem>>) offsets(%dma_start3A_46 : memref<125xi32, #tpu.memory_space<vmem>>) semaphore(%arg11 : memref<!tpu.dma_semaphore, #tpu.memory_space<semaphore_mem>>)
      %dma_wait3A = arith.constant 0 : i32
      %dma_wait3A_50 = arith.constant 0 : i32
      %dma_wait3A_51 = tpu.memref_slice %arg7[%dma_wait3A, %dma_wait3A_50] : memref<40x125xi32, #tpu.memory_space<vmem>> -> memref<1x125xi32, #tpu.memory_space<vmem>>
      %dma_wait3A_52 = tpu.memref_squeeze %dma_wait3A_51 : memref<1x125xi32, #tpu.memory_space<vmem>> -> memref<125xi32, #tpu.memory_space<vmem>>
      %dma_wait3A_53 = arith.constant 0 : i32
      %dma_wait3A_54 = arith.constant 0 : i32
      %dma_wait3A_55 = tpu.memref_slice %arg2[%dma_wait3A_53, %dma_wait3A_54] : memref<10000x128xf32, #tpu.memory_space<hbm>> -> memref<10000x128xf32, #tpu.memory_space<hbm>>
      tpu.wait_indirect_dma semaphore(%arg11 : memref<!tpu.dma_semaphore, #tpu.memory_space<semaphore_mem>>) src(%dma_wait3A_55 : memref<10000x128xf32, #tpu.memory_space<hbm>>) dst(%arg9 : memref<125x128xf32, #tpu.memory_space<vmem>>)
      %run_scoped3A = arith.constant 0 : i32
      "tpu.region"() ({
        %run_scoped3A_634 = tpu.sem_alloc : memref<!tpu.dma_semaphore, #tpu.memory_space<semaphore_mem>>
        %dma_start3A_635 = arith.constant 0 : i32
        %dma_start3A_636 = tpu.memref_slice %arg8[%run_scoped3A, %dma_start3A_635] : memref<40x125xi32, #tpu.memory_space<vmem>> -> memref<1x125xi32, #tpu.memory_space<vmem>>
        %dma_start3A_637 = tpu.memref_squeeze %dma_start3A_636 : memref<1x125xi32, #tpu.memory_space<vmem>> -> memref<125xi32, #tpu.memory_space<vmem>>
        %dma_start3A_638 = arith.constant 0 : i32
        %dma_start3A_639 = arith.constant 0 : i32
        %dma_start3A_640 = tpu.memref_slice %arg6[%dma_start3A_638, %dma_start3A_639] : memref<10000x128xf32, #tpu.memory_space<vmem_shared>> -> memref<10000x128xf32, #tpu.memory_space<vmem_shared>>
        tpu.enqueue_indirect_dma source(%arg9 : memref<125x128xf32, #tpu.memory_space<vmem>>) target(%dma_start3A_640 : memref<10000x128xf32, #tpu.memory_space<vmem_shared>>) offsets(%dma_start3A_637 : memref<125xi32, #tpu.memory_space<vmem>>) semaphore(%run_scoped3A_634 : memref<!tpu.dma_semaphore, #tpu.memory_space<semaphore_mem>>) {add = true}
        %dma_wait3A_641 = arith.constant 0 : i32
        %dma_wait3A_642 = tpu.memref_slice %arg8[%run_scoped3A, %dma_wait3A_641] : memref<40x125xi32, #tpu.memory_space<vmem>> -> memref<1x125xi32, #tpu.memory_space<vmem>>
        %dma_wait3A_643 = tpu.memref_squeeze %dma_wait3A_642 : memref<1x125xi32, #tpu.memory_space<vmem>> -> memref<125xi32, #tpu.memory_space<vmem>>
        %dma_wait3A_644 = arith.constant 0 : i32
        %dma_wait3A_645 = arith.constant 0 : i32
        %dma_wait3A_646 = tpu.memref_slice %arg6[%dma_wait3A_644, %dma_wait3A_645] : memref<10000x128xf32, #tpu.memory_space<vmem_shared>> -> memref<10000x128xf32, #tpu.memory_space<vmem_shared>>
        tpu.wait_indirect_dma semaphore(%run_scoped3A_634 : memref<!tpu.dma_semaphore, #tpu.memory_space<semaphore_mem>>) src(%arg9 : memref<125x128xf32, #tpu.memory_space<vmem>>) dst(%dma_wait3A_646 : memref<10000x128xf32, #tpu.memory_space<vmem_shared>>)
        tpu.yield
      }) : () -> ()
      %dma_start3A_56 = arith.constant 2 : i32
      %dma_start3A_57 = arith.constant 0 : i32
      %dma_start3A_58 = tpu.memref_slice %arg7[%dma_start3A_56, %dma_start3A_57] : memref<40x125xi32, #tpu.memory_space<vmem>> -> memref<1x125xi32, #tpu.memory_space<vmem>>
      %dma_start3A_59 = tpu.memref_squeeze %dma_start3A_58 : memref<1x125xi32, #tpu.memory_space<vmem>> -> memref<125xi32, #tpu.memory_space<vmem>>
      %dma_start3A_60 = arith.constant 0 : i32
      %dma_start3A_61 = arith.constant 0 : i32
      %dma_start3A_62 = tpu.memref_slice %arg2[%dma_start3A_60, %dma_start3A_61] : memref<10000x128xf32, #tpu.memory_space<hbm>> -> memref<10000x128xf32, #tpu.memory_space<hbm>>
      tpu.enqueue_indirect_dma source(%dma_start3A_62 : memref<10000x128xf32, #tpu.memory_space<hbm>>) target(%arg9 : memref<125x128xf32, #tpu.memory_space<vmem>>) offsets(%dma_start3A_59 : memref<125xi32, #tpu.memory_space<vmem>>) semaphore(%arg11 : memref<!tpu.dma_semaphore, #tpu.memory_space<semaphore_mem>>)
      %dma_wait3A_63 = arith.constant 1 : i32
      %dma_wait3A_64 = arith.constant 0 : i32
      %dma_wait3A_65 = tpu.memref_slice %arg7[%dma_wait3A_63, %dma_wait3A_64] : memref<40x125xi32, #tpu.memory_space<vmem>> -> memref<1x125xi32, #tpu.memory_space<vmem>>
      %dma_wait3A_66 = tpu.memref_squeeze %dma_wait3A_65 : memref<1x125xi32, #tpu.memory_space<vmem>> -> memref<125xi32, #tpu.memory_space<vmem>>
      %dma_wait3A_67 = arith.constant 0 : i32
      %dma_wait3A_68 = arith.constant 0 : i32
      %dma_wait3A_69 = tpu.memref_slice %arg2[%dma_wait3A_67, %dma_wait3A_68] : memref<10000x128xf32, #tpu.memory_space<hbm>> -> memref<10000x128xf32, #tpu.memory_space<hbm>>
      tpu.wait_indirect_dma semaphore(%arg11 : memref<!tpu.dma_semaphore, #tpu.memory_space<semaphore_mem>>) src(%dma_wait3A_69 : memref<10000x128xf32, #tpu.memory_space<hbm>>) dst(%arg10 : memref<125x128xf32, #tpu.memory_space<vmem>>)
      %run_scoped3A_70 = arith.constant 1 : i32
      "tpu.region"() ({
        %run_scoped3A_634 = tpu.sem_alloc : memref<!tpu.dma_semaphore, #tpu.memory_space<semaphore_mem>>
        %dma_start3A_635 = arith.constant 0 : i32
        %dma_start3A_636 = tpu.memref_slice %arg8[%run_scoped3A_70, %dma_start3A_635] : memref<40x125xi32, #tpu.memory_space<vmem>> -> memref<1x125xi32, #tpu.memory_space<vmem>>
        %dma_start3A_637 = tpu.memref_squeeze %dma_start3A_636 : memref<1x125xi32, #tpu.memory_space<vmem>> -> memref<125xi32, #tpu.memory_space<vmem>>
        %dma_start3A_638 = arith.constant 0 : i32
        %dma_start3A_639 = arith.constant 0 : i32
        %dma_start3A_640 = tpu.memref_slice %arg6[%dma_start3A_638, %dma_start3A_639] : memref<10000x128xf32, #tpu.memory_space<vmem_shared>> -> memref<10000x128xf32, #tpu.memory_space<vmem_shared>>
        tpu.enqueue_indirect_dma source(%arg10 : memref<125x128xf32, #tpu.memory_space<vmem>>) target(%dma_start3A_640 : memref<10000x128xf32, #tpu.memory_space<vmem_shared>>) offsets(%dma_start3A_637 : memref<125xi32, #tpu.memory_space<vmem>>) semaphore(%run_scoped3A_634 : memref<!tpu.dma_semaphore, #tpu.memory_space<semaphore_mem>>) {add = true}
        %dma_wait3A_641 = arith.constant 0 : i32
        %dma_wait3A_642 = tpu.memref_slice %arg8[%run_scoped3A_70, %dma_wait3A_641] : memref<40x125xi32, #tpu.memory_space<vmem>> -> memref<1x125xi32, #tpu.memory_space<vmem>>
        %dma_wait3A_643 = tpu.memref_squeeze %dma_wait3A_642 : memref<1x125xi32, #tpu.memory_space<vmem>> -> memref<125xi32, #tpu.memory_space<vmem>>
        %dma_wait3A_644 = arith.constant 0 : i32
        %dma_wait3A_645 = arith.constant 0 : i32
        %dma_wait3A_646 = tpu.memref_slice %arg6[%dma_wait3A_644, %dma_wait3A_645] : memref<10000x128xf32, #tpu.memory_space<vmem_shared>> -> memref<10000x128xf32, #tpu.memory_space<vmem_shared>>
        tpu.wait_indirect_dma semaphore(%run_scoped3A_634 : memref<!tpu.dma_semaphore, #tpu.memory_space<semaphore_mem>>) src(%arg10 : memref<125x128xf32, #tpu.memory_space<vmem>>) dst(%dma_wait3A_646 : memref<10000x128xf32, #tpu.memory_space<vmem_shared>>)
        tpu.yield
      }) : () -> ()
      %dma_start3A_71 = arith.constant 3 : i32
      %dma_start3A_72 = arith.constant 0 : i32
      %dma_start3A_73 = tpu.memref_slice %arg7[%dma_start3A_71, %dma_start3A_72] : memref<40x125xi32, #tpu.memory_space<vmem>> -> memref<1x125xi32, #tpu.memory_space<vmem>>
      %dma_start3A_74 = tpu.memref_squeeze %dma_start3A_73 : memref<1x125xi32, #tpu.memory_space<vmem>> -> memref<125xi32, #tpu.memory_space<vmem>>
      %dma_start3A_75 = arith.constant 0 : i32
      %dma_start3A_76 = arith.constant 0 : i32
      %dma_start3A_77 = tpu.memref_slice %arg2[%dma_start3A_75, %dma_start3A_76] : memref<10000x128xf32, #tpu.memory_space<hbm>> -> memref<10000x128xf32, #tpu.memory_space<hbm>>
      tpu.enqueue_indirect_dma source(%dma_start3A_77 : memref<10000x128xf32, #tpu.memory_space<hbm>>) target(%arg10 : memref<125x128xf32, #tpu.memory_space<vmem>>) offsets(%dma_start3A_74 : memref<125xi32, #tpu.memory_space<vmem>>) semaphore(%arg11 : memref<!tpu.dma_semaphore, #tpu.memory_space<semaphore_mem>>)
      %dma_wait3A_78 = arith.constant 2 : i32
      %dma_wait3A_79 = arith.constant 0 : i32
      %dma_wait3A_80 = tpu.memref_slice %arg7[%dma_wait3A_78, %dma_wait3A_79] : memref<40x125xi32, #tpu.memory_space<vmem>> -> memref<1x125xi32, #tpu.memory_space<vmem>>
      %dma_wait3A_81 = tpu.memref_squeeze %dma_wait3A_80 : memref<1x125xi32, #tpu.memory_space<vmem>> -> memref<125xi32, #tpu.memory_space<vmem>>
      %dma_wait3A_82 = arith.constant 0 : i32
      %dma_wait3A_83 = arith.constant 0 : i32
      %dma_wait3A_84 = tpu.memref_slice %arg2[%dma_wait3A_82, %dma_wait3A_83] : memref<10000x128xf32, #tpu.memory_space<hbm>> -> memref<10000x128xf32, #tpu.memory_space<hbm>>
      tpu.wait_indirect_dma semaphore(%arg11 : memref<!tpu.dma_semaphore, #tpu.memory_space<semaphore_mem>>) src(%dma_wait3A_84 : memref<10000x128xf32, #tpu.memory_space<hbm>>) dst(%arg9 : memref<125x128xf32, #tpu.memory_space<vmem>>)
      %run_scoped3A_85 = arith.constant 2 : i32
      "tpu.region"() ({
        %run_scoped3A_634 = tpu.sem_alloc : memref<!tpu.dma_semaphore, #tpu.memory_space<semaphore_mem>>
        %dma_start3A_635 = arith.constant 0 : i32
        %dma_start3A_636 = tpu.memref_slice %arg8[%run_scoped3A_85, %dma_start3A_635] : memref<40x125xi32, #tpu.memory_space<vmem>> -> memref<1x125xi32, #tpu.memory_space<vmem>>
        %dma_start3A_637 = tpu.memref_squeeze %dma_start3A_636 : memref<1x125xi32, #tpu.memory_space<vmem>> -> memref<125xi32, #tpu.memory_space<vmem>>
        %dma_start3A_638 = arith.constant 0 : i32
        %dma_start3A_639 = arith.constant 0 : i32
        %dma_start3A_640 = tpu.memref_slice %arg6[%dma_start3A_638, %dma_start3A_639] : memref<10000x128xf32, #tpu.memory_space<vmem_shared>> -> memref<10000x128xf32, #tpu.memory_space<vmem_shared>>
        tpu.enqueue_indirect_dma source(%arg9 : memref<125x128xf32, #tpu.memory_space<vmem>>) target(%dma_start3A_640 : memref<10000x128xf32, #tpu.memory_space<vmem_shared>>) offsets(%dma_start3A_637 : memref<125xi32, #tpu.memory_space<vmem>>) semaphore(%run_scoped3A_634 : memref<!tpu.dma_semaphore, #tpu.memory_space<semaphore_mem>>) {add = true}
        %dma_wait3A_641 = arith.constant 0 : i32
        %dma_wait3A_642 = tpu.memref_slice %arg8[%run_scoped3A_85, %dma_wait3A_641] : memref<40x125xi32, #tpu.memory_space<vmem>> -> memref<1x125xi32, #tpu.memory_space<vmem>>
        %dma_wait3A_643 = tpu.memref_squeeze %dma_wait3A_642 : memref<1x125xi32, #tpu.memory_space<vmem>> -> memref<125xi32, #tpu.memory_space<vmem>>
        %dma_wait3A_644 = arith.constant 0 : i32
        %dma_wait3A_645 = arith.constant 0 : i32
        %dma_wait3A_646 = tpu.memref_slice %arg6[%dma_wait3A_644, %dma_wait3A_645] : memref<10000x128xf32, #tpu.memory_space<vmem_shared>> -> memref<10000x128xf32, #tpu.memory_space<vmem_shared>>
        tpu.wait_indirect_dma semaphore(%run_scoped3A_634 : memref<!tpu.dma_semaphore, #tpu.memory_space<semaphore_mem>>) src(%arg9 : memref<125x128xf32, #tpu.memory_space<vmem>>) dst(%dma_wait3A_646 : memref<10000x128xf32, #tpu.memory_space<vmem_shared>>)
        tpu.yield
      }) : () -> ()
      %dma_start3A_86 = arith.constant 4 : i32
      %dma_start3A_87 = arith.constant 0 : i32
      %dma_start3A_88 = tpu.memref_slice %arg7[%dma_start3A_86, %dma_start3A_87] : memref<40x125xi32, #tpu.memory_space<vmem>> -> memref<1x125xi32, #tpu.memory_space<vmem>>
      %dma_start3A_89 = tpu.memref_squeeze %dma_start3A_88 : memref<1x125xi32, #tpu.memory_space<vmem>> -> memref<125xi32, #tpu.memory_space<vmem>>
      %dma_start3A_90 = arith.constant 0 : i32
      %dma_start3A_91 = arith.constant 0 : i32
      %dma_start3A_92 = tpu.memref_slice %arg2[%dma_start3A_90, %dma_start3A_91] : memref<10000x128xf32, #tpu.memory_space<hbm>> -> memref<10000x128xf32, #tpu.memory_space<hbm>>
      tpu.enqueue_indirect_dma source(%dma_start3A_92 : memref<10000x128xf32, #tpu.memory_space<hbm>>) target(%arg9 : memref<125x128xf32, #tpu.memory_space<vmem>>) offsets(%dma_start3A_89 : memref<125xi32, #tpu.memory_space<vmem>>) semaphore(%arg11 : memref<!tpu.dma_semaphore, #tpu.memory_space<semaphore_mem>>)
      %dma_wait3A_93 = arith.constant 3 : i32
      %dma_wait3A_94 = arith.constant 0 : i32
      %dma_wait3A_95 = tpu.memref_slice %arg7[%dma_wait3A_93, %dma_wait3A_94] : memref<40x125xi32, #tpu.memory_space<vmem>> -> memref<1x125xi32, #tpu.memory_space<vmem>>
      %dma_wait3A_96 = tpu.memref_squeeze %dma_wait3A_95 : memref<1x125xi32, #tpu.memory_space<vmem>> -> memref<125xi32, #tpu.memory_space<vmem>>
      %dma_wait3A_97 = arith.constant 0 : i32
      %dma_wait3A_98 = arith.constant 0 : i32
      %dma_wait3A_99 = tpu.memref_slice %arg2[%dma_wait3A_97, %dma_wait3A_98] : memref<10000x128xf32, #tpu.memory_space<hbm>> -> memref<10000x128xf32, #tpu.memory_space<hbm>>
      tpu.wait_indirect_dma semaphore(%arg11 : memref<!tpu.dma_semaphore, #tpu.memory_space<semaphore_mem>>) src(%dma_wait3A_99 : memref<10000x128xf32, #tpu.memory_space<hbm>>) dst(%arg10 : memref<125x128xf32, #tpu.memory_space<vmem>>)
      %run_scoped3A_100 = arith.constant 3 : i32
      "tpu.region"() ({
        %run_scoped3A_634 = tpu.sem_alloc : memref<!tpu.dma_semaphore, #tpu.memory_space<semaphore_mem>>
        %dma_start3A_635 = arith.constant 0 : i32
        %dma_start3A_636 = tpu.memref_slice %arg8[%run_scoped3A_100, %dma_start3A_635] : memref<40x125xi32, #tpu.memory_space<vmem>> -> memref<1x125xi32, #tpu.memory_space<vmem>>
        %dma_start3A_637 = tpu.memref_squeeze %dma_start3A_636 : memref<1x125xi32, #tpu.memory_space<vmem>> -> memref<125xi32, #tpu.memory_space<vmem>>
        %dma_start3A_638 = arith.constant 0 : i32
        %dma_start3A_639 = arith.constant 0 : i32
        %dma_start3A_640 = tpu.memref_slice %arg6[%dma_start3A_638, %dma_start3A_639] : memref<10000x128xf32, #tpu.memory_space<vmem_shared>> -> memref<10000x128xf32, #tpu.memory_space<vmem_shared>>
        tpu.enqueue_indirect_dma source(%arg10 : memref<125x128xf32, #tpu.memory_space<vmem>>) target(%dma_start3A_640 : memref<10000x128xf32, #tpu.memory_space<vmem_shared>>) offsets(%dma_start3A_637 : memref<125xi32, #tpu.memory_space<vmem>>) semaphore(%run_scoped3A_634 : memref<!tpu.dma_semaphore, #tpu.memory_space<semaphore_mem>>) {add = true}
        %dma_wait3A_641 = arith.constant 0 : i32
        %dma_wait3A_642 = tpu.memref_slice %arg8[%run_scoped3A_100, %dma_wait3A_641] : memref<40x125xi32, #tpu.memory_space<vmem>> -> memref<1x125xi32, #tpu.memory_space<vmem>>
        %dma_wait3A_643 = tpu.memref_squeeze %dma_wait3A_642 : memref<1x125xi32, #tpu.memory_space<vmem>> -> memref<125xi32, #tpu.memory_space<vmem>>
        %dma_wait3A_644 = arith.constant 0 : i32
        %dma_wait3A_645 = arith.constant 0 : i32
        %dma_wait3A_646 = tpu.memref_slice %arg6[%dma_wait3A_644, %dma_wait3A_645] : memref<10000x128xf32, #tpu.memory_space<vmem_shared>> -> memref<10000x128xf32, #tpu.memory_space<vmem_shared>>
        tpu.wait_indirect_dma semaphore(%run_scoped3A_634 : memref<!tpu.dma_semaphore, #tpu.memory_space<semaphore_mem>>) src(%arg10 : memref<125x128xf32, #tpu.memory_space<vmem>>) dst(%dma_wait3A_646 : memref<10000x128xf32, #tpu.memory_space<vmem_shared>>)
        tpu.yield
      }) : () -> ()
      %dma_start3A_101 = arith.constant 5 : i32
      %dma_start3A_102 = arith.constant 0 : i32
      %dma_start3A_103 = tpu.memref_slice %arg7[%dma_start3A_101, %dma_start3A_102] : memref<40x125xi32, #tpu.memory_space<vmem>> -> memref<1x125xi32, #tpu.memory_space<vmem>>
      %dma_start3A_104 = tpu.memref_squeeze %dma_start3A_103 : memref<1x125xi32, #tpu.memory_space<vmem>> -> memref<125xi32, #tpu.memory_space<vmem>>
      %dma_start3A_105 = arith.constant 0 : i32
      %dma_start3A_106 = arith.constant 0 : i32
      %dma_start3A_107 = tpu.memref_slice %arg2[%dma_start3A_105, %dma_start3A_106] : memref<10000x128xf32, #tpu.memory_space<hbm>> -> memref<10000x128xf32, #tpu.memory_space<hbm>>
      tpu.enqueue_indirect_dma source(%dma_start3A_107 : memref<10000x128xf32, #tpu.memory_space<hbm>>) target(%arg10 : memref<125x128xf32, #tpu.memory_space<vmem>>) offsets(%dma_start3A_104 : memref<125xi32, #tpu.memory_space<vmem>>) semaphore(%arg11 : memref<!tpu.dma_semaphore, #tpu.memory_space<semaphore_mem>>)
      %dma_wait3A_108 = arith.constant 4 : i32
      %dma_wait3A_109 = arith.constant 0 : i32
      %dma_wait3A_110 = tpu.memref_slice %arg7[%dma_wait3A_108, %dma_wait3A_109] : memref<40x125xi32, #tpu.memory_space<vmem>> -> memref<1x125xi32, #tpu.memory_space<vmem>>
      %dma_wait3A_111 = tpu.memref_squeeze %dma_wait3A_110 : memref<1x125xi32, #tpu.memory_space<vmem>> -> memref<125xi32, #tpu.memory_space<vmem>>
      %dma_wait3A_112 = arith.constant 0 : i32
      %dma_wait3A_113 = arith.constant 0 : i32
      %dma_wait3A_114 = tpu.memref_slice %arg2[%dma_wait3A_112, %dma_wait3A_113] : memref<10000x128xf32, #tpu.memory_space<hbm>> -> memref<10000x128xf32, #tpu.memory_space<hbm>>
      tpu.wait_indirect_dma semaphore(%arg11 : memref<!tpu.dma_semaphore, #tpu.memory_space<semaphore_mem>>) src(%dma_wait3A_114 : memref<10000x128xf32, #tpu.memory_space<hbm>>) dst(%arg9 : memref<125x128xf32, #tpu.memory_space<vmem>>)
      %run_scoped3A_115 = arith.constant 4 : i32
      "tpu.region"() ({
        %run_scoped3A_634 = tpu.sem_alloc : memref<!tpu.dma_semaphore, #tpu.memory_space<semaphore_mem>>
        %dma_start3A_635 = arith.constant 0 : i32
        %dma_start3A_636 = tpu.memref_slice %arg8[%run_scoped3A_115, %dma_start3A_635] : memref<40x125xi32, #tpu.memory_space<vmem>> -> memref<1x125xi32, #tpu.memory_space<vmem>>
        %dma_start3A_637 = tpu.memref_squeeze %dma_start3A_636 : memref<1x125xi32, #tpu.memory_space<vmem>> -> memref<125xi32, #tpu.memory_space<vmem>>
        %dma_start3A_638 = arith.constant 0 : i32
        %dma_start3A_639 = arith.constant 0 : i32
        %dma_start3A_640 = tpu.memref_slice %arg6[%dma_start3A_638, %dma_start3A_639] : memref<10000x128xf32, #tpu.memory_space<vmem_shared>> -> memref<10000x128xf32, #tpu.memory_space<vmem_shared>>
        tpu.enqueue_indirect_dma source(%arg9 : memref<125x128xf32, #tpu.memory_space<vmem>>) target(%dma_start3A_640 : memref<10000x128xf32, #tpu.memory_space<vmem_shared>>) offsets(%dma_start3A_637 : memref<125xi32, #tpu.memory_space<vmem>>) semaphore(%run_scoped3A_634 : memref<!tpu.dma_semaphore, #tpu.memory_space<semaphore_mem>>) {add = true}
        %dma_wait3A_641 = arith.constant 0 : i32
        %dma_wait3A_642 = tpu.memref_slice %arg8[%run_scoped3A_115, %dma_wait3A_641] : memref<40x125xi32, #tpu.memory_space<vmem>> -> memref<1x125xi32, #tpu.memory_space<vmem>>
        %dma_wait3A_643 = tpu.memref_squeeze %dma_wait3A_642 : memref<1x125xi32, #tpu.memory_space<vmem>> -> memref<125xi32, #tpu.memory_space<vmem>>
        %dma_wait3A_644 = arith.constant 0 : i32
        %dma_wait3A_645 = arith.constant 0 : i32
        %dma_wait3A_646 = tpu.memref_slice %arg6[%dma_wait3A_644, %dma_wait3A_645] : memref<10000x128xf32, #tpu.memory_space<vmem_shared>> -> memref<10000x128xf32, #tpu.memory_space<vmem_shared>>
        tpu.wait_indirect_dma semaphore(%run_scoped3A_634 : memref<!tpu.dma_semaphore, #tpu.memory_space<semaphore_mem>>) src(%arg9 : memref<125x128xf32, #tpu.memory_space<vmem>>) dst(%dma_wait3A_646 : memref<10000x128xf32, #tpu.memory_space<vmem_shared>>)
        tpu.yield
      }) : () -> ()
      %dma_start3A_116 = arith.constant 6 : i32
      %dma_start3A_117 = arith.constant 0 : i32
      %dma_start3A_118 = tpu.memref_slice %arg7[%dma_start3A_116, %dma_start3A_117] : memref<40x125xi32, #tpu.memory_space<vmem>> -> memref<1x125xi32, #tpu.memory_space<vmem>>
      %dma_start3A_119 = tpu.memref_squeeze %dma_start3A_118 : memref<1x125xi32, #tpu.memory_space<vmem>> -> memref<125xi32, #tpu.memory_space<vmem>>
      %dma_start3A_120 = arith.constant 0 : i32
      %dma_start3A_121 = arith.constant 0 : i32
      %dma_start3A_122 = tpu.memref_slice %arg2[%dma_start3A_120, %dma_start3A_121] : memref<10000x128xf32, #tpu.memory_space<hbm>> -> memref<10000x128xf32, #tpu.memory_space<hbm>>
      tpu.enqueue_indirect_dma source(%dma_start3A_122 : memref<10000x128xf32, #tpu.memory_space<hbm>>) target(%arg9 : memref<125x128xf32, #tpu.memory_space<vmem>>) offsets(%dma_start3A_119 : memref<125xi32, #tpu.memory_space<vmem>>) semaphore(%arg11 : memref<!tpu.dma_semaphore, #tpu.memory_space<semaphore_mem>>)
      %dma_wait3A_123 = arith.constant 5 : i32
      %dma_wait3A_124 = arith.constant 0 : i32
      %dma_wait3A_125 = tpu.memref_slice %arg7[%dma_wait3A_123, %dma_wait3A_124] : memref<40x125xi32, #tpu.memory_space<vmem>> -> memref<1x125xi32, #tpu.memory_space<vmem>>
      %dma_wait3A_126 = tpu.memref_squeeze %dma_wait3A_125 : memref<1x125xi32, #tpu.memory_space<vmem>> -> memref<125xi32, #tpu.memory_space<vmem>>
      %dma_wait3A_127 = arith.constant 0 : i32
      %dma_wait3A_128 = arith.constant 0 : i32
      %dma_wait3A_129 = tpu.memref_slice %arg2[%dma_wait3A_127, %dma_wait3A_128] : memref<10000x128xf32, #tpu.memory_space<hbm>> -> memref<10000x128xf32, #tpu.memory_space<hbm>>
      tpu.wait_indirect_dma semaphore(%arg11 : memref<!tpu.dma_semaphore, #tpu.memory_space<semaphore_mem>>) src(%dma_wait3A_129 : memref<10000x128xf32, #tpu.memory_space<hbm>>) dst(%arg10 : memref<125x128xf32, #tpu.memory_space<vmem>>)
      %run_scoped3A_130 = arith.constant 5 : i32
      "tpu.region"() ({
        %run_scoped3A_634 = tpu.sem_alloc : memref<!tpu.dma_semaphore, #tpu.memory_space<semaphore_mem>>
        %dma_start3A_635 = arith.constant 0 : i32
        %dma_start3A_636 = tpu.memref_slice %arg8[%run_scoped3A_130, %dma_start3A_635] : memref<40x125xi32, #tpu.memory_space<vmem>> -> memref<1x125xi32, #tpu.memory_space<vmem>>
        %dma_start3A_637 = tpu.memref_squeeze %dma_start3A_636 : memref<1x125xi32, #tpu.memory_space<vmem>> -> memref<125xi32, #tpu.memory_space<vmem>>
        %dma_start3A_638 = arith.constant 0 : i32
        %dma_start3A_639 = arith.constant 0 : i32
        %dma_start3A_640 = tpu.memref_slice %arg6[%dma_start3A_638, %dma_start3A_639] : memref<10000x128xf32, #tpu.memory_space<vmem_shared>> -> memref<10000x128xf32, #tpu.memory_space<vmem_shared>>
        tpu.enqueue_indirect_dma source(%arg10 : memref<125x128xf32, #tpu.memory_space<vmem>>) target(%dma_start3A_640 : memref<10000x128xf32, #tpu.memory_space<vmem_shared>>) offsets(%dma_start3A_637 : memref<125xi32, #tpu.memory_space<vmem>>) semaphore(%run_scoped3A_634 : memref<!tpu.dma_semaphore, #tpu.memory_space<semaphore_mem>>) {add = true}
        %dma_wait3A_641 = arith.constant 0 : i32
        %dma_wait3A_642 = tpu.memref_slice %arg8[%run_scoped3A_130, %dma_wait3A_641] : memref<40x125xi32, #tpu.memory_space<vmem>> -> memref<1x125xi32, #tpu.memory_space<vmem>>
        %dma_wait3A_643 = tpu.memref_squeeze %dma_wait3A_642 : memref<1x125xi32, #tpu.memory_space<vmem>> -> memref<125xi32, #tpu.memory_space<vmem>>
        %dma_wait3A_644 = arith.constant 0 : i32
        %dma_wait3A_645 = arith.constant 0 : i32
        %dma_wait3A_646 = tpu.memref_slice %arg6[%dma_wait3A_644, %dma_wait3A_645] : memref<10000x128xf32, #tpu.memory_space<vmem_shared>> -> memref<10000x128xf32, #tpu.memory_space<vmem_shared>>
        tpu.wait_indirect_dma semaphore(%run_scoped3A_634 : memref<!tpu.dma_semaphore, #tpu.memory_space<semaphore_mem>>) src(%arg10 : memref<125x128xf32, #tpu.memory_space<vmem>>) dst(%dma_wait3A_646 : memref<10000x128xf32, #tpu.memory_space<vmem_shared>>)
        tpu.yield
      }) : () -> ()
      %dma_start3A_131 = arith.constant 7 : i32
      %dma_start3A_132 = arith.constant 0 : i32
      %dma_start3A_133 = tpu.memref_slice %arg7[%dma_start3A_131, %dma_start3A_132] : memref<40x125xi32, #tpu.memory_space<vmem>> -> memref<1x125xi32, #tpu.memory_space<vmem>>
      %dma_start3A_134 = tpu.memref_squeeze %dma_start3A_133 : memref<1x125xi32, #tpu.memory_space<vmem>> -> memref<125xi32, #tpu.memory_space<vmem>>
      %dma_start3A_135 = arith.constant 0 : i32
      %dma_start3A_136 = arith.constant 0 : i32
      %dma_start3A_137 = tpu.memref_slice %arg2[%dma_start3A_135, %dma_start3A_136] : memref<10000x128xf32, #tpu.memory_space<hbm>> -> memref<10000x128xf32, #tpu.memory_space<hbm>>
      tpu.enqueue_indirect_dma source(%dma_start3A_137 : memref<10000x128xf32, #tpu.memory_space<hbm>>) target(%arg10 : memref<125x128xf32, #tpu.memory_space<vmem>>) offsets(%dma_start3A_134 : memref<125xi32, #tpu.memory_space<vmem>>) semaphore(%arg11 : memref<!tpu.dma_semaphore, #tpu.memory_space<semaphore_mem>>)
      %dma_wait3A_138 = arith.constant 6 : i32
      %dma_wait3A_139 = arith.constant 0 : i32
      %dma_wait3A_140 = tpu.memref_slice %arg7[%dma_wait3A_138, %dma_wait3A_139] : memref<40x125xi32, #tpu.memory_space<vmem>> -> memref<1x125xi32, #tpu.memory_space<vmem>>
      %dma_wait3A_141 = tpu.memref_squeeze %dma_wait3A_140 : memref<1x125xi32, #tpu.memory_space<vmem>> -> memref<125xi32, #tpu.memory_space<vmem>>
      %dma_wait3A_142 = arith.constant 0 : i32
      %dma_wait3A_143 = arith.constant 0 : i32
      %dma_wait3A_144 = tpu.memref_slice %arg2[%dma_wait3A_142, %dma_wait3A_143] : memref<10000x128xf32, #tpu.memory_space<hbm>> -> memref<10000x128xf32, #tpu.memory_space<hbm>>
      tpu.wait_indirect_dma semaphore(%arg11 : memref<!tpu.dma_semaphore, #tpu.memory_space<semaphore_mem>>) src(%dma_wait3A_144 : memref<10000x128xf32, #tpu.memory_space<hbm>>) dst(%arg9 : memref<125x128xf32, #tpu.memory_space<vmem>>)
      %run_scoped3A_145 = arith.constant 6 : i32
      "tpu.region"() ({
        %run_scoped3A_634 = tpu.sem_alloc : memref<!tpu.dma_semaphore, #tpu.memory_space<semaphore_mem>>
        %dma_start3A_635 = arith.constant 0 : i32
        %dma_start3A_636 = tpu.memref_slice %arg8[%run_scoped3A_145, %dma_start3A_635] : memref<40x125xi32, #tpu.memory_space<vmem>> -> memref<1x125xi32, #tpu.memory_space<vmem>>
        %dma_start3A_637 = tpu.memref_squeeze %dma_start3A_636 : memref<1x125xi32, #tpu.memory_space<vmem>> -> memref<125xi32, #tpu.memory_space<vmem>>
        %dma_start3A_638 = arith.constant 0 : i32
        %dma_start3A_639 = arith.constant 0 : i32
        %dma_start3A_640 = tpu.memref_slice %arg6[%dma_start3A_638, %dma_start3A_639] : memref<10000x128xf32, #tpu.memory_space<vmem_shared>> -> memref<10000x128xf32, #tpu.memory_space<vmem_shared>>
        tpu.enqueue_indirect_dma source(%arg9 : memref<125x128xf32, #tpu.memory_space<vmem>>) target(%dma_start3A_640 : memref<10000x128xf32, #tpu.memory_space<vmem_shared>>) offsets(%dma_start3A_637 : memref<125xi32, #tpu.memory_space<vmem>>) semaphore(%run_scoped3A_634 : memref<!tpu.dma_semaphore, #tpu.memory_space<semaphore_mem>>) {add = true}
        %dma_wait3A_641 = arith.constant 0 : i32
        %dma_wait3A_642 = tpu.memref_slice %arg8[%run_scoped3A_145, %dma_wait3A_641] : memref<40x125xi32, #tpu.memory_space<vmem>> -> memref<1x125xi32, #tpu.memory_space<vmem>>
        %dma_wait3A_643 = tpu.memref_squeeze %dma_wait3A_642 : memref<1x125xi32, #tpu.memory_space<vmem>> -> memref<125xi32, #tpu.memory_space<vmem>>
        %dma_wait3A_644 = arith.constant 0 : i32
        %dma_wait3A_645 = arith.constant 0 : i32
        %dma_wait3A_646 = tpu.memref_slice %arg6[%dma_wait3A_644, %dma_wait3A_645] : memref<10000x128xf32, #tpu.memory_space<vmem_shared>> -> memref<10000x128xf32, #tpu.memory_space<vmem_shared>>
        tpu.wait_indirect_dma semaphore(%run_scoped3A_634 : memref<!tpu.dma_semaphore, #tpu.memory_space<semaphore_mem>>) src(%arg9 : memref<125x128xf32, #tpu.memory_space<vmem>>) dst(%dma_wait3A_646 : memref<10000x128xf32, #tpu.memory_space<vmem_shared>>)
        tpu.yield
      }) : () -> ()
      %dma_start3A_146 = arith.constant 8 : i32
      %dma_start3A_147 = arith.constant 0 : i32
      %dma_start3A_148 = tpu.memref_slice %arg7[%dma_start3A_146, %dma_start3A_147] : memref<40x125xi32, #tpu.memory_space<vmem>> -> memref<1x125xi32, #tpu.memory_space<vmem>>
      %dma_start3A_149 = tpu.memref_squeeze %dma_start3A_148 : memref<1x125xi32, #tpu.memory_space<vmem>> -> memref<125xi32, #tpu.memory_space<vmem>>
      %dma_start3A_150 = arith.constant 0 : i32
      %dma_start3A_151 = arith.constant 0 : i32
      %dma_start3A_152 = tpu.memref_slice %arg2[%dma_start3A_150, %dma_start3A_151] : memref<10000x128xf32, #tpu.memory_space<hbm>> -> memref<10000x128xf32, #tpu.memory_space<hbm>>
      tpu.enqueue_indirect_dma source(%dma_start3A_152 : memref<10000x128xf32, #tpu.memory_space<hbm>>) target(%arg9 : memref<125x128xf32, #tpu.memory_space<vmem>>) offsets(%dma_start3A_149 : memref<125xi32, #tpu.memory_space<vmem>>) semaphore(%arg11 : memref<!tpu.dma_semaphore, #tpu.memory_space<semaphore_mem>>)
      %dma_wait3A_153 = arith.constant 7 : i32
      %dma_wait3A_154 = arith.constant 0 : i32
      %dma_wait3A_155 = tpu.memref_slice %arg7[%dma_wait3A_153, %dma_wait3A_154] : memref<40x125xi32, #tpu.memory_space<vmem>> -> memref<1x125xi32, #tpu.memory_space<vmem>>
      %dma_wait3A_156 = tpu.memref_squeeze %dma_wait3A_155 : memref<1x125xi32, #tpu.memory_space<vmem>> -> memref<125xi32, #tpu.memory_space<vmem>>
      %dma_wait3A_157 = arith.constant 0 : i32
      %dma_wait3A_158 = arith.constant 0 : i32
      %dma_wait3A_159 = tpu.memref_slice %arg2[%dma_wait3A_157, %dma_wait3A_158] : memref<10000x128xf32, #tpu.memory_space<hbm>> -> memref<10000x128xf32, #tpu.memory_space<hbm>>
      tpu.wait_indirect_dma semaphore(%arg11 : memref<!tpu.dma_semaphore, #tpu.memory_space<semaphore_mem>>) src(%dma_wait3A_159 : memref<10000x128xf32, #tpu.memory_space<hbm>>) dst(%arg10 : memref<125x128xf32, #tpu.memory_space<vmem>>)
      %run_scoped3A_160 = arith.constant 7 : i32
      "tpu.region"() ({
        %run_scoped3A_634 = tpu.sem_alloc : memref<!tpu.dma_semaphore, #tpu.memory_space<semaphore_mem>>
        %dma_start3A_635 = arith.constant 0 : i32
        %dma_start3A_636 = tpu.memref_slice %arg8[%run_scoped3A_160, %dma_start3A_635] : memref<40x125xi32, #tpu.memory_space<vmem>> -> memref<1x125xi32, #tpu.memory_space<vmem>>
        %dma_start3A_637 = tpu.memref_squeeze %dma_start3A_636 : memref<1x125xi32, #tpu.memory_space<vmem>> -> memref<125xi32, #tpu.memory_space<vmem>>
        %dma_start3A_638 = arith.constant 0 : i32
        %dma_start3A_639 = arith.constant 0 : i32
        %dma_start3A_640 = tpu.memref_slice %arg6[%dma_start3A_638, %dma_start3A_639] : memref<10000x128xf32, #tpu.memory_space<vmem_shared>> -> memref<10000x128xf32, #tpu.memory_space<vmem_shared>>
        tpu.enqueue_indirect_dma source(%arg10 : memref<125x128xf32, #tpu.memory_space<vmem>>) target(%dma_start3A_640 : memref<10000x128xf32, #tpu.memory_space<vmem_shared>>) offsets(%dma_start3A_637 : memref<125xi32, #tpu.memory_space<vmem>>) semaphore(%run_scoped3A_634 : memref<!tpu.dma_semaphore, #tpu.memory_space<semaphore_mem>>) {add = true}
        %dma_wait3A_641 = arith.constant 0 : i32
        %dma_wait3A_642 = tpu.memref_slice %arg8[%run_scoped3A_160, %dma_wait3A_641] : memref<40x125xi32, #tpu.memory_space<vmem>> -> memref<1x125xi32, #tpu.memory_space<vmem>>
        %dma_wait3A_643 = tpu.memref_squeeze %dma_wait3A_642 : memref<1x125xi32, #tpu.memory_space<vmem>> -> memref<125xi32, #tpu.memory_space<vmem>>
        %dma_wait3A_644 = arith.constant 0 : i32
        %dma_wait3A_645 = arith.constant 0 : i32
        %dma_wait3A_646 = tpu.memref_slice %arg6[%dma_wait3A_644, %dma_wait3A_645] : memref<10000x128xf32, #tpu.memory_space<vmem_shared>> -> memref<10000x128xf32, #tpu.memory_space<vmem_shared>>
        tpu.wait_indirect_dma semaphore(%run_scoped3A_634 : memref<!tpu.dma_semaphore, #tpu.memory_space<semaphore_mem>>) src(%arg10 : memref<125x128xf32, #tpu.memory_space<vmem>>) dst(%dma_wait3A_646 : memref<10000x128xf32, #tpu.memory_space<vmem_shared>>)
        tpu.yield
      }) : () -> ()
      %dma_start3A_161 = arith.constant 9 : i32
      %dma_start3A_162 = arith.constant 0 : i32
      %dma_start3A_163 = tpu.memref_slice %arg7[%dma_start3A_161, %dma_start3A_162] : memref<40x125xi32, #tpu.memory_space<vmem>> -> memref<1x125xi32, #tpu.memory_space<vmem>>
      %dma_start3A_164 = tpu.memref_squeeze %dma_start3A_163 : memref<1x125xi32, #tpu.memory_space<vmem>> -> memref<125xi32, #tpu.memory_space<vmem>>
      %dma_start3A_165 = arith.constant 0 : i32
      %dma_start3A_166 = arith.constant 0 : i32
      %dma_start3A_167 = tpu.memref_slice %arg2[%dma_start3A_165, %dma_start3A_166] : memref<10000x128xf32, #tpu.memory_space<hbm>> -> memref<10000x128xf32, #tpu.memory_space<hbm>>
      tpu.enqueue_indirect_dma source(%dma_start3A_167 : memref<10000x128xf32, #tpu.memory_space<hbm>>) target(%arg10 : memref<125x128xf32, #tpu.memory_space<vmem>>) offsets(%dma_start3A_164 : memref<125xi32, #tpu.memory_space<vmem>>) semaphore(%arg11 : memref<!tpu.dma_semaphore, #tpu.memory_space<semaphore_mem>>)
      %dma_wait3A_168 = arith.constant 8 : i32
      %dma_wait3A_169 = arith.constant 0 : i32
      %dma_wait3A_170 = tpu.memref_slice %arg7[%dma_wait3A_168, %dma_wait3A_169] : memref<40x125xi32, #tpu.memory_space<vmem>> -> memref<1x125xi32, #tpu.memory_space<vmem>>
      %dma_wait3A_171 = tpu.memref_squeeze %dma_wait3A_170 : memref<1x125xi32, #tpu.memory_space<vmem>> -> memref<125xi32, #tpu.memory_space<vmem>>
      %dma_wait3A_172 = arith.constant 0 : i32
      %dma_wait3A_173 = arith.constant 0 : i32
      %dma_wait3A_174 = tpu.memref_slice %arg2[%dma_wait3A_172, %dma_wait3A_173] : memref<10000x128xf32, #tpu.memory_space<hbm>> -> memref<10000x128xf32, #tpu.memory_space<hbm>>
      tpu.wait_indirect_dma semaphore(%arg11 : memref<!tpu.dma_semaphore, #tpu.memory_space<semaphore_mem>>) src(%dma_wait3A_174 : memref<10000x128xf32, #tpu.memory_space<hbm>>) dst(%arg9 : memref<125x128xf32, #tpu.memory_space<vmem>>)
      %run_scoped3A_175 = arith.constant 8 : i32
      "tpu.region"() ({
        %run_scoped3A_634 = tpu.sem_alloc : memref<!tpu.dma_semaphore, #tpu.memory_space<semaphore_mem>>
        %dma_start3A_635 = arith.constant 0 : i32
        %dma_start3A_636 = tpu.memref_slice %arg8[%run_scoped3A_175, %dma_start3A_635] : memref<40x125xi32, #tpu.memory_space<vmem>> -> memref<1x125xi32, #tpu.memory_space<vmem>>
        %dma_start3A_637 = tpu.memref_squeeze %dma_start3A_636 : memref<1x125xi32, #tpu.memory_space<vmem>> -> memref<125xi32, #tpu.memory_space<vmem>>
        %dma_start3A_638 = arith.constant 0 : i32
        %dma_start3A_639 = arith.constant 0 : i32
        %dma_start3A_640 = tpu.memref_slice %arg6[%dma_start3A_638, %dma_start3A_639] : memref<10000x128xf32, #tpu.memory_space<vmem_shared>> -> memref<10000x128xf32, #tpu.memory_space<vmem_shared>>
        tpu.enqueue_indirect_dma source(%arg9 : memref<125x128xf32, #tpu.memory_space<vmem>>) target(%dma_start3A_640 : memref<10000x128xf32, #tpu.memory_space<vmem_shared>>) offsets(%dma_start3A_637 : memref<125xi32, #tpu.memory_space<vmem>>) semaphore(%run_scoped3A_634 : memref<!tpu.dma_semaphore, #tpu.memory_space<semaphore_mem>>) {add = true}
        %dma_wait3A_641 = arith.constant 0 : i32
        %dma_wait3A_642 = tpu.memref_slice %arg8[%run_scoped3A_175, %dma_wait3A_641] : memref<40x125xi32, #tpu.memory_space<vmem>> -> memref<1x125xi32, #tpu.memory_space<vmem>>
        %dma_wait3A_643 = tpu.memref_squeeze %dma_wait3A_642 : memref<1x125xi32, #tpu.memory_space<vmem>> -> memref<125xi32, #tpu.memory_space<vmem>>
        %dma_wait3A_644 = arith.constant 0 : i32
        %dma_wait3A_645 = arith.constant 0 : i32
        %dma_wait3A_646 = tpu.memref_slice %arg6[%dma_wait3A_644, %dma_wait3A_645] : memref<10000x128xf32, #tpu.memory_space<vmem_shared>> -> memref<10000x128xf32, #tpu.memory_space<vmem_shared>>
        tpu.wait_indirect_dma semaphore(%run_scoped3A_634 : memref<!tpu.dma_semaphore, #tpu.memory_space<semaphore_mem>>) src(%arg9 : memref<125x128xf32, #tpu.memory_space<vmem>>) dst(%dma_wait3A_646 : memref<10000x128xf32, #tpu.memory_space<vmem_shared>>)
        tpu.yield
      }) : () -> ()
      %dma_start3A_176 = arith.constant 10 : i32
      %dma_start3A_177 = arith.constant 0 : i32
      %dma_start3A_178 = tpu.memref_slice %arg7[%dma_start3A_176, %dma_start3A_177] : memref<40x125xi32, #tpu.memory_space<vmem>> -> memref<1x125xi32, #tpu.memory_space<vmem>>
      %dma_start3A_179 = tpu.memref_squeeze %dma_start3A_178 : memref<1x125xi32, #tpu.memory_space<vmem>> -> memref<125xi32, #tpu.memory_space<vmem>>
      %dma_start3A_180 = arith.constant 0 : i32
      %dma_start3A_181 = arith.constant 0 : i32
      %dma_start3A_182 = tpu.memref_slice %arg2[%dma_start3A_180, %dma_start3A_181] : memref<10000x128xf32, #tpu.memory_space<hbm>> -> memref<10000x128xf32, #tpu.memory_space<hbm>>
      tpu.enqueue_indirect_dma source(%dma_start3A_182 : memref<10000x128xf32, #tpu.memory_space<hbm>>) target(%arg9 : memref<125x128xf32, #tpu.memory_space<vmem>>) offsets(%dma_start3A_179 : memref<125xi32, #tpu.memory_space<vmem>>) semaphore(%arg11 : memref<!tpu.dma_semaphore, #tpu.memory_space<semaphore_mem>>)
      %dma_wait3A_183 = arith.constant 9 : i32
      %dma_wait3A_184 = arith.constant 0 : i32
      %dma_wait3A_185 = tpu.memref_slice %arg7[%dma_wait3A_183, %dma_wait3A_184] : memref<40x125xi32, #tpu.memory_space<vmem>> -> memref<1x125xi32, #tpu.memory_space<vmem>>
      %dma_wait3A_186 = tpu.memref_squeeze %dma_wait3A_185 : memref<1x125xi32, #tpu.memory_space<vmem>> -> memref<125xi32, #tpu.memory_space<vmem>>
      %dma_wait3A_187 = arith.constant 0 : i32
      %dma_wait3A_188 = arith.constant 0 : i32
      %dma_wait3A_189 = tpu.memref_slice %arg2[%dma_wait3A_187, %dma_wait3A_188] : memref<10000x128xf32, #tpu.memory_space<hbm>> -> memref<10000x128xf32, #tpu.memory_space<hbm>>
      tpu.wait_indirect_dma semaphore(%arg11 : memref<!tpu.dma_semaphore, #tpu.memory_space<semaphore_mem>>) src(%dma_wait3A_189 : memref<10000x128xf32, #tpu.memory_space<hbm>>) dst(%arg10 : memref<125x128xf32, #tpu.memory_space<vmem>>)
      %run_scoped3A_190 = arith.constant 9 : i32
      "tpu.region"() ({
        %run_scoped3A_634 = tpu.sem_alloc : memref<!tpu.dma_semaphore, #tpu.memory_space<semaphore_mem>>
        %dma_start3A_635 = arith.constant 0 : i32
        %dma_start3A_636 = tpu.memref_slice %arg8[%run_scoped3A_190, %dma_start3A_635] : memref<40x125xi32, #tpu.memory_space<vmem>> -> memref<1x125xi32, #tpu.memory_space<vmem>>
        %dma_start3A_637 = tpu.memref_squeeze %dma_start3A_636 : memref<1x125xi32, #tpu.memory_space<vmem>> -> memref<125xi32, #tpu.memory_space<vmem>>
        %dma_start3A_638 = arith.constant 0 : i32
        %dma_start3A_639 = arith.constant 0 : i32
        %dma_start3A_640 = tpu.memref_slice %arg6[%dma_start3A_638, %dma_start3A_639] : memref<10000x128xf32, #tpu.memory_space<vmem_shared>> -> memref<10000x128xf32, #tpu.memory_space<vmem_shared>>
        tpu.enqueue_indirect_dma source(%arg10 : memref<125x128xf32, #tpu.memory_space<vmem>>) target(%dma_start3A_640 : memref<10000x128xf32, #tpu.memory_space<vmem_shared>>) offsets(%dma_start3A_637 : memref<125xi32, #tpu.memory_space<vmem>>) semaphore(%run_scoped3A_634 : memref<!tpu.dma_semaphore, #tpu.memory_space<semaphore_mem>>) {add = true}
        %dma_wait3A_641 = arith.constant 0 : i32
        %dma_wait3A_642 = tpu.memref_slice %arg8[%run_scoped3A_190, %dma_wait3A_641] : memref<40x125xi32, #tpu.memory_space<vmem>> -> memref<1x125xi32, #tpu.memory_space<vmem>>
        %dma_wait3A_643 = tpu.memref_squeeze %dma_wait3A_642 : memref<1x125xi32, #tpu.memory_space<vmem>> -> memref<125xi32, #tpu.memory_space<vmem>>
        %dma_wait3A_644 = arith.constant 0 : i32
        %dma_wait3A_645 = arith.constant 0 : i32
        %dma_wait3A_646 = tpu.memref_slice %arg6[%dma_wait3A_644, %dma_wait3A_645] : memref<10000x128xf32, #tpu.memory_space<vmem_shared>> -> memref<10000x128xf32, #tpu.memory_space<vmem_shared>>
        tpu.wait_indirect_dma semaphore(%run_scoped3A_634 : memref<!tpu.dma_semaphore, #tpu.memory_space<semaphore_mem>>) src(%arg10 : memref<125x128xf32, #tpu.memory_space<vmem>>) dst(%dma_wait3A_646 : memref<10000x128xf32, #tpu.memory_space<vmem_shared>>)
        tpu.yield
      }) : () -> ()
      %dma_start3A_191 = arith.constant 11 : i32
      %dma_start3A_192 = arith.constant 0 : i32
      %dma_start3A_193 = tpu.memref_slice %arg7[%dma_start3A_191, %dma_start3A_192] : memref<40x125xi32, #tpu.memory_space<vmem>> -> memref<1x125xi32, #tpu.memory_space<vmem>>
      %dma_start3A_194 = tpu.memref_squeeze %dma_start3A_193 : memref<1x125xi32, #tpu.memory_space<vmem>> -> memref<125xi32, #tpu.memory_space<vmem>>
      %dma_start3A_195 = arith.constant 0 : i32
      %dma_start3A_196 = arith.constant 0 : i32
      %dma_start3A_197 = tpu.memref_slice %arg2[%dma_start3A_195, %dma_start3A_196] : memref<10000x128xf32, #tpu.memory_space<hbm>> -> memref<10000x128xf32, #tpu.memory_space<hbm>>
      tpu.enqueue_indirect_dma source(%dma_start3A_197 : memref<10000x128xf32, #tpu.memory_space<hbm>>) target(%arg10 : memref<125x128xf32, #tpu.memory_space<vmem>>) offsets(%dma_start3A_194 : memref<125xi32, #tpu.memory_space<vmem>>) semaphore(%arg11 : memref<!tpu.dma_semaphore, #tpu.memory_space<semaphore_mem>>)
      %dma_wait3A_198 = arith.constant 10 : i32
      %dma_wait3A_199 = arith.constant 0 : i32
      %dma_wait3A_200 = tpu.memref_slice %arg7[%dma_wait3A_198, %dma_wait3A_199] : memref<40x125xi32, #tpu.memory_space<vmem>> -> memref<1x125xi32, #tpu.memory_space<vmem>>
      %dma_wait3A_201 = tpu.memref_squeeze %dma_wait3A_200 : memref<1x125xi32, #tpu.memory_space<vmem>> -> memref<125xi32, #tpu.memory_space<vmem>>
      %dma_wait3A_202 = arith.constant 0 : i32
      %dma_wait3A_203 = arith.constant 0 : i32
      %dma_wait3A_204 = tpu.memref_slice %arg2[%dma_wait3A_202, %dma_wait3A_203] : memref<10000x128xf32, #tpu.memory_space<hbm>> -> memref<10000x128xf32, #tpu.memory_space<hbm>>
      tpu.wait_indirect_dma semaphore(%arg11 : memref<!tpu.dma_semaphore, #tpu.memory_space<semaphore_mem>>) src(%dma_wait3A_204 : memref<10000x128xf32, #tpu.memory_space<hbm>>) dst(%arg9 : memref<125x128xf32, #tpu.memory_space<vmem>>)
      %run_scoped3A_205 = arith.constant 10 : i32
      "tpu.region"() ({
        %run_scoped3A_634 = tpu.sem_alloc : memref<!tpu.dma_semaphore, #tpu.memory_space<semaphore_mem>>
        %dma_start3A_635 = arith.constant 0 : i32
        %dma_start3A_636 = tpu.memref_slice %arg8[%run_scoped3A_205, %dma_start3A_635] : memref<40x125xi32, #tpu.memory_space<vmem>> -> memref<1x125xi32, #tpu.memory_space<vmem>>
        %dma_start3A_637 = tpu.memref_squeeze %dma_start3A_636 : memref<1x125xi32, #tpu.memory_space<vmem>> -> memref<125xi32, #tpu.memory_space<vmem>>
        %dma_start3A_638 = arith.constant 0 : i32
        %dma_start3A_639 = arith.constant 0 : i32
        %dma_start3A_640 = tpu.memref_slice %arg6[%dma_start3A_638, %dma_start3A_639] : memref<10000x128xf32, #tpu.memory_space<vmem_shared>> -> memref<10000x128xf32, #tpu.memory_space<vmem_shared>>
        tpu.enqueue_indirect_dma source(%arg9 : memref<125x128xf32, #tpu.memory_space<vmem>>) target(%dma_start3A_640 : memref<10000x128xf32, #tpu.memory_space<vmem_shared>>) offsets(%dma_start3A_637 : memref<125xi32, #tpu.memory_space<vmem>>) semaphore(%run_scoped3A_634 : memref<!tpu.dma_semaphore, #tpu.memory_space<semaphore_mem>>) {add = true}
        %dma_wait3A_641 = arith.constant 0 : i32
        %dma_wait3A_642 = tpu.memref_slice %arg8[%run_scoped3A_205, %dma_wait3A_641] : memref<40x125xi32, #tpu.memory_space<vmem>> -> memref<1x125xi32, #tpu.memory_space<vmem>>
        %dma_wait3A_643 = tpu.memref_squeeze %dma_wait3A_642 : memref<1x125xi32, #tpu.memory_space<vmem>> -> memref<125xi32, #tpu.memory_space<vmem>>
        %dma_wait3A_644 = arith.constant 0 : i32
        %dma_wait3A_645 = arith.constant 0 : i32
        %dma_wait3A_646 = tpu.memref_slice %arg6[%dma_wait3A_644, %dma_wait3A_645] : memref<10000x128xf32, #tpu.memory_space<vmem_shared>> -> memref<10000x128xf32, #tpu.memory_space<vmem_shared>>
        tpu.wait_indirect_dma semaphore(%run_scoped3A_634 : memref<!tpu.dma_semaphore, #tpu.memory_space<semaphore_mem>>) src(%arg9 : memref<125x128xf32, #tpu.memory_space<vmem>>) dst(%dma_wait3A_646 : memref<10000x128xf32, #tpu.memory_space<vmem_shared>>)
        tpu.yield
      }) : () -> ()
      %dma_start3A_206 = arith.constant 12 : i32
      %dma_start3A_207 = arith.constant 0 : i32
      %dma_start3A_208 = tpu.memref_slice %arg7[%dma_start3A_206, %dma_start3A_207] : memref<40x125xi32, #tpu.memory_space<vmem>> -> memref<1x125xi32, #tpu.memory_space<vmem>>
      %dma_start3A_209 = tpu.memref_squeeze %dma_start3A_208 : memref<1x125xi32, #tpu.memory_space<vmem>> -> memref<125xi32, #tpu.memory_space<vmem>>
      %dma_start3A_210 = arith.constant 0 : i32
      %dma_start3A_211 = arith.constant 0 : i32
      %dma_start3A_212 = tpu.memref_slice %arg2[%dma_start3A_210, %dma_start3A_211] : memref<10000x128xf32, #tpu.memory_space<hbm>> -> memref<10000x128xf32, #tpu.memory_space<hbm>>
      tpu.enqueue_indirect_dma source(%dma_start3A_212 : memref<10000x128xf32, #tpu.memory_space<hbm>>) target(%arg9 : memref<125x128xf32, #tpu.memory_space<vmem>>) offsets(%dma_start3A_209 : memref<125xi32, #tpu.memory_space<vmem>>) semaphore(%arg11 : memref<!tpu.dma_semaphore, #tpu.memory_space<semaphore_mem>>)
      %dma_wait3A_213 = arith.constant 11 : i32
      %dma_wait3A_214 = arith.constant 0 : i32
      %dma_wait3A_215 = tpu.memref_slice %arg7[%dma_wait3A_213, %dma_wait3A_214] : memref<40x125xi32, #tpu.memory_space<vmem>> -> memref<1x125xi32, #tpu.memory_space<vmem>>
      %dma_wait3A_216 = tpu.memref_squeeze %dma_wait3A_215 : memref<1x125xi32, #tpu.memory_space<vmem>> -> memref<125xi32, #tpu.memory_space<vmem>>
      %dma_wait3A_217 = arith.constant 0 : i32
      %dma_wait3A_218 = arith.constant 0 : i32
      %dma_wait3A_219 = tpu.memref_slice %arg2[%dma_wait3A_217, %dma_wait3A_218] : memref<10000x128xf32, #tpu.memory_space<hbm>> -> memref<10000x128xf32, #tpu.memory_space<hbm>>
      tpu.wait_indirect_dma semaphore(%arg11 : memref<!tpu.dma_semaphore, #tpu.memory_space<semaphore_mem>>) src(%dma_wait3A_219 : memref<10000x128xf32, #tpu.memory_space<hbm>>) dst(%arg10 : memref<125x128xf32, #tpu.memory_space<vmem>>)
      %run_scoped3A_220 = arith.constant 11 : i32
      "tpu.region"() ({
        %run_scoped3A_634 = tpu.sem_alloc : memref<!tpu.dma_semaphore, #tpu.memory_space<semaphore_mem>>
        %dma_start3A_635 = arith.constant 0 : i32
        %dma_start3A_636 = tpu.memref_slice %arg8[%run_scoped3A_220, %dma_start3A_635] : memref<40x125xi32, #tpu.memory_space<vmem>> -> memref<1x125xi32, #tpu.memory_space<vmem>>
        %dma_start3A_637 = tpu.memref_squeeze %dma_start3A_636 : memref<1x125xi32, #tpu.memory_space<vmem>> -> memref<125xi32, #tpu.memory_space<vmem>>
        %dma_start3A_638 = arith.constant 0 : i32
        %dma_start3A_639 = arith.constant 0 : i32
        %dma_start3A_640 = tpu.memref_slice %arg6[%dma_start3A_638, %dma_start3A_639] : memref<10000x128xf32, #tpu.memory_space<vmem_shared>> -> memref<10000x128xf32, #tpu.memory_space<vmem_shared>>
        tpu.enqueue_indirect_dma source(%arg10 : memref<125x128xf32, #tpu.memory_space<vmem>>) target(%dma_start3A_640 : memref<10000x128xf32, #tpu.memory_space<vmem_shared>>) offsets(%dma_start3A_637 : memref<125xi32, #tpu.memory_space<vmem>>) semaphore(%run_scoped3A_634 : memref<!tpu.dma_semaphore, #tpu.memory_space<semaphore_mem>>) {add = true}
        %dma_wait3A_641 = arith.constant 0 : i32
        %dma_wait3A_642 = tpu.memref_slice %arg8[%run_scoped3A_220, %dma_wait3A_641] : memref<40x125xi32, #tpu.memory_space<vmem>> -> memref<1x125xi32, #tpu.memory_space<vmem>>
        %dma_wait3A_643 = tpu.memref_squeeze %dma_wait3A_642 : memref<1x125xi32, #tpu.memory_space<vmem>> -> memref<125xi32, #tpu.memory_space<vmem>>
        %dma_wait3A_644 = arith.constant 0 : i32
        %dma_wait3A_645 = arith.constant 0 : i32
        %dma_wait3A_646 = tpu.memref_slice %arg6[%dma_wait3A_644, %dma_wait3A_645] : memref<10000x128xf32, #tpu.memory_space<vmem_shared>> -> memref<10000x128xf32, #tpu.memory_space<vmem_shared>>
        tpu.wait_indirect_dma semaphore(%run_scoped3A_634 : memref<!tpu.dma_semaphore, #tpu.memory_space<semaphore_mem>>) src(%arg10 : memref<125x128xf32, #tpu.memory_space<vmem>>) dst(%dma_wait3A_646 : memref<10000x128xf32, #tpu.memory_space<vmem_shared>>)
        tpu.yield
      }) : () -> ()
      %dma_start3A_221 = arith.constant 13 : i32
      %dma_start3A_222 = arith.constant 0 : i32
      %dma_start3A_223 = tpu.memref_slice %arg7[%dma_start3A_221, %dma_start3A_222] : memref<40x125xi32, #tpu.memory_space<vmem>> -> memref<1x125xi32, #tpu.memory_space<vmem>>
      %dma_start3A_224 = tpu.memref_squeeze %dma_start3A_223 : memref<1x125xi32, #tpu.memory_space<vmem>> -> memref<125xi32, #tpu.memory_space<vmem>>
      %dma_start3A_225 = arith.constant 0 : i32
      %dma_start3A_226 = arith.constant 0 : i32
      %dma_start3A_227 = tpu.memref_slice %arg2[%dma_start3A_225, %dma_start3A_226] : memref<10000x128xf32, #tpu.memory_space<hbm>> -> memref<10000x128xf32, #tpu.memory_space<hbm>>
      tpu.enqueue_indirect_dma source(%dma_start3A_227 : memref<10000x128xf32, #tpu.memory_space<hbm>>) target(%arg10 : memref<125x128xf32, #tpu.memory_space<vmem>>) offsets(%dma_start3A_224 : memref<125xi32, #tpu.memory_space<vmem>>) semaphore(%arg11 : memref<!tpu.dma_semaphore, #tpu.memory_space<semaphore_mem>>)
      %dma_wait3A_228 = arith.constant 12 : i32
      %dma_wait3A_229 = arith.constant 0 : i32
      %dma_wait3A_230 = tpu.memref_slice %arg7[%dma_wait3A_228, %dma_wait3A_229] : memref<40x125xi32, #tpu.memory_space<vmem>> -> memref<1x125xi32, #tpu.memory_space<vmem>>
      %dma_wait3A_231 = tpu.memref_squeeze %dma_wait3A_230 : memref<1x125xi32, #tpu.memory_space<vmem>> -> memref<125xi32, #tpu.memory_space<vmem>>
      %dma_wait3A_232 = arith.constant 0 : i32
      %dma_wait3A_233 = arith.constant 0 : i32
      %dma_wait3A_234 = tpu.memref_slice %arg2[%dma_wait3A_232, %dma_wait3A_233] : memref<10000x128xf32, #tpu.memory_space<hbm>> -> memref<10000x128xf32, #tpu.memory_space<hbm>>
      tpu.wait_indirect_dma semaphore(%arg11 : memref<!tpu.dma_semaphore, #tpu.memory_space<semaphore_mem>>) src(%dma_wait3A_234 : memref<10000x128xf32, #tpu.memory_space<hbm>>) dst(%arg9 : memref<125x128xf32, #tpu.memory_space<vmem>>)
      %run_scoped3A_235 = arith.constant 12 : i32
      "tpu.region"() ({
        %run_scoped3A_634 = tpu.sem_alloc : memref<!tpu.dma_semaphore, #tpu.memory_space<semaphore_mem>>
        %dma_start3A_635 = arith.constant 0 : i32
        %dma_start3A_636 = tpu.memref_slice %arg8[%run_scoped3A_235, %dma_start3A_635] : memref<40x125xi32, #tpu.memory_space<vmem>> -> memref<1x125xi32, #tpu.memory_space<vmem>>
        %dma_start3A_637 = tpu.memref_squeeze %dma_start3A_636 : memref<1x125xi32, #tpu.memory_space<vmem>> -> memref<125xi32, #tpu.memory_space<vmem>>
        %dma_start3A_638 = arith.constant 0 : i32
        %dma_start3A_639 = arith.constant 0 : i32
        %dma_start3A_640 = tpu.memref_slice %arg6[%dma_start3A_638, %dma_start3A_639] : memref<10000x128xf32, #tpu.memory_space<vmem_shared>> -> memref<10000x128xf32, #tpu.memory_space<vmem_shared>>
        tpu.enqueue_indirect_dma source(%arg9 : memref<125x128xf32, #tpu.memory_space<vmem>>) target(%dma_start3A_640 : memref<10000x128xf32, #tpu.memory_space<vmem_shared>>) offsets(%dma_start3A_637 : memref<125xi32, #tpu.memory_space<vmem>>) semaphore(%run_scoped3A_634 : memref<!tpu.dma_semaphore, #tpu.memory_space<semaphore_mem>>) {add = true}
        %dma_wait3A_641 = arith.constant 0 : i32
        %dma_wait3A_642 = tpu.memref_slice %arg8[%run_scoped3A_235, %dma_wait3A_641] : memref<40x125xi32, #tpu.memory_space<vmem>> -> memref<1x125xi32, #tpu.memory_space<vmem>>
        %dma_wait3A_643 = tpu.memref_squeeze %dma_wait3A_642 : memref<1x125xi32, #tpu.memory_space<vmem>> -> memref<125xi32, #tpu.memory_space<vmem>>
        %dma_wait3A_644 = arith.constant 0 : i32
        %dma_wait3A_645 = arith.constant 0 : i32
        %dma_wait3A_646 = tpu.memref_slice %arg6[%dma_wait3A_644, %dma_wait3A_645] : memref<10000x128xf32, #tpu.memory_space<vmem_shared>> -> memref<10000x128xf32, #tpu.memory_space<vmem_shared>>
        tpu.wait_indirect_dma semaphore(%run_scoped3A_634 : memref<!tpu.dma_semaphore, #tpu.memory_space<semaphore_mem>>) src(%arg9 : memref<125x128xf32, #tpu.memory_space<vmem>>) dst(%dma_wait3A_646 : memref<10000x128xf32, #tpu.memory_space<vmem_shared>>)
        tpu.yield
      }) : () -> ()
      %dma_start3A_236 = arith.constant 14 : i32
      %dma_start3A_237 = arith.constant 0 : i32
      %dma_start3A_238 = tpu.memref_slice %arg7[%dma_start3A_236, %dma_start3A_237] : memref<40x125xi32, #tpu.memory_space<vmem>> -> memref<1x125xi32, #tpu.memory_space<vmem>>
      %dma_start3A_239 = tpu.memref_squeeze %dma_start3A_238 : memref<1x125xi32, #tpu.memory_space<vmem>> -> memref<125xi32, #tpu.memory_space<vmem>>
      %dma_start3A_240 = arith.constant 0 : i32
      %dma_start3A_241 = arith.constant 0 : i32
      %dma_start3A_242 = tpu.memref_slice %arg2[%dma_start3A_240, %dma_start3A_241] : memref<10000x128xf32, #tpu.memory_space<hbm>> -> memref<10000x128xf32, #tpu.memory_space<hbm>>
      tpu.enqueue_indirect_dma source(%dma_start3A_242 : memref<10000x128xf32, #tpu.memory_space<hbm>>) target(%arg9 : memref<125x128xf32, #tpu.memory_space<vmem>>) offsets(%dma_start3A_239 : memref<125xi32, #tpu.memory_space<vmem>>) semaphore(%arg11 : memref<!tpu.dma_semaphore, #tpu.memory_space<semaphore_mem>>)
      %dma_wait3A_243 = arith.constant 13 : i32
      %dma_wait3A_244 = arith.constant 0 : i32
      %dma_wait3A_245 = tpu.memref_slice %arg7[%dma_wait3A_243, %dma_wait3A_244] : memref<40x125xi32, #tpu.memory_space<vmem>> -> memref<1x125xi32, #tpu.memory_space<vmem>>
      %dma_wait3A_246 = tpu.memref_squeeze %dma_wait3A_245 : memref<1x125xi32, #tpu.memory_space<vmem>> -> memref<125xi32, #tpu.memory_space<vmem>>
      %dma_wait3A_247 = arith.constant 0 : i32
      %dma_wait3A_248 = arith.constant 0 : i32
      %dma_wait3A_249 = tpu.memref_slice %arg2[%dma_wait3A_247, %dma_wait3A_248] : memref<10000x128xf32, #tpu.memory_space<hbm>> -> memref<10000x128xf32, #tpu.memory_space<hbm>>
      tpu.wait_indirect_dma semaphore(%arg11 : memref<!tpu.dma_semaphore, #tpu.memory_space<semaphore_mem>>) src(%dma_wait3A_249 : memref<10000x128xf32, #tpu.memory_space<hbm>>) dst(%arg10 : memref<125x128xf32, #tpu.memory_space<vmem>>)
      %run_scoped3A_250 = arith.constant 13 : i32
      "tpu.region"() ({
        %run_scoped3A_634 = tpu.sem_alloc : memref<!tpu.dma_semaphore, #tpu.memory_space<semaphore_mem>>
        %dma_start3A_635 = arith.constant 0 : i32
        %dma_start3A_636 = tpu.memref_slice %arg8[%run_scoped3A_250, %dma_start3A_635] : memref<40x125xi32, #tpu.memory_space<vmem>> -> memref<1x125xi32, #tpu.memory_space<vmem>>
        %dma_start3A_637 = tpu.memref_squeeze %dma_start3A_636 : memref<1x125xi32, #tpu.memory_space<vmem>> -> memref<125xi32, #tpu.memory_space<vmem>>
        %dma_start3A_638 = arith.constant 0 : i32
        %dma_start3A_639 = arith.constant 0 : i32
        %dma_start3A_640 = tpu.memref_slice %arg6[%dma_start3A_638, %dma_start3A_639] : memref<10000x128xf32, #tpu.memory_space<vmem_shared>> -> memref<10000x128xf32, #tpu.memory_space<vmem_shared>>
        tpu.enqueue_indirect_dma source(%arg10 : memref<125x128xf32, #tpu.memory_space<vmem>>) target(%dma_start3A_640 : memref<10000x128xf32, #tpu.memory_space<vmem_shared>>) offsets(%dma_start3A_637 : memref<125xi32, #tpu.memory_space<vmem>>) semaphore(%run_scoped3A_634 : memref<!tpu.dma_semaphore, #tpu.memory_space<semaphore_mem>>) {add = true}
        %dma_wait3A_641 = arith.constant 0 : i32
        %dma_wait3A_642 = tpu.memref_slice %arg8[%run_scoped3A_250, %dma_wait3A_641] : memref<40x125xi32, #tpu.memory_space<vmem>> -> memref<1x125xi32, #tpu.memory_space<vmem>>
        %dma_wait3A_643 = tpu.memref_squeeze %dma_wait3A_642 : memref<1x125xi32, #tpu.memory_space<vmem>> -> memref<125xi32, #tpu.memory_space<vmem>>
        %dma_wait3A_644 = arith.constant 0 : i32
        %dma_wait3A_645 = arith.constant 0 : i32
        %dma_wait3A_646 = tpu.memref_slice %arg6[%dma_wait3A_644, %dma_wait3A_645] : memref<10000x128xf32, #tpu.memory_space<vmem_shared>> -> memref<10000x128xf32, #tpu.memory_space<vmem_shared>>
        tpu.wait_indirect_dma semaphore(%run_scoped3A_634 : memref<!tpu.dma_semaphore, #tpu.memory_space<semaphore_mem>>) src(%arg10 : memref<125x128xf32, #tpu.memory_space<vmem>>) dst(%dma_wait3A_646 : memref<10000x128xf32, #tpu.memory_space<vmem_shared>>)
        tpu.yield
      }) : () -> ()
      %dma_start3A_251 = arith.constant 15 : i32
      %dma_start3A_252 = arith.constant 0 : i32
      %dma_start3A_253 = tpu.memref_slice %arg7[%dma_start3A_251, %dma_start3A_252] : memref<40x125xi32, #tpu.memory_space<vmem>> -> memref<1x125xi32, #tpu.memory_space<vmem>>
      %dma_start3A_254 = tpu.memref_squeeze %dma_start3A_253 : memref<1x125xi32, #tpu.memory_space<vmem>> -> memref<125xi32, #tpu.memory_space<vmem>>
      %dma_start3A_255 = arith.constant 0 : i32
      %dma_start3A_256 = arith.constant 0 : i32
      %dma_start3A_257 = tpu.memref_slice %arg2[%dma_start3A_255, %dma_start3A_256] : memref<10000x128xf32, #tpu.memory_space<hbm>> -> memref<10000x128xf32, #tpu.memory_space<hbm>>
      tpu.enqueue_indirect_dma source(%dma_start3A_257 : memref<10000x128xf32, #tpu.memory_space<hbm>>) target(%arg10 : memref<125x128xf32, #tpu.memory_space<vmem>>) offsets(%dma_start3A_254 : memref<125xi32, #tpu.memory_space<vmem>>) semaphore(%arg11 : memref<!tpu.dma_semaphore, #tpu.memory_space<semaphore_mem>>)
      %dma_wait3A_258 = arith.constant 14 : i32
      %dma_wait3A_259 = arith.constant 0 : i32
      %dma_wait3A_260 = tpu.memref_slice %arg7[%dma_wait3A_258, %dma_wait3A_259] : memref<40x125xi32, #tpu.memory_space<vmem>> -> memref<1x125xi32, #tpu.memory_space<vmem>>
      %dma_wait3A_261 = tpu.memref_squeeze %dma_wait3A_260 : memref<1x125xi32, #tpu.memory_space<vmem>> -> memref<125xi32, #tpu.memory_space<vmem>>
      %dma_wait3A_262 = arith.constant 0 : i32
      %dma_wait3A_263 = arith.constant 0 : i32
      %dma_wait3A_264 = tpu.memref_slice %arg2[%dma_wait3A_262, %dma_wait3A_263] : memref<10000x128xf32, #tpu.memory_space<hbm>> -> memref<10000x128xf32, #tpu.memory_space<hbm>>
      tpu.wait_indirect_dma semaphore(%arg11 : memref<!tpu.dma_semaphore, #tpu.memory_space<semaphore_mem>>) src(%dma_wait3A_264 : memref<10000x128xf32, #tpu.memory_space<hbm>>) dst(%arg9 : memref<125x128xf32, #tpu.memory_space<vmem>>)
      %run_scoped3A_265 = arith.constant 14 : i32
      "tpu.region"() ({
        %run_scoped3A_634 = tpu.sem_alloc : memref<!tpu.dma_semaphore, #tpu.memory_space<semaphore_mem>>
        %dma_start3A_635 = arith.constant 0 : i32
        %dma_start3A_636 = tpu.memref_slice %arg8[%run_scoped3A_265, %dma_start3A_635] : memref<40x125xi32, #tpu.memory_space<vmem>> -> memref<1x125xi32, #tpu.memory_space<vmem>>
        %dma_start3A_637 = tpu.memref_squeeze %dma_start3A_636 : memref<1x125xi32, #tpu.memory_space<vmem>> -> memref<125xi32, #tpu.memory_space<vmem>>
        %dma_start3A_638 = arith.constant 0 : i32
        %dma_start3A_639 = arith.constant 0 : i32
        %dma_start3A_640 = tpu.memref_slice %arg6[%dma_start3A_638, %dma_start3A_639] : memref<10000x128xf32, #tpu.memory_space<vmem_shared>> -> memref<10000x128xf32, #tpu.memory_space<vmem_shared>>
        tpu.enqueue_indirect_dma source(%arg9 : memref<125x128xf32, #tpu.memory_space<vmem>>) target(%dma_start3A_640 : memref<10000x128xf32, #tpu.memory_space<vmem_shared>>) offsets(%dma_start3A_637 : memref<125xi32, #tpu.memory_space<vmem>>) semaphore(%run_scoped3A_634 : memref<!tpu.dma_semaphore, #tpu.memory_space<semaphore_mem>>) {add = true}
        %dma_wait3A_641 = arith.constant 0 : i32
        %dma_wait3A_642 = tpu.memref_slice %arg8[%run_scoped3A_265, %dma_wait3A_641] : memref<40x125xi32, #tpu.memory_space<vmem>> -> memref<1x125xi32, #tpu.memory_space<vmem>>
        %dma_wait3A_643 = tpu.memref_squeeze %dma_wait3A_642 : memref<1x125xi32, #tpu.memory_space<vmem>> -> memref<125xi32, #tpu.memory_space<vmem>>
        %dma_wait3A_644 = arith.constant 0 : i32
        %dma_wait3A_645 = arith.constant 0 : i32
        %dma_wait3A_646 = tpu.memref_slice %arg6[%dma_wait3A_644, %dma_wait3A_645] : memref<10000x128xf32, #tpu.memory_space<vmem_shared>> -> memref<10000x128xf32, #tpu.memory_space<vmem_shared>>
        tpu.wait_indirect_dma semaphore(%run_scoped3A_634 : memref<!tpu.dma_semaphore, #tpu.memory_space<semaphore_mem>>) src(%arg9 : memref<125x128xf32, #tpu.memory_space<vmem>>) dst(%dma_wait3A_646 : memref<10000x128xf32, #tpu.memory_space<vmem_shared>>)
        tpu.yield
      }) : () -> ()
      %dma_start3A_266 = arith.constant 16 : i32
      %dma_start3A_267 = arith.constant 0 : i32
      %dma_start3A_268 = tpu.memref_slice %arg7[%dma_start3A_266, %dma_start3A_267] : memref<40x125xi32, #tpu.memory_space<vmem>> -> memref<1x125xi32, #tpu.memory_space<vmem>>
      %dma_start3A_269 = tpu.memref_squeeze %dma_start3A_268 : memref<1x125xi32, #tpu.memory_space<vmem>> -> memref<125xi32, #tpu.memory_space<vmem>>
      %dma_start3A_270 = arith.constant 0 : i32
      %dma_start3A_271 = arith.constant 0 : i32
      %dma_start3A_272 = tpu.memref_slice %arg2[%dma_start3A_270, %dma_start3A_271] : memref<10000x128xf32, #tpu.memory_space<hbm>> -> memref<10000x128xf32, #tpu.memory_space<hbm>>
      tpu.enqueue_indirect_dma source(%dma_start3A_272 : memref<10000x128xf32, #tpu.memory_space<hbm>>) target(%arg9 : memref<125x128xf32, #tpu.memory_space<vmem>>) offsets(%dma_start3A_269 : memref<125xi32, #tpu.memory_space<vmem>>) semaphore(%arg11 : memref<!tpu.dma_semaphore, #tpu.memory_space<semaphore_mem>>)
      %dma_wait3A_273 = arith.constant 15 : i32
      %dma_wait3A_274 = arith.constant 0 : i32
      %dma_wait3A_275 = tpu.memref_slice %arg7[%dma_wait3A_273, %dma_wait3A_274] : memref<40x125xi32, #tpu.memory_space<vmem>> -> memref<1x125xi32, #tpu.memory_space<vmem>>
      %dma_wait3A_276 = tpu.memref_squeeze %dma_wait3A_275 : memref<1x125xi32, #tpu.memory_space<vmem>> -> memref<125xi32, #tpu.memory_space<vmem>>
      %dma_wait3A_277 = arith.constant 0 : i32
      %dma_wait3A_278 = arith.constant 0 : i32
      %dma_wait3A_279 = tpu.memref_slice %arg2[%dma_wait3A_277, %dma_wait3A_278] : memref<10000x128xf32, #tpu.memory_space<hbm>> -> memref<10000x128xf32, #tpu.memory_space<hbm>>
      tpu.wait_indirect_dma semaphore(%arg11 : memref<!tpu.dma_semaphore, #tpu.memory_space<semaphore_mem>>) src(%dma_wait3A_279 : memref<10000x128xf32, #tpu.memory_space<hbm>>) dst(%arg10 : memref<125x128xf32, #tpu.memory_space<vmem>>)
      %run_scoped3A_280 = arith.constant 15 : i32
      "tpu.region"() ({
        %run_scoped3A_634 = tpu.sem_alloc : memref<!tpu.dma_semaphore, #tpu.memory_space<semaphore_mem>>
        %dma_start3A_635 = arith.constant 0 : i32
        %dma_start3A_636 = tpu.memref_slice %arg8[%run_scoped3A_280, %dma_start3A_635] : memref<40x125xi32, #tpu.memory_space<vmem>> -> memref<1x125xi32, #tpu.memory_space<vmem>>
        %dma_start3A_637 = tpu.memref_squeeze %dma_start3A_636 : memref<1x125xi32, #tpu.memory_space<vmem>> -> memref<125xi32, #tpu.memory_space<vmem>>
        %dma_start3A_638 = arith.constant 0 : i32
        %dma_start3A_639 = arith.constant 0 : i32
        %dma_start3A_640 = tpu.memref_slice %arg6[%dma_start3A_638, %dma_start3A_639] : memref<10000x128xf32, #tpu.memory_space<vmem_shared>> -> memref<10000x128xf32, #tpu.memory_space<vmem_shared>>
        tpu.enqueue_indirect_dma source(%arg10 : memref<125x128xf32, #tpu.memory_space<vmem>>) target(%dma_start3A_640 : memref<10000x128xf32, #tpu.memory_space<vmem_shared>>) offsets(%dma_start3A_637 : memref<125xi32, #tpu.memory_space<vmem>>) semaphore(%run_scoped3A_634 : memref<!tpu.dma_semaphore, #tpu.memory_space<semaphore_mem>>) {add = true}
        %dma_wait3A_641 = arith.constant 0 : i32
        %dma_wait3A_642 = tpu.memref_slice %arg8[%run_scoped3A_280, %dma_wait3A_641] : memref<40x125xi32, #tpu.memory_space<vmem>> -> memref<1x125xi32, #tpu.memory_space<vmem>>
        %dma_wait3A_643 = tpu.memref_squeeze %dma_wait3A_642 : memref<1x125xi32, #tpu.memory_space<vmem>> -> memref<125xi32, #tpu.memory_space<vmem>>
        %dma_wait3A_644 = arith.constant 0 : i32
        %dma_wait3A_645 = arith.constant 0 : i32
        %dma_wait3A_646 = tpu.memref_slice %arg6[%dma_wait3A_644, %dma_wait3A_645] : memref<10000x128xf32, #tpu.memory_space<vmem_shared>> -> memref<10000x128xf32, #tpu.memory_space<vmem_shared>>
        tpu.wait_indirect_dma semaphore(%run_scoped3A_634 : memref<!tpu.dma_semaphore, #tpu.memory_space<semaphore_mem>>) src(%arg10 : memref<125x128xf32, #tpu.memory_space<vmem>>) dst(%dma_wait3A_646 : memref<10000x128xf32, #tpu.memory_space<vmem_shared>>)
        tpu.yield
      }) : () -> ()
      %dma_start3A_281 = arith.constant 17 : i32
      %dma_start3A_282 = arith.constant 0 : i32
      %dma_start3A_283 = tpu.memref_slice %arg7[%dma_start3A_281, %dma_start3A_282] : memref<40x125xi32, #tpu.memory_space<vmem>> -> memref<1x125xi32, #tpu.memory_space<vmem>>
      %dma_start3A_284 = tpu.memref_squeeze %dma_start3A_283 : memref<1x125xi32, #tpu.memory_space<vmem>> -> memref<125xi32, #tpu.memory_space<vmem>>
      %dma_start3A_285 = arith.constant 0 : i32
      %dma_start3A_286 = arith.constant 0 : i32
      %dma_start3A_287 = tpu.memref_slice %arg2[%dma_start3A_285, %dma_start3A_286] : memref<10000x128xf32, #tpu.memory_space<hbm>> -> memref<10000x128xf32, #tpu.memory_space<hbm>>
      tpu.enqueue_indirect_dma source(%dma_start3A_287 : memref<10000x128xf32, #tpu.memory_space<hbm>>) target(%arg10 : memref<125x128xf32, #tpu.memory_space<vmem>>) offsets(%dma_start3A_284 : memref<125xi32, #tpu.memory_space<vmem>>) semaphore(%arg11 : memref<!tpu.dma_semaphore, #tpu.memory_space<semaphore_mem>>)
      %dma_wait3A_288 = arith.constant 16 : i32
      %dma_wait3A_289 = arith.constant 0 : i32
      %dma_wait3A_290 = tpu.memref_slice %arg7[%dma_wait3A_288, %dma_wait3A_289] : memref<40x125xi32, #tpu.memory_space<vmem>> -> memref<1x125xi32, #tpu.memory_space<vmem>>
      %dma_wait3A_291 = tpu.memref_squeeze %dma_wait3A_290 : memref<1x125xi32, #tpu.memory_space<vmem>> -> memref<125xi32, #tpu.memory_space<vmem>>
      %dma_wait3A_292 = arith.constant 0 : i32
      %dma_wait3A_293 = arith.constant 0 : i32
      %dma_wait3A_294 = tpu.memref_slice %arg2[%dma_wait3A_292, %dma_wait3A_293] : memref<10000x128xf32, #tpu.memory_space<hbm>> -> memref<10000x128xf32, #tpu.memory_space<hbm>>
      tpu.wait_indirect_dma semaphore(%arg11 : memref<!tpu.dma_semaphore, #tpu.memory_space<semaphore_mem>>) src(%dma_wait3A_294 : memref<10000x128xf32, #tpu.memory_space<hbm>>) dst(%arg9 : memref<125x128xf32, #tpu.memory_space<vmem>>)
      %run_scoped3A_295 = arith.constant 16 : i32
      "tpu.region"() ({
        %run_scoped3A_634 = tpu.sem_alloc : memref<!tpu.dma_semaphore, #tpu.memory_space<semaphore_mem>>
        %dma_start3A_635 = arith.constant 0 : i32
        %dma_start3A_636 = tpu.memref_slice %arg8[%run_scoped3A_295, %dma_start3A_635] : memref<40x125xi32, #tpu.memory_space<vmem>> -> memref<1x125xi32, #tpu.memory_space<vmem>>
        %dma_start3A_637 = tpu.memref_squeeze %dma_start3A_636 : memref<1x125xi32, #tpu.memory_space<vmem>> -> memref<125xi32, #tpu.memory_space<vmem>>
        %dma_start3A_638 = arith.constant 0 : i32
        %dma_start3A_639 = arith.constant 0 : i32
        %dma_start3A_640 = tpu.memref_slice %arg6[%dma_start3A_638, %dma_start3A_639] : memref<10000x128xf32, #tpu.memory_space<vmem_shared>> -> memref<10000x128xf32, #tpu.memory_space<vmem_shared>>
        tpu.enqueue_indirect_dma source(%arg9 : memref<125x128xf32, #tpu.memory_space<vmem>>) target(%dma_start3A_640 : memref<10000x128xf32, #tpu.memory_space<vmem_shared>>) offsets(%dma_start3A_637 : memref<125xi32, #tpu.memory_space<vmem>>) semaphore(%run_scoped3A_634 : memref<!tpu.dma_semaphore, #tpu.memory_space<semaphore_mem>>) {add = true}
        %dma_wait3A_641 = arith.constant 0 : i32
        %dma_wait3A_642 = tpu.memref_slice %arg8[%run_scoped3A_295, %dma_wait3A_641] : memref<40x125xi32, #tpu.memory_space<vmem>> -> memref<1x125xi32, #tpu.memory_space<vmem>>
        %dma_wait3A_643 = tpu.memref_squeeze %dma_wait3A_642 : memref<1x125xi32, #tpu.memory_space<vmem>> -> memref<125xi32, #tpu.memory_space<vmem>>
        %dma_wait3A_644 = arith.constant 0 : i32
        %dma_wait3A_645 = arith.constant 0 : i32
        %dma_wait3A_646 = tpu.memref_slice %arg6[%dma_wait3A_644, %dma_wait3A_645] : memref<10000x128xf32, #tpu.memory_space<vmem_shared>> -> memref<10000x128xf32, #tpu.memory_space<vmem_shared>>
        tpu.wait_indirect_dma semaphore(%run_scoped3A_634 : memref<!tpu.dma_semaphore, #tpu.memory_space<semaphore_mem>>) src(%arg9 : memref<125x128xf32, #tpu.memory_space<vmem>>) dst(%dma_wait3A_646 : memref<10000x128xf32, #tpu.memory_space<vmem_shared>>)
        tpu.yield
      }) : () -> ()
      %dma_start3A_296 = arith.constant 18 : i32
      %dma_start3A_297 = arith.constant 0 : i32
      %dma_start3A_298 = tpu.memref_slice %arg7[%dma_start3A_296, %dma_start3A_297] : memref<40x125xi32, #tpu.memory_space<vmem>> -> memref<1x125xi32, #tpu.memory_space<vmem>>
      %dma_start3A_299 = tpu.memref_squeeze %dma_start3A_298 : memref<1x125xi32, #tpu.memory_space<vmem>> -> memref<125xi32, #tpu.memory_space<vmem>>
      %dma_start3A_300 = arith.constant 0 : i32
      %dma_start3A_301 = arith.constant 0 : i32
      %dma_start3A_302 = tpu.memref_slice %arg2[%dma_start3A_300, %dma_start3A_301] : memref<10000x128xf32, #tpu.memory_space<hbm>> -> memref<10000x128xf32, #tpu.memory_space<hbm>>
      tpu.enqueue_indirect_dma source(%dma_start3A_302 : memref<10000x128xf32, #tpu.memory_space<hbm>>) target(%arg9 : memref<125x128xf32, #tpu.memory_space<vmem>>) offsets(%dma_start3A_299 : memref<125xi32, #tpu.memory_space<vmem>>) semaphore(%arg11 : memref<!tpu.dma_semaphore, #tpu.memory_space<semaphore_mem>>)
      %dma_wait3A_303 = arith.constant 17 : i32
      %dma_wait3A_304 = arith.constant 0 : i32
      %dma_wait3A_305 = tpu.memref_slice %arg7[%dma_wait3A_303, %dma_wait3A_304] : memref<40x125xi32, #tpu.memory_space<vmem>> -> memref<1x125xi32, #tpu.memory_space<vmem>>
      %dma_wait3A_306 = tpu.memref_squeeze %dma_wait3A_305 : memref<1x125xi32, #tpu.memory_space<vmem>> -> memref<125xi32, #tpu.memory_space<vmem>>
      %dma_wait3A_307 = arith.constant 0 : i32
      %dma_wait3A_308 = arith.constant 0 : i32
      %dma_wait3A_309 = tpu.memref_slice %arg2[%dma_wait3A_307, %dma_wait3A_308] : memref<10000x128xf32, #tpu.memory_space<hbm>> -> memref<10000x128xf32, #tpu.memory_space<hbm>>
      tpu.wait_indirect_dma semaphore(%arg11 : memref<!tpu.dma_semaphore, #tpu.memory_space<semaphore_mem>>) src(%dma_wait3A_309 : memref<10000x128xf32, #tpu.memory_space<hbm>>) dst(%arg10 : memref<125x128xf32, #tpu.memory_space<vmem>>)
      %run_scoped3A_310 = arith.constant 17 : i32
      "tpu.region"() ({
        %run_scoped3A_634 = tpu.sem_alloc : memref<!tpu.dma_semaphore, #tpu.memory_space<semaphore_mem>>
        %dma_start3A_635 = arith.constant 0 : i32
        %dma_start3A_636 = tpu.memref_slice %arg8[%run_scoped3A_310, %dma_start3A_635] : memref<40x125xi32, #tpu.memory_space<vmem>> -> memref<1x125xi32, #tpu.memory_space<vmem>>
        %dma_start3A_637 = tpu.memref_squeeze %dma_start3A_636 : memref<1x125xi32, #tpu.memory_space<vmem>> -> memref<125xi32, #tpu.memory_space<vmem>>
        %dma_start3A_638 = arith.constant 0 : i32
        %dma_start3A_639 = arith.constant 0 : i32
        %dma_start3A_640 = tpu.memref_slice %arg6[%dma_start3A_638, %dma_start3A_639] : memref<10000x128xf32, #tpu.memory_space<vmem_shared>> -> memref<10000x128xf32, #tpu.memory_space<vmem_shared>>
        tpu.enqueue_indirect_dma source(%arg10 : memref<125x128xf32, #tpu.memory_space<vmem>>) target(%dma_start3A_640 : memref<10000x128xf32, #tpu.memory_space<vmem_shared>>) offsets(%dma_start3A_637 : memref<125xi32, #tpu.memory_space<vmem>>) semaphore(%run_scoped3A_634 : memref<!tpu.dma_semaphore, #tpu.memory_space<semaphore_mem>>) {add = true}
        %dma_wait3A_641 = arith.constant 0 : i32
        %dma_wait3A_642 = tpu.memref_slice %arg8[%run_scoped3A_310, %dma_wait3A_641] : memref<40x125xi32, #tpu.memory_space<vmem>> -> memref<1x125xi32, #tpu.memory_space<vmem>>
        %dma_wait3A_643 = tpu.memref_squeeze %dma_wait3A_642 : memref<1x125xi32, #tpu.memory_space<vmem>> -> memref<125xi32, #tpu.memory_space<vmem>>
        %dma_wait3A_644 = arith.constant 0 : i32
        %dma_wait3A_645 = arith.constant 0 : i32
        %dma_wait3A_646 = tpu.memref_slice %arg6[%dma_wait3A_644, %dma_wait3A_645] : memref<10000x128xf32, #tpu.memory_space<vmem_shared>> -> memref<10000x128xf32, #tpu.memory_space<vmem_shared>>
        tpu.wait_indirect_dma semaphore(%run_scoped3A_634 : memref<!tpu.dma_semaphore, #tpu.memory_space<semaphore_mem>>) src(%arg10 : memref<125x128xf32, #tpu.memory_space<vmem>>) dst(%dma_wait3A_646 : memref<10000x128xf32, #tpu.memory_space<vmem_shared>>)
        tpu.yield
      }) : () -> ()
      %dma_start3A_311 = arith.constant 19 : i32
      %dma_start3A_312 = arith.constant 0 : i32
      %dma_start3A_313 = tpu.memref_slice %arg7[%dma_start3A_311, %dma_start3A_312] : memref<40x125xi32, #tpu.memory_space<vmem>> -> memref<1x125xi32, #tpu.memory_space<vmem>>
      %dma_start3A_314 = tpu.memref_squeeze %dma_start3A_313 : memref<1x125xi32, #tpu.memory_space<vmem>> -> memref<125xi32, #tpu.memory_space<vmem>>
      %dma_start3A_315 = arith.constant 0 : i32
      %dma_start3A_316 = arith.constant 0 : i32
      %dma_start3A_317 = tpu.memref_slice %arg2[%dma_start3A_315, %dma_start3A_316] : memref<10000x128xf32, #tpu.memory_space<hbm>> -> memref<10000x128xf32, #tpu.memory_space<hbm>>
      tpu.enqueue_indirect_dma source(%dma_start3A_317 : memref<10000x128xf32, #tpu.memory_space<hbm>>) target(%arg10 : memref<125x128xf32, #tpu.memory_space<vmem>>) offsets(%dma_start3A_314 : memref<125xi32, #tpu.memory_space<vmem>>) semaphore(%arg11 : memref<!tpu.dma_semaphore, #tpu.memory_space<semaphore_mem>>)
      %dma_wait3A_318 = arith.constant 18 : i32
      %dma_wait3A_319 = arith.constant 0 : i32
      %dma_wait3A_320 = tpu.memref_slice %arg7[%dma_wait3A_318, %dma_wait3A_319] : memref<40x125xi32, #tpu.memory_space<vmem>> -> memref<1x125xi32, #tpu.memory_space<vmem>>
      %dma_wait3A_321 = tpu.memref_squeeze %dma_wait3A_320 : memref<1x125xi32, #tpu.memory_space<vmem>> -> memref<125xi32, #tpu.memory_space<vmem>>
      %dma_wait3A_322 = arith.constant 0 : i32
      %dma_wait3A_323 = arith.constant 0 : i32
      %dma_wait3A_324 = tpu.memref_slice %arg2[%dma_wait3A_322, %dma_wait3A_323] : memref<10000x128xf32, #tpu.memory_space<hbm>> -> memref<10000x128xf32, #tpu.memory_space<hbm>>
      tpu.wait_indirect_dma semaphore(%arg11 : memref<!tpu.dma_semaphore, #tpu.memory_space<semaphore_mem>>) src(%dma_wait3A_324 : memref<10000x128xf32, #tpu.memory_space<hbm>>) dst(%arg9 : memref<125x128xf32, #tpu.memory_space<vmem>>)
      %run_scoped3A_325 = arith.constant 18 : i32
      "tpu.region"() ({
        %run_scoped3A_634 = tpu.sem_alloc : memref<!tpu.dma_semaphore, #tpu.memory_space<semaphore_mem>>
        %dma_start3A_635 = arith.constant 0 : i32
        %dma_start3A_636 = tpu.memref_slice %arg8[%run_scoped3A_325, %dma_start3A_635] : memref<40x125xi32, #tpu.memory_space<vmem>> -> memref<1x125xi32, #tpu.memory_space<vmem>>
        %dma_start3A_637 = tpu.memref_squeeze %dma_start3A_636 : memref<1x125xi32, #tpu.memory_space<vmem>> -> memref<125xi32, #tpu.memory_space<vmem>>
        %dma_start3A_638 = arith.constant 0 : i32
        %dma_start3A_639 = arith.constant 0 : i32
        %dma_start3A_640 = tpu.memref_slice %arg6[%dma_start3A_638, %dma_start3A_639] : memref<10000x128xf32, #tpu.memory_space<vmem_shared>> -> memref<10000x128xf32, #tpu.memory_space<vmem_shared>>
        tpu.enqueue_indirect_dma source(%arg9 : memref<125x128xf32, #tpu.memory_space<vmem>>) target(%dma_start3A_640 : memref<10000x128xf32, #tpu.memory_space<vmem_shared>>) offsets(%dma_start3A_637 : memref<125xi32, #tpu.memory_space<vmem>>) semaphore(%run_scoped3A_634 : memref<!tpu.dma_semaphore, #tpu.memory_space<semaphore_mem>>) {add = true}
        %dma_wait3A_641 = arith.constant 0 : i32
        %dma_wait3A_642 = tpu.memref_slice %arg8[%run_scoped3A_325, %dma_wait3A_641] : memref<40x125xi32, #tpu.memory_space<vmem>> -> memref<1x125xi32, #tpu.memory_space<vmem>>
        %dma_wait3A_643 = tpu.memref_squeeze %dma_wait3A_642 : memref<1x125xi32, #tpu.memory_space<vmem>> -> memref<125xi32, #tpu.memory_space<vmem>>
        %dma_wait3A_644 = arith.constant 0 : i32
        %dma_wait3A_645 = arith.constant 0 : i32
        %dma_wait3A_646 = tpu.memref_slice %arg6[%dma_wait3A_644, %dma_wait3A_645] : memref<10000x128xf32, #tpu.memory_space<vmem_shared>> -> memref<10000x128xf32, #tpu.memory_space<vmem_shared>>
        tpu.wait_indirect_dma semaphore(%run_scoped3A_634 : memref<!tpu.dma_semaphore, #tpu.memory_space<semaphore_mem>>) src(%arg9 : memref<125x128xf32, #tpu.memory_space<vmem>>) dst(%dma_wait3A_646 : memref<10000x128xf32, #tpu.memory_space<vmem_shared>>)
        tpu.yield
      }) : () -> ()
      %dma_start3A_326 = arith.constant 20 : i32
      %dma_start3A_327 = arith.constant 0 : i32
      %dma_start3A_328 = tpu.memref_slice %arg7[%dma_start3A_326, %dma_start3A_327] : memref<40x125xi32, #tpu.memory_space<vmem>> -> memref<1x125xi32, #tpu.memory_space<vmem>>
      %dma_start3A_329 = tpu.memref_squeeze %dma_start3A_328 : memref<1x125xi32, #tpu.memory_space<vmem>> -> memref<125xi32, #tpu.memory_space<vmem>>
      %dma_start3A_330 = arith.constant 0 : i32
      %dma_start3A_331 = arith.constant 0 : i32
      %dma_start3A_332 = tpu.memref_slice %arg2[%dma_start3A_330, %dma_start3A_331] : memref<10000x128xf32, #tpu.memory_space<hbm>> -> memref<10000x128xf32, #tpu.memory_space<hbm>>
      tpu.enqueue_indirect_dma source(%dma_start3A_332 : memref<10000x128xf32, #tpu.memory_space<hbm>>) target(%arg9 : memref<125x128xf32, #tpu.memory_space<vmem>>) offsets(%dma_start3A_329 : memref<125xi32, #tpu.memory_space<vmem>>) semaphore(%arg11 : memref<!tpu.dma_semaphore, #tpu.memory_space<semaphore_mem>>)
      %dma_wait3A_333 = arith.constant 19 : i32
      %dma_wait3A_334 = arith.constant 0 : i32
      %dma_wait3A_335 = tpu.memref_slice %arg7[%dma_wait3A_333, %dma_wait3A_334] : memref<40x125xi32, #tpu.memory_space<vmem>> -> memref<1x125xi32, #tpu.memory_space<vmem>>
      %dma_wait3A_336 = tpu.memref_squeeze %dma_wait3A_335 : memref<1x125xi32, #tpu.memory_space<vmem>> -> memref<125xi32, #tpu.memory_space<vmem>>
      %dma_wait3A_337 = arith.constant 0 : i32
      %dma_wait3A_338 = arith.constant 0 : i32
      %dma_wait3A_339 = tpu.memref_slice %arg2[%dma_wait3A_337, %dma_wait3A_338] : memref<10000x128xf32, #tpu.memory_space<hbm>> -> memref<10000x128xf32, #tpu.memory_space<hbm>>
      tpu.wait_indirect_dma semaphore(%arg11 : memref<!tpu.dma_semaphore, #tpu.memory_space<semaphore_mem>>) src(%dma_wait3A_339 : memref<10000x128xf32, #tpu.memory_space<hbm>>) dst(%arg10 : memref<125x128xf32, #tpu.memory_space<vmem>>)
      %run_scoped3A_340 = arith.constant 19 : i32
      "tpu.region"() ({
        %run_scoped3A_634 = tpu.sem_alloc : memref<!tpu.dma_semaphore, #tpu.memory_space<semaphore_mem>>
        %dma_start3A_635 = arith.constant 0 : i32
        %dma_start3A_636 = tpu.memref_slice %arg8[%run_scoped3A_340, %dma_start3A_635] : memref<40x125xi32, #tpu.memory_space<vmem>> -> memref<1x125xi32, #tpu.memory_space<vmem>>
        %dma_start3A_637 = tpu.memref_squeeze %dma_start3A_636 : memref<1x125xi32, #tpu.memory_space<vmem>> -> memref<125xi32, #tpu.memory_space<vmem>>
        %dma_start3A_638 = arith.constant 0 : i32
        %dma_start3A_639 = arith.constant 0 : i32
        %dma_start3A_640 = tpu.memref_slice %arg6[%dma_start3A_638, %dma_start3A_639] : memref<10000x128xf32, #tpu.memory_space<vmem_shared>> -> memref<10000x128xf32, #tpu.memory_space<vmem_shared>>
        tpu.enqueue_indirect_dma source(%arg10 : memref<125x128xf32, #tpu.memory_space<vmem>>) target(%dma_start3A_640 : memref<10000x128xf32, #tpu.memory_space<vmem_shared>>) offsets(%dma_start3A_637 : memref<125xi32, #tpu.memory_space<vmem>>) semaphore(%run_scoped3A_634 : memref<!tpu.dma_semaphore, #tpu.memory_space<semaphore_mem>>) {add = true}
        %dma_wait3A_641 = arith.constant 0 : i32
        %dma_wait3A_642 = tpu.memref_slice %arg8[%run_scoped3A_340, %dma_wait3A_641] : memref<40x125xi32, #tpu.memory_space<vmem>> -> memref<1x125xi32, #tpu.memory_space<vmem>>
        %dma_wait3A_643 = tpu.memref_squeeze %dma_wait3A_642 : memref<1x125xi32, #tpu.memory_space<vmem>> -> memref<125xi32, #tpu.memory_space<vmem>>
        %dma_wait3A_644 = arith.constant 0 : i32
        %dma_wait3A_645 = arith.constant 0 : i32
        %dma_wait3A_646 = tpu.memref_slice %arg6[%dma_wait3A_644, %dma_wait3A_645] : memref<10000x128xf32, #tpu.memory_space<vmem_shared>> -> memref<10000x128xf32, #tpu.memory_space<vmem_shared>>
        tpu.wait_indirect_dma semaphore(%run_scoped3A_634 : memref<!tpu.dma_semaphore, #tpu.memory_space<semaphore_mem>>) src(%arg10 : memref<125x128xf32, #tpu.memory_space<vmem>>) dst(%dma_wait3A_646 : memref<10000x128xf32, #tpu.memory_space<vmem_shared>>)
        tpu.yield
      }) : () -> ()
      %dma_start3A_341 = arith.constant 21 : i32
      %dma_start3A_342 = arith.constant 0 : i32
      %dma_start3A_343 = tpu.memref_slice %arg7[%dma_start3A_341, %dma_start3A_342] : memref<40x125xi32, #tpu.memory_space<vmem>> -> memref<1x125xi32, #tpu.memory_space<vmem>>
      %dma_start3A_344 = tpu.memref_squeeze %dma_start3A_343 : memref<1x125xi32, #tpu.memory_space<vmem>> -> memref<125xi32, #tpu.memory_space<vmem>>
      %dma_start3A_345 = arith.constant 0 : i32
      %dma_start3A_346 = arith.constant 0 : i32
      %dma_start3A_347 = tpu.memref_slice %arg2[%dma_start3A_345, %dma_start3A_346] : memref<10000x128xf32, #tpu.memory_space<hbm>> -> memref<10000x128xf32, #tpu.memory_space<hbm>>
      tpu.enqueue_indirect_dma source(%dma_start3A_347 : memref<10000x128xf32, #tpu.memory_space<hbm>>) target(%arg10 : memref<125x128xf32, #tpu.memory_space<vmem>>) offsets(%dma_start3A_344 : memref<125xi32, #tpu.memory_space<vmem>>) semaphore(%arg11 : memref<!tpu.dma_semaphore, #tpu.memory_space<semaphore_mem>>)
      %dma_wait3A_348 = arith.constant 20 : i32
      %dma_wait3A_349 = arith.constant 0 : i32
      %dma_wait3A_350 = tpu.memref_slice %arg7[%dma_wait3A_348, %dma_wait3A_349] : memref<40x125xi32, #tpu.memory_space<vmem>> -> memref<1x125xi32, #tpu.memory_space<vmem>>
      %dma_wait3A_351 = tpu.memref_squeeze %dma_wait3A_350 : memref<1x125xi32, #tpu.memory_space<vmem>> -> memref<125xi32, #tpu.memory_space<vmem>>
      %dma_wait3A_352 = arith.constant 0 : i32
      %dma_wait3A_353 = arith.constant 0 : i32
      %dma_wait3A_354 = tpu.memref_slice %arg2[%dma_wait3A_352, %dma_wait3A_353] : memref<10000x128xf32, #tpu.memory_space<hbm>> -> memref<10000x128xf32, #tpu.memory_space<hbm>>
      tpu.wait_indirect_dma semaphore(%arg11 : memref<!tpu.dma_semaphore, #tpu.memory_space<semaphore_mem>>) src(%dma_wait3A_354 : memref<10000x128xf32, #tpu.memory_space<hbm>>) dst(%arg9 : memref<125x128xf32, #tpu.memory_space<vmem>>)
      %run_scoped3A_355 = arith.constant 20 : i32
      "tpu.region"() ({
        %run_scoped3A_634 = tpu.sem_alloc : memref<!tpu.dma_semaphore, #tpu.memory_space<semaphore_mem>>
        %dma_start3A_635 = arith.constant 0 : i32
        %dma_start3A_636 = tpu.memref_slice %arg8[%run_scoped3A_355, %dma_start3A_635] : memref<40x125xi32, #tpu.memory_space<vmem>> -> memref<1x125xi32, #tpu.memory_space<vmem>>
        %dma_start3A_637 = tpu.memref_squeeze %dma_start3A_636 : memref<1x125xi32, #tpu.memory_space<vmem>> -> memref<125xi32, #tpu.memory_space<vmem>>
        %dma_start3A_638 = arith.constant 0 : i32
        %dma_start3A_639 = arith.constant 0 : i32
        %dma_start3A_640 = tpu.memref_slice %arg6[%dma_start3A_638, %dma_start3A_639] : memref<10000x128xf32, #tpu.memory_space<vmem_shared>> -> memref<10000x128xf32, #tpu.memory_space<vmem_shared>>
        tpu.enqueue_indirect_dma source(%arg9 : memref<125x128xf32, #tpu.memory_space<vmem>>) target(%dma_start3A_640 : memref<10000x128xf32, #tpu.memory_space<vmem_shared>>) offsets(%dma_start3A_637 : memref<125xi32, #tpu.memory_space<vmem>>) semaphore(%run_scoped3A_634 : memref<!tpu.dma_semaphore, #tpu.memory_space<semaphore_mem>>) {add = true}
        %dma_wait3A_641 = arith.constant 0 : i32
        %dma_wait3A_642 = tpu.memref_slice %arg8[%run_scoped3A_355, %dma_wait3A_641] : memref<40x125xi32, #tpu.memory_space<vmem>> -> memref<1x125xi32, #tpu.memory_space<vmem>>
        %dma_wait3A_643 = tpu.memref_squeeze %dma_wait3A_642 : memref<1x125xi32, #tpu.memory_space<vmem>> -> memref<125xi32, #tpu.memory_space<vmem>>
        %dma_wait3A_644 = arith.constant 0 : i32
        %dma_wait3A_645 = arith.constant 0 : i32
        %dma_wait3A_646 = tpu.memref_slice %arg6[%dma_wait3A_644, %dma_wait3A_645] : memref<10000x128xf32, #tpu.memory_space<vmem_shared>> -> memref<10000x128xf32, #tpu.memory_space<vmem_shared>>
        tpu.wait_indirect_dma semaphore(%run_scoped3A_634 : memref<!tpu.dma_semaphore, #tpu.memory_space<semaphore_mem>>) src(%arg9 : memref<125x128xf32, #tpu.memory_space<vmem>>) dst(%dma_wait3A_646 : memref<10000x128xf32, #tpu.memory_space<vmem_shared>>)
        tpu.yield
      }) : () -> ()
      %dma_start3A_356 = arith.constant 22 : i32
      %dma_start3A_357 = arith.constant 0 : i32
      %dma_start3A_358 = tpu.memref_slice %arg7[%dma_start3A_356, %dma_start3A_357] : memref<40x125xi32, #tpu.memory_space<vmem>> -> memref<1x125xi32, #tpu.memory_space<vmem>>
      %dma_start3A_359 = tpu.memref_squeeze %dma_start3A_358 : memref<1x125xi32, #tpu.memory_space<vmem>> -> memref<125xi32, #tpu.memory_space<vmem>>
      %dma_start3A_360 = arith.constant 0 : i32
      %dma_start3A_361 = arith.constant 0 : i32
      %dma_start3A_362 = tpu.memref_slice %arg2[%dma_start3A_360, %dma_start3A_361] : memref<10000x128xf32, #tpu.memory_space<hbm>> -> memref<10000x128xf32, #tpu.memory_space<hbm>>
      tpu.enqueue_indirect_dma source(%dma_start3A_362 : memref<10000x128xf32, #tpu.memory_space<hbm>>) target(%arg9 : memref<125x128xf32, #tpu.memory_space<vmem>>) offsets(%dma_start3A_359 : memref<125xi32, #tpu.memory_space<vmem>>) semaphore(%arg11 : memref<!tpu.dma_semaphore, #tpu.memory_space<semaphore_mem>>)
      %dma_wait3A_363 = arith.constant 21 : i32
      %dma_wait3A_364 = arith.constant 0 : i32
      %dma_wait3A_365 = tpu.memref_slice %arg7[%dma_wait3A_363, %dma_wait3A_364] : memref<40x125xi32, #tpu.memory_space<vmem>> -> memref<1x125xi32, #tpu.memory_space<vmem>>
      %dma_wait3A_366 = tpu.memref_squeeze %dma_wait3A_365 : memref<1x125xi32, #tpu.memory_space<vmem>> -> memref<125xi32, #tpu.memory_space<vmem>>
      %dma_wait3A_367 = arith.constant 0 : i32
      %dma_wait3A_368 = arith.constant 0 : i32
      %dma_wait3A_369 = tpu.memref_slice %arg2[%dma_wait3A_367, %dma_wait3A_368] : memref<10000x128xf32, #tpu.memory_space<hbm>> -> memref<10000x128xf32, #tpu.memory_space<hbm>>
      tpu.wait_indirect_dma semaphore(%arg11 : memref<!tpu.dma_semaphore, #tpu.memory_space<semaphore_mem>>) src(%dma_wait3A_369 : memref<10000x128xf32, #tpu.memory_space<hbm>>) dst(%arg10 : memref<125x128xf32, #tpu.memory_space<vmem>>)
      %run_scoped3A_370 = arith.constant 21 : i32
      "tpu.region"() ({
        %run_scoped3A_634 = tpu.sem_alloc : memref<!tpu.dma_semaphore, #tpu.memory_space<semaphore_mem>>
        %dma_start3A_635 = arith.constant 0 : i32
        %dma_start3A_636 = tpu.memref_slice %arg8[%run_scoped3A_370, %dma_start3A_635] : memref<40x125xi32, #tpu.memory_space<vmem>> -> memref<1x125xi32, #tpu.memory_space<vmem>>
        %dma_start3A_637 = tpu.memref_squeeze %dma_start3A_636 : memref<1x125xi32, #tpu.memory_space<vmem>> -> memref<125xi32, #tpu.memory_space<vmem>>
        %dma_start3A_638 = arith.constant 0 : i32
        %dma_start3A_639 = arith.constant 0 : i32
        %dma_start3A_640 = tpu.memref_slice %arg6[%dma_start3A_638, %dma_start3A_639] : memref<10000x128xf32, #tpu.memory_space<vmem_shared>> -> memref<10000x128xf32, #tpu.memory_space<vmem_shared>>
        tpu.enqueue_indirect_dma source(%arg10 : memref<125x128xf32, #tpu.memory_space<vmem>>) target(%dma_start3A_640 : memref<10000x128xf32, #tpu.memory_space<vmem_shared>>) offsets(%dma_start3A_637 : memref<125xi32, #tpu.memory_space<vmem>>) semaphore(%run_scoped3A_634 : memref<!tpu.dma_semaphore, #tpu.memory_space<semaphore_mem>>) {add = true}
        %dma_wait3A_641 = arith.constant 0 : i32
        %dma_wait3A_642 = tpu.memref_slice %arg8[%run_scoped3A_370, %dma_wait3A_641] : memref<40x125xi32, #tpu.memory_space<vmem>> -> memref<1x125xi32, #tpu.memory_space<vmem>>
        %dma_wait3A_643 = tpu.memref_squeeze %dma_wait3A_642 : memref<1x125xi32, #tpu.memory_space<vmem>> -> memref<125xi32, #tpu.memory_space<vmem>>
        %dma_wait3A_644 = arith.constant 0 : i32
        %dma_wait3A_645 = arith.constant 0 : i32
        %dma_wait3A_646 = tpu.memref_slice %arg6[%dma_wait3A_644, %dma_wait3A_645] : memref<10000x128xf32, #tpu.memory_space<vmem_shared>> -> memref<10000x128xf32, #tpu.memory_space<vmem_shared>>
        tpu.wait_indirect_dma semaphore(%run_scoped3A_634 : memref<!tpu.dma_semaphore, #tpu.memory_space<semaphore_mem>>) src(%arg10 : memref<125x128xf32, #tpu.memory_space<vmem>>) dst(%dma_wait3A_646 : memref<10000x128xf32, #tpu.memory_space<vmem_shared>>)
        tpu.yield
      }) : () -> ()
      %dma_start3A_371 = arith.constant 23 : i32
      %dma_start3A_372 = arith.constant 0 : i32
      %dma_start3A_373 = tpu.memref_slice %arg7[%dma_start3A_371, %dma_start3A_372] : memref<40x125xi32, #tpu.memory_space<vmem>> -> memref<1x125xi32, #tpu.memory_space<vmem>>
      %dma_start3A_374 = tpu.memref_squeeze %dma_start3A_373 : memref<1x125xi32, #tpu.memory_space<vmem>> -> memref<125xi32, #tpu.memory_space<vmem>>
      %dma_start3A_375 = arith.constant 0 : i32
      %dma_start3A_376 = arith.constant 0 : i32
      %dma_start3A_377 = tpu.memref_slice %arg2[%dma_start3A_375, %dma_start3A_376] : memref<10000x128xf32, #tpu.memory_space<hbm>> -> memref<10000x128xf32, #tpu.memory_space<hbm>>
      tpu.enqueue_indirect_dma source(%dma_start3A_377 : memref<10000x128xf32, #tpu.memory_space<hbm>>) target(%arg10 : memref<125x128xf32, #tpu.memory_space<vmem>>) offsets(%dma_start3A_374 : memref<125xi32, #tpu.memory_space<vmem>>) semaphore(%arg11 : memref<!tpu.dma_semaphore, #tpu.memory_space<semaphore_mem>>)
      %dma_wait3A_378 = arith.constant 22 : i32
      %dma_wait3A_379 = arith.constant 0 : i32
      %dma_wait3A_380 = tpu.memref_slice %arg7[%dma_wait3A_378, %dma_wait3A_379] : memref<40x125xi32, #tpu.memory_space<vmem>> -> memref<1x125xi32, #tpu.memory_space<vmem>>
      %dma_wait3A_381 = tpu.memref_squeeze %dma_wait3A_380 : memref<1x125xi32, #tpu.memory_space<vmem>> -> memref<125xi32, #tpu.memory_space<vmem>>
      %dma_wait3A_382 = arith.constant 0 : i32
      %dma_wait3A_383 = arith.constant 0 : i32
      %dma_wait3A_384 = tpu.memref_slice %arg2[%dma_wait3A_382, %dma_wait3A_383] : memref<10000x128xf32, #tpu.memory_space<hbm>> -> memref<10000x128xf32, #tpu.memory_space<hbm>>
      tpu.wait_indirect_dma semaphore(%arg11 : memref<!tpu.dma_semaphore, #tpu.memory_space<semaphore_mem>>) src(%dma_wait3A_384 : memref<10000x128xf32, #tpu.memory_space<hbm>>) dst(%arg9 : memref<125x128xf32, #tpu.memory_space<vmem>>)
      %run_scoped3A_385 = arith.constant 22 : i32
      "tpu.region"() ({
        %run_scoped3A_634 = tpu.sem_alloc : memref<!tpu.dma_semaphore, #tpu.memory_space<semaphore_mem>>
        %dma_start3A_635 = arith.constant 0 : i32
        %dma_start3A_636 = tpu.memref_slice %arg8[%run_scoped3A_385, %dma_start3A_635] : memref<40x125xi32, #tpu.memory_space<vmem>> -> memref<1x125xi32, #tpu.memory_space<vmem>>
        %dma_start3A_637 = tpu.memref_squeeze %dma_start3A_636 : memref<1x125xi32, #tpu.memory_space<vmem>> -> memref<125xi32, #tpu.memory_space<vmem>>
        %dma_start3A_638 = arith.constant 0 : i32
        %dma_start3A_639 = arith.constant 0 : i32
        %dma_start3A_640 = tpu.memref_slice %arg6[%dma_start3A_638, %dma_start3A_639] : memref<10000x128xf32, #tpu.memory_space<vmem_shared>> -> memref<10000x128xf32, #tpu.memory_space<vmem_shared>>
        tpu.enqueue_indirect_dma source(%arg9 : memref<125x128xf32, #tpu.memory_space<vmem>>) target(%dma_start3A_640 : memref<10000x128xf32, #tpu.memory_space<vmem_shared>>) offsets(%dma_start3A_637 : memref<125xi32, #tpu.memory_space<vmem>>) semaphore(%run_scoped3A_634 : memref<!tpu.dma_semaphore, #tpu.memory_space<semaphore_mem>>) {add = true}
        %dma_wait3A_641 = arith.constant 0 : i32
        %dma_wait3A_642 = tpu.memref_slice %arg8[%run_scoped3A_385, %dma_wait3A_641] : memref<40x125xi32, #tpu.memory_space<vmem>> -> memref<1x125xi32, #tpu.memory_space<vmem>>
        %dma_wait3A_643 = tpu.memref_squeeze %dma_wait3A_642 : memref<1x125xi32, #tpu.memory_space<vmem>> -> memref<125xi32, #tpu.memory_space<vmem>>
        %dma_wait3A_644 = arith.constant 0 : i32
        %dma_wait3A_645 = arith.constant 0 : i32
        %dma_wait3A_646 = tpu.memref_slice %arg6[%dma_wait3A_644, %dma_wait3A_645] : memref<10000x128xf32, #tpu.memory_space<vmem_shared>> -> memref<10000x128xf32, #tpu.memory_space<vmem_shared>>
        tpu.wait_indirect_dma semaphore(%run_scoped3A_634 : memref<!tpu.dma_semaphore, #tpu.memory_space<semaphore_mem>>) src(%arg9 : memref<125x128xf32, #tpu.memory_space<vmem>>) dst(%dma_wait3A_646 : memref<10000x128xf32, #tpu.memory_space<vmem_shared>>)
        tpu.yield
      }) : () -> ()
      %dma_start3A_386 = arith.constant 24 : i32
      %dma_start3A_387 = arith.constant 0 : i32
      %dma_start3A_388 = tpu.memref_slice %arg7[%dma_start3A_386, %dma_start3A_387] : memref<40x125xi32, #tpu.memory_space<vmem>> -> memref<1x125xi32, #tpu.memory_space<vmem>>
      %dma_start3A_389 = tpu.memref_squeeze %dma_start3A_388 : memref<1x125xi32, #tpu.memory_space<vmem>> -> memref<125xi32, #tpu.memory_space<vmem>>
      %dma_start3A_390 = arith.constant 0 : i32
      %dma_start3A_391 = arith.constant 0 : i32
      %dma_start3A_392 = tpu.memref_slice %arg2[%dma_start3A_390, %dma_start3A_391] : memref<10000x128xf32, #tpu.memory_space<hbm>> -> memref<10000x128xf32, #tpu.memory_space<hbm>>
      tpu.enqueue_indirect_dma source(%dma_start3A_392 : memref<10000x128xf32, #tpu.memory_space<hbm>>) target(%arg9 : memref<125x128xf32, #tpu.memory_space<vmem>>) offsets(%dma_start3A_389 : memref<125xi32, #tpu.memory_space<vmem>>) semaphore(%arg11 : memref<!tpu.dma_semaphore, #tpu.memory_space<semaphore_mem>>)
      %dma_wait3A_393 = arith.constant 23 : i32
      %dma_wait3A_394 = arith.constant 0 : i32
      %dma_wait3A_395 = tpu.memref_slice %arg7[%dma_wait3A_393, %dma_wait3A_394] : memref<40x125xi32, #tpu.memory_space<vmem>> -> memref<1x125xi32, #tpu.memory_space<vmem>>
      %dma_wait3A_396 = tpu.memref_squeeze %dma_wait3A_395 : memref<1x125xi32, #tpu.memory_space<vmem>> -> memref<125xi32, #tpu.memory_space<vmem>>
      %dma_wait3A_397 = arith.constant 0 : i32
      %dma_wait3A_398 = arith.constant 0 : i32
      %dma_wait3A_399 = tpu.memref_slice %arg2[%dma_wait3A_397, %dma_wait3A_398] : memref<10000x128xf32, #tpu.memory_space<hbm>> -> memref<10000x128xf32, #tpu.memory_space<hbm>>
      tpu.wait_indirect_dma semaphore(%arg11 : memref<!tpu.dma_semaphore, #tpu.memory_space<semaphore_mem>>) src(%dma_wait3A_399 : memref<10000x128xf32, #tpu.memory_space<hbm>>) dst(%arg10 : memref<125x128xf32, #tpu.memory_space<vmem>>)
      %run_scoped3A_400 = arith.constant 23 : i32
      "tpu.region"() ({
        %run_scoped3A_634 = tpu.sem_alloc : memref<!tpu.dma_semaphore, #tpu.memory_space<semaphore_mem>>
        %dma_start3A_635 = arith.constant 0 : i32
        %dma_start3A_636 = tpu.memref_slice %arg8[%run_scoped3A_400, %dma_start3A_635] : memref<40x125xi32, #tpu.memory_space<vmem>> -> memref<1x125xi32, #tpu.memory_space<vmem>>
        %dma_start3A_637 = tpu.memref_squeeze %dma_start3A_636 : memref<1x125xi32, #tpu.memory_space<vmem>> -> memref<125xi32, #tpu.memory_space<vmem>>
        %dma_start3A_638 = arith.constant 0 : i32
        %dma_start3A_639 = arith.constant 0 : i32
        %dma_start3A_640 = tpu.memref_slice %arg6[%dma_start3A_638, %dma_start3A_639] : memref<10000x128xf32, #tpu.memory_space<vmem_shared>> -> memref<10000x128xf32, #tpu.memory_space<vmem_shared>>
        tpu.enqueue_indirect_dma source(%arg10 : memref<125x128xf32, #tpu.memory_space<vmem>>) target(%dma_start3A_640 : memref<10000x128xf32, #tpu.memory_space<vmem_shared>>) offsets(%dma_start3A_637 : memref<125xi32, #tpu.memory_space<vmem>>) semaphore(%run_scoped3A_634 : memref<!tpu.dma_semaphore, #tpu.memory_space<semaphore_mem>>) {add = true}
        %dma_wait3A_641 = arith.constant 0 : i32
        %dma_wait3A_642 = tpu.memref_slice %arg8[%run_scoped3A_400, %dma_wait3A_641] : memref<40x125xi32, #tpu.memory_space<vmem>> -> memref<1x125xi32, #tpu.memory_space<vmem>>
        %dma_wait3A_643 = tpu.memref_squeeze %dma_wait3A_642 : memref<1x125xi32, #tpu.memory_space<vmem>> -> memref<125xi32, #tpu.memory_space<vmem>>
        %dma_wait3A_644 = arith.constant 0 : i32
        %dma_wait3A_645 = arith.constant 0 : i32
        %dma_wait3A_646 = tpu.memref_slice %arg6[%dma_wait3A_644, %dma_wait3A_645] : memref<10000x128xf32, #tpu.memory_space<vmem_shared>> -> memref<10000x128xf32, #tpu.memory_space<vmem_shared>>
        tpu.wait_indirect_dma semaphore(%run_scoped3A_634 : memref<!tpu.dma_semaphore, #tpu.memory_space<semaphore_mem>>) src(%arg10 : memref<125x128xf32, #tpu.memory_space<vmem>>) dst(%dma_wait3A_646 : memref<10000x128xf32, #tpu.memory_space<vmem_shared>>)
        tpu.yield
      }) : () -> ()
      %dma_start3A_401 = arith.constant 25 : i32
      %dma_start3A_402 = arith.constant 0 : i32
      %dma_start3A_403 = tpu.memref_slice %arg7[%dma_start3A_401, %dma_start3A_402] : memref<40x125xi32, #tpu.memory_space<vmem>> -> memref<1x125xi32, #tpu.memory_space<vmem>>
      %dma_start3A_404 = tpu.memref_squeeze %dma_start3A_403 : memref<1x125xi32, #tpu.memory_space<vmem>> -> memref<125xi32, #tpu.memory_space<vmem>>
      %dma_start3A_405 = arith.constant 0 : i32
      %dma_start3A_406 = arith.constant 0 : i32
      %dma_start3A_407 = tpu.memref_slice %arg2[%dma_start3A_405, %dma_start3A_406] : memref<10000x128xf32, #tpu.memory_space<hbm>> -> memref<10000x128xf32, #tpu.memory_space<hbm>>
      tpu.enqueue_indirect_dma source(%dma_start3A_407 : memref<10000x128xf32, #tpu.memory_space<hbm>>) target(%arg10 : memref<125x128xf32, #tpu.memory_space<vmem>>) offsets(%dma_start3A_404 : memref<125xi32, #tpu.memory_space<vmem>>) semaphore(%arg11 : memref<!tpu.dma_semaphore, #tpu.memory_space<semaphore_mem>>)
      %dma_wait3A_408 = arith.constant 24 : i32
      %dma_wait3A_409 = arith.constant 0 : i32
      %dma_wait3A_410 = tpu.memref_slice %arg7[%dma_wait3A_408, %dma_wait3A_409] : memref<40x125xi32, #tpu.memory_space<vmem>> -> memref<1x125xi32, #tpu.memory_space<vmem>>
      %dma_wait3A_411 = tpu.memref_squeeze %dma_wait3A_410 : memref<1x125xi32, #tpu.memory_space<vmem>> -> memref<125xi32, #tpu.memory_space<vmem>>
      %dma_wait3A_412 = arith.constant 0 : i32
      %dma_wait3A_413 = arith.constant 0 : i32
      %dma_wait3A_414 = tpu.memref_slice %arg2[%dma_wait3A_412, %dma_wait3A_413] : memref<10000x128xf32, #tpu.memory_space<hbm>> -> memref<10000x128xf32, #tpu.memory_space<hbm>>
      tpu.wait_indirect_dma semaphore(%arg11 : memref<!tpu.dma_semaphore, #tpu.memory_space<semaphore_mem>>) src(%dma_wait3A_414 : memref<10000x128xf32, #tpu.memory_space<hbm>>) dst(%arg9 : memref<125x128xf32, #tpu.memory_space<vmem>>)
      %run_scoped3A_415 = arith.constant 24 : i32
      "tpu.region"() ({
        %run_scoped3A_634 = tpu.sem_alloc : memref<!tpu.dma_semaphore, #tpu.memory_space<semaphore_mem>>
        %dma_start3A_635 = arith.constant 0 : i32
        %dma_start3A_636 = tpu.memref_slice %arg8[%run_scoped3A_415, %dma_start3A_635] : memref<40x125xi32, #tpu.memory_space<vmem>> -> memref<1x125xi32, #tpu.memory_space<vmem>>
        %dma_start3A_637 = tpu.memref_squeeze %dma_start3A_636 : memref<1x125xi32, #tpu.memory_space<vmem>> -> memref<125xi32, #tpu.memory_space<vmem>>
        %dma_start3A_638 = arith.constant 0 : i32
        %dma_start3A_639 = arith.constant 0 : i32
        %dma_start3A_640 = tpu.memref_slice %arg6[%dma_start3A_638, %dma_start3A_639] : memref<10000x128xf32, #tpu.memory_space<vmem_shared>> -> memref<10000x128xf32, #tpu.memory_space<vmem_shared>>
        tpu.enqueue_indirect_dma source(%arg9 : memref<125x128xf32, #tpu.memory_space<vmem>>) target(%dma_start3A_640 : memref<10000x128xf32, #tpu.memory_space<vmem_shared>>) offsets(%dma_start3A_637 : memref<125xi32, #tpu.memory_space<vmem>>) semaphore(%run_scoped3A_634 : memref<!tpu.dma_semaphore, #tpu.memory_space<semaphore_mem>>) {add = true}
        %dma_wait3A_641 = arith.constant 0 : i32
        %dma_wait3A_642 = tpu.memref_slice %arg8[%run_scoped3A_415, %dma_wait3A_641] : memref<40x125xi32, #tpu.memory_space<vmem>> -> memref<1x125xi32, #tpu.memory_space<vmem>>
        %dma_wait3A_643 = tpu.memref_squeeze %dma_wait3A_642 : memref<1x125xi32, #tpu.memory_space<vmem>> -> memref<125xi32, #tpu.memory_space<vmem>>
        %dma_wait3A_644 = arith.constant 0 : i32
        %dma_wait3A_645 = arith.constant 0 : i32
        %dma_wait3A_646 = tpu.memref_slice %arg6[%dma_wait3A_644, %dma_wait3A_645] : memref<10000x128xf32, #tpu.memory_space<vmem_shared>> -> memref<10000x128xf32, #tpu.memory_space<vmem_shared>>
        tpu.wait_indirect_dma semaphore(%run_scoped3A_634 : memref<!tpu.dma_semaphore, #tpu.memory_space<semaphore_mem>>) src(%arg9 : memref<125x128xf32, #tpu.memory_space<vmem>>) dst(%dma_wait3A_646 : memref<10000x128xf32, #tpu.memory_space<vmem_shared>>)
        tpu.yield
      }) : () -> ()
      %dma_start3A_416 = arith.constant 26 : i32
      %dma_start3A_417 = arith.constant 0 : i32
      %dma_start3A_418 = tpu.memref_slice %arg7[%dma_start3A_416, %dma_start3A_417] : memref<40x125xi32, #tpu.memory_space<vmem>> -> memref<1x125xi32, #tpu.memory_space<vmem>>
      %dma_start3A_419 = tpu.memref_squeeze %dma_start3A_418 : memref<1x125xi32, #tpu.memory_space<vmem>> -> memref<125xi32, #tpu.memory_space<vmem>>
      %dma_start3A_420 = arith.constant 0 : i32
      %dma_start3A_421 = arith.constant 0 : i32
      %dma_start3A_422 = tpu.memref_slice %arg2[%dma_start3A_420, %dma_start3A_421] : memref<10000x128xf32, #tpu.memory_space<hbm>> -> memref<10000x128xf32, #tpu.memory_space<hbm>>
      tpu.enqueue_indirect_dma source(%dma_start3A_422 : memref<10000x128xf32, #tpu.memory_space<hbm>>) target(%arg9 : memref<125x128xf32, #tpu.memory_space<vmem>>) offsets(%dma_start3A_419 : memref<125xi32, #tpu.memory_space<vmem>>) semaphore(%arg11 : memref<!tpu.dma_semaphore, #tpu.memory_space<semaphore_mem>>)
      %dma_wait3A_423 = arith.constant 25 : i32
      %dma_wait3A_424 = arith.constant 0 : i32
      %dma_wait3A_425 = tpu.memref_slice %arg7[%dma_wait3A_423, %dma_wait3A_424] : memref<40x125xi32, #tpu.memory_space<vmem>> -> memref<1x125xi32, #tpu.memory_space<vmem>>
      %dma_wait3A_426 = tpu.memref_squeeze %dma_wait3A_425 : memref<1x125xi32, #tpu.memory_space<vmem>> -> memref<125xi32, #tpu.memory_space<vmem>>
      %dma_wait3A_427 = arith.constant 0 : i32
      %dma_wait3A_428 = arith.constant 0 : i32
      %dma_wait3A_429 = tpu.memref_slice %arg2[%dma_wait3A_427, %dma_wait3A_428] : memref<10000x128xf32, #tpu.memory_space<hbm>> -> memref<10000x128xf32, #tpu.memory_space<hbm>>
      tpu.wait_indirect_dma semaphore(%arg11 : memref<!tpu.dma_semaphore, #tpu.memory_space<semaphore_mem>>) src(%dma_wait3A_429 : memref<10000x128xf32, #tpu.memory_space<hbm>>) dst(%arg10 : memref<125x128xf32, #tpu.memory_space<vmem>>)
      %run_scoped3A_430 = arith.constant 25 : i32
      "tpu.region"() ({
        %run_scoped3A_634 = tpu.sem_alloc : memref<!tpu.dma_semaphore, #tpu.memory_space<semaphore_mem>>
        %dma_start3A_635 = arith.constant 0 : i32
        %dma_start3A_636 = tpu.memref_slice %arg8[%run_scoped3A_430, %dma_start3A_635] : memref<40x125xi32, #tpu.memory_space<vmem>> -> memref<1x125xi32, #tpu.memory_space<vmem>>
        %dma_start3A_637 = tpu.memref_squeeze %dma_start3A_636 : memref<1x125xi32, #tpu.memory_space<vmem>> -> memref<125xi32, #tpu.memory_space<vmem>>
        %dma_start3A_638 = arith.constant 0 : i32
        %dma_start3A_639 = arith.constant 0 : i32
        %dma_start3A_640 = tpu.memref_slice %arg6[%dma_start3A_638, %dma_start3A_639] : memref<10000x128xf32, #tpu.memory_space<vmem_shared>> -> memref<10000x128xf32, #tpu.memory_space<vmem_shared>>
        tpu.enqueue_indirect_dma source(%arg10 : memref<125x128xf32, #tpu.memory_space<vmem>>) target(%dma_start3A_640 : memref<10000x128xf32, #tpu.memory_space<vmem_shared>>) offsets(%dma_start3A_637 : memref<125xi32, #tpu.memory_space<vmem>>) semaphore(%run_scoped3A_634 : memref<!tpu.dma_semaphore, #tpu.memory_space<semaphore_mem>>) {add = true}
        %dma_wait3A_641 = arith.constant 0 : i32
        %dma_wait3A_642 = tpu.memref_slice %arg8[%run_scoped3A_430, %dma_wait3A_641] : memref<40x125xi32, #tpu.memory_space<vmem>> -> memref<1x125xi32, #tpu.memory_space<vmem>>
        %dma_wait3A_643 = tpu.memref_squeeze %dma_wait3A_642 : memref<1x125xi32, #tpu.memory_space<vmem>> -> memref<125xi32, #tpu.memory_space<vmem>>
        %dma_wait3A_644 = arith.constant 0 : i32
        %dma_wait3A_645 = arith.constant 0 : i32
        %dma_wait3A_646 = tpu.memref_slice %arg6[%dma_wait3A_644, %dma_wait3A_645] : memref<10000x128xf32, #tpu.memory_space<vmem_shared>> -> memref<10000x128xf32, #tpu.memory_space<vmem_shared>>
        tpu.wait_indirect_dma semaphore(%run_scoped3A_634 : memref<!tpu.dma_semaphore, #tpu.memory_space<semaphore_mem>>) src(%arg10 : memref<125x128xf32, #tpu.memory_space<vmem>>) dst(%dma_wait3A_646 : memref<10000x128xf32, #tpu.memory_space<vmem_shared>>)
        tpu.yield
      }) : () -> ()
      %dma_start3A_431 = arith.constant 27 : i32
      %dma_start3A_432 = arith.constant 0 : i32
      %dma_start3A_433 = tpu.memref_slice %arg7[%dma_start3A_431, %dma_start3A_432] : memref<40x125xi32, #tpu.memory_space<vmem>> -> memref<1x125xi32, #tpu.memory_space<vmem>>
      %dma_start3A_434 = tpu.memref_squeeze %dma_start3A_433 : memref<1x125xi32, #tpu.memory_space<vmem>> -> memref<125xi32, #tpu.memory_space<vmem>>
      %dma_start3A_435 = arith.constant 0 : i32
      %dma_start3A_436 = arith.constant 0 : i32
      %dma_start3A_437 = tpu.memref_slice %arg2[%dma_start3A_435, %dma_start3A_436] : memref<10000x128xf32, #tpu.memory_space<hbm>> -> memref<10000x128xf32, #tpu.memory_space<hbm>>
      tpu.enqueue_indirect_dma source(%dma_start3A_437 : memref<10000x128xf32, #tpu.memory_space<hbm>>) target(%arg10 : memref<125x128xf32, #tpu.memory_space<vmem>>) offsets(%dma_start3A_434 : memref<125xi32, #tpu.memory_space<vmem>>) semaphore(%arg11 : memref<!tpu.dma_semaphore, #tpu.memory_space<semaphore_mem>>)
      %dma_wait3A_438 = arith.constant 26 : i32
      %dma_wait3A_439 = arith.constant 0 : i32
      %dma_wait3A_440 = tpu.memref_slice %arg7[%dma_wait3A_438, %dma_wait3A_439] : memref<40x125xi32, #tpu.memory_space<vmem>> -> memref<1x125xi32, #tpu.memory_space<vmem>>
      %dma_wait3A_441 = tpu.memref_squeeze %dma_wait3A_440 : memref<1x125xi32, #tpu.memory_space<vmem>> -> memref<125xi32, #tpu.memory_space<vmem>>
      %dma_wait3A_442 = arith.constant 0 : i32
      %dma_wait3A_443 = arith.constant 0 : i32
      %dma_wait3A_444 = tpu.memref_slice %arg2[%dma_wait3A_442, %dma_wait3A_443] : memref<10000x128xf32, #tpu.memory_space<hbm>> -> memref<10000x128xf32, #tpu.memory_space<hbm>>
      tpu.wait_indirect_dma semaphore(%arg11 : memref<!tpu.dma_semaphore, #tpu.memory_space<semaphore_mem>>) src(%dma_wait3A_444 : memref<10000x128xf32, #tpu.memory_space<hbm>>) dst(%arg9 : memref<125x128xf32, #tpu.memory_space<vmem>>)
      %run_scoped3A_445 = arith.constant 26 : i32
      "tpu.region"() ({
        %run_scoped3A_634 = tpu.sem_alloc : memref<!tpu.dma_semaphore, #tpu.memory_space<semaphore_mem>>
        %dma_start3A_635 = arith.constant 0 : i32
        %dma_start3A_636 = tpu.memref_slice %arg8[%run_scoped3A_445, %dma_start3A_635] : memref<40x125xi32, #tpu.memory_space<vmem>> -> memref<1x125xi32, #tpu.memory_space<vmem>>
        %dma_start3A_637 = tpu.memref_squeeze %dma_start3A_636 : memref<1x125xi32, #tpu.memory_space<vmem>> -> memref<125xi32, #tpu.memory_space<vmem>>
        %dma_start3A_638 = arith.constant 0 : i32
        %dma_start3A_639 = arith.constant 0 : i32
        %dma_start3A_640 = tpu.memref_slice %arg6[%dma_start3A_638, %dma_start3A_639] : memref<10000x128xf32, #tpu.memory_space<vmem_shared>> -> memref<10000x128xf32, #tpu.memory_space<vmem_shared>>
        tpu.enqueue_indirect_dma source(%arg9 : memref<125x128xf32, #tpu.memory_space<vmem>>) target(%dma_start3A_640 : memref<10000x128xf32, #tpu.memory_space<vmem_shared>>) offsets(%dma_start3A_637 : memref<125xi32, #tpu.memory_space<vmem>>) semaphore(%run_scoped3A_634 : memref<!tpu.dma_semaphore, #tpu.memory_space<semaphore_mem>>) {add = true}
        %dma_wait3A_641 = arith.constant 0 : i32
        %dma_wait3A_642 = tpu.memref_slice %arg8[%run_scoped3A_445, %dma_wait3A_641] : memref<40x125xi32, #tpu.memory_space<vmem>> -> memref<1x125xi32, #tpu.memory_space<vmem>>
        %dma_wait3A_643 = tpu.memref_squeeze %dma_wait3A_642 : memref<1x125xi32, #tpu.memory_space<vmem>> -> memref<125xi32, #tpu.memory_space<vmem>>
        %dma_wait3A_644 = arith.constant 0 : i32
        %dma_wait3A_645 = arith.constant 0 : i32
        %dma_wait3A_646 = tpu.memref_slice %arg6[%dma_wait3A_644, %dma_wait3A_645] : memref<10000x128xf32, #tpu.memory_space<vmem_shared>> -> memref<10000x128xf32, #tpu.memory_space<vmem_shared>>
        tpu.wait_indirect_dma semaphore(%run_scoped3A_634 : memref<!tpu.dma_semaphore, #tpu.memory_space<semaphore_mem>>) src(%arg9 : memref<125x128xf32, #tpu.memory_space<vmem>>) dst(%dma_wait3A_646 : memref<10000x128xf32, #tpu.memory_space<vmem_shared>>)
        tpu.yield
      }) : () -> ()
      %dma_start3A_446 = arith.constant 28 : i32
      %dma_start3A_447 = arith.constant 0 : i32
      %dma_start3A_448 = tpu.memref_slice %arg7[%dma_start3A_446, %dma_start3A_447] : memref<40x125xi32, #tpu.memory_space<vmem>> -> memref<1x125xi32, #tpu.memory_space<vmem>>
      %dma_start3A_449 = tpu.memref_squeeze %dma_start3A_448 : memref<1x125xi32, #tpu.memory_space<vmem>> -> memref<125xi32, #tpu.memory_space<vmem>>
      %dma_start3A_450 = arith.constant 0 : i32
      %dma_start3A_451 = arith.constant 0 : i32
      %dma_start3A_452 = tpu.memref_slice %arg2[%dma_start3A_450, %dma_start3A_451] : memref<10000x128xf32, #tpu.memory_space<hbm>> -> memref<10000x128xf32, #tpu.memory_space<hbm>>
      tpu.enqueue_indirect_dma source(%dma_start3A_452 : memref<10000x128xf32, #tpu.memory_space<hbm>>) target(%arg9 : memref<125x128xf32, #tpu.memory_space<vmem>>) offsets(%dma_start3A_449 : memref<125xi32, #tpu.memory_space<vmem>>) semaphore(%arg11 : memref<!tpu.dma_semaphore, #tpu.memory_space<semaphore_mem>>)
      %dma_wait3A_453 = arith.constant 27 : i32
      %dma_wait3A_454 = arith.constant 0 : i32
      %dma_wait3A_455 = tpu.memref_slice %arg7[%dma_wait3A_453, %dma_wait3A_454] : memref<40x125xi32, #tpu.memory_space<vmem>> -> memref<1x125xi32, #tpu.memory_space<vmem>>
      %dma_wait3A_456 = tpu.memref_squeeze %dma_wait3A_455 : memref<1x125xi32, #tpu.memory_space<vmem>> -> memref<125xi32, #tpu.memory_space<vmem>>
      %dma_wait3A_457 = arith.constant 0 : i32
      %dma_wait3A_458 = arith.constant 0 : i32
      %dma_wait3A_459 = tpu.memref_slice %arg2[%dma_wait3A_457, %dma_wait3A_458] : memref<10000x128xf32, #tpu.memory_space<hbm>> -> memref<10000x128xf32, #tpu.memory_space<hbm>>
      tpu.wait_indirect_dma semaphore(%arg11 : memref<!tpu.dma_semaphore, #tpu.memory_space<semaphore_mem>>) src(%dma_wait3A_459 : memref<10000x128xf32, #tpu.memory_space<hbm>>) dst(%arg10 : memref<125x128xf32, #tpu.memory_space<vmem>>)
      %run_scoped3A_460 = arith.constant 27 : i32
      "tpu.region"() ({
        %run_scoped3A_634 = tpu.sem_alloc : memref<!tpu.dma_semaphore, #tpu.memory_space<semaphore_mem>>
        %dma_start3A_635 = arith.constant 0 : i32
        %dma_start3A_636 = tpu.memref_slice %arg8[%run_scoped3A_460, %dma_start3A_635] : memref<40x125xi32, #tpu.memory_space<vmem>> -> memref<1x125xi32, #tpu.memory_space<vmem>>
        %dma_start3A_637 = tpu.memref_squeeze %dma_start3A_636 : memref<1x125xi32, #tpu.memory_space<vmem>> -> memref<125xi32, #tpu.memory_space<vmem>>
        %dma_start3A_638 = arith.constant 0 : i32
        %dma_start3A_639 = arith.constant 0 : i32
        %dma_start3A_640 = tpu.memref_slice %arg6[%dma_start3A_638, %dma_start3A_639] : memref<10000x128xf32, #tpu.memory_space<vmem_shared>> -> memref<10000x128xf32, #tpu.memory_space<vmem_shared>>
        tpu.enqueue_indirect_dma source(%arg10 : memref<125x128xf32, #tpu.memory_space<vmem>>) target(%dma_start3A_640 : memref<10000x128xf32, #tpu.memory_space<vmem_shared>>) offsets(%dma_start3A_637 : memref<125xi32, #tpu.memory_space<vmem>>) semaphore(%run_scoped3A_634 : memref<!tpu.dma_semaphore, #tpu.memory_space<semaphore_mem>>) {add = true}
        %dma_wait3A_641 = arith.constant 0 : i32
        %dma_wait3A_642 = tpu.memref_slice %arg8[%run_scoped3A_460, %dma_wait3A_641] : memref<40x125xi32, #tpu.memory_space<vmem>> -> memref<1x125xi32, #tpu.memory_space<vmem>>
        %dma_wait3A_643 = tpu.memref_squeeze %dma_wait3A_642 : memref<1x125xi32, #tpu.memory_space<vmem>> -> memref<125xi32, #tpu.memory_space<vmem>>
        %dma_wait3A_644 = arith.constant 0 : i32
        %dma_wait3A_645 = arith.constant 0 : i32
        %dma_wait3A_646 = tpu.memref_slice %arg6[%dma_wait3A_644, %dma_wait3A_645] : memref<10000x128xf32, #tpu.memory_space<vmem_shared>> -> memref<10000x128xf32, #tpu.memory_space<vmem_shared>>
        tpu.wait_indirect_dma semaphore(%run_scoped3A_634 : memref<!tpu.dma_semaphore, #tpu.memory_space<semaphore_mem>>) src(%arg10 : memref<125x128xf32, #tpu.memory_space<vmem>>) dst(%dma_wait3A_646 : memref<10000x128xf32, #tpu.memory_space<vmem_shared>>)
        tpu.yield
      }) : () -> ()
      %dma_start3A_461 = arith.constant 29 : i32
      %dma_start3A_462 = arith.constant 0 : i32
      %dma_start3A_463 = tpu.memref_slice %arg7[%dma_start3A_461, %dma_start3A_462] : memref<40x125xi32, #tpu.memory_space<vmem>> -> memref<1x125xi32, #tpu.memory_space<vmem>>
      %dma_start3A_464 = tpu.memref_squeeze %dma_start3A_463 : memref<1x125xi32, #tpu.memory_space<vmem>> -> memref<125xi32, #tpu.memory_space<vmem>>
      %dma_start3A_465 = arith.constant 0 : i32
      %dma_start3A_466 = arith.constant 0 : i32
      %dma_start3A_467 = tpu.memref_slice %arg2[%dma_start3A_465, %dma_start3A_466] : memref<10000x128xf32, #tpu.memory_space<hbm>> -> memref<10000x128xf32, #tpu.memory_space<hbm>>
      tpu.enqueue_indirect_dma source(%dma_start3A_467 : memref<10000x128xf32, #tpu.memory_space<hbm>>) target(%arg10 : memref<125x128xf32, #tpu.memory_space<vmem>>) offsets(%dma_start3A_464 : memref<125xi32, #tpu.memory_space<vmem>>) semaphore(%arg11 : memref<!tpu.dma_semaphore, #tpu.memory_space<semaphore_mem>>)
      %dma_wait3A_468 = arith.constant 28 : i32
      %dma_wait3A_469 = arith.constant 0 : i32
      %dma_wait3A_470 = tpu.memref_slice %arg7[%dma_wait3A_468, %dma_wait3A_469] : memref<40x125xi32, #tpu.memory_space<vmem>> -> memref<1x125xi32, #tpu.memory_space<vmem>>
      %dma_wait3A_471 = tpu.memref_squeeze %dma_wait3A_470 : memref<1x125xi32, #tpu.memory_space<vmem>> -> memref<125xi32, #tpu.memory_space<vmem>>
      %dma_wait3A_472 = arith.constant 0 : i32
      %dma_wait3A_473 = arith.constant 0 : i32
      %dma_wait3A_474 = tpu.memref_slice %arg2[%dma_wait3A_472, %dma_wait3A_473] : memref<10000x128xf32, #tpu.memory_space<hbm>> -> memref<10000x128xf32, #tpu.memory_space<hbm>>
      tpu.wait_indirect_dma semaphore(%arg11 : memref<!tpu.dma_semaphore, #tpu.memory_space<semaphore_mem>>) src(%dma_wait3A_474 : memref<10000x128xf32, #tpu.memory_space<hbm>>) dst(%arg9 : memref<125x128xf32, #tpu.memory_space<vmem>>)
      %run_scoped3A_475 = arith.constant 28 : i32
      "tpu.region"() ({
        %run_scoped3A_634 = tpu.sem_alloc : memref<!tpu.dma_semaphore, #tpu.memory_space<semaphore_mem>>
        %dma_start3A_635 = arith.constant 0 : i32
        %dma_start3A_636 = tpu.memref_slice %arg8[%run_scoped3A_475, %dma_start3A_635] : memref<40x125xi32, #tpu.memory_space<vmem>> -> memref<1x125xi32, #tpu.memory_space<vmem>>
        %dma_start3A_637 = tpu.memref_squeeze %dma_start3A_636 : memref<1x125xi32, #tpu.memory_space<vmem>> -> memref<125xi32, #tpu.memory_space<vmem>>
        %dma_start3A_638 = arith.constant 0 : i32
        %dma_start3A_639 = arith.constant 0 : i32
        %dma_start3A_640 = tpu.memref_slice %arg6[%dma_start3A_638, %dma_start3A_639] : memref<10000x128xf32, #tpu.memory_space<vmem_shared>> -> memref<10000x128xf32, #tpu.memory_space<vmem_shared>>
        tpu.enqueue_indirect_dma source(%arg9 : memref<125x128xf32, #tpu.memory_space<vmem>>) target(%dma_start3A_640 : memref<10000x128xf32, #tpu.memory_space<vmem_shared>>) offsets(%dma_start3A_637 : memref<125xi32, #tpu.memory_space<vmem>>) semaphore(%run_scoped3A_634 : memref<!tpu.dma_semaphore, #tpu.memory_space<semaphore_mem>>) {add = true}
        %dma_wait3A_641 = arith.constant 0 : i32
        %dma_wait3A_642 = tpu.memref_slice %arg8[%run_scoped3A_475, %dma_wait3A_641] : memref<40x125xi32, #tpu.memory_space<vmem>> -> memref<1x125xi32, #tpu.memory_space<vmem>>
        %dma_wait3A_643 = tpu.memref_squeeze %dma_wait3A_642 : memref<1x125xi32, #tpu.memory_space<vmem>> -> memref<125xi32, #tpu.memory_space<vmem>>
        %dma_wait3A_644 = arith.constant 0 : i32
        %dma_wait3A_645 = arith.constant 0 : i32
        %dma_wait3A_646 = tpu.memref_slice %arg6[%dma_wait3A_644, %dma_wait3A_645] : memref<10000x128xf32, #tpu.memory_space<vmem_shared>> -> memref<10000x128xf32, #tpu.memory_space<vmem_shared>>
        tpu.wait_indirect_dma semaphore(%run_scoped3A_634 : memref<!tpu.dma_semaphore, #tpu.memory_space<semaphore_mem>>) src(%arg9 : memref<125x128xf32, #tpu.memory_space<vmem>>) dst(%dma_wait3A_646 : memref<10000x128xf32, #tpu.memory_space<vmem_shared>>)
        tpu.yield
      }) : () -> ()
      %dma_start3A_476 = arith.constant 30 : i32
      %dma_start3A_477 = arith.constant 0 : i32
      %dma_start3A_478 = tpu.memref_slice %arg7[%dma_start3A_476, %dma_start3A_477] : memref<40x125xi32, #tpu.memory_space<vmem>> -> memref<1x125xi32, #tpu.memory_space<vmem>>
      %dma_start3A_479 = tpu.memref_squeeze %dma_start3A_478 : memref<1x125xi32, #tpu.memory_space<vmem>> -> memref<125xi32, #tpu.memory_space<vmem>>
      %dma_start3A_480 = arith.constant 0 : i32
      %dma_start3A_481 = arith.constant 0 : i32
      %dma_start3A_482 = tpu.memref_slice %arg2[%dma_start3A_480, %dma_start3A_481] : memref<10000x128xf32, #tpu.memory_space<hbm>> -> memref<10000x128xf32, #tpu.memory_space<hbm>>
      tpu.enqueue_indirect_dma source(%dma_start3A_482 : memref<10000x128xf32, #tpu.memory_space<hbm>>) target(%arg9 : memref<125x128xf32, #tpu.memory_space<vmem>>) offsets(%dma_start3A_479 : memref<125xi32, #tpu.memory_space<vmem>>) semaphore(%arg11 : memref<!tpu.dma_semaphore, #tpu.memory_space<semaphore_mem>>)
      %dma_wait3A_483 = arith.constant 29 : i32
      %dma_wait3A_484 = arith.constant 0 : i32
      %dma_wait3A_485 = tpu.memref_slice %arg7[%dma_wait3A_483, %dma_wait3A_484] : memref<40x125xi32, #tpu.memory_space<vmem>> -> memref<1x125xi32, #tpu.memory_space<vmem>>
      %dma_wait3A_486 = tpu.memref_squeeze %dma_wait3A_485 : memref<1x125xi32, #tpu.memory_space<vmem>> -> memref<125xi32, #tpu.memory_space<vmem>>
      %dma_wait3A_487 = arith.constant 0 : i32
      %dma_wait3A_488 = arith.constant 0 : i32
      %dma_wait3A_489 = tpu.memref_slice %arg2[%dma_wait3A_487, %dma_wait3A_488] : memref<10000x128xf32, #tpu.memory_space<hbm>> -> memref<10000x128xf32, #tpu.memory_space<hbm>>
      tpu.wait_indirect_dma semaphore(%arg11 : memref<!tpu.dma_semaphore, #tpu.memory_space<semaphore_mem>>) src(%dma_wait3A_489 : memref<10000x128xf32, #tpu.memory_space<hbm>>) dst(%arg10 : memref<125x128xf32, #tpu.memory_space<vmem>>)
      %run_scoped3A_490 = arith.constant 29 : i32
      "tpu.region"() ({
        %run_scoped3A_634 = tpu.sem_alloc : memref<!tpu.dma_semaphore, #tpu.memory_space<semaphore_mem>>
        %dma_start3A_635 = arith.constant 0 : i32
        %dma_start3A_636 = tpu.memref_slice %arg8[%run_scoped3A_490, %dma_start3A_635] : memref<40x125xi32, #tpu.memory_space<vmem>> -> memref<1x125xi32, #tpu.memory_space<vmem>>
        %dma_start3A_637 = tpu.memref_squeeze %dma_start3A_636 : memref<1x125xi32, #tpu.memory_space<vmem>> -> memref<125xi32, #tpu.memory_space<vmem>>
        %dma_start3A_638 = arith.constant 0 : i32
        %dma_start3A_639 = arith.constant 0 : i32
        %dma_start3A_640 = tpu.memref_slice %arg6[%dma_start3A_638, %dma_start3A_639] : memref<10000x128xf32, #tpu.memory_space<vmem_shared>> -> memref<10000x128xf32, #tpu.memory_space<vmem_shared>>
        tpu.enqueue_indirect_dma source(%arg10 : memref<125x128xf32, #tpu.memory_space<vmem>>) target(%dma_start3A_640 : memref<10000x128xf32, #tpu.memory_space<vmem_shared>>) offsets(%dma_start3A_637 : memref<125xi32, #tpu.memory_space<vmem>>) semaphore(%run_scoped3A_634 : memref<!tpu.dma_semaphore, #tpu.memory_space<semaphore_mem>>) {add = true}
        %dma_wait3A_641 = arith.constant 0 : i32
        %dma_wait3A_642 = tpu.memref_slice %arg8[%run_scoped3A_490, %dma_wait3A_641] : memref<40x125xi32, #tpu.memory_space<vmem>> -> memref<1x125xi32, #tpu.memory_space<vmem>>
        %dma_wait3A_643 = tpu.memref_squeeze %dma_wait3A_642 : memref<1x125xi32, #tpu.memory_space<vmem>> -> memref<125xi32, #tpu.memory_space<vmem>>
        %dma_wait3A_644 = arith.constant 0 : i32
        %dma_wait3A_645 = arith.constant 0 : i32
        %dma_wait3A_646 = tpu.memref_slice %arg6[%dma_wait3A_644, %dma_wait3A_645] : memref<10000x128xf32, #tpu.memory_space<vmem_shared>> -> memref<10000x128xf32, #tpu.memory_space<vmem_shared>>
        tpu.wait_indirect_dma semaphore(%run_scoped3A_634 : memref<!tpu.dma_semaphore, #tpu.memory_space<semaphore_mem>>) src(%arg10 : memref<125x128xf32, #tpu.memory_space<vmem>>) dst(%dma_wait3A_646 : memref<10000x128xf32, #tpu.memory_space<vmem_shared>>)
        tpu.yield
      }) : () -> ()
      %dma_start3A_491 = arith.constant 31 : i32
      %dma_start3A_492 = arith.constant 0 : i32
      %dma_start3A_493 = tpu.memref_slice %arg7[%dma_start3A_491, %dma_start3A_492] : memref<40x125xi32, #tpu.memory_space<vmem>> -> memref<1x125xi32, #tpu.memory_space<vmem>>
      %dma_start3A_494 = tpu.memref_squeeze %dma_start3A_493 : memref<1x125xi32, #tpu.memory_space<vmem>> -> memref<125xi32, #tpu.memory_space<vmem>>
      %dma_start3A_495 = arith.constant 0 : i32
      %dma_start3A_496 = arith.constant 0 : i32
      %dma_start3A_497 = tpu.memref_slice %arg2[%dma_start3A_495, %dma_start3A_496] : memref<10000x128xf32, #tpu.memory_space<hbm>> -> memref<10000x128xf32, #tpu.memory_space<hbm>>
      tpu.enqueue_indirect_dma source(%dma_start3A_497 : memref<10000x128xf32, #tpu.memory_space<hbm>>) target(%arg10 : memref<125x128xf32, #tpu.memory_space<vmem>>) offsets(%dma_start3A_494 : memref<125xi32, #tpu.memory_space<vmem>>) semaphore(%arg11 : memref<!tpu.dma_semaphore, #tpu.memory_space<semaphore_mem>>)
      %dma_wait3A_498 = arith.constant 30 : i32
      %dma_wait3A_499 = arith.constant 0 : i32
      %dma_wait3A_500 = tpu.memref_slice %arg7[%dma_wait3A_498, %dma_wait3A_499] : memref<40x125xi32, #tpu.memory_space<vmem>> -> memref<1x125xi32, #tpu.memory_space<vmem>>
      %dma_wait3A_501 = tpu.memref_squeeze %dma_wait3A_500 : memref<1x125xi32, #tpu.memory_space<vmem>> -> memref<125xi32, #tpu.memory_space<vmem>>
      %dma_wait3A_502 = arith.constant 0 : i32
      %dma_wait3A_503 = arith.constant 0 : i32
      %dma_wait3A_504 = tpu.memref_slice %arg2[%dma_wait3A_502, %dma_wait3A_503] : memref<10000x128xf32, #tpu.memory_space<hbm>> -> memref<10000x128xf32, #tpu.memory_space<hbm>>
      tpu.wait_indirect_dma semaphore(%arg11 : memref<!tpu.dma_semaphore, #tpu.memory_space<semaphore_mem>>) src(%dma_wait3A_504 : memref<10000x128xf32, #tpu.memory_space<hbm>>) dst(%arg9 : memref<125x128xf32, #tpu.memory_space<vmem>>)
      %run_scoped3A_505 = arith.constant 30 : i32
      "tpu.region"() ({
        %run_scoped3A_634 = tpu.sem_alloc : memref<!tpu.dma_semaphore, #tpu.memory_space<semaphore_mem>>
        %dma_start3A_635 = arith.constant 0 : i32
        %dma_start3A_636 = tpu.memref_slice %arg8[%run_scoped3A_505, %dma_start3A_635] : memref<40x125xi32, #tpu.memory_space<vmem>> -> memref<1x125xi32, #tpu.memory_space<vmem>>
        %dma_start3A_637 = tpu.memref_squeeze %dma_start3A_636 : memref<1x125xi32, #tpu.memory_space<vmem>> -> memref<125xi32, #tpu.memory_space<vmem>>
        %dma_start3A_638 = arith.constant 0 : i32
        %dma_start3A_639 = arith.constant 0 : i32
        %dma_start3A_640 = tpu.memref_slice %arg6[%dma_start3A_638, %dma_start3A_639] : memref<10000x128xf32, #tpu.memory_space<vmem_shared>> -> memref<10000x128xf32, #tpu.memory_space<vmem_shared>>
        tpu.enqueue_indirect_dma source(%arg9 : memref<125x128xf32, #tpu.memory_space<vmem>>) target(%dma_start3A_640 : memref<10000x128xf32, #tpu.memory_space<vmem_shared>>) offsets(%dma_start3A_637 : memref<125xi32, #tpu.memory_space<vmem>>) semaphore(%run_scoped3A_634 : memref<!tpu.dma_semaphore, #tpu.memory_space<semaphore_mem>>) {add = true}
        %dma_wait3A_641 = arith.constant 0 : i32
        %dma_wait3A_642 = tpu.memref_slice %arg8[%run_scoped3A_505, %dma_wait3A_641] : memref<40x125xi32, #tpu.memory_space<vmem>> -> memref<1x125xi32, #tpu.memory_space<vmem>>
        %dma_wait3A_643 = tpu.memref_squeeze %dma_wait3A_642 : memref<1x125xi32, #tpu.memory_space<vmem>> -> memref<125xi32, #tpu.memory_space<vmem>>
        %dma_wait3A_644 = arith.constant 0 : i32
        %dma_wait3A_645 = arith.constant 0 : i32
        %dma_wait3A_646 = tpu.memref_slice %arg6[%dma_wait3A_644, %dma_wait3A_645] : memref<10000x128xf32, #tpu.memory_space<vmem_shared>> -> memref<10000x128xf32, #tpu.memory_space<vmem_shared>>
        tpu.wait_indirect_dma semaphore(%run_scoped3A_634 : memref<!tpu.dma_semaphore, #tpu.memory_space<semaphore_mem>>) src(%arg9 : memref<125x128xf32, #tpu.memory_space<vmem>>) dst(%dma_wait3A_646 : memref<10000x128xf32, #tpu.memory_space<vmem_shared>>)
        tpu.yield
      }) : () -> ()
      %dma_start3A_506 = arith.constant 32 : i32
      %dma_start3A_507 = arith.constant 0 : i32
      %dma_start3A_508 = tpu.memref_slice %arg7[%dma_start3A_506, %dma_start3A_507] : memref<40x125xi32, #tpu.memory_space<vmem>> -> memref<1x125xi32, #tpu.memory_space<vmem>>
      %dma_start3A_509 = tpu.memref_squeeze %dma_start3A_508 : memref<1x125xi32, #tpu.memory_space<vmem>> -> memref<125xi32, #tpu.memory_space<vmem>>
      %dma_start3A_510 = arith.constant 0 : i32
      %dma_start3A_511 = arith.constant 0 : i32
      %dma_start3A_512 = tpu.memref_slice %arg2[%dma_start3A_510, %dma_start3A_511] : memref<10000x128xf32, #tpu.memory_space<hbm>> -> memref<10000x128xf32, #tpu.memory_space<hbm>>
      tpu.enqueue_indirect_dma source(%dma_start3A_512 : memref<10000x128xf32, #tpu.memory_space<hbm>>) target(%arg9 : memref<125x128xf32, #tpu.memory_space<vmem>>) offsets(%dma_start3A_509 : memref<125xi32, #tpu.memory_space<vmem>>) semaphore(%arg11 : memref<!tpu.dma_semaphore, #tpu.memory_space<semaphore_mem>>)
      %dma_wait3A_513 = arith.constant 31 : i32
      %dma_wait3A_514 = arith.constant 0 : i32
      %dma_wait3A_515 = tpu.memref_slice %arg7[%dma_wait3A_513, %dma_wait3A_514] : memref<40x125xi32, #tpu.memory_space<vmem>> -> memref<1x125xi32, #tpu.memory_space<vmem>>
      %dma_wait3A_516 = tpu.memref_squeeze %dma_wait3A_515 : memref<1x125xi32, #tpu.memory_space<vmem>> -> memref<125xi32, #tpu.memory_space<vmem>>
      %dma_wait3A_517 = arith.constant 0 : i32
      %dma_wait3A_518 = arith.constant 0 : i32
      %dma_wait3A_519 = tpu.memref_slice %arg2[%dma_wait3A_517, %dma_wait3A_518] : memref<10000x128xf32, #tpu.memory_space<hbm>> -> memref<10000x128xf32, #tpu.memory_space<hbm>>
      tpu.wait_indirect_dma semaphore(%arg11 : memref<!tpu.dma_semaphore, #tpu.memory_space<semaphore_mem>>) src(%dma_wait3A_519 : memref<10000x128xf32, #tpu.memory_space<hbm>>) dst(%arg10 : memref<125x128xf32, #tpu.memory_space<vmem>>)
      %run_scoped3A_520 = arith.constant 31 : i32
      "tpu.region"() ({
        %run_scoped3A_634 = tpu.sem_alloc : memref<!tpu.dma_semaphore, #tpu.memory_space<semaphore_mem>>
        %dma_start3A_635 = arith.constant 0 : i32
        %dma_start3A_636 = tpu.memref_slice %arg8[%run_scoped3A_520, %dma_start3A_635] : memref<40x125xi32, #tpu.memory_space<vmem>> -> memref<1x125xi32, #tpu.memory_space<vmem>>
        %dma_start3A_637 = tpu.memref_squeeze %dma_start3A_636 : memref<1x125xi32, #tpu.memory_space<vmem>> -> memref<125xi32, #tpu.memory_space<vmem>>
        %dma_start3A_638 = arith.constant 0 : i32
        %dma_start3A_639 = arith.constant 0 : i32
        %dma_start3A_640 = tpu.memref_slice %arg6[%dma_start3A_638, %dma_start3A_639] : memref<10000x128xf32, #tpu.memory_space<vmem_shared>> -> memref<10000x128xf32, #tpu.memory_space<vmem_shared>>
        tpu.enqueue_indirect_dma source(%arg10 : memref<125x128xf32, #tpu.memory_space<vmem>>) target(%dma_start3A_640 : memref<10000x128xf32, #tpu.memory_space<vmem_shared>>) offsets(%dma_start3A_637 : memref<125xi32, #tpu.memory_space<vmem>>) semaphore(%run_scoped3A_634 : memref<!tpu.dma_semaphore, #tpu.memory_space<semaphore_mem>>) {add = true}
        %dma_wait3A_641 = arith.constant 0 : i32
        %dma_wait3A_642 = tpu.memref_slice %arg8[%run_scoped3A_520, %dma_wait3A_641] : memref<40x125xi32, #tpu.memory_space<vmem>> -> memref<1x125xi32, #tpu.memory_space<vmem>>
        %dma_wait3A_643 = tpu.memref_squeeze %dma_wait3A_642 : memref<1x125xi32, #tpu.memory_space<vmem>> -> memref<125xi32, #tpu.memory_space<vmem>>
        %dma_wait3A_644 = arith.constant 0 : i32
        %dma_wait3A_645 = arith.constant 0 : i32
        %dma_wait3A_646 = tpu.memref_slice %arg6[%dma_wait3A_644, %dma_wait3A_645] : memref<10000x128xf32, #tpu.memory_space<vmem_shared>> -> memref<10000x128xf32, #tpu.memory_space<vmem_shared>>
        tpu.wait_indirect_dma semaphore(%run_scoped3A_634 : memref<!tpu.dma_semaphore, #tpu.memory_space<semaphore_mem>>) src(%arg10 : memref<125x128xf32, #tpu.memory_space<vmem>>) dst(%dma_wait3A_646 : memref<10000x128xf32, #tpu.memory_space<vmem_shared>>)
        tpu.yield
      }) : () -> ()
      %dma_start3A_521 = arith.constant 33 : i32
      %dma_start3A_522 = arith.constant 0 : i32
      %dma_start3A_523 = tpu.memref_slice %arg7[%dma_start3A_521, %dma_start3A_522] : memref<40x125xi32, #tpu.memory_space<vmem>> -> memref<1x125xi32, #tpu.memory_space<vmem>>
      %dma_start3A_524 = tpu.memref_squeeze %dma_start3A_523 : memref<1x125xi32, #tpu.memory_space<vmem>> -> memref<125xi32, #tpu.memory_space<vmem>>
      %dma_start3A_525 = arith.constant 0 : i32
      %dma_start3A_526 = arith.constant 0 : i32
      %dma_start3A_527 = tpu.memref_slice %arg2[%dma_start3A_525, %dma_start3A_526] : memref<10000x128xf32, #tpu.memory_space<hbm>> -> memref<10000x128xf32, #tpu.memory_space<hbm>>
      tpu.enqueue_indirect_dma source(%dma_start3A_527 : memref<10000x128xf32, #tpu.memory_space<hbm>>) target(%arg10 : memref<125x128xf32, #tpu.memory_space<vmem>>) offsets(%dma_start3A_524 : memref<125xi32, #tpu.memory_space<vmem>>) semaphore(%arg11 : memref<!tpu.dma_semaphore, #tpu.memory_space<semaphore_mem>>)
      %dma_wait3A_528 = arith.constant 32 : i32
      %dma_wait3A_529 = arith.constant 0 : i32
      %dma_wait3A_530 = tpu.memref_slice %arg7[%dma_wait3A_528, %dma_wait3A_529] : memref<40x125xi32, #tpu.memory_space<vmem>> -> memref<1x125xi32, #tpu.memory_space<vmem>>
      %dma_wait3A_531 = tpu.memref_squeeze %dma_wait3A_530 : memref<1x125xi32, #tpu.memory_space<vmem>> -> memref<125xi32, #tpu.memory_space<vmem>>
      %dma_wait3A_532 = arith.constant 0 : i32
      %dma_wait3A_533 = arith.constant 0 : i32
      %dma_wait3A_534 = tpu.memref_slice %arg2[%dma_wait3A_532, %dma_wait3A_533] : memref<10000x128xf32, #tpu.memory_space<hbm>> -> memref<10000x128xf32, #tpu.memory_space<hbm>>
      tpu.wait_indirect_dma semaphore(%arg11 : memref<!tpu.dma_semaphore, #tpu.memory_space<semaphore_mem>>) src(%dma_wait3A_534 : memref<10000x128xf32, #tpu.memory_space<hbm>>) dst(%arg9 : memref<125x128xf32, #tpu.memory_space<vmem>>)
      %run_scoped3A_535 = arith.constant 32 : i32
      "tpu.region"() ({
        %run_scoped3A_634 = tpu.sem_alloc : memref<!tpu.dma_semaphore, #tpu.memory_space<semaphore_mem>>
        %dma_start3A_635 = arith.constant 0 : i32
        %dma_start3A_636 = tpu.memref_slice %arg8[%run_scoped3A_535, %dma_start3A_635] : memref<40x125xi32, #tpu.memory_space<vmem>> -> memref<1x125xi32, #tpu.memory_space<vmem>>
        %dma_start3A_637 = tpu.memref_squeeze %dma_start3A_636 : memref<1x125xi32, #tpu.memory_space<vmem>> -> memref<125xi32, #tpu.memory_space<vmem>>
        %dma_start3A_638 = arith.constant 0 : i32
        %dma_start3A_639 = arith.constant 0 : i32
        %dma_start3A_640 = tpu.memref_slice %arg6[%dma_start3A_638, %dma_start3A_639] : memref<10000x128xf32, #tpu.memory_space<vmem_shared>> -> memref<10000x128xf32, #tpu.memory_space<vmem_shared>>
        tpu.enqueue_indirect_dma source(%arg9 : memref<125x128xf32, #tpu.memory_space<vmem>>) target(%dma_start3A_640 : memref<10000x128xf32, #tpu.memory_space<vmem_shared>>) offsets(%dma_start3A_637 : memref<125xi32, #tpu.memory_space<vmem>>) semaphore(%run_scoped3A_634 : memref<!tpu.dma_semaphore, #tpu.memory_space<semaphore_mem>>) {add = true}
        %dma_wait3A_641 = arith.constant 0 : i32
        %dma_wait3A_642 = tpu.memref_slice %arg8[%run_scoped3A_535, %dma_wait3A_641] : memref<40x125xi32, #tpu.memory_space<vmem>> -> memref<1x125xi32, #tpu.memory_space<vmem>>
        %dma_wait3A_643 = tpu.memref_squeeze %dma_wait3A_642 : memref<1x125xi32, #tpu.memory_space<vmem>> -> memref<125xi32, #tpu.memory_space<vmem>>
        %dma_wait3A_644 = arith.constant 0 : i32
        %dma_wait3A_645 = arith.constant 0 : i32
        %dma_wait3A_646 = tpu.memref_slice %arg6[%dma_wait3A_644, %dma_wait3A_645] : memref<10000x128xf32, #tpu.memory_space<vmem_shared>> -> memref<10000x128xf32, #tpu.memory_space<vmem_shared>>
        tpu.wait_indirect_dma semaphore(%run_scoped3A_634 : memref<!tpu.dma_semaphore, #tpu.memory_space<semaphore_mem>>) src(%arg9 : memref<125x128xf32, #tpu.memory_space<vmem>>) dst(%dma_wait3A_646 : memref<10000x128xf32, #tpu.memory_space<vmem_shared>>)
        tpu.yield
      }) : () -> ()
      %dma_start3A_536 = arith.constant 34 : i32
      %dma_start3A_537 = arith.constant 0 : i32
      %dma_start3A_538 = tpu.memref_slice %arg7[%dma_start3A_536, %dma_start3A_537] : memref<40x125xi32, #tpu.memory_space<vmem>> -> memref<1x125xi32, #tpu.memory_space<vmem>>
      %dma_start3A_539 = tpu.memref_squeeze %dma_start3A_538 : memref<1x125xi32, #tpu.memory_space<vmem>> -> memref<125xi32, #tpu.memory_space<vmem>>
      %dma_start3A_540 = arith.constant 0 : i32
      %dma_start3A_541 = arith.constant 0 : i32
      %dma_start3A_542 = tpu.memref_slice %arg2[%dma_start3A_540, %dma_start3A_541] : memref<10000x128xf32, #tpu.memory_space<hbm>> -> memref<10000x128xf32, #tpu.memory_space<hbm>>
      tpu.enqueue_indirect_dma source(%dma_start3A_542 : memref<10000x128xf32, #tpu.memory_space<hbm>>) target(%arg9 : memref<125x128xf32, #tpu.memory_space<vmem>>) offsets(%dma_start3A_539 : memref<125xi32, #tpu.memory_space<vmem>>) semaphore(%arg11 : memref<!tpu.dma_semaphore, #tpu.memory_space<semaphore_mem>>)
      %dma_wait3A_543 = arith.constant 33 : i32
      %dma_wait3A_544 = arith.constant 0 : i32
      %dma_wait3A_545 = tpu.memref_slice %arg7[%dma_wait3A_543, %dma_wait3A_544] : memref<40x125xi32, #tpu.memory_space<vmem>> -> memref<1x125xi32, #tpu.memory_space<vmem>>
      %dma_wait3A_546 = tpu.memref_squeeze %dma_wait3A_545 : memref<1x125xi32, #tpu.memory_space<vmem>> -> memref<125xi32, #tpu.memory_space<vmem>>
      %dma_wait3A_547 = arith.constant 0 : i32
      %dma_wait3A_548 = arith.constant 0 : i32
      %dma_wait3A_549 = tpu.memref_slice %arg2[%dma_wait3A_547, %dma_wait3A_548] : memref<10000x128xf32, #tpu.memory_space<hbm>> -> memref<10000x128xf32, #tpu.memory_space<hbm>>
      tpu.wait_indirect_dma semaphore(%arg11 : memref<!tpu.dma_semaphore, #tpu.memory_space<semaphore_mem>>) src(%dma_wait3A_549 : memref<10000x128xf32, #tpu.memory_space<hbm>>) dst(%arg10 : memref<125x128xf32, #tpu.memory_space<vmem>>)
      %run_scoped3A_550 = arith.constant 33 : i32
      "tpu.region"() ({
        %run_scoped3A_634 = tpu.sem_alloc : memref<!tpu.dma_semaphore, #tpu.memory_space<semaphore_mem>>
        %dma_start3A_635 = arith.constant 0 : i32
        %dma_start3A_636 = tpu.memref_slice %arg8[%run_scoped3A_550, %dma_start3A_635] : memref<40x125xi32, #tpu.memory_space<vmem>> -> memref<1x125xi32, #tpu.memory_space<vmem>>
        %dma_start3A_637 = tpu.memref_squeeze %dma_start3A_636 : memref<1x125xi32, #tpu.memory_space<vmem>> -> memref<125xi32, #tpu.memory_space<vmem>>
        %dma_start3A_638 = arith.constant 0 : i32
        %dma_start3A_639 = arith.constant 0 : i32
        %dma_start3A_640 = tpu.memref_slice %arg6[%dma_start3A_638, %dma_start3A_639] : memref<10000x128xf32, #tpu.memory_space<vmem_shared>> -> memref<10000x128xf32, #tpu.memory_space<vmem_shared>>
        tpu.enqueue_indirect_dma source(%arg10 : memref<125x128xf32, #tpu.memory_space<vmem>>) target(%dma_start3A_640 : memref<10000x128xf32, #tpu.memory_space<vmem_shared>>) offsets(%dma_start3A_637 : memref<125xi32, #tpu.memory_space<vmem>>) semaphore(%run_scoped3A_634 : memref<!tpu.dma_semaphore, #tpu.memory_space<semaphore_mem>>) {add = true}
        %dma_wait3A_641 = arith.constant 0 : i32
        %dma_wait3A_642 = tpu.memref_slice %arg8[%run_scoped3A_550, %dma_wait3A_641] : memref<40x125xi32, #tpu.memory_space<vmem>> -> memref<1x125xi32, #tpu.memory_space<vmem>>
        %dma_wait3A_643 = tpu.memref_squeeze %dma_wait3A_642 : memref<1x125xi32, #tpu.memory_space<vmem>> -> memref<125xi32, #tpu.memory_space<vmem>>
        %dma_wait3A_644 = arith.constant 0 : i32
        %dma_wait3A_645 = arith.constant 0 : i32
        %dma_wait3A_646 = tpu.memref_slice %arg6[%dma_wait3A_644, %dma_wait3A_645] : memref<10000x128xf32, #tpu.memory_space<vmem_shared>> -> memref<10000x128xf32, #tpu.memory_space<vmem_shared>>
        tpu.wait_indirect_dma semaphore(%run_scoped3A_634 : memref<!tpu.dma_semaphore, #tpu.memory_space<semaphore_mem>>) src(%arg10 : memref<125x128xf32, #tpu.memory_space<vmem>>) dst(%dma_wait3A_646 : memref<10000x128xf32, #tpu.memory_space<vmem_shared>>)
        tpu.yield
      }) : () -> ()
      %dma_start3A_551 = arith.constant 35 : i32
      %dma_start3A_552 = arith.constant 0 : i32
      %dma_start3A_553 = tpu.memref_slice %arg7[%dma_start3A_551, %dma_start3A_552] : memref<40x125xi32, #tpu.memory_space<vmem>> -> memref<1x125xi32, #tpu.memory_space<vmem>>
      %dma_start3A_554 = tpu.memref_squeeze %dma_start3A_553 : memref<1x125xi32, #tpu.memory_space<vmem>> -> memref<125xi32, #tpu.memory_space<vmem>>
      %dma_start3A_555 = arith.constant 0 : i32
      %dma_start3A_556 = arith.constant 0 : i32
      %dma_start3A_557 = tpu.memref_slice %arg2[%dma_start3A_555, %dma_start3A_556] : memref<10000x128xf32, #tpu.memory_space<hbm>> -> memref<10000x128xf32, #tpu.memory_space<hbm>>
      tpu.enqueue_indirect_dma source(%dma_start3A_557 : memref<10000x128xf32, #tpu.memory_space<hbm>>) target(%arg10 : memref<125x128xf32, #tpu.memory_space<vmem>>) offsets(%dma_start3A_554 : memref<125xi32, #tpu.memory_space<vmem>>) semaphore(%arg11 : memref<!tpu.dma_semaphore, #tpu.memory_space<semaphore_mem>>)
      %dma_wait3A_558 = arith.constant 34 : i32
      %dma_wait3A_559 = arith.constant 0 : i32
      %dma_wait3A_560 = tpu.memref_slice %arg7[%dma_wait3A_558, %dma_wait3A_559] : memref<40x125xi32, #tpu.memory_space<vmem>> -> memref<1x125xi32, #tpu.memory_space<vmem>>
      %dma_wait3A_561 = tpu.memref_squeeze %dma_wait3A_560 : memref<1x125xi32, #tpu.memory_space<vmem>> -> memref<125xi32, #tpu.memory_space<vmem>>
      %dma_wait3A_562 = arith.constant 0 : i32
      %dma_wait3A_563 = arith.constant 0 : i32
      %dma_wait3A_564 = tpu.memref_slice %arg2[%dma_wait3A_562, %dma_wait3A_563] : memref<10000x128xf32, #tpu.memory_space<hbm>> -> memref<10000x128xf32, #tpu.memory_space<hbm>>
      tpu.wait_indirect_dma semaphore(%arg11 : memref<!tpu.dma_semaphore, #tpu.memory_space<semaphore_mem>>) src(%dma_wait3A_564 : memref<10000x128xf32, #tpu.memory_space<hbm>>) dst(%arg9 : memref<125x128xf32, #tpu.memory_space<vmem>>)
      %run_scoped3A_565 = arith.constant 34 : i32
      "tpu.region"() ({
        %run_scoped3A_634 = tpu.sem_alloc : memref<!tpu.dma_semaphore, #tpu.memory_space<semaphore_mem>>
        %dma_start3A_635 = arith.constant 0 : i32
        %dma_start3A_636 = tpu.memref_slice %arg8[%run_scoped3A_565, %dma_start3A_635] : memref<40x125xi32, #tpu.memory_space<vmem>> -> memref<1x125xi32, #tpu.memory_space<vmem>>
        %dma_start3A_637 = tpu.memref_squeeze %dma_start3A_636 : memref<1x125xi32, #tpu.memory_space<vmem>> -> memref<125xi32, #tpu.memory_space<vmem>>
        %dma_start3A_638 = arith.constant 0 : i32
        %dma_start3A_639 = arith.constant 0 : i32
        %dma_start3A_640 = tpu.memref_slice %arg6[%dma_start3A_638, %dma_start3A_639] : memref<10000x128xf32, #tpu.memory_space<vmem_shared>> -> memref<10000x128xf32, #tpu.memory_space<vmem_shared>>
        tpu.enqueue_indirect_dma source(%arg9 : memref<125x128xf32, #tpu.memory_space<vmem>>) target(%dma_start3A_640 : memref<10000x128xf32, #tpu.memory_space<vmem_shared>>) offsets(%dma_start3A_637 : memref<125xi32, #tpu.memory_space<vmem>>) semaphore(%run_scoped3A_634 : memref<!tpu.dma_semaphore, #tpu.memory_space<semaphore_mem>>) {add = true}
        %dma_wait3A_641 = arith.constant 0 : i32
        %dma_wait3A_642 = tpu.memref_slice %arg8[%run_scoped3A_565, %dma_wait3A_641] : memref<40x125xi32, #tpu.memory_space<vmem>> -> memref<1x125xi32, #tpu.memory_space<vmem>>
        %dma_wait3A_643 = tpu.memref_squeeze %dma_wait3A_642 : memref<1x125xi32, #tpu.memory_space<vmem>> -> memref<125xi32, #tpu.memory_space<vmem>>
        %dma_wait3A_644 = arith.constant 0 : i32
        %dma_wait3A_645 = arith.constant 0 : i32
        %dma_wait3A_646 = tpu.memref_slice %arg6[%dma_wait3A_644, %dma_wait3A_645] : memref<10000x128xf32, #tpu.memory_space<vmem_shared>> -> memref<10000x128xf32, #tpu.memory_space<vmem_shared>>
        tpu.wait_indirect_dma semaphore(%run_scoped3A_634 : memref<!tpu.dma_semaphore, #tpu.memory_space<semaphore_mem>>) src(%arg9 : memref<125x128xf32, #tpu.memory_space<vmem>>) dst(%dma_wait3A_646 : memref<10000x128xf32, #tpu.memory_space<vmem_shared>>)
        tpu.yield
      }) : () -> ()
      %dma_start3A_566 = arith.constant 36 : i32
      %dma_start3A_567 = arith.constant 0 : i32
      %dma_start3A_568 = tpu.memref_slice %arg7[%dma_start3A_566, %dma_start3A_567] : memref<40x125xi32, #tpu.memory_space<vmem>> -> memref<1x125xi32, #tpu.memory_space<vmem>>
      %dma_start3A_569 = tpu.memref_squeeze %dma_start3A_568 : memref<1x125xi32, #tpu.memory_space<vmem>> -> memref<125xi32, #tpu.memory_space<vmem>>
      %dma_start3A_570 = arith.constant 0 : i32
      %dma_start3A_571 = arith.constant 0 : i32
      %dma_start3A_572 = tpu.memref_slice %arg2[%dma_start3A_570, %dma_start3A_571] : memref<10000x128xf32, #tpu.memory_space<hbm>> -> memref<10000x128xf32, #tpu.memory_space<hbm>>
      tpu.enqueue_indirect_dma source(%dma_start3A_572 : memref<10000x128xf32, #tpu.memory_space<hbm>>) target(%arg9 : memref<125x128xf32, #tpu.memory_space<vmem>>) offsets(%dma_start3A_569 : memref<125xi32, #tpu.memory_space<vmem>>) semaphore(%arg11 : memref<!tpu.dma_semaphore, #tpu.memory_space<semaphore_mem>>)
      %dma_wait3A_573 = arith.constant 35 : i32
      %dma_wait3A_574 = arith.constant 0 : i32
      %dma_wait3A_575 = tpu.memref_slice %arg7[%dma_wait3A_573, %dma_wait3A_574] : memref<40x125xi32, #tpu.memory_space<vmem>> -> memref<1x125xi32, #tpu.memory_space<vmem>>
      %dma_wait3A_576 = tpu.memref_squeeze %dma_wait3A_575 : memref<1x125xi32, #tpu.memory_space<vmem>> -> memref<125xi32, #tpu.memory_space<vmem>>
      %dma_wait3A_577 = arith.constant 0 : i32
      %dma_wait3A_578 = arith.constant 0 : i32
      %dma_wait3A_579 = tpu.memref_slice %arg2[%dma_wait3A_577, %dma_wait3A_578] : memref<10000x128xf32, #tpu.memory_space<hbm>> -> memref<10000x128xf32, #tpu.memory_space<hbm>>
      tpu.wait_indirect_dma semaphore(%arg11 : memref<!tpu.dma_semaphore, #tpu.memory_space<semaphore_mem>>) src(%dma_wait3A_579 : memref<10000x128xf32, #tpu.memory_space<hbm>>) dst(%arg10 : memref<125x128xf32, #tpu.memory_space<vmem>>)
      %run_scoped3A_580 = arith.constant 35 : i32
      "tpu.region"() ({
        %run_scoped3A_634 = tpu.sem_alloc : memref<!tpu.dma_semaphore, #tpu.memory_space<semaphore_mem>>
        %dma_start3A_635 = arith.constant 0 : i32
        %dma_start3A_636 = tpu.memref_slice %arg8[%run_scoped3A_580, %dma_start3A_635] : memref<40x125xi32, #tpu.memory_space<vmem>> -> memref<1x125xi32, #tpu.memory_space<vmem>>
        %dma_start3A_637 = tpu.memref_squeeze %dma_start3A_636 : memref<1x125xi32, #tpu.memory_space<vmem>> -> memref<125xi32, #tpu.memory_space<vmem>>
        %dma_start3A_638 = arith.constant 0 : i32
        %dma_start3A_639 = arith.constant 0 : i32
        %dma_start3A_640 = tpu.memref_slice %arg6[%dma_start3A_638, %dma_start3A_639] : memref<10000x128xf32, #tpu.memory_space<vmem_shared>> -> memref<10000x128xf32, #tpu.memory_space<vmem_shared>>
        tpu.enqueue_indirect_dma source(%arg10 : memref<125x128xf32, #tpu.memory_space<vmem>>) target(%dma_start3A_640 : memref<10000x128xf32, #tpu.memory_space<vmem_shared>>) offsets(%dma_start3A_637 : memref<125xi32, #tpu.memory_space<vmem>>) semaphore(%run_scoped3A_634 : memref<!tpu.dma_semaphore, #tpu.memory_space<semaphore_mem>>) {add = true}
        %dma_wait3A_641 = arith.constant 0 : i32
        %dma_wait3A_642 = tpu.memref_slice %arg8[%run_scoped3A_580, %dma_wait3A_641] : memref<40x125xi32, #tpu.memory_space<vmem>> -> memref<1x125xi32, #tpu.memory_space<vmem>>
        %dma_wait3A_643 = tpu.memref_squeeze %dma_wait3A_642 : memref<1x125xi32, #tpu.memory_space<vmem>> -> memref<125xi32, #tpu.memory_space<vmem>>
        %dma_wait3A_644 = arith.constant 0 : i32
        %dma_wait3A_645 = arith.constant 0 : i32
        %dma_wait3A_646 = tpu.memref_slice %arg6[%dma_wait3A_644, %dma_wait3A_645] : memref<10000x128xf32, #tpu.memory_space<vmem_shared>> -> memref<10000x128xf32, #tpu.memory_space<vmem_shared>>
        tpu.wait_indirect_dma semaphore(%run_scoped3A_634 : memref<!tpu.dma_semaphore, #tpu.memory_space<semaphore_mem>>) src(%arg10 : memref<125x128xf32, #tpu.memory_space<vmem>>) dst(%dma_wait3A_646 : memref<10000x128xf32, #tpu.memory_space<vmem_shared>>)
        tpu.yield
      }) : () -> ()
      %dma_start3A_581 = arith.constant 37 : i32
      %dma_start3A_582 = arith.constant 0 : i32
      %dma_start3A_583 = tpu.memref_slice %arg7[%dma_start3A_581, %dma_start3A_582] : memref<40x125xi32, #tpu.memory_space<vmem>> -> memref<1x125xi32, #tpu.memory_space<vmem>>
      %dma_start3A_584 = tpu.memref_squeeze %dma_start3A_583 : memref<1x125xi32, #tpu.memory_space<vmem>> -> memref<125xi32, #tpu.memory_space<vmem>>
      %dma_start3A_585 = arith.constant 0 : i32
      %dma_start3A_586 = arith.constant 0 : i32
      %dma_start3A_587 = tpu.memref_slice %arg2[%dma_start3A_585, %dma_start3A_586] : memref<10000x128xf32, #tpu.memory_space<hbm>> -> memref<10000x128xf32, #tpu.memory_space<hbm>>
      tpu.enqueue_indirect_dma source(%dma_start3A_587 : memref<10000x128xf32, #tpu.memory_space<hbm>>) target(%arg10 : memref<125x128xf32, #tpu.memory_space<vmem>>) offsets(%dma_start3A_584 : memref<125xi32, #tpu.memory_space<vmem>>) semaphore(%arg11 : memref<!tpu.dma_semaphore, #tpu.memory_space<semaphore_mem>>)
      %dma_wait3A_588 = arith.constant 36 : i32
      %dma_wait3A_589 = arith.constant 0 : i32
      %dma_wait3A_590 = tpu.memref_slice %arg7[%dma_wait3A_588, %dma_wait3A_589] : memref<40x125xi32, #tpu.memory_space<vmem>> -> memref<1x125xi32, #tpu.memory_space<vmem>>
      %dma_wait3A_591 = tpu.memref_squeeze %dma_wait3A_590 : memref<1x125xi32, #tpu.memory_space<vmem>> -> memref<125xi32, #tpu.memory_space<vmem>>
      %dma_wait3A_592 = arith.constant 0 : i32
      %dma_wait3A_593 = arith.constant 0 : i32
      %dma_wait3A_594 = tpu.memref_slice %arg2[%dma_wait3A_592, %dma_wait3A_593] : memref<10000x128xf32, #tpu.memory_space<hbm>> -> memref<10000x128xf32, #tpu.memory_space<hbm>>
      tpu.wait_indirect_dma semaphore(%arg11 : memref<!tpu.dma_semaphore, #tpu.memory_space<semaphore_mem>>) src(%dma_wait3A_594 : memref<10000x128xf32, #tpu.memory_space<hbm>>) dst(%arg9 : memref<125x128xf32, #tpu.memory_space<vmem>>)
      %run_scoped3A_595 = arith.constant 36 : i32
      "tpu.region"() ({
        %run_scoped3A_634 = tpu.sem_alloc : memref<!tpu.dma_semaphore, #tpu.memory_space<semaphore_mem>>
        %dma_start3A_635 = arith.constant 0 : i32
        %dma_start3A_636 = tpu.memref_slice %arg8[%run_scoped3A_595, %dma_start3A_635] : memref<40x125xi32, #tpu.memory_space<vmem>> -> memref<1x125xi32, #tpu.memory_space<vmem>>
        %dma_start3A_637 = tpu.memref_squeeze %dma_start3A_636 : memref<1x125xi32, #tpu.memory_space<vmem>> -> memref<125xi32, #tpu.memory_space<vmem>>
        %dma_start3A_638 = arith.constant 0 : i32
        %dma_start3A_639 = arith.constant 0 : i32
        %dma_start3A_640 = tpu.memref_slice %arg6[%dma_start3A_638, %dma_start3A_639] : memref<10000x128xf32, #tpu.memory_space<vmem_shared>> -> memref<10000x128xf32, #tpu.memory_space<vmem_shared>>
        tpu.enqueue_indirect_dma source(%arg9 : memref<125x128xf32, #tpu.memory_space<vmem>>) target(%dma_start3A_640 : memref<10000x128xf32, #tpu.memory_space<vmem_shared>>) offsets(%dma_start3A_637 : memref<125xi32, #tpu.memory_space<vmem>>) semaphore(%run_scoped3A_634 : memref<!tpu.dma_semaphore, #tpu.memory_space<semaphore_mem>>) {add = true}
        %dma_wait3A_641 = arith.constant 0 : i32
        %dma_wait3A_642 = tpu.memref_slice %arg8[%run_scoped3A_595, %dma_wait3A_641] : memref<40x125xi32, #tpu.memory_space<vmem>> -> memref<1x125xi32, #tpu.memory_space<vmem>>
        %dma_wait3A_643 = tpu.memref_squeeze %dma_wait3A_642 : memref<1x125xi32, #tpu.memory_space<vmem>> -> memref<125xi32, #tpu.memory_space<vmem>>
        %dma_wait3A_644 = arith.constant 0 : i32
        %dma_wait3A_645 = arith.constant 0 : i32
        %dma_wait3A_646 = tpu.memref_slice %arg6[%dma_wait3A_644, %dma_wait3A_645] : memref<10000x128xf32, #tpu.memory_space<vmem_shared>> -> memref<10000x128xf32, #tpu.memory_space<vmem_shared>>
        tpu.wait_indirect_dma semaphore(%run_scoped3A_634 : memref<!tpu.dma_semaphore, #tpu.memory_space<semaphore_mem>>) src(%arg9 : memref<125x128xf32, #tpu.memory_space<vmem>>) dst(%dma_wait3A_646 : memref<10000x128xf32, #tpu.memory_space<vmem_shared>>)
        tpu.yield
      }) : () -> ()
      %dma_start3A_596 = arith.constant 38 : i32
      %dma_start3A_597 = arith.constant 0 : i32
      %dma_start3A_598 = tpu.memref_slice %arg7[%dma_start3A_596, %dma_start3A_597] : memref<40x125xi32, #tpu.memory_space<vmem>> -> memref<1x125xi32, #tpu.memory_space<vmem>>
      %dma_start3A_599 = tpu.memref_squeeze %dma_start3A_598 : memref<1x125xi32, #tpu.memory_space<vmem>> -> memref<125xi32, #tpu.memory_space<vmem>>
      %dma_start3A_600 = arith.constant 0 : i32
      %dma_start3A_601 = arith.constant 0 : i32
      %dma_start3A_602 = tpu.memref_slice %arg2[%dma_start3A_600, %dma_start3A_601] : memref<10000x128xf32, #tpu.memory_space<hbm>> -> memref<10000x128xf32, #tpu.memory_space<hbm>>
      tpu.enqueue_indirect_dma source(%dma_start3A_602 : memref<10000x128xf32, #tpu.memory_space<hbm>>) target(%arg9 : memref<125x128xf32, #tpu.memory_space<vmem>>) offsets(%dma_start3A_599 : memref<125xi32, #tpu.memory_space<vmem>>) semaphore(%arg11 : memref<!tpu.dma_semaphore, #tpu.memory_space<semaphore_mem>>)
      %dma_wait3A_603 = arith.constant 37 : i32
      %dma_wait3A_604 = arith.constant 0 : i32
      %dma_wait3A_605 = tpu.memref_slice %arg7[%dma_wait3A_603, %dma_wait3A_604] : memref<40x125xi32, #tpu.memory_space<vmem>> -> memref<1x125xi32, #tpu.memory_space<vmem>>
      %dma_wait3A_606 = tpu.memref_squeeze %dma_wait3A_605 : memref<1x125xi32, #tpu.memory_space<vmem>> -> memref<125xi32, #tpu.memory_space<vmem>>
      %dma_wait3A_607 = arith.constant 0 : i32
      %dma_wait3A_608 = arith.constant 0 : i32
      %dma_wait3A_609 = tpu.memref_slice %arg2[%dma_wait3A_607, %dma_wait3A_608] : memref<10000x128xf32, #tpu.memory_space<hbm>> -> memref<10000x128xf32, #tpu.memory_space<hbm>>
      tpu.wait_indirect_dma semaphore(%arg11 : memref<!tpu.dma_semaphore, #tpu.memory_space<semaphore_mem>>) src(%dma_wait3A_609 : memref<10000x128xf32, #tpu.memory_space<hbm>>) dst(%arg10 : memref<125x128xf32, #tpu.memory_space<vmem>>)
      %run_scoped3A_610 = arith.constant 37 : i32
      "tpu.region"() ({
        %run_scoped3A_634 = tpu.sem_alloc : memref<!tpu.dma_semaphore, #tpu.memory_space<semaphore_mem>>
        %dma_start3A_635 = arith.constant 0 : i32
        %dma_start3A_636 = tpu.memref_slice %arg8[%run_scoped3A_610, %dma_start3A_635] : memref<40x125xi32, #tpu.memory_space<vmem>> -> memref<1x125xi32, #tpu.memory_space<vmem>>
        %dma_start3A_637 = tpu.memref_squeeze %dma_start3A_636 : memref<1x125xi32, #tpu.memory_space<vmem>> -> memref<125xi32, #tpu.memory_space<vmem>>
        %dma_start3A_638 = arith.constant 0 : i32
        %dma_start3A_639 = arith.constant 0 : i32
        %dma_start3A_640 = tpu.memref_slice %arg6[%dma_start3A_638, %dma_start3A_639] : memref<10000x128xf32, #tpu.memory_space<vmem_shared>> -> memref<10000x128xf32, #tpu.memory_space<vmem_shared>>
        tpu.enqueue_indirect_dma source(%arg10 : memref<125x128xf32, #tpu.memory_space<vmem>>) target(%dma_start3A_640 : memref<10000x128xf32, #tpu.memory_space<vmem_shared>>) offsets(%dma_start3A_637 : memref<125xi32, #tpu.memory_space<vmem>>) semaphore(%run_scoped3A_634 : memref<!tpu.dma_semaphore, #tpu.memory_space<semaphore_mem>>) {add = true}
        %dma_wait3A_641 = arith.constant 0 : i32
        %dma_wait3A_642 = tpu.memref_slice %arg8[%run_scoped3A_610, %dma_wait3A_641] : memref<40x125xi32, #tpu.memory_space<vmem>> -> memref<1x125xi32, #tpu.memory_space<vmem>>
        %dma_wait3A_643 = tpu.memref_squeeze %dma_wait3A_642 : memref<1x125xi32, #tpu.memory_space<vmem>> -> memref<125xi32, #tpu.memory_space<vmem>>
        %dma_wait3A_644 = arith.constant 0 : i32
        %dma_wait3A_645 = arith.constant 0 : i32
        %dma_wait3A_646 = tpu.memref_slice %arg6[%dma_wait3A_644, %dma_wait3A_645] : memref<10000x128xf32, #tpu.memory_space<vmem_shared>> -> memref<10000x128xf32, #tpu.memory_space<vmem_shared>>
        tpu.wait_indirect_dma semaphore(%run_scoped3A_634 : memref<!tpu.dma_semaphore, #tpu.memory_space<semaphore_mem>>) src(%arg10 : memref<125x128xf32, #tpu.memory_space<vmem>>) dst(%dma_wait3A_646 : memref<10000x128xf32, #tpu.memory_space<vmem_shared>>)
        tpu.yield
      }) : () -> ()
      %dma_start3A_611 = arith.constant 39 : i32
      %dma_start3A_612 = arith.constant 0 : i32
      %dma_start3A_613 = tpu.memref_slice %arg7[%dma_start3A_611, %dma_start3A_612] : memref<40x125xi32, #tpu.memory_space<vmem>> -> memref<1x125xi32, #tpu.memory_space<vmem>>
      %dma_start3A_614 = tpu.memref_squeeze %dma_start3A_613 : memref<1x125xi32, #tpu.memory_space<vmem>> -> memref<125xi32, #tpu.memory_space<vmem>>
      %dma_start3A_615 = arith.constant 0 : i32
      %dma_start3A_616 = arith.constant 0 : i32
      %dma_start3A_617 = tpu.memref_slice %arg2[%dma_start3A_615, %dma_start3A_616] : memref<10000x128xf32, #tpu.memory_space<hbm>> -> memref<10000x128xf32, #tpu.memory_space<hbm>>
      tpu.enqueue_indirect_dma source(%dma_start3A_617 : memref<10000x128xf32, #tpu.memory_space<hbm>>) target(%arg10 : memref<125x128xf32, #tpu.memory_space<vmem>>) offsets(%dma_start3A_614 : memref<125xi32, #tpu.memory_space<vmem>>) semaphore(%arg11 : memref<!tpu.dma_semaphore, #tpu.memory_space<semaphore_mem>>)
      %dma_wait3A_618 = arith.constant 38 : i32
      %dma_wait3A_619 = arith.constant 0 : i32
      %dma_wait3A_620 = tpu.memref_slice %arg7[%dma_wait3A_618, %dma_wait3A_619] : memref<40x125xi32, #tpu.memory_space<vmem>> -> memref<1x125xi32, #tpu.memory_space<vmem>>
      %dma_wait3A_621 = tpu.memref_squeeze %dma_wait3A_620 : memref<1x125xi32, #tpu.memory_space<vmem>> -> memref<125xi32, #tpu.memory_space<vmem>>
      %dma_wait3A_622 = arith.constant 0 : i32
      %dma_wait3A_623 = arith.constant 0 : i32
      %dma_wait3A_624 = tpu.memref_slice %arg2[%dma_wait3A_622, %dma_wait3A_623] : memref<10000x128xf32, #tpu.memory_space<hbm>> -> memref<10000x128xf32, #tpu.memory_space<hbm>>
      tpu.wait_indirect_dma semaphore(%arg11 : memref<!tpu.dma_semaphore, #tpu.memory_space<semaphore_mem>>) src(%dma_wait3A_624 : memref<10000x128xf32, #tpu.memory_space<hbm>>) dst(%arg9 : memref<125x128xf32, #tpu.memory_space<vmem>>)
      %run_scoped3A_625 = arith.constant 38 : i32
      "tpu.region"() ({
        %run_scoped3A_634 = tpu.sem_alloc : memref<!tpu.dma_semaphore, #tpu.memory_space<semaphore_mem>>
        %dma_start3A_635 = arith.constant 0 : i32
        %dma_start3A_636 = tpu.memref_slice %arg8[%run_scoped3A_625, %dma_start3A_635] : memref<40x125xi32, #tpu.memory_space<vmem>> -> memref<1x125xi32, #tpu.memory_space<vmem>>
        %dma_start3A_637 = tpu.memref_squeeze %dma_start3A_636 : memref<1x125xi32, #tpu.memory_space<vmem>> -> memref<125xi32, #tpu.memory_space<vmem>>
        %dma_start3A_638 = arith.constant 0 : i32
        %dma_start3A_639 = arith.constant 0 : i32
        %dma_start3A_640 = tpu.memref_slice %arg6[%dma_start3A_638, %dma_start3A_639] : memref<10000x128xf32, #tpu.memory_space<vmem_shared>> -> memref<10000x128xf32, #tpu.memory_space<vmem_shared>>
        tpu.enqueue_indirect_dma source(%arg9 : memref<125x128xf32, #tpu.memory_space<vmem>>) target(%dma_start3A_640 : memref<10000x128xf32, #tpu.memory_space<vmem_shared>>) offsets(%dma_start3A_637 : memref<125xi32, #tpu.memory_space<vmem>>) semaphore(%run_scoped3A_634 : memref<!tpu.dma_semaphore, #tpu.memory_space<semaphore_mem>>) {add = true}
        %dma_wait3A_641 = arith.constant 0 : i32
        %dma_wait3A_642 = tpu.memref_slice %arg8[%run_scoped3A_625, %dma_wait3A_641] : memref<40x125xi32, #tpu.memory_space<vmem>> -> memref<1x125xi32, #tpu.memory_space<vmem>>
        %dma_wait3A_643 = tpu.memref_squeeze %dma_wait3A_642 : memref<1x125xi32, #tpu.memory_space<vmem>> -> memref<125xi32, #tpu.memory_space<vmem>>
        %dma_wait3A_644 = arith.constant 0 : i32
        %dma_wait3A_645 = arith.constant 0 : i32
        %dma_wait3A_646 = tpu.memref_slice %arg6[%dma_wait3A_644, %dma_wait3A_645] : memref<10000x128xf32, #tpu.memory_space<vmem_shared>> -> memref<10000x128xf32, #tpu.memory_space<vmem_shared>>
        tpu.wait_indirect_dma semaphore(%run_scoped3A_634 : memref<!tpu.dma_semaphore, #tpu.memory_space<semaphore_mem>>) src(%arg9 : memref<125x128xf32, #tpu.memory_space<vmem>>) dst(%dma_wait3A_646 : memref<10000x128xf32, #tpu.memory_space<vmem_shared>>)
        tpu.yield
      }) : () -> ()
      %dma_wait3A_626 = arith.constant 39 : i32
      %dma_wait3A_627 = arith.constant 0 : i32
      %dma_wait3A_628 = tpu.memref_slice %arg7[%dma_wait3A_626, %dma_wait3A_627] : memref<40x125xi32, #tpu.memory_space<vmem>> -> memref<1x125xi32, #tpu.memory_space<vmem>>
      %dma_wait3A_629 = tpu.memref_squeeze %dma_wait3A_628 : memref<1x125xi32, #tpu.memory_space<vmem>> -> memref<125xi32, #tpu.memory_space<vmem>>
      %dma_wait3A_630 = arith.constant 0 : i32
      %dma_wait3A_631 = arith.constant 0 : i32
      %dma_wait3A_632 = tpu.memref_slice %arg2[%dma_wait3A_630, %dma_wait3A_631] : memref<10000x128xf32, #tpu.memory_space<hbm>> -> memref<10000x128xf32, #tpu.memory_space<hbm>>
      tpu.wait_indirect_dma semaphore(%arg11 : memref<!tpu.dma_semaphore, #tpu.memory_space<semaphore_mem>>) src(%dma_wait3A_632 : memref<10000x128xf32, #tpu.memory_space<hbm>>) dst(%arg10 : memref<125x128xf32, #tpu.memory_space<vmem>>)
      %run_scoped3A_633 = arith.constant 39 : i32
      "tpu.region"() ({
        %run_scoped3A_634 = tpu.sem_alloc : memref<!tpu.dma_semaphore, #tpu.memory_space<semaphore_mem>>
        %dma_start3A_635 = arith.constant 0 : i32
        %dma_start3A_636 = tpu.memref_slice %arg8[%run_scoped3A_633, %dma_start3A_635] : memref<40x125xi32, #tpu.memory_space<vmem>> -> memref<1x125xi32, #tpu.memory_space<vmem>>
        %dma_start3A_637 = tpu.memref_squeeze %dma_start3A_636 : memref<1x125xi32, #tpu.memory_space<vmem>> -> memref<125xi32, #tpu.memory_space<vmem>>
        %dma_start3A_638 = arith.constant 0 : i32
        %dma_start3A_639 = arith.constant 0 : i32
        %dma_start3A_640 = tpu.memref_slice %arg6[%dma_start3A_638, %dma_start3A_639] : memref<10000x128xf32, #tpu.memory_space<vmem_shared>> -> memref<10000x128xf32, #tpu.memory_space<vmem_shared>>
        tpu.enqueue_indirect_dma source(%arg10 : memref<125x128xf32, #tpu.memory_space<vmem>>) target(%dma_start3A_640 : memref<10000x128xf32, #tpu.memory_space<vmem_shared>>) offsets(%dma_start3A_637 : memref<125xi32, #tpu.memory_space<vmem>>) semaphore(%run_scoped3A_634 : memref<!tpu.dma_semaphore, #tpu.memory_space<semaphore_mem>>) {add = true}
        %dma_wait3A_641 = arith.constant 0 : i32
        %dma_wait3A_642 = tpu.memref_slice %arg8[%run_scoped3A_633, %dma_wait3A_641] : memref<40x125xi32, #tpu.memory_space<vmem>> -> memref<1x125xi32, #tpu.memory_space<vmem>>
        %dma_wait3A_643 = tpu.memref_squeeze %dma_wait3A_642 : memref<1x125xi32, #tpu.memory_space<vmem>> -> memref<125xi32, #tpu.memory_space<vmem>>
        %dma_wait3A_644 = arith.constant 0 : i32
        %dma_wait3A_645 = arith.constant 0 : i32
        %dma_wait3A_646 = tpu.memref_slice %arg6[%dma_wait3A_644, %dma_wait3A_645] : memref<10000x128xf32, #tpu.memory_space<vmem_shared>> -> memref<10000x128xf32, #tpu.memory_space<vmem_shared>>
        tpu.wait_indirect_dma semaphore(%run_scoped3A_634 : memref<!tpu.dma_semaphore, #tpu.memory_space<semaphore_mem>>) src(%arg10 : memref<125x128xf32, #tpu.memory_space<vmem>>) dst(%dma_wait3A_646 : memref<10000x128xf32, #tpu.memory_space<vmem_shared>>)
        tpu.yield
      }) : () -> ()
    }
    %scan3A_16 = arith.constant 2 : i32
    %barrier3A_17 = arith.constant 0 : index
    tpu.barrier barrier_id(%barrier3A_17)
    %mul3A_18 = arith.constant 624 : i32
    %mul3A_19 = arith.muli %arg1, %mul3A_18 : i32
    %mul3A_20 = arith.constant 624 : i32
    %mul3A_21 = arith.muli %arg1, %mul3A_20 : i32
    "tpu.region"() ({
      %run_scoped3A = tpu.sem_alloc : memref<!tpu.dma_semaphore, #tpu.memory_space<semaphore_mem>>
      %dma_start3A = arith.constant 0 : i32
      %dma_start3A_27 = tpu.memref_slice %arg5[%arg0, %mul3A_21, %dma_start3A] : memref<2x10000x128xf32, #tpu.memory_space<hbm>> -> memref<1x624x128xf32, #tpu.memory_space<hbm>>
      %dma_start3A_28 = tpu.memref_squeeze %dma_start3A_27 : memref<1x624x128xf32, #tpu.memory_space<hbm>> -> memref<624x128xf32, #tpu.memory_space<hbm>>
      %dma_start3A_29 = arith.constant 0 : i32
      %dma_start3A_30 = tpu.memref_slice %arg6[%mul3A_19, %dma_start3A_29] : memref<10000x128xf32, #tpu.memory_space<vmem_shared>> -> memref<624x128xf32, #tpu.memory_space<vmem_shared>>
      tpu.enqueue_dma source(%dma_start3A_30 : memref<624x128xf32, #tpu.memory_space<vmem_shared>>) target(%dma_start3A_28 : memref<624x128xf32, #tpu.memory_space<hbm>>) target_semaphore(%run_scoped3A : memref<!tpu.dma_semaphore, #tpu.memory_space<semaphore_mem>>)
      %dma_wait3A = arith.constant 0 : i32
      %dma_wait3A_31 = tpu.memref_slice %arg5[%arg0, %mul3A_21, %dma_wait3A] : memref<2x10000x128xf32, #tpu.memory_space<hbm>> -> memref<1x624x128xf32, #tpu.memory_space<hbm>>
      %dma_wait3A_32 = tpu.memref_squeeze %dma_wait3A_31 : memref<1x624x128xf32, #tpu.memory_space<hbm>> -> memref<624x128xf32, #tpu.memory_space<hbm>>
      %dma_wait3A_33 = arith.constant 0 : i32
      %dma_wait3A_34 = tpu.memref_slice %arg6[%mul3A_19, %dma_wait3A_33] : memref<10000x128xf32, #tpu.memory_space<vmem_shared>> -> memref<624x128xf32, #tpu.memory_space<vmem_shared>>
      tpu.wait_dma2 semaphore(%run_scoped3A : memref<!tpu.dma_semaphore, #tpu.memory_space<semaphore_mem>>) src(%dma_wait3A_34 : memref<624x128xf32, #tpu.memory_space<vmem_shared>>) dst(%dma_wait3A_32 : memref<624x128xf32, #tpu.memory_space<hbm>>)
      tpu.yield
    }) : () -> ()
    %eq3A_22 = arith.constant 15 : i32
    %eq3A_23 = arith.cmpi eq, %arg1, %eq3A_22 : i32
    %convert_element_type3A_24 = arith.extui %eq3A_23 : i1 to i32
    %cond3A_25 = arith.constant 0 : i32
    %cond3A_26 = arith.cmpi ne, %convert_element_type3A_24, %cond3A_25 : i32
    scf.if %cond3A_26 {
      "tpu.region"() ({
        %run_scoped3A = tpu.sem_alloc : memref<!tpu.dma_semaphore, #tpu.memory_space<semaphore_mem>>
        %dma_start3A = arith.constant 9984 : i32
        %dma_start3A_27 = arith.constant 0 : i32
        %dma_start3A_28 = tpu.memref_slice %arg5[%arg0, %dma_start3A, %dma_start3A_27] : memref<2x10000x128xf32, #tpu.memory_space<hbm>> -> memref<1x16x128xf32, #tpu.memory_space<hbm>>
        %dma_start3A_29 = tpu.memref_squeeze %dma_start3A_28 : memref<1x16x128xf32, #tpu.memory_space<hbm>> -> memref<16x128xf32, #tpu.memory_space<hbm>>
        %dma_start3A_30 = arith.constant 9984 : i32
        %dma_start3A_31 = arith.constant 0 : i32
        %dma_start3A_32 = tpu.memref_slice %arg6[%dma_start3A_30, %dma_start3A_31] : memref<10000x128xf32, #tpu.memory_space<vmem_shared>> -> memref<16x128xf32, #tpu.memory_space<vmem_shared>>
        tpu.enqueue_dma source(%dma_start3A_32 : memref<16x128xf32, #tpu.memory_space<vmem_shared>>) target(%dma_start3A_29 : memref<16x128xf32, #tpu.memory_space<hbm>>) target_semaphore(%run_scoped3A : memref<!tpu.dma_semaphore, #tpu.memory_space<semaphore_mem>>)
        %dma_wait3A = arith.constant 9984 : i32
        %dma_wait3A_33 = arith.constant 0 : i32
        %dma_wait3A_34 = tpu.memref_slice %arg5[%arg0, %dma_wait3A, %dma_wait3A_33] : memref<2x10000x128xf32, #tpu.memory_space<hbm>> -> memref<1x16x128xf32, #tpu.memory_space<hbm>>
        %dma_wait3A_35 = tpu.memref_squeeze %dma_wait3A_34 : memref<1x16x128xf32, #tpu.memory_space<hbm>> -> memref<16x128xf32, #tpu.memory_space<hbm>>
        %dma_wait3A_36 = arith.constant 9984 : i32
        %dma_wait3A_37 = arith.constant 0 : i32
        %dma_wait3A_38 = tpu.memref_slice %arg6[%dma_wait3A_36, %dma_wait3A_37] : memref<10000x128xf32, #tpu.memory_space<vmem_shared>> -> memref<16x128xf32, #tpu.memory_space<vmem_shared>>
        tpu.wait_dma2 semaphore(%run_scoped3A : memref<!tpu.dma_semaphore, #tpu.memory_space<semaphore_mem>>) src(%dma_wait3A_38 : memref<16x128xf32, #tpu.memory_space<vmem_shared>>) dst(%dma_wait3A_35 : memref<16x128xf32, #tpu.memory_space<hbm>>)
        tpu.yield
      }) : () -> ()
    } else {
    }
    return
  }
}

#map = affine_map<(d0, d1) -> (0, 0)>
#map1 = affine_map<(d0, d1) -> (0, 0, 0)>
module attributes {stable_mosaic.version = 14 : i64} {
  func.func @_sc_conv_body(%arg0: i32, %arg1: i32, %arg2: memref<10000x128xf32, #tpu.memory_space<hbm>>, %arg3: memref<2560x125xi32, #tpu.memory_space<hbm>>, %arg4: memref<2560x125xi32, #tpu.memory_space<hbm>>, %arg5: memref<2x10000x128xf32, #tpu.memory_space<hbm>>, %arg6: memref<10000x128xf32, #tpu.memory_space<vmem_shared>>, %arg7: memref<40x125xi32, #tpu.memory_space<vmem>>, %arg8: memref<40x125xi32, #tpu.memory_space<vmem>>, %arg9: memref<125x128xf32, #tpu.memory_space<vmem>>, %arg10: memref<125x128xf32, #tpu.memory_space<vmem>>, %arg11: memref<!tpu.dma_semaphore, #tpu.memory_space<semaphore_mem>>, %arg12: memref<!tpu.dma_semaphore, #tpu.memory_space<semaphore_mem>>) attributes {dimension_semantics = [#tpu.dimension_semantics<core_parallel>, #tpu.dimension_semantics<subcore_parallel>], iteration_bounds = array<i64: 2, 16>, scalar_prefetch = 0 : i64, scratch_operands = 7 : i64, tpu.core_type = #tpu.core_type<sc_vector_subcore>, window_params = [{transform_indices = #map}, {transform_indices = #map}, {transform_indices = #map}, {transform_indices = #map1}]} {
    %mul3A = arith.constant 16 : i32
    %mul3A_0 = arith.muli %arg0, %mul3A : i32
    %add3A = arith.addi %mul3A_0, %arg1 : i32
    %scan3A = arith.constant 0 : i32
    %scan3A_1 = arith.constant 16 : i32
    %scan3A_2 = arith.addi %scan3A, %scan3A_1 : i32
    %scan3A_3 = arith.constant 1 : i32
    scf.for %scan3A_27 = %scan3A to %scan3A_2 step %scan3A_3  : i32 {
      %mul3A_28 = arith.constant 1 : i32
      %mul3A_29 = arith.muli %scan3A_27, %mul3A_28 : i32
      %add3A_30 = arith.constant 0 : i32
      %add3A_31 = arith.addi %add3A_30, %mul3A_29 : i32
      %broadcast_in_dim3A = arith.constant 0.000000e+00 : f32
      %broadcast_in_dim3A_32 = vector.broadcast %broadcast_in_dim3A : f32 to vector<16xf32>
      %swap3A = arith.index_cast %add3A_31 : i32 to index
      %swap3A_33 = arith.constant 0 : index
      %swap3A_34 = tpu.vector_load %arg9[%swap3A, %swap3A_33] {strides = array<i32>} : memref<125x128xf32, #tpu.memory_space<vmem>>, vector<16xf32>,
      tpu.vector_store %arg9[%swap3A, %swap3A_33], %broadcast_in_dim3A_32 {strides = array<i32>} : memref<125x128xf32, #tpu.memory_space<vmem>>, vector<16xf32>,
      %broadcast_in_dim3A_35 = arith.constant 0.000000e+00 : f32
      %broadcast_in_dim3A_36 = vector.broadcast %broadcast_in_dim3A_35 : f32 to vector<16xf32>
      %swap3A_37 = arith.index_cast %add3A_31 : i32 to index
      %swap3A_38 = arith.constant 16 : index
      %swap3A_39 = tpu.vector_load %arg9[%swap3A_37, %swap3A_38] {strides = array<i32>} : memref<125x128xf32, #tpu.memory_space<vmem>>, vector<16xf32>,
      tpu.vector_store %arg9[%swap3A_37, %swap3A_38], %broadcast_in_dim3A_36 {strides = array<i32>} : memref<125x128xf32, #tpu.memory_space<vmem>>, vector<16xf32>,
      %broadcast_in_dim3A_40 = arith.constant 0.000000e+00 : f32
      %broadcast_in_dim3A_41 = vector.broadcast %broadcast_in_dim3A_40 : f32 to vector<16xf32>
      %swap3A_42 = arith.index_cast %add3A_31 : i32 to index
      %swap3A_43 = arith.constant 32 : index
      %swap3A_44 = tpu.vector_load %arg9[%swap3A_42, %swap3A_43] {strides = array<i32>} : memref<125x128xf32, #tpu.memory_space<vmem>>, vector<16xf32>,
      tpu.vector_store %arg9[%swap3A_42, %swap3A_43], %broadcast_in_dim3A_41 {strides = array<i32>} : memref<125x128xf32, #tpu.memory_space<vmem>>, vector<16xf32>,
      %broadcast_in_dim3A_45 = arith.constant 0.000000e+00 : f32
      %broadcast_in_dim3A_46 = vector.broadcast %broadcast_in_dim3A_45 : f32 to vector<16xf32>
      %swap3A_47 = arith.index_cast %add3A_31 : i32 to index
      %swap3A_48 = arith.constant 48 : index
      %swap3A_49 = tpu.vector_load %arg9[%swap3A_47, %swap3A_48] {strides = array<i32>} : memref<125x128xf32, #tpu.memory_space<vmem>>, vector<16xf32>,
      tpu.vector_store %arg9[%swap3A_47, %swap3A_48], %broadcast_in_dim3A_46 {strides = array<i32>} : memref<125x128xf32, #tpu.memory_space<vmem>>, vector<16xf32>,
      %broadcast_in_dim3A_50 = arith.constant 0.000000e+00 : f32
      %broadcast_in_dim3A_51 = vector.broadcast %broadcast_in_dim3A_50 : f32 to vector<16xf32>
      %swap3A_52 = arith.index_cast %add3A_31 : i32 to index
      %swap3A_53 = arith.constant 64 : index
      %swap3A_54 = tpu.vector_load %arg9[%swap3A_52, %swap3A_53] {strides = array<i32>} : memref<125x128xf32, #tpu.memory_space<vmem>>, vector<16xf32>,
      tpu.vector_store %arg9[%swap3A_52, %swap3A_53], %broadcast_in_dim3A_51 {strides = array<i32>} : memref<125x128xf32, #tpu.memory_space<vmem>>, vector<16xf32>,
      %broadcast_in_dim3A_55 = arith.constant 0.000000e+00 : f32
      %broadcast_in_dim3A_56 = vector.broadcast %broadcast_in_dim3A_55 : f32 to vector<16xf32>
      %swap3A_57 = arith.index_cast %add3A_31 : i32 to index
      %swap3A_58 = arith.constant 80 : index
      %swap3A_59 = tpu.vector_load %arg9[%swap3A_57, %swap3A_58] {strides = array<i32>} : memref<125x128xf32, #tpu.memory_space<vmem>>, vector<16xf32>,
      tpu.vector_store %arg9[%swap3A_57, %swap3A_58], %broadcast_in_dim3A_56 {strides = array<i32>} : memref<125x128xf32, #tpu.memory_space<vmem>>, vector<16xf32>,
      %broadcast_in_dim3A_60 = arith.constant 0.000000e+00 : f32
      %broadcast_in_dim3A_61 = vector.broadcast %broadcast_in_dim3A_60 : f32 to vector<16xf32>
      %swap3A_62 = arith.index_cast %add3A_31 : i32 to index
      %swap3A_63 = arith.constant 96 : index
      %swap3A_64 = tpu.vector_load %arg9[%swap3A_62, %swap3A_63] {strides = array<i32>} : memref<125x128xf32, #tpu.memory_space<vmem>>, vector<16xf32>,
      tpu.vector_store %arg9[%swap3A_62, %swap3A_63], %broadcast_in_dim3A_61 {strides = array<i32>} : memref<125x128xf32, #tpu.memory_space<vmem>>, vector<16xf32>,
      %broadcast_in_dim3A_65 = arith.constant 0.000000e+00 : f32
      %broadcast_in_dim3A_66 = vector.broadcast %broadcast_in_dim3A_65 : f32 to vector<16xf32>
      %swap3A_67 = arith.index_cast %add3A_31 : i32 to index
      %swap3A_68 = arith.constant 112 : index
      %swap3A_69 = tpu.vector_load %arg9[%swap3A_67, %swap3A_68] {strides = array<i32>} : memref<125x128xf32, #tpu.memory_space<vmem>>, vector<16xf32>,
      tpu.vector_store %arg9[%swap3A_67, %swap3A_68], %broadcast_in_dim3A_66 {strides = array<i32>} : memref<125x128xf32, #tpu.memory_space<vmem>>, vector<16xf32>,
    }
    %scan3A_4 = arith.constant 16 : i32
    %scan3A_5 = arith.constant 0 : i32
    %scan3A_6 = arith.constant 39 : i32
    %scan3A_7 = arith.addi %scan3A_5, %scan3A_6 : i32
    %scan3A_8 = arith.constant 1 : i32
    scf.for %scan3A_27 = %scan3A_5 to %scan3A_7 step %scan3A_8  : i32 {
      %mul3A_28 = arith.constant 1 : i32
      %mul3A_29 = arith.muli %scan3A_27, %mul3A_28 : i32
      %add3A_30 = arith.constant 0 : i32
      %add3A_31 = arith.addi %add3A_30, %mul3A_29 : i32
      %mul3A_32 = arith.constant 624 : i32
      %mul3A_33 = arith.muli %arg1, %mul3A_32 : i32
      %mul3A_34 = arith.constant 16 : i32
      %mul3A_35 = arith.muli %add3A_31, %mul3A_34 : i32
      %add3A_36 = arith.addi %mul3A_33, %mul3A_35 : i32
      "tpu.region"() ({
        %run_scoped3A = tpu.sem_alloc : memref<!tpu.dma_semaphore, #tpu.memory_space<semaphore_mem>>
        %dma_start3A = arith.constant 0 : i32
        %dma_start3A_37 = arith.constant 0 : i32
        %dma_start3A_38 = tpu.memref_slice %arg9[%dma_start3A, %dma_start3A_37] : memref<125x128xf32, #tpu.memory_space<vmem>> -> memref<16x128xf32, #tpu.memory_space<vmem>>
        %dma_start3A_39 = arith.constant 0 : i32
        %dma_start3A_40 = tpu.memref_slice %arg6[%add3A_36, %dma_start3A_39] : memref<10000x128xf32, #tpu.memory_space<vmem_shared>> -> memref<16x128xf32, #tpu.memory_space<vmem_shared>>
        %dma_start3A_41 = arith.constant 0 : i32
        %dma_start3A_42 = tpu.memref_slice %arg6[%add3A_36, %dma_start3A_41] : memref<10000x128xf32, #tpu.memory_space<vmem_shared>> -> memref<16x128xf32, #tpu.memory_space<vmem_shared>>
        %dma_start3A_43 = arith.constant 0 : i32
        %dma_start3A_44 = arith.constant 0 : i32
        %dma_start3A_45 = tpu.memref_slice %arg9[%dma_start3A_43, %dma_start3A_44] : memref<125x128xf32, #tpu.memory_space<vmem>> -> memref<16x128xf32, #tpu.memory_space<vmem>>
        tpu.enqueue_dma source(%dma_start3A_45 : memref<16x128xf32, #tpu.memory_space<vmem>>) target(%dma_start3A_42 : memref<16x128xf32, #tpu.memory_space<vmem_shared>>) target_semaphore(%run_scoped3A : memref<!tpu.dma_semaphore, #tpu.memory_space<semaphore_mem>>)
        %dma_wait3A = arith.constant 0 : i32
        %dma_wait3A_46 = arith.constant 0 : i32
        %dma_wait3A_47 = tpu.memref_slice %arg9[%dma_wait3A, %dma_wait3A_46] : memref<125x128xf32, #tpu.memory_space<vmem>> -> memref<16x128xf32, #tpu.memory_space<vmem>>
        %dma_wait3A_48 = arith.constant 0 : i32
        %dma_wait3A_49 = tpu.memref_slice %arg6[%add3A_36, %dma_wait3A_48] : memref<10000x128xf32, #tpu.memory_space<vmem_shared>> -> memref<16x128xf32, #tpu.memory_space<vmem_shared>>
        %dma_wait3A_50 = arith.constant 0 : i32
        %dma_wait3A_51 = tpu.memref_slice %arg6[%add3A_36, %dma_wait3A_50] : memref<10000x128xf32, #tpu.memory_space<vmem_shared>> -> memref<16x128xf32, #tpu.memory_space<vmem_shared>>
        %dma_wait3A_52 = arith.constant 0 : i32
        %dma_wait3A_53 = arith.constant 0 : i32
        %dma_wait3A_54 = tpu.memref_slice %arg9[%dma_wait3A_52, %dma_wait3A_53] : memref<125x128xf32, #tpu.memory_space<vmem>> -> memref<16x128xf32, #tpu.memory_space<vmem>>
        tpu.wait_dma2 semaphore(%run_scoped3A : memref<!tpu.dma_semaphore, #tpu.memory_space<semaphore_mem>>) src(%dma_wait3A_54 : memref<16x128xf32, #tpu.memory_space<vmem>>) dst(%dma_wait3A_51 : memref<16x128xf32, #tpu.memory_space<vmem_shared>>)
        tpu.yield
      }) : () -> ()
    }
    %scan3A_9 = arith.constant 39 : i32
    %eq3A = arith.constant 15 : i32
    %eq3A_10 = arith.cmpi eq, %arg1, %eq3A : i32
    %convert_element_type3A = arith.extui %eq3A_10 : i1 to i32
    %cond3A = arith.constant 0 : i32
    %cond3A_11 = arith.cmpi ne, %convert_element_type3A, %cond3A : i32
    scf.if %cond3A_11 {
      "tpu.region"() ({
        %run_scoped3A = tpu.sem_alloc : memref<!tpu.dma_semaphore, #tpu.memory_space<semaphore_mem>>
        %dma_start3A = arith.constant 0 : i32
        %dma_start3A_27 = arith.constant 0 : i32
        %dma_start3A_28 = tpu.memref_slice %arg9[%dma_start3A, %dma_start3A_27] : memref<125x128xf32, #tpu.memory_space<vmem>> -> memref<16x128xf32, #tpu.memory_space<vmem>>
        %dma_start3A_29 = arith.constant 9984 : i32
        %dma_start3A_30 = arith.constant 0 : i32
        %dma_start3A_31 = tpu.memref_slice %arg6[%dma_start3A_29, %dma_start3A_30] : memref<10000x128xf32, #tpu.memory_space<vmem_shared>> -> memref<16x128xf32, #tpu.memory_space<vmem_shared>>
        %dma_start3A_32 = arith.constant 9984 : i32
        %dma_start3A_33 = arith.constant 0 : i32
        %dma_start3A_34 = tpu.memref_slice %arg6[%dma_start3A_32, %dma_start3A_33] : memref<10000x128xf32, #tpu.memory_space<vmem_shared>> -> memref<16x128xf32, #tpu.memory_space<vmem_shared>>
        %dma_start3A_35 = arith.constant 0 : i32
        %dma_start3A_36 = arith.constant 0 : i32
        %dma_start3A_37 = tpu.memref_slice %arg9[%dma_start3A_35, %dma_start3A_36] : memref<125x128xf32, #tpu.memory_space<vmem>> -> memref<16x128xf32, #tpu.memory_space<vmem>>
        tpu.enqueue_dma source(%dma_start3A_37 : memref<16x128xf32, #tpu.memory_space<vmem>>) target(%dma_start3A_34 : memref<16x128xf32, #tpu.memory_space<vmem_shared>>) target_semaphore(%run_scoped3A : memref<!tpu.dma_semaphore, #tpu.memory_space<semaphore_mem>>)
        %dma_wait3A = arith.constant 0 : i32
        %dma_wait3A_38 = arith.constant 0 : i32
        %dma_wait3A_39 = tpu.memref_slice %arg9[%dma_wait3A, %dma_wait3A_38] : memref<125x128xf32, #tpu.memory_space<vmem>> -> memref<16x128xf32, #tpu.memory_space<vmem>>
        %dma_wait3A_40 = arith.constant 9984 : i32
        %dma_wait3A_41 = arith.constant 0 : i32
        %dma_wait3A_42 = tpu.memref_slice %arg6[%dma_wait3A_40, %dma_wait3A_41] : memref<10000x128xf32, #tpu.memory_space<vmem_shared>> -> memref<16x128xf32, #tpu.memory_space<vmem_shared>>
        %dma_wait3A_43 = arith.constant 9984 : i32
        %dma_wait3A_44 = arith.constant 0 : i32
        %dma_wait3A_45 = tpu.memref_slice %arg6[%dma_wait3A_43, %dma_wait3A_44] : memref<10000x128xf32, #tpu.memory_space<vmem_shared>> -> memref<16x128xf32, #tpu.memory_space<vmem_shared>>
        %dma_wait3A_46 = arith.constant 0 : i32
        %dma_wait3A_47 = arith.constant 0 : i32
        %dma_wait3A_48 = tpu.memref_slice %arg9[%dma_wait3A_46, %dma_wait3A_47] : memref<125x128xf32, #tpu.memory_space<vmem>> -> memref<16x128xf32, #tpu.memory_space<vmem>>
        tpu.wait_dma2 semaphore(%run_scoped3A : memref<!tpu.dma_semaphore, #tpu.memory_space<semaphore_mem>>) src(%dma_wait3A_48 : memref<16x128xf32, #tpu.memory_space<vmem>>) dst(%dma_wait3A_45 : memref<16x128xf32, #tpu.memory_space<vmem_shared>>)
        tpu.yield
      }) : () -> ()
    } else {
    }
    %barrier3A = arith.constant 0 : index
    tpu.barrier barrier_id(%barrier3A)
    %scan3A_12 = arith.constant 0 : i32
    %scan3A_13 = arith.constant 2 : i32
    %scan3A_14 = arith.addi %scan3A_12, %scan3A_13 : i32
    %scan3A_15 = arith.constant 1 : i32
    scf.for %scan3A_27 = %scan3A_12 to %scan3A_14 step %scan3A_15  : i32 {
      %mul3A_28 = arith.constant 1 : i32
      %mul3A_29 = arith.muli %scan3A_27, %mul3A_28 : i32
      %add3A_30 = arith.constant 0 : i32
      %add3A_31 = arith.addi %add3A_30, %mul3A_29 : i32
      %mul3A_32 = arith.constant 80 : i32
      %mul3A_33 = arith.muli %add3A, %mul3A_32 : i32
      %mul3A_34 = arith.constant 40 : i32
      %mul3A_35 = arith.muli %add3A_31, %mul3A_34 : i32
      %add3A_36 = arith.addi %mul3A_33, %mul3A_35 : i32
      "tpu.region"() ({
        %run_scoped3A_634 = tpu.sem_alloc : memref<!tpu.dma_semaphore, #tpu.memory_space<semaphore_mem>>
        %dma_start3A_635 = arith.constant 0 : i32
        %dma_start3A_636 = tpu.memref_slice %arg3[%add3A_36, %dma_start3A_635] : memref<2560x125xi32, #tpu.memory_space<hbm>> -> memref<40x125xi32, #tpu.memory_space<hbm>>
        %dma_start3A_637 = arith.constant 0 : i32
        %dma_start3A_638 = tpu.memref_slice %arg3[%add3A_36, %dma_start3A_637] : memref<2560x125xi32, #tpu.memory_space<hbm>> -> memref<40x125xi32, #tpu.memory_space<hbm>>
        tpu.enqueue_dma source(%dma_start3A_638 : memref<40x125xi32, #tpu.memory_space<hbm>>) target(%arg7 : memref<40x125xi32, #tpu.memory_space<vmem>>) target_semaphore(%run_scoped3A_634 : memref<!tpu.dma_semaphore, #tpu.memory_space<semaphore_mem>>)
        %dma_wait3A_639 = arith.constant 0 : i32
        %dma_wait3A_640 = tpu.memref_slice %arg3[%add3A_36, %dma_wait3A_639] : memref<2560x125xi32, #tpu.memory_space<hbm>> -> memref<40x125xi32, #tpu.memory_space<hbm>>
        %dma_wait3A_641 = arith.constant 0 : i32
        %dma_wait3A_642 = tpu.memref_slice %arg3[%add3A_36, %dma_wait3A_641] : memref<2560x125xi32, #tpu.memory_space<hbm>> -> memref<40x125xi32, #tpu.memory_space<hbm>>
        tpu.wait_dma2 semaphore(%run_scoped3A_634 : memref<!tpu.dma_semaphore, #tpu.memory_space<semaphore_mem>>) src(%dma_wait3A_642 : memref<40x125xi32, #tpu.memory_space<hbm>>) dst(%arg7 : memref<40x125xi32, #tpu.memory_space<vmem>>)
        tpu.yield
      }) : () -> ()
      "tpu.region"() ({
        %run_scoped3A_634 = tpu.sem_alloc : memref<!tpu.dma_semaphore, #tpu.memory_space<semaphore_mem>>
        %dma_start3A_635 = arith.constant 0 : i32
        %dma_start3A_636 = tpu.memref_slice %arg4[%add3A_36, %dma_start3A_635] : memref<2560x125xi32, #tpu.memory_space<hbm>> -> memref<40x125xi32, #tpu.memory_space<hbm>>
        %dma_start3A_637 = arith.constant 0 : i32
        %dma_start3A_638 = tpu.memref_slice %arg4[%add3A_36, %dma_start3A_637] : memref<2560x125xi32, #tpu.memory_space<hbm>> -> memref<40x125xi32, #tpu.memory_space<hbm>>
        tpu.enqueue_dma source(%dma_start3A_638 : memref<40x125xi32, #tpu.memory_space<hbm>>) target(%arg8 : memref<40x125xi32, #tpu.memory_space<vmem>>) target_semaphore(%run_scoped3A_634 : memref<!tpu.dma_semaphore, #tpu.memory_space<semaphore_mem>>)
        %dma_wait3A_639 = arith.constant 0 : i32
        %dma_wait3A_640 = tpu.memref_slice %arg4[%add3A_36, %dma_wait3A_639] : memref<2560x125xi32, #tpu.memory_space<hbm>> -> memref<40x125xi32, #tpu.memory_space<hbm>>
        %dma_wait3A_641 = arith.constant 0 : i32
        %dma_wait3A_642 = tpu.memref_slice %arg4[%add3A_36, %dma_wait3A_641] : memref<2560x125xi32, #tpu.memory_space<hbm>> -> memref<40x125xi32, #tpu.memory_space<hbm>>
        tpu.wait_dma2 semaphore(%run_scoped3A_634 : memref<!tpu.dma_semaphore, #tpu.memory_space<semaphore_mem>>) src(%dma_wait3A_642 : memref<40x125xi32, #tpu.memory_space<hbm>>) dst(%arg8 : memref<40x125xi32, #tpu.memory_space<vmem>>)
        tpu.yield
      }) : () -> ()
      %dma_start3A = arith.constant 0 : i32
      %dma_start3A_37 = arith.constant 0 : i32
      %dma_start3A_38 = tpu.memref_slice %arg7[%dma_start3A, %dma_start3A_37] : memref<40x125xi32, #tpu.memory_space<vmem>> -> memref<1x125xi32, #tpu.memory_space<vmem>>
      %dma_start3A_39 = tpu.memref_squeeze %dma_start3A_38 : memref<1x125xi32, #tpu.memory_space<vmem>> -> memref<125xi32, #tpu.memory_space<vmem>>
      %dma_start3A_40 = arith.constant 0 : i32
      %dma_start3A_41 = arith.constant 0 : i32
      %dma_start3A_42 = tpu.memref_slice %arg2[%dma_start3A_40, %dma_start3A_41] : memref<10000x128xf32, #tpu.memory_space<hbm>> -> memref<10000x128xf32, #tpu.memory_space<hbm>>
      tpu.enqueue_indirect_dma source(%dma_start3A_42 : memref<10000x128xf32, #tpu.memory_space<hbm>>) target(%arg9 : memref<125x128xf32, #tpu.memory_space<vmem>>) offsets(%dma_start3A_39 : memref<125xi32, #tpu.memory_space<vmem>>) semaphore(%arg11 : memref<!tpu.dma_semaphore, #tpu.memory_space<semaphore_mem>>)
      %dma_start3A_43 = arith.constant 1 : i32
      %dma_start3A_44 = arith.constant 0 : i32
      %dma_start3A_45 = tpu.memref_slice %arg7[%dma_start3A_43, %dma_start3A_44] : memref<40x125xi32, #tpu.memory_space<vmem>> -> memref<1x125xi32, #tpu.memory_space<vmem>>
      %dma_start3A_46 = tpu.memref_squeeze %dma_start3A_45 : memref<1x125xi32, #tpu.memory_space<vmem>> -> memref<125xi32, #tpu.memory_space<vmem>>
      %dma_start3A_47 = arith.constant 0 : i32
      %dma_start3A_48 = arith.constant 0 : i32
      %dma_start3A_49 = tpu.memref_slice %arg2[%dma_start3A_47, %dma_start3A_48] : memref<10000x128xf32, #tpu.memory_space<hbm>> -> memref<10000x128xf32, #tpu.memory_space<hbm>>
      tpu.enqueue_indirect_dma source(%dma_start3A_49 : memref<10000x128xf32, #tpu.memory_space<hbm>>) target(%arg10 : memref<125x128xf32, #tpu.memory_space<vmem>>) offsets(%dma_start3A_46 : memref<125xi32, #tpu.memory_space<vmem>>) semaphore(%arg11 : memref<!tpu.dma_semaphore, #tpu.memory_space<semaphore_mem>>)
      %dma_wait3A = arith.constant 0 : i32
      %dma_wait3A_50 = arith.constant 0 : i32
      %dma_wait3A_51 = tpu.memref_slice %arg7[%dma_wait3A, %dma_wait3A_50] : memref<40x125xi32, #tpu.memory_space<vmem>> -> memref<1x125xi32, #tpu.memory_space<vmem>>
      %dma_wait3A_52 = tpu.memref_squeeze %dma_wait3A_51 : memref<1x125xi32, #tpu.memory_space<vmem>> -> memref<125xi32, #tpu.memory_space<vmem>>
      %dma_wait3A_53 = arith.constant 0 : i32
      %dma_wait3A_54 = arith.constant 0 : i32
      %dma_wait3A_55 = tpu.memref_slice %arg2[%dma_wait3A_53, %dma_wait3A_54] : memref<10000x128xf32, #tpu.memory_space<hbm>> -> memref<10000x128xf32, #tpu.memory_space<hbm>>
      tpu.wait_indirect_dma semaphore(%arg11 : memref<!tpu.dma_semaphore, #tpu.memory_space<semaphore_mem>>) src(%dma_wait3A_55 : memref<10000x128xf32, #tpu.memory_space<hbm>>) dst(%arg9 : memref<125x128xf32, #tpu.memory_space<vmem>>)
      %run_scoped3A = arith.constant 0 : i32
      "tpu.region"() ({
        %run_scoped3A_634 = tpu.sem_alloc : memref<!tpu.dma_semaphore, #tpu.memory_space<semaphore_mem>>
        %dma_start3A_635 = arith.constant 0 : i32
        %dma_start3A_636 = tpu.memref_slice %arg8[%run_scoped3A, %dma_start3A_635] : memref<40x125xi32, #tpu.memory_space<vmem>> -> memref<1x125xi32, #tpu.memory_space<vmem>>
        %dma_start3A_637 = tpu.memref_squeeze %dma_start3A_636 : memref<1x125xi32, #tpu.memory_space<vmem>> -> memref<125xi32, #tpu.memory_space<vmem>>
        %dma_start3A_638 = arith.constant 0 : i32
        %dma_start3A_639 = arith.constant 0 : i32
        %dma_start3A_640 = tpu.memref_slice %arg6[%dma_start3A_638, %dma_start3A_639] : memref<10000x128xf32, #tpu.memory_space<vmem_shared>> -> memref<10000x128xf32, #tpu.memory_space<vmem_shared>>
        tpu.enqueue_indirect_dma source(%arg9 : memref<125x128xf32, #tpu.memory_space<vmem>>) target(%dma_start3A_640 : memref<10000x128xf32, #tpu.memory_space<vmem_shared>>) offsets(%dma_start3A_637 : memref<125xi32, #tpu.memory_space<vmem>>) semaphore(%run_scoped3A_634 : memref<!tpu.dma_semaphore, #tpu.memory_space<semaphore_mem>>) {add = true}
        %dma_wait3A_641 = arith.constant 0 : i32
        %dma_wait3A_642 = tpu.memref_slice %arg8[%run_scoped3A, %dma_wait3A_641] : memref<40x125xi32, #tpu.memory_space<vmem>> -> memref<1x125xi32, #tpu.memory_space<vmem>>
        %dma_wait3A_643 = tpu.memref_squeeze %dma_wait3A_642 : memref<1x125xi32, #tpu.memory_space<vmem>> -> memref<125xi32, #tpu.memory_space<vmem>>
        %dma_wait3A_644 = arith.constant 0 : i32
        %dma_wait3A_645 = arith.constant 0 : i32
        %dma_wait3A_646 = tpu.memref_slice %arg6[%dma_wait3A_644, %dma_wait3A_645] : memref<10000x128xf32, #tpu.memory_space<vmem_shared>> -> memref<10000x128xf32, #tpu.memory_space<vmem_shared>>
        tpu.wait_indirect_dma semaphore(%run_scoped3A_634 : memref<!tpu.dma_semaphore, #tpu.memory_space<semaphore_mem>>) src(%arg9 : memref<125x128xf32, #tpu.memory_space<vmem>>) dst(%dma_wait3A_646 : memref<10000x128xf32, #tpu.memory_space<vmem_shared>>)
        tpu.yield
      }) : () -> ()
      %dma_start3A_56 = arith.constant 2 : i32
      %dma_start3A_57 = arith.constant 0 : i32
      %dma_start3A_58 = tpu.memref_slice %arg7[%dma_start3A_56, %dma_start3A_57] : memref<40x125xi32, #tpu.memory_space<vmem>> -> memref<1x125xi32, #tpu.memory_space<vmem>>
      %dma_start3A_59 = tpu.memref_squeeze %dma_start3A_58 : memref<1x125xi32, #tpu.memory_space<vmem>> -> memref<125xi32, #tpu.memory_space<vmem>>
      %dma_start3A_60 = arith.constant 0 : i32
      %dma_start3A_61 = arith.constant 0 : i32
      %dma_start3A_62 = tpu.memref_slice %arg2[%dma_start3A_60, %dma_start3A_61] : memref<10000x128xf32, #tpu.memory_space<hbm>> -> memref<10000x128xf32, #tpu.memory_space<hbm>>
      tpu.enqueue_indirect_dma source(%dma_start3A_62 : memref<10000x128xf32, #tpu.memory_space<hbm>>) target(%arg9 : memref<125x128xf32, #tpu.memory_space<vmem>>) offsets(%dma_start3A_59 : memref<125xi32, #tpu.memory_space<vmem>>) semaphore(%arg11 : memref<!tpu.dma_semaphore, #tpu.memory_space<semaphore_mem>>)
      %dma_wait3A_63 = arith.constant 1 : i32
      %dma_wait3A_64 = arith.constant 0 : i32
      %dma_wait3A_65 = tpu.memref_slice %arg7[%dma_wait3A_63, %dma_wait3A_64] : memref<40x125xi32, #tpu.memory_space<vmem>> -> memref<1x125xi32, #tpu.memory_space<vmem>>
      %dma_wait3A_66 = tpu.memref_squeeze %dma_wait3A_65 : memref<1x125xi32, #tpu.memory_space<vmem>> -> memref<125xi32, #tpu.memory_space<vmem>>
      %dma_wait3A_67 = arith.constant 0 : i32
      %dma_wait3A_68 = arith.constant 0 : i32
      %dma_wait3A_69 = tpu.memref_slice %arg2[%dma_wait3A_67, %dma_wait3A_68] : memref<10000x128xf32, #tpu.memory_space<hbm>> -> memref<10000x128xf32, #tpu.memory_space<hbm>>
      tpu.wait_indirect_dma semaphore(%arg11 : memref<!tpu.dma_semaphore, #tpu.memory_space<semaphore_mem>>) src(%dma_wait3A_69 : memref<10000x128xf32, #tpu.memory_space<hbm>>) dst(%arg10 : memref<125x128xf32, #tpu.memory_space<vmem>>)
      %run_scoped3A_70 = arith.constant 1 : i32
      "tpu.region"() ({
        %run_scoped3A_634 = tpu.sem_alloc : memref<!tpu.dma_semaphore, #tpu.memory_space<semaphore_mem>>
        %dma_start3A_635 = arith.constant 0 : i32
        %dma_start3A_636 = tpu.memref_slice %arg8[%run_scoped3A_70, %dma_start3A_635] : memref<40x125xi32, #tpu.memory_space<vmem>> -> memref<1x125xi32, #tpu.memory_space<vmem>>
        %dma_start3A_637 = tpu.memref_squeeze %dma_start3A_636 : memref<1x125xi32, #tpu.memory_space<vmem>> -> memref<125xi32, #tpu.memory_space<vmem>>
        %dma_start3A_638 = arith.constant 0 : i32
        %dma_start3A_639 = arith.constant 0 : i32
        %dma_start3A_640 = tpu.memref_slice %arg6[%dma_start3A_638, %dma_start3A_639] : memref<10000x128xf32, #tpu.memory_space<vmem_shared>> -> memref<10000x128xf32, #tpu.memory_space<vmem_shared>>
        tpu.enqueue_indirect_dma source(%arg10 : memref<125x128xf32, #tpu.memory_space<vmem>>) target(%dma_start3A_640 : memref<10000x128xf32, #tpu.memory_space<vmem_shared>>) offsets(%dma_start3A_637 : memref<125xi32, #tpu.memory_space<vmem>>) semaphore(%run_scoped3A_634 : memref<!tpu.dma_semaphore, #tpu.memory_space<semaphore_mem>>) {add = true}
        %dma_wait3A_641 = arith.constant 0 : i32
        %dma_wait3A_642 = tpu.memref_slice %arg8[%run_scoped3A_70, %dma_wait3A_641] : memref<40x125xi32, #tpu.memory_space<vmem>> -> memref<1x125xi32, #tpu.memory_space<vmem>>
        %dma_wait3A_643 = tpu.memref_squeeze %dma_wait3A_642 : memref<1x125xi32, #tpu.memory_space<vmem>> -> memref<125xi32, #tpu.memory_space<vmem>>
        %dma_wait3A_644 = arith.constant 0 : i32
        %dma_wait3A_645 = arith.constant 0 : i32
        %dma_wait3A_646 = tpu.memref_slice %arg6[%dma_wait3A_644, %dma_wait3A_645] : memref<10000x128xf32, #tpu.memory_space<vmem_shared>> -> memref<10000x128xf32, #tpu.memory_space<vmem_shared>>
        tpu.wait_indirect_dma semaphore(%run_scoped3A_634 : memref<!tpu.dma_semaphore, #tpu.memory_space<semaphore_mem>>) src(%arg10 : memref<125x128xf32, #tpu.memory_space<vmem>>) dst(%dma_wait3A_646 : memref<10000x128xf32, #tpu.memory_space<vmem_shared>>)
        tpu.yield
      }) : () -> ()
      %dma_start3A_71 = arith.constant 3 : i32
      %dma_start3A_72 = arith.constant 0 : i32
      %dma_start3A_73 = tpu.memref_slice %arg7[%dma_start3A_71, %dma_start3A_72] : memref<40x125xi32, #tpu.memory_space<vmem>> -> memref<1x125xi32, #tpu.memory_space<vmem>>
      %dma_start3A_74 = tpu.memref_squeeze %dma_start3A_73 : memref<1x125xi32, #tpu.memory_space<vmem>> -> memref<125xi32, #tpu.memory_space<vmem>>
      %dma_start3A_75 = arith.constant 0 : i32
      %dma_start3A_76 = arith.constant 0 : i32
      %dma_start3A_77 = tpu.memref_slice %arg2[%dma_start3A_75, %dma_start3A_76] : memref<10000x128xf32, #tpu.memory_space<hbm>> -> memref<10000x128xf32, #tpu.memory_space<hbm>>
      tpu.enqueue_indirect_dma source(%dma_start3A_77 : memref<10000x128xf32, #tpu.memory_space<hbm>>) target(%arg10 : memref<125x128xf32, #tpu.memory_space<vmem>>) offsets(%dma_start3A_74 : memref<125xi32, #tpu.memory_space<vmem>>) semaphore(%arg11 : memref<!tpu.dma_semaphore, #tpu.memory_space<semaphore_mem>>)
      %dma_wait3A_78 = arith.constant 2 : i32
      %dma_wait3A_79 = arith.constant 0 : i32
      %dma_wait3A_80 = tpu.memref_slice %arg7[%dma_wait3A_78, %dma_wait3A_79] : memref<40x125xi32, #tpu.memory_space<vmem>> -> memref<1x125xi32, #tpu.memory_space<vmem>>
      %dma_wait3A_81 = tpu.memref_squeeze %dma_wait3A_80 : memref<1x125xi32, #tpu.memory_space<vmem>> -> memref<125xi32, #tpu.memory_space<vmem>>
      %dma_wait3A_82 = arith.constant 0 : i32
      %dma_wait3A_83 = arith.constant 0 : i32
      %dma_wait3A_84 = tpu.memref_slice %arg2[%dma_wait3A_82, %dma_wait3A_83] : memref<10000x128xf32, #tpu.memory_space<hbm>> -> memref<10000x128xf32, #tpu.memory_space<hbm>>
      tpu.wait_indirect_dma semaphore(%arg11 : memref<!tpu.dma_semaphore, #tpu.memory_space<semaphore_mem>>) src(%dma_wait3A_84 : memref<10000x128xf32, #tpu.memory_space<hbm>>) dst(%arg9 : memref<125x128xf32, #tpu.memory_space<vmem>>)
      %run_scoped3A_85 = arith.constant 2 : i32
      "tpu.region"() ({
        %run_scoped3A_634 = tpu.sem_alloc : memref<!tpu.dma_semaphore, #tpu.memory_space<semaphore_mem>>
        %dma_start3A_635 = arith.constant 0 : i32
        %dma_start3A_636 = tpu.memref_slice %arg8[%run_scoped3A_85, %dma_start3A_635] : memref<40x125xi32, #tpu.memory_space<vmem>> -> memref<1x125xi32, #tpu.memory_space<vmem>>
        %dma_start3A_637 = tpu.memref_squeeze %dma_start3A_636 : memref<1x125xi32, #tpu.memory_space<vmem>> -> memref<125xi32, #tpu.memory_space<vmem>>
        %dma_start3A_638 = arith.constant 0 : i32
        %dma_start3A_639 = arith.constant 0 : i32
        %dma_start3A_640 = tpu.memref_slice %arg6[%dma_start3A_638, %dma_start3A_639] : memref<10000x128xf32, #tpu.memory_space<vmem_shared>> -> memref<10000x128xf32, #tpu.memory_space<vmem_shared>>
        tpu.enqueue_indirect_dma source(%arg9 : memref<125x128xf32, #tpu.memory_space<vmem>>) target(%dma_start3A_640 : memref<10000x128xf32, #tpu.memory_space<vmem_shared>>) offsets(%dma_start3A_637 : memref<125xi32, #tpu.memory_space<vmem>>) semaphore(%run_scoped3A_634 : memref<!tpu.dma_semaphore, #tpu.memory_space<semaphore_mem>>) {add = true}
        %dma_wait3A_641 = arith.constant 0 : i32
        %dma_wait3A_642 = tpu.memref_slice %arg8[%run_scoped3A_85, %dma_wait3A_641] : memref<40x125xi32, #tpu.memory_space<vmem>> -> memref<1x125xi32, #tpu.memory_space<vmem>>
        %dma_wait3A_643 = tpu.memref_squeeze %dma_wait3A_642 : memref<1x125xi32, #tpu.memory_space<vmem>> -> memref<125xi32, #tpu.memory_space<vmem>>
        %dma_wait3A_644 = arith.constant 0 : i32
        %dma_wait3A_645 = arith.constant 0 : i32
        %dma_wait3A_646 = tpu.memref_slice %arg6[%dma_wait3A_644, %dma_wait3A_645] : memref<10000x128xf32, #tpu.memory_space<vmem_shared>> -> memref<10000x128xf32, #tpu.memory_space<vmem_shared>>
        tpu.wait_indirect_dma semaphore(%run_scoped3A_634 : memref<!tpu.dma_semaphore, #tpu.memory_space<semaphore_mem>>) src(%arg9 : memref<125x128xf32, #tpu.memory_space<vmem>>) dst(%dma_wait3A_646 : memref<10000x128xf32, #tpu.memory_space<vmem_shared>>)
        tpu.yield
      }) : () -> ()
      %dma_start3A_86 = arith.constant 4 : i32
      %dma_start3A_87 = arith.constant 0 : i32
      %dma_start3A_88 = tpu.memref_slice %arg7[%dma_start3A_86, %dma_start3A_87] : memref<40x125xi32, #tpu.memory_space<vmem>> -> memref<1x125xi32, #tpu.memory_space<vmem>>
      %dma_start3A_89 = tpu.memref_squeeze %dma_start3A_88 : memref<1x125xi32, #tpu.memory_space<vmem>> -> memref<125xi32, #tpu.memory_space<vmem>>
      %dma_start3A_90 = arith.constant 0 : i32
      %dma_start3A_91 = arith.constant 0 : i32
      %dma_start3A_92 = tpu.memref_slice %arg2[%dma_start3A_90, %dma_start3A_91] : memref<10000x128xf32, #tpu.memory_space<hbm>> -> memref<10000x128xf32, #tpu.memory_space<hbm>>
      tpu.enqueue_indirect_dma source(%dma_start3A_92 : memref<10000x128xf32, #tpu.memory_space<hbm>>) target(%arg9 : memref<125x128xf32, #tpu.memory_space<vmem>>) offsets(%dma_start3A_89 : memref<125xi32, #tpu.memory_space<vmem>>) semaphore(%arg11 : memref<!tpu.dma_semaphore, #tpu.memory_space<semaphore_mem>>)
      %dma_wait3A_93 = arith.constant 3 : i32
      %dma_wait3A_94 = arith.constant 0 : i32
      %dma_wait3A_95 = tpu.memref_slice %arg7[%dma_wait3A_93, %dma_wait3A_94] : memref<40x125xi32, #tpu.memory_space<vmem>> -> memref<1x125xi32, #tpu.memory_space<vmem>>
      %dma_wait3A_96 = tpu.memref_squeeze %dma_wait3A_95 : memref<1x125xi32, #tpu.memory_space<vmem>> -> memref<125xi32, #tpu.memory_space<vmem>>
      %dma_wait3A_97 = arith.constant 0 : i32
      %dma_wait3A_98 = arith.constant 0 : i32
      %dma_wait3A_99 = tpu.memref_slice %arg2[%dma_wait3A_97, %dma_wait3A_98] : memref<10000x128xf32, #tpu.memory_space<hbm>> -> memref<10000x128xf32, #tpu.memory_space<hbm>>
      tpu.wait_indirect_dma semaphore(%arg11 : memref<!tpu.dma_semaphore, #tpu.memory_space<semaphore_mem>>) src(%dma_wait3A_99 : memref<10000x128xf32, #tpu.memory_space<hbm>>) dst(%arg10 : memref<125x128xf32, #tpu.memory_space<vmem>>)
      %run_scoped3A_100 = arith.constant 3 : i32
      "tpu.region"() ({
        %run_scoped3A_634 = tpu.sem_alloc : memref<!tpu.dma_semaphore, #tpu.memory_space<semaphore_mem>>
        %dma_start3A_635 = arith.constant 0 : i32
        %dma_start3A_636 = tpu.memref_slice %arg8[%run_scoped3A_100, %dma_start3A_635] : memref<40x125xi32, #tpu.memory_space<vmem>> -> memref<1x125xi32, #tpu.memory_space<vmem>>
        %dma_start3A_637 = tpu.memref_squeeze %dma_start3A_636 : memref<1x125xi32, #tpu.memory_space<vmem>> -> memref<125xi32, #tpu.memory_space<vmem>>
        %dma_start3A_638 = arith.constant 0 : i32
        %dma_start3A_639 = arith.constant 0 : i32
        %dma_start3A_640 = tpu.memref_slice %arg6[%dma_start3A_638, %dma_start3A_639] : memref<10000x128xf32, #tpu.memory_space<vmem_shared>> -> memref<10000x128xf32, #tpu.memory_space<vmem_shared>>
        tpu.enqueue_indirect_dma source(%arg10 : memref<125x128xf32, #tpu.memory_space<vmem>>) target(%dma_start3A_640 : memref<10000x128xf32, #tpu.memory_space<vmem_shared>>) offsets(%dma_start3A_637 : memref<125xi32, #tpu.memory_space<vmem>>) semaphore(%run_scoped3A_634 : memref<!tpu.dma_semaphore, #tpu.memory_space<semaphore_mem>>) {add = true}
        %dma_wait3A_641 = arith.constant 0 : i32
        %dma_wait3A_642 = tpu.memref_slice %arg8[%run_scoped3A_100, %dma_wait3A_641] : memref<40x125xi32, #tpu.memory_space<vmem>> -> memref<1x125xi32, #tpu.memory_space<vmem>>
        %dma_wait3A_643 = tpu.memref_squeeze %dma_wait3A_642 : memref<1x125xi32, #tpu.memory_space<vmem>> -> memref<125xi32, #tpu.memory_space<vmem>>
        %dma_wait3A_644 = arith.constant 0 : i32
        %dma_wait3A_645 = arith.constant 0 : i32
        %dma_wait3A_646 = tpu.memref_slice %arg6[%dma_wait3A_644, %dma_wait3A_645] : memref<10000x128xf32, #tpu.memory_space<vmem_shared>> -> memref<10000x128xf32, #tpu.memory_space<vmem_shared>>
        tpu.wait_indirect_dma semaphore(%run_scoped3A_634 : memref<!tpu.dma_semaphore, #tpu.memory_space<semaphore_mem>>) src(%arg10 : memref<125x128xf32, #tpu.memory_space<vmem>>) dst(%dma_wait3A_646 : memref<10000x128xf32, #tpu.memory_space<vmem_shared>>)
        tpu.yield
      }) : () -> ()
      %dma_start3A_101 = arith.constant 5 : i32
      %dma_start3A_102 = arith.constant 0 : i32
      %dma_start3A_103 = tpu.memref_slice %arg7[%dma_start3A_101, %dma_start3A_102] : memref<40x125xi32, #tpu.memory_space<vmem>> -> memref<1x125xi32, #tpu.memory_space<vmem>>
      %dma_start3A_104 = tpu.memref_squeeze %dma_start3A_103 : memref<1x125xi32, #tpu.memory_space<vmem>> -> memref<125xi32, #tpu.memory_space<vmem>>
      %dma_start3A_105 = arith.constant 0 : i32
      %dma_start3A_106 = arith.constant 0 : i32
      %dma_start3A_107 = tpu.memref_slice %arg2[%dma_start3A_105, %dma_start3A_106] : memref<10000x128xf32, #tpu.memory_space<hbm>> -> memref<10000x128xf32, #tpu.memory_space<hbm>>
      tpu.enqueue_indirect_dma source(%dma_start3A_107 : memref<10000x128xf32, #tpu.memory_space<hbm>>) target(%arg10 : memref<125x128xf32, #tpu.memory_space<vmem>>) offsets(%dma_start3A_104 : memref<125xi32, #tpu.memory_space<vmem>>) semaphore(%arg11 : memref<!tpu.dma_semaphore, #tpu.memory_space<semaphore_mem>>)
      %dma_wait3A_108 = arith.constant 4 : i32
      %dma_wait3A_109 = arith.constant 0 : i32
      %dma_wait3A_110 = tpu.memref_slice %arg7[%dma_wait3A_108, %dma_wait3A_109] : memref<40x125xi32, #tpu.memory_space<vmem>> -> memref<1x125xi32, #tpu.memory_space<vmem>>
      %dma_wait3A_111 = tpu.memref_squeeze %dma_wait3A_110 : memref<1x125xi32, #tpu.memory_space<vmem>> -> memref<125xi32, #tpu.memory_space<vmem>>
      %dma_wait3A_112 = arith.constant 0 : i32
      %dma_wait3A_113 = arith.constant 0 : i32
      %dma_wait3A_114 = tpu.memref_slice %arg2[%dma_wait3A_112, %dma_wait3A_113] : memref<10000x128xf32, #tpu.memory_space<hbm>> -> memref<10000x128xf32, #tpu.memory_space<hbm>>
      tpu.wait_indirect_dma semaphore(%arg11 : memref<!tpu.dma_semaphore, #tpu.memory_space<semaphore_mem>>) src(%dma_wait3A_114 : memref<10000x128xf32, #tpu.memory_space<hbm>>) dst(%arg9 : memref<125x128xf32, #tpu.memory_space<vmem>>)
      %run_scoped3A_115 = arith.constant 4 : i32
      "tpu.region"() ({
        %run_scoped3A_634 = tpu.sem_alloc : memref<!tpu.dma_semaphore, #tpu.memory_space<semaphore_mem>>
        %dma_start3A_635 = arith.constant 0 : i32
        %dma_start3A_636 = tpu.memref_slice %arg8[%run_scoped3A_115, %dma_start3A_635] : memref<40x125xi32, #tpu.memory_space<vmem>> -> memref<1x125xi32, #tpu.memory_space<vmem>>
        %dma_start3A_637 = tpu.memref_squeeze %dma_start3A_636 : memref<1x125xi32, #tpu.memory_space<vmem>> -> memref<125xi32, #tpu.memory_space<vmem>>
        %dma_start3A_638 = arith.constant 0 : i32
        %dma_start3A_639 = arith.constant 0 : i32
        %dma_start3A_640 = tpu.memref_slice %arg6[%dma_start3A_638, %dma_start3A_639] : memref<10000x128xf32, #tpu.memory_space<vmem_shared>> -> memref<10000x128xf32, #tpu.memory_space<vmem_shared>>
        tpu.enqueue_indirect_dma source(%arg9 : memref<125x128xf32, #tpu.memory_space<vmem>>) target(%dma_start3A_640 : memref<10000x128xf32, #tpu.memory_space<vmem_shared>>) offsets(%dma_start3A_637 : memref<125xi32, #tpu.memory_space<vmem>>) semaphore(%run_scoped3A_634 : memref<!tpu.dma_semaphore, #tpu.memory_space<semaphore_mem>>) {add = true}
        %dma_wait3A_641 = arith.constant 0 : i32
        %dma_wait3A_642 = tpu.memref_slice %arg8[%run_scoped3A_115, %dma_wait3A_641] : memref<40x125xi32, #tpu.memory_space<vmem>> -> memref<1x125xi32, #tpu.memory_space<vmem>>
        %dma_wait3A_643 = tpu.memref_squeeze %dma_wait3A_642 : memref<1x125xi32, #tpu.memory_space<vmem>> -> memref<125xi32, #tpu.memory_space<vmem>>
        %dma_wait3A_644 = arith.constant 0 : i32
        %dma_wait3A_645 = arith.constant 0 : i32
        %dma_wait3A_646 = tpu.memref_slice %arg6[%dma_wait3A_644, %dma_wait3A_645] : memref<10000x128xf32, #tpu.memory_space<vmem_shared>> -> memref<10000x128xf32, #tpu.memory_space<vmem_shared>>
        tpu.wait_indirect_dma semaphore(%run_scoped3A_634 : memref<!tpu.dma_semaphore, #tpu.memory_space<semaphore_mem>>) src(%arg9 : memref<125x128xf32, #tpu.memory_space<vmem>>) dst(%dma_wait3A_646 : memref<10000x128xf32, #tpu.memory_space<vmem_shared>>)
        tpu.yield
      }) : () -> ()
      %dma_start3A_116 = arith.constant 6 : i32
      %dma_start3A_117 = arith.constant 0 : i32
      %dma_start3A_118 = tpu.memref_slice %arg7[%dma_start3A_116, %dma_start3A_117] : memref<40x125xi32, #tpu.memory_space<vmem>> -> memref<1x125xi32, #tpu.memory_space<vmem>>
      %dma_start3A_119 = tpu.memref_squeeze %dma_start3A_118 : memref<1x125xi32, #tpu.memory_space<vmem>> -> memref<125xi32, #tpu.memory_space<vmem>>
      %dma_start3A_120 = arith.constant 0 : i32
      %dma_start3A_121 = arith.constant 0 : i32
      %dma_start3A_122 = tpu.memref_slice %arg2[%dma_start3A_120, %dma_start3A_121] : memref<10000x128xf32, #tpu.memory_space<hbm>> -> memref<10000x128xf32, #tpu.memory_space<hbm>>
      tpu.enqueue_indirect_dma source(%dma_start3A_122 : memref<10000x128xf32, #tpu.memory_space<hbm>>) target(%arg9 : memref<125x128xf32, #tpu.memory_space<vmem>>) offsets(%dma_start3A_119 : memref<125xi32, #tpu.memory_space<vmem>>) semaphore(%arg11 : memref<!tpu.dma_semaphore, #tpu.memory_space<semaphore_mem>>)
      %dma_wait3A_123 = arith.constant 5 : i32
      %dma_wait3A_124 = arith.constant 0 : i32
      %dma_wait3A_125 = tpu.memref_slice %arg7[%dma_wait3A_123, %dma_wait3A_124] : memref<40x125xi32, #tpu.memory_space<vmem>> -> memref<1x125xi32, #tpu.memory_space<vmem>>
      %dma_wait3A_126 = tpu.memref_squeeze %dma_wait3A_125 : memref<1x125xi32, #tpu.memory_space<vmem>> -> memref<125xi32, #tpu.memory_space<vmem>>
      %dma_wait3A_127 = arith.constant 0 : i32
      %dma_wait3A_128 = arith.constant 0 : i32
      %dma_wait3A_129 = tpu.memref_slice %arg2[%dma_wait3A_127, %dma_wait3A_128] : memref<10000x128xf32, #tpu.memory_space<hbm>> -> memref<10000x128xf32, #tpu.memory_space<hbm>>
      tpu.wait_indirect_dma semaphore(%arg11 : memref<!tpu.dma_semaphore, #tpu.memory_space<semaphore_mem>>) src(%dma_wait3A_129 : memref<10000x128xf32, #tpu.memory_space<hbm>>) dst(%arg10 : memref<125x128xf32, #tpu.memory_space<vmem>>)
      %run_scoped3A_130 = arith.constant 5 : i32
      "tpu.region"() ({
        %run_scoped3A_634 = tpu.sem_alloc : memref<!tpu.dma_semaphore, #tpu.memory_space<semaphore_mem>>
        %dma_start3A_635 = arith.constant 0 : i32
        %dma_start3A_636 = tpu.memref_slice %arg8[%run_scoped3A_130, %dma_start3A_635] : memref<40x125xi32, #tpu.memory_space<vmem>> -> memref<1x125xi32, #tpu.memory_space<vmem>>
        %dma_start3A_637 = tpu.memref_squeeze %dma_start3A_636 : memref<1x125xi32, #tpu.memory_space<vmem>> -> memref<125xi32, #tpu.memory_space<vmem>>
        %dma_start3A_638 = arith.constant 0 : i32
        %dma_start3A_639 = arith.constant 0 : i32
        %dma_start3A_640 = tpu.memref_slice %arg6[%dma_start3A_638, %dma_start3A_639] : memref<10000x128xf32, #tpu.memory_space<vmem_shared>> -> memref<10000x128xf32, #tpu.memory_space<vmem_shared>>
        tpu.enqueue_indirect_dma source(%arg10 : memref<125x128xf32, #tpu.memory_space<vmem>>) target(%dma_start3A_640 : memref<10000x128xf32, #tpu.memory_space<vmem_shared>>) offsets(%dma_start3A_637 : memref<125xi32, #tpu.memory_space<vmem>>) semaphore(%run_scoped3A_634 : memref<!tpu.dma_semaphore, #tpu.memory_space<semaphore_mem>>) {add = true}
        %dma_wait3A_641 = arith.constant 0 : i32
        %dma_wait3A_642 = tpu.memref_slice %arg8[%run_scoped3A_130, %dma_wait3A_641] : memref<40x125xi32, #tpu.memory_space<vmem>> -> memref<1x125xi32, #tpu.memory_space<vmem>>
        %dma_wait3A_643 = tpu.memref_squeeze %dma_wait3A_642 : memref<1x125xi32, #tpu.memory_space<vmem>> -> memref<125xi32, #tpu.memory_space<vmem>>
        %dma_wait3A_644 = arith.constant 0 : i32
        %dma_wait3A_645 = arith.constant 0 : i32
        %dma_wait3A_646 = tpu.memref_slice %arg6[%dma_wait3A_644, %dma_wait3A_645] : memref<10000x128xf32, #tpu.memory_space<vmem_shared>> -> memref<10000x128xf32, #tpu.memory_space<vmem_shared>>
        tpu.wait_indirect_dma semaphore(%run_scoped3A_634 : memref<!tpu.dma_semaphore, #tpu.memory_space<semaphore_mem>>) src(%arg10 : memref<125x128xf32, #tpu.memory_space<vmem>>) dst(%dma_wait3A_646 : memref<10000x128xf32, #tpu.memory_space<vmem_shared>>)
        tpu.yield
      }) : () -> ()
      %dma_start3A_131 = arith.constant 7 : i32
      %dma_start3A_132 = arith.constant 0 : i32
      %dma_start3A_133 = tpu.memref_slice %arg7[%dma_start3A_131, %dma_start3A_132] : memref<40x125xi32, #tpu.memory_space<vmem>> -> memref<1x125xi32, #tpu.memory_space<vmem>>
      %dma_start3A_134 = tpu.memref_squeeze %dma_start3A_133 : memref<1x125xi32, #tpu.memory_space<vmem>> -> memref<125xi32, #tpu.memory_space<vmem>>
      %dma_start3A_135 = arith.constant 0 : i32
      %dma_start3A_136 = arith.constant 0 : i32
      %dma_start3A_137 = tpu.memref_slice %arg2[%dma_start3A_135, %dma_start3A_136] : memref<10000x128xf32, #tpu.memory_space<hbm>> -> memref<10000x128xf32, #tpu.memory_space<hbm>>
      tpu.enqueue_indirect_dma source(%dma_start3A_137 : memref<10000x128xf32, #tpu.memory_space<hbm>>) target(%arg10 : memref<125x128xf32, #tpu.memory_space<vmem>>) offsets(%dma_start3A_134 : memref<125xi32, #tpu.memory_space<vmem>>) semaphore(%arg11 : memref<!tpu.dma_semaphore, #tpu.memory_space<semaphore_mem>>)
      %dma_wait3A_138 = arith.constant 6 : i32
      %dma_wait3A_139 = arith.constant 0 : i32
      %dma_wait3A_140 = tpu.memref_slice %arg7[%dma_wait3A_138, %dma_wait3A_139] : memref<40x125xi32, #tpu.memory_space<vmem>> -> memref<1x125xi32, #tpu.memory_space<vmem>>
      %dma_wait3A_141 = tpu.memref_squeeze %dma_wait3A_140 : memref<1x125xi32, #tpu.memory_space<vmem>> -> memref<125xi32, #tpu.memory_space<vmem>>
      %dma_wait3A_142 = arith.constant 0 : i32
      %dma_wait3A_143 = arith.constant 0 : i32
      %dma_wait3A_144 = tpu.memref_slice %arg2[%dma_wait3A_142, %dma_wait3A_143] : memref<10000x128xf32, #tpu.memory_space<hbm>> -> memref<10000x128xf32, #tpu.memory_space<hbm>>
      tpu.wait_indirect_dma semaphore(%arg11 : memref<!tpu.dma_semaphore, #tpu.memory_space<semaphore_mem>>) src(%dma_wait3A_144 : memref<10000x128xf32, #tpu.memory_space<hbm>>) dst(%arg9 : memref<125x128xf32, #tpu.memory_space<vmem>>)
      %run_scoped3A_145 = arith.constant 6 : i32
      "tpu.region"() ({
        %run_scoped3A_634 = tpu.sem_alloc : memref<!tpu.dma_semaphore, #tpu.memory_space<semaphore_mem>>
        %dma_start3A_635 = arith.constant 0 : i32
        %dma_start3A_636 = tpu.memref_slice %arg8[%run_scoped3A_145, %dma_start3A_635] : memref<40x125xi32, #tpu.memory_space<vmem>> -> memref<1x125xi32, #tpu.memory_space<vmem>>
        %dma_start3A_637 = tpu.memref_squeeze %dma_start3A_636 : memref<1x125xi32, #tpu.memory_space<vmem>> -> memref<125xi32, #tpu.memory_space<vmem>>
        %dma_start3A_638 = arith.constant 0 : i32
        %dma_start3A_639 = arith.constant 0 : i32
        %dma_start3A_640 = tpu.memref_slice %arg6[%dma_start3A_638, %dma_start3A_639] : memref<10000x128xf32, #tpu.memory_space<vmem_shared>> -> memref<10000x128xf32, #tpu.memory_space<vmem_shared>>
        tpu.enqueue_indirect_dma source(%arg9 : memref<125x128xf32, #tpu.memory_space<vmem>>) target(%dma_start3A_640 : memref<10000x128xf32, #tpu.memory_space<vmem_shared>>) offsets(%dma_start3A_637 : memref<125xi32, #tpu.memory_space<vmem>>) semaphore(%run_scoped3A_634 : memref<!tpu.dma_semaphore, #tpu.memory_space<semaphore_mem>>) {add = true}
        %dma_wait3A_641 = arith.constant 0 : i32
        %dma_wait3A_642 = tpu.memref_slice %arg8[%run_scoped3A_145, %dma_wait3A_641] : memref<40x125xi32, #tpu.memory_space<vmem>> -> memref<1x125xi32, #tpu.memory_space<vmem>>
        %dma_wait3A_643 = tpu.memref_squeeze %dma_wait3A_642 : memref<1x125xi32, #tpu.memory_space<vmem>> -> memref<125xi32, #tpu.memory_space<vmem>>
        %dma_wait3A_644 = arith.constant 0 : i32
        %dma_wait3A_645 = arith.constant 0 : i32
        %dma_wait3A_646 = tpu.memref_slice %arg6[%dma_wait3A_644, %dma_wait3A_645] : memref<10000x128xf32, #tpu.memory_space<vmem_shared>> -> memref<10000x128xf32, #tpu.memory_space<vmem_shared>>
        tpu.wait_indirect_dma semaphore(%run_scoped3A_634 : memref<!tpu.dma_semaphore, #tpu.memory_space<semaphore_mem>>) src(%arg9 : memref<125x128xf32, #tpu.memory_space<vmem>>) dst(%dma_wait3A_646 : memref<10000x128xf32, #tpu.memory_space<vmem_shared>>)
        tpu.yield
      }) : () -> ()
      %dma_start3A_146 = arith.constant 8 : i32
      %dma_start3A_147 = arith.constant 0 : i32
      %dma_start3A_148 = tpu.memref_slice %arg7[%dma_start3A_146, %dma_start3A_147] : memref<40x125xi32, #tpu.memory_space<vmem>> -> memref<1x125xi32, #tpu.memory_space<vmem>>
      %dma_start3A_149 = tpu.memref_squeeze %dma_start3A_148 : memref<1x125xi32, #tpu.memory_space<vmem>> -> memref<125xi32, #tpu.memory_space<vmem>>
      %dma_start3A_150 = arith.constant 0 : i32
      %dma_start3A_151 = arith.constant 0 : i32
      %dma_start3A_152 = tpu.memref_slice %arg2[%dma_start3A_150, %dma_start3A_151] : memref<10000x128xf32, #tpu.memory_space<hbm>> -> memref<10000x128xf32, #tpu.memory_space<hbm>>
      tpu.enqueue_indirect_dma source(%dma_start3A_152 : memref<10000x128xf32, #tpu.memory_space<hbm>>) target(%arg9 : memref<125x128xf32, #tpu.memory_space<vmem>>) offsets(%dma_start3A_149 : memref<125xi32, #tpu.memory_space<vmem>>) semaphore(%arg11 : memref<!tpu.dma_semaphore, #tpu.memory_space<semaphore_mem>>)
      %dma_wait3A_153 = arith.constant 7 : i32
      %dma_wait3A_154 = arith.constant 0 : i32
      %dma_wait3A_155 = tpu.memref_slice %arg7[%dma_wait3A_153, %dma_wait3A_154] : memref<40x125xi32, #tpu.memory_space<vmem>> -> memref<1x125xi32, #tpu.memory_space<vmem>>
      %dma_wait3A_156 = tpu.memref_squeeze %dma_wait3A_155 : memref<1x125xi32, #tpu.memory_space<vmem>> -> memref<125xi32, #tpu.memory_space<vmem>>
      %dma_wait3A_157 = arith.constant 0 : i32
      %dma_wait3A_158 = arith.constant 0 : i32
      %dma_wait3A_159 = tpu.memref_slice %arg2[%dma_wait3A_157, %dma_wait3A_158] : memref<10000x128xf32, #tpu.memory_space<hbm>> -> memref<10000x128xf32, #tpu.memory_space<hbm>>
      tpu.wait_indirect_dma semaphore(%arg11 : memref<!tpu.dma_semaphore, #tpu.memory_space<semaphore_mem>>) src(%dma_wait3A_159 : memref<10000x128xf32, #tpu.memory_space<hbm>>) dst(%arg10 : memref<125x128xf32, #tpu.memory_space<vmem>>)
      %run_scoped3A_160 = arith.constant 7 : i32
      "tpu.region"() ({
        %run_scoped3A_634 = tpu.sem_alloc : memref<!tpu.dma_semaphore, #tpu.memory_space<semaphore_mem>>
        %dma_start3A_635 = arith.constant 0 : i32
        %dma_start3A_636 = tpu.memref_slice %arg8[%run_scoped3A_160, %dma_start3A_635] : memref<40x125xi32, #tpu.memory_space<vmem>> -> memref<1x125xi32, #tpu.memory_space<vmem>>
        %dma_start3A_637 = tpu.memref_squeeze %dma_start3A_636 : memref<1x125xi32, #tpu.memory_space<vmem>> -> memref<125xi32, #tpu.memory_space<vmem>>
        %dma_start3A_638 = arith.constant 0 : i32
        %dma_start3A_639 = arith.constant 0 : i32
        %dma_start3A_640 = tpu.memref_slice %arg6[%dma_start3A_638, %dma_start3A_639] : memref<10000x128xf32, #tpu.memory_space<vmem_shared>> -> memref<10000x128xf32, #tpu.memory_space<vmem_shared>>
        tpu.enqueue_indirect_dma source(%arg10 : memref<125x128xf32, #tpu.memory_space<vmem>>) target(%dma_start3A_640 : memref<10000x128xf32, #tpu.memory_space<vmem_shared>>) offsets(%dma_start3A_637 : memref<125xi32, #tpu.memory_space<vmem>>) semaphore(%run_scoped3A_634 : memref<!tpu.dma_semaphore, #tpu.memory_space<semaphore_mem>>) {add = true}
        %dma_wait3A_641 = arith.constant 0 : i32
        %dma_wait3A_642 = tpu.memref_slice %arg8[%run_scoped3A_160, %dma_wait3A_641] : memref<40x125xi32, #tpu.memory_space<vmem>> -> memref<1x125xi32, #tpu.memory_space<vmem>>
        %dma_wait3A_643 = tpu.memref_squeeze %dma_wait3A_642 : memref<1x125xi32, #tpu.memory_space<vmem>> -> memref<125xi32, #tpu.memory_space<vmem>>
        %dma_wait3A_644 = arith.constant 0 : i32
        %dma_wait3A_645 = arith.constant 0 : i32
        %dma_wait3A_646 = tpu.memref_slice %arg6[%dma_wait3A_644, %dma_wait3A_645] : memref<10000x128xf32, #tpu.memory_space<vmem_shared>> -> memref<10000x128xf32, #tpu.memory_space<vmem_shared>>
        tpu.wait_indirect_dma semaphore(%run_scoped3A_634 : memref<!tpu.dma_semaphore, #tpu.memory_space<semaphore_mem>>) src(%arg10 : memref<125x128xf32, #tpu.memory_space<vmem>>) dst(%dma_wait3A_646 : memref<10000x128xf32, #tpu.memory_space<vmem_shared>>)
        tpu.yield
      }) : () -> ()
      %dma_start3A_161 = arith.constant 9 : i32
      %dma_start3A_162 = arith.constant 0 : i32
      %dma_start3A_163 = tpu.memref_slice %arg7[%dma_start3A_161, %dma_start3A_162] : memref<40x125xi32, #tpu.memory_space<vmem>> -> memref<1x125xi32, #tpu.memory_space<vmem>>
      %dma_start3A_164 = tpu.memref_squeeze %dma_start3A_163 : memref<1x125xi32, #tpu.memory_space<vmem>> -> memref<125xi32, #tpu.memory_space<vmem>>
      %dma_start3A_165 = arith.constant 0 : i32
      %dma_start3A_166 = arith.constant 0 : i32
      %dma_start3A_167 = tpu.memref_slice %arg2[%dma_start3A_165, %dma_start3A_166] : memref<10000x128xf32, #tpu.memory_space<hbm>> -> memref<10000x128xf32, #tpu.memory_space<hbm>>
      tpu.enqueue_indirect_dma source(%dma_start3A_167 : memref<10000x128xf32, #tpu.memory_space<hbm>>) target(%arg10 : memref<125x128xf32, #tpu.memory_space<vmem>>) offsets(%dma_start3A_164 : memref<125xi32, #tpu.memory_space<vmem>>) semaphore(%arg11 : memref<!tpu.dma_semaphore, #tpu.memory_space<semaphore_mem>>)
      %dma_wait3A_168 = arith.constant 8 : i32
      %dma_wait3A_169 = arith.constant 0 : i32
      %dma_wait3A_170 = tpu.memref_slice %arg7[%dma_wait3A_168, %dma_wait3A_169] : memref<40x125xi32, #tpu.memory_space<vmem>> -> memref<1x125xi32, #tpu.memory_space<vmem>>
      %dma_wait3A_171 = tpu.memref_squeeze %dma_wait3A_170 : memref<1x125xi32, #tpu.memory_space<vmem>> -> memref<125xi32, #tpu.memory_space<vmem>>
      %dma_wait3A_172 = arith.constant 0 : i32
      %dma_wait3A_173 = arith.constant 0 : i32
      %dma_wait3A_174 = tpu.memref_slice %arg2[%dma_wait3A_172, %dma_wait3A_173] : memref<10000x128xf32, #tpu.memory_space<hbm>> -> memref<10000x128xf32, #tpu.memory_space<hbm>>
      tpu.wait_indirect_dma semaphore(%arg11 : memref<!tpu.dma_semaphore, #tpu.memory_space<semaphore_mem>>) src(%dma_wait3A_174 : memref<10000x128xf32, #tpu.memory_space<hbm>>) dst(%arg9 : memref<125x128xf32, #tpu.memory_space<vmem>>)
      %run_scoped3A_175 = arith.constant 8 : i32
      "tpu.region"() ({
        %run_scoped3A_634 = tpu.sem_alloc : memref<!tpu.dma_semaphore, #tpu.memory_space<semaphore_mem>>
        %dma_start3A_635 = arith.constant 0 : i32
        %dma_start3A_636 = tpu.memref_slice %arg8[%run_scoped3A_175, %dma_start3A_635] : memref<40x125xi32, #tpu.memory_space<vmem>> -> memref<1x125xi32, #tpu.memory_space<vmem>>
        %dma_start3A_637 = tpu.memref_squeeze %dma_start3A_636 : memref<1x125xi32, #tpu.memory_space<vmem>> -> memref<125xi32, #tpu.memory_space<vmem>>
        %dma_start3A_638 = arith.constant 0 : i32
        %dma_start3A_639 = arith.constant 0 : i32
        %dma_start3A_640 = tpu.memref_slice %arg6[%dma_start3A_638, %dma_start3A_639] : memref<10000x128xf32, #tpu.memory_space<vmem_shared>> -> memref<10000x128xf32, #tpu.memory_space<vmem_shared>>
        tpu.enqueue_indirect_dma source(%arg9 : memref<125x128xf32, #tpu.memory_space<vmem>>) target(%dma_start3A_640 : memref<10000x128xf32, #tpu.memory_space<vmem_shared>>) offsets(%dma_start3A_637 : memref<125xi32, #tpu.memory_space<vmem>>) semaphore(%run_scoped3A_634 : memref<!tpu.dma_semaphore, #tpu.memory_space<semaphore_mem>>) {add = true}
        %dma_wait3A_641 = arith.constant 0 : i32
        %dma_wait3A_642 = tpu.memref_slice %arg8[%run_scoped3A_175, %dma_wait3A_641] : memref<40x125xi32, #tpu.memory_space<vmem>> -> memref<1x125xi32, #tpu.memory_space<vmem>>
        %dma_wait3A_643 = tpu.memref_squeeze %dma_wait3A_642 : memref<1x125xi32, #tpu.memory_space<vmem>> -> memref<125xi32, #tpu.memory_space<vmem>>
        %dma_wait3A_644 = arith.constant 0 : i32
        %dma_wait3A_645 = arith.constant 0 : i32
        %dma_wait3A_646 = tpu.memref_slice %arg6[%dma_wait3A_644, %dma_wait3A_645] : memref<10000x128xf32, #tpu.memory_space<vmem_shared>> -> memref<10000x128xf32, #tpu.memory_space<vmem_shared>>
        tpu.wait_indirect_dma semaphore(%run_scoped3A_634 : memref<!tpu.dma_semaphore, #tpu.memory_space<semaphore_mem>>) src(%arg9 : memref<125x128xf32, #tpu.memory_space<vmem>>) dst(%dma_wait3A_646 : memref<10000x128xf32, #tpu.memory_space<vmem_shared>>)
        tpu.yield
      }) : () -> ()
      %dma_start3A_176 = arith.constant 10 : i32
      %dma_start3A_177 = arith.constant 0 : i32
      %dma_start3A_178 = tpu.memref_slice %arg7[%dma_start3A_176, %dma_start3A_177] : memref<40x125xi32, #tpu.memory_space<vmem>> -> memref<1x125xi32, #tpu.memory_space<vmem>>
      %dma_start3A_179 = tpu.memref_squeeze %dma_start3A_178 : memref<1x125xi32, #tpu.memory_space<vmem>> -> memref<125xi32, #tpu.memory_space<vmem>>
      %dma_start3A_180 = arith.constant 0 : i32
      %dma_start3A_181 = arith.constant 0 : i32
      %dma_start3A_182 = tpu.memref_slice %arg2[%dma_start3A_180, %dma_start3A_181] : memref<10000x128xf32, #tpu.memory_space<hbm>> -> memref<10000x128xf32, #tpu.memory_space<hbm>>
      tpu.enqueue_indirect_dma source(%dma_start3A_182 : memref<10000x128xf32, #tpu.memory_space<hbm>>) target(%arg9 : memref<125x128xf32, #tpu.memory_space<vmem>>) offsets(%dma_start3A_179 : memref<125xi32, #tpu.memory_space<vmem>>) semaphore(%arg11 : memref<!tpu.dma_semaphore, #tpu.memory_space<semaphore_mem>>)
      %dma_wait3A_183 = arith.constant 9 : i32
      %dma_wait3A_184 = arith.constant 0 : i32
      %dma_wait3A_185 = tpu.memref_slice %arg7[%dma_wait3A_183, %dma_wait3A_184] : memref<40x125xi32, #tpu.memory_space<vmem>> -> memref<1x125xi32, #tpu.memory_space<vmem>>
      %dma_wait3A_186 = tpu.memref_squeeze %dma_wait3A_185 : memref<1x125xi32, #tpu.memory_space<vmem>> -> memref<125xi32, #tpu.memory_space<vmem>>
      %dma_wait3A_187 = arith.constant 0 : i32
      %dma_wait3A_188 = arith.constant 0 : i32
      %dma_wait3A_189 = tpu.memref_slice %arg2[%dma_wait3A_187, %dma_wait3A_188] : memref<10000x128xf32, #tpu.memory_space<hbm>> -> memref<10000x128xf32, #tpu.memory_space<hbm>>
      tpu.wait_indirect_dma semaphore(%arg11 : memref<!tpu.dma_semaphore, #tpu.memory_space<semaphore_mem>>) src(%dma_wait3A_189 : memref<10000x128xf32, #tpu.memory_space<hbm>>) dst(%arg10 : memref<125x128xf32, #tpu.memory_space<vmem>>)
      %run_scoped3A_190 = arith.constant 9 : i32
      "tpu.region"() ({
        %run_scoped3A_634 = tpu.sem_alloc : memref<!tpu.dma_semaphore, #tpu.memory_space<semaphore_mem>>
        %dma_start3A_635 = arith.constant 0 : i32
        %dma_start3A_636 = tpu.memref_slice %arg8[%run_scoped3A_190, %dma_start3A_635] : memref<40x125xi32, #tpu.memory_space<vmem>> -> memref<1x125xi32, #tpu.memory_space<vmem>>
        %dma_start3A_637 = tpu.memref_squeeze %dma_start3A_636 : memref<1x125xi32, #tpu.memory_space<vmem>> -> memref<125xi32, #tpu.memory_space<vmem>>
        %dma_start3A_638 = arith.constant 0 : i32
        %dma_start3A_639 = arith.constant 0 : i32
        %dma_start3A_640 = tpu.memref_slice %arg6[%dma_start3A_638, %dma_start3A_639] : memref<10000x128xf32, #tpu.memory_space<vmem_shared>> -> memref<10000x128xf32, #tpu.memory_space<vmem_shared>>
        tpu.enqueue_indirect_dma source(%arg10 : memref<125x128xf32, #tpu.memory_space<vmem>>) target(%dma_start3A_640 : memref<10000x128xf32, #tpu.memory_space<vmem_shared>>) offsets(%dma_start3A_637 : memref<125xi32, #tpu.memory_space<vmem>>) semaphore(%run_scoped3A_634 : memref<!tpu.dma_semaphore, #tpu.memory_space<semaphore_mem>>) {add = true}
        %dma_wait3A_641 = arith.constant 0 : i32
        %dma_wait3A_642 = tpu.memref_slice %arg8[%run_scoped3A_190, %dma_wait3A_641] : memref<40x125xi32, #tpu.memory_space<vmem>> -> memref<1x125xi32, #tpu.memory_space<vmem>>
        %dma_wait3A_643 = tpu.memref_squeeze %dma_wait3A_642 : memref<1x125xi32, #tpu.memory_space<vmem>> -> memref<125xi32, #tpu.memory_space<vmem>>
        %dma_wait3A_644 = arith.constant 0 : i32
        %dma_wait3A_645 = arith.constant 0 : i32
        %dma_wait3A_646 = tpu.memref_slice %arg6[%dma_wait3A_644, %dma_wait3A_645] : memref<10000x128xf32, #tpu.memory_space<vmem_shared>> -> memref<10000x128xf32, #tpu.memory_space<vmem_shared>>
        tpu.wait_indirect_dma semaphore(%run_scoped3A_634 : memref<!tpu.dma_semaphore, #tpu.memory_space<semaphore_mem>>) src(%arg10 : memref<125x128xf32, #tpu.memory_space<vmem>>) dst(%dma_wait3A_646 : memref<10000x128xf32, #tpu.memory_space<vmem_shared>>)
        tpu.yield
      }) : () -> ()
      %dma_start3A_191 = arith.constant 11 : i32
      %dma_start3A_192 = arith.constant 0 : i32
      %dma_start3A_193 = tpu.memref_slice %arg7[%dma_start3A_191, %dma_start3A_192] : memref<40x125xi32, #tpu.memory_space<vmem>> -> memref<1x125xi32, #tpu.memory_space<vmem>>
      %dma_start3A_194 = tpu.memref_squeeze %dma_start3A_193 : memref<1x125xi32, #tpu.memory_space<vmem>> -> memref<125xi32, #tpu.memory_space<vmem>>
      %dma_start3A_195 = arith.constant 0 : i32
      %dma_start3A_196 = arith.constant 0 : i32
      %dma_start3A_197 = tpu.memref_slice %arg2[%dma_start3A_195, %dma_start3A_196] : memref<10000x128xf32, #tpu.memory_space<hbm>> -> memref<10000x128xf32, #tpu.memory_space<hbm>>
      tpu.enqueue_indirect_dma source(%dma_start3A_197 : memref<10000x128xf32, #tpu.memory_space<hbm>>) target(%arg10 : memref<125x128xf32, #tpu.memory_space<vmem>>) offsets(%dma_start3A_194 : memref<125xi32, #tpu.memory_space<vmem>>) semaphore(%arg11 : memref<!tpu.dma_semaphore, #tpu.memory_space<semaphore_mem>>)
      %dma_wait3A_198 = arith.constant 10 : i32
      %dma_wait3A_199 = arith.constant 0 : i32
      %dma_wait3A_200 = tpu.memref_slice %arg7[%dma_wait3A_198, %dma_wait3A_199] : memref<40x125xi32, #tpu.memory_space<vmem>> -> memref<1x125xi32, #tpu.memory_space<vmem>>
      %dma_wait3A_201 = tpu.memref_squeeze %dma_wait3A_200 : memref<1x125xi32, #tpu.memory_space<vmem>> -> memref<125xi32, #tpu.memory_space<vmem>>
      %dma_wait3A_202 = arith.constant 0 : i32
      %dma_wait3A_203 = arith.constant 0 : i32
      %dma_wait3A_204 = tpu.memref_slice %arg2[%dma_wait3A_202, %dma_wait3A_203] : memref<10000x128xf32, #tpu.memory_space<hbm>> -> memref<10000x128xf32, #tpu.memory_space<hbm>>
      tpu.wait_indirect_dma semaphore(%arg11 : memref<!tpu.dma_semaphore, #tpu.memory_space<semaphore_mem>>) src(%dma_wait3A_204 : memref<10000x128xf32, #tpu.memory_space<hbm>>) dst(%arg9 : memref<125x128xf32, #tpu.memory_space<vmem>>)
      %run_scoped3A_205 = arith.constant 10 : i32
      "tpu.region"() ({
        %run_scoped3A_634 = tpu.sem_alloc : memref<!tpu.dma_semaphore, #tpu.memory_space<semaphore_mem>>
        %dma_start3A_635 = arith.constant 0 : i32
        %dma_start3A_636 = tpu.memref_slice %arg8[%run_scoped3A_205, %dma_start3A_635] : memref<40x125xi32, #tpu.memory_space<vmem>> -> memref<1x125xi32, #tpu.memory_space<vmem>>
        %dma_start3A_637 = tpu.memref_squeeze %dma_start3A_636 : memref<1x125xi32, #tpu.memory_space<vmem>> -> memref<125xi32, #tpu.memory_space<vmem>>
        %dma_start3A_638 = arith.constant 0 : i32
        %dma_start3A_639 = arith.constant 0 : i32
        %dma_start3A_640 = tpu.memref_slice %arg6[%dma_start3A_638, %dma_start3A_639] : memref<10000x128xf32, #tpu.memory_space<vmem_shared>> -> memref<10000x128xf32, #tpu.memory_space<vmem_shared>>
        tpu.enqueue_indirect_dma source(%arg9 : memref<125x128xf32, #tpu.memory_space<vmem>>) target(%dma_start3A_640 : memref<10000x128xf32, #tpu.memory_space<vmem_shared>>) offsets(%dma_start3A_637 : memref<125xi32, #tpu.memory_space<vmem>>) semaphore(%run_scoped3A_634 : memref<!tpu.dma_semaphore, #tpu.memory_space<semaphore_mem>>) {add = true}
        %dma_wait3A_641 = arith.constant 0 : i32
        %dma_wait3A_642 = tpu.memref_slice %arg8[%run_scoped3A_205, %dma_wait3A_641] : memref<40x125xi32, #tpu.memory_space<vmem>> -> memref<1x125xi32, #tpu.memory_space<vmem>>
        %dma_wait3A_643 = tpu.memref_squeeze %dma_wait3A_642 : memref<1x125xi32, #tpu.memory_space<vmem>> -> memref<125xi32, #tpu.memory_space<vmem>>
        %dma_wait3A_644 = arith.constant 0 : i32
        %dma_wait3A_645 = arith.constant 0 : i32
        %dma_wait3A_646 = tpu.memref_slice %arg6[%dma_wait3A_644, %dma_wait3A_645] : memref<10000x128xf32, #tpu.memory_space<vmem_shared>> -> memref<10000x128xf32, #tpu.memory_space<vmem_shared>>
        tpu.wait_indirect_dma semaphore(%run_scoped3A_634 : memref<!tpu.dma_semaphore, #tpu.memory_space<semaphore_mem>>) src(%arg9 : memref<125x128xf32, #tpu.memory_space<vmem>>) dst(%dma_wait3A_646 : memref<10000x128xf32, #tpu.memory_space<vmem_shared>>)
        tpu.yield
      }) : () -> ()
      %dma_start3A_206 = arith.constant 12 : i32
      %dma_start3A_207 = arith.constant 0 : i32
      %dma_start3A_208 = tpu.memref_slice %arg7[%dma_start3A_206, %dma_start3A_207] : memref<40x125xi32, #tpu.memory_space<vmem>> -> memref<1x125xi32, #tpu.memory_space<vmem>>
      %dma_start3A_209 = tpu.memref_squeeze %dma_start3A_208 : memref<1x125xi32, #tpu.memory_space<vmem>> -> memref<125xi32, #tpu.memory_space<vmem>>
      %dma_start3A_210 = arith.constant 0 : i32
      %dma_start3A_211 = arith.constant 0 : i32
      %dma_start3A_212 = tpu.memref_slice %arg2[%dma_start3A_210, %dma_start3A_211] : memref<10000x128xf32, #tpu.memory_space<hbm>> -> memref<10000x128xf32, #tpu.memory_space<hbm>>
      tpu.enqueue_indirect_dma source(%dma_start3A_212 : memref<10000x128xf32, #tpu.memory_space<hbm>>) target(%arg9 : memref<125x128xf32, #tpu.memory_space<vmem>>) offsets(%dma_start3A_209 : memref<125xi32, #tpu.memory_space<vmem>>) semaphore(%arg11 : memref<!tpu.dma_semaphore, #tpu.memory_space<semaphore_mem>>)
      %dma_wait3A_213 = arith.constant 11 : i32
      %dma_wait3A_214 = arith.constant 0 : i32
      %dma_wait3A_215 = tpu.memref_slice %arg7[%dma_wait3A_213, %dma_wait3A_214] : memref<40x125xi32, #tpu.memory_space<vmem>> -> memref<1x125xi32, #tpu.memory_space<vmem>>
      %dma_wait3A_216 = tpu.memref_squeeze %dma_wait3A_215 : memref<1x125xi32, #tpu.memory_space<vmem>> -> memref<125xi32, #tpu.memory_space<vmem>>
      %dma_wait3A_217 = arith.constant 0 : i32
      %dma_wait3A_218 = arith.constant 0 : i32
      %dma_wait3A_219 = tpu.memref_slice %arg2[%dma_wait3A_217, %dma_wait3A_218] : memref<10000x128xf32, #tpu.memory_space<hbm>> -> memref<10000x128xf32, #tpu.memory_space<hbm>>
      tpu.wait_indirect_dma semaphore(%arg11 : memref<!tpu.dma_semaphore, #tpu.memory_space<semaphore_mem>>) src(%dma_wait3A_219 : memref<10000x128xf32, #tpu.memory_space<hbm>>) dst(%arg10 : memref<125x128xf32, #tpu.memory_space<vmem>>)
      %run_scoped3A_220 = arith.constant 11 : i32
      "tpu.region"() ({
        %run_scoped3A_634 = tpu.sem_alloc : memref<!tpu.dma_semaphore, #tpu.memory_space<semaphore_mem>>
        %dma_start3A_635 = arith.constant 0 : i32
        %dma_start3A_636 = tpu.memref_slice %arg8[%run_scoped3A_220, %dma_start3A_635] : memref<40x125xi32, #tpu.memory_space<vmem>> -> memref<1x125xi32, #tpu.memory_space<vmem>>
        %dma_start3A_637 = tpu.memref_squeeze %dma_start3A_636 : memref<1x125xi32, #tpu.memory_space<vmem>> -> memref<125xi32, #tpu.memory_space<vmem>>
        %dma_start3A_638 = arith.constant 0 : i32
        %dma_start3A_639 = arith.constant 0 : i32
        %dma_start3A_640 = tpu.memref_slice %arg6[%dma_start3A_638, %dma_start3A_639] : memref<10000x128xf32, #tpu.memory_space<vmem_shared>> -> memref<10000x128xf32, #tpu.memory_space<vmem_shared>>
        tpu.enqueue_indirect_dma source(%arg10 : memref<125x128xf32, #tpu.memory_space<vmem>>) target(%dma_start3A_640 : memref<10000x128xf32, #tpu.memory_space<vmem_shared>>) offsets(%dma_start3A_637 : memref<125xi32, #tpu.memory_space<vmem>>) semaphore(%run_scoped3A_634 : memref<!tpu.dma_semaphore, #tpu.memory_space<semaphore_mem>>) {add = true}
        %dma_wait3A_641 = arith.constant 0 : i32
        %dma_wait3A_642 = tpu.memref_slice %arg8[%run_scoped3A_220, %dma_wait3A_641] : memref<40x125xi32, #tpu.memory_space<vmem>> -> memref<1x125xi32, #tpu.memory_space<vmem>>
        %dma_wait3A_643 = tpu.memref_squeeze %dma_wait3A_642 : memref<1x125xi32, #tpu.memory_space<vmem>> -> memref<125xi32, #tpu.memory_space<vmem>>
        %dma_wait3A_644 = arith.constant 0 : i32
        %dma_wait3A_645 = arith.constant 0 : i32
        %dma_wait3A_646 = tpu.memref_slice %arg6[%dma_wait3A_644, %dma_wait3A_645] : memref<10000x128xf32, #tpu.memory_space<vmem_shared>> -> memref<10000x128xf32, #tpu.memory_space<vmem_shared>>
        tpu.wait_indirect_dma semaphore(%run_scoped3A_634 : memref<!tpu.dma_semaphore, #tpu.memory_space<semaphore_mem>>) src(%arg10 : memref<125x128xf32, #tpu.memory_space<vmem>>) dst(%dma_wait3A_646 : memref<10000x128xf32, #tpu.memory_space<vmem_shared>>)
        tpu.yield
      }) : () -> ()
      %dma_start3A_221 = arith.constant 13 : i32
      %dma_start3A_222 = arith.constant 0 : i32
      %dma_start3A_223 = tpu.memref_slice %arg7[%dma_start3A_221, %dma_start3A_222] : memref<40x125xi32, #tpu.memory_space<vmem>> -> memref<1x125xi32, #tpu.memory_space<vmem>>
      %dma_start3A_224 = tpu.memref_squeeze %dma_start3A_223 : memref<1x125xi32, #tpu.memory_space<vmem>> -> memref<125xi32, #tpu.memory_space<vmem>>
      %dma_start3A_225 = arith.constant 0 : i32
      %dma_start3A_226 = arith.constant 0 : i32
      %dma_start3A_227 = tpu.memref_slice %arg2[%dma_start3A_225, %dma_start3A_226] : memref<10000x128xf32, #tpu.memory_space<hbm>> -> memref<10000x128xf32, #tpu.memory_space<hbm>>
      tpu.enqueue_indirect_dma source(%dma_start3A_227 : memref<10000x128xf32, #tpu.memory_space<hbm>>) target(%arg10 : memref<125x128xf32, #tpu.memory_space<vmem>>) offsets(%dma_start3A_224 : memref<125xi32, #tpu.memory_space<vmem>>) semaphore(%arg11 : memref<!tpu.dma_semaphore, #tpu.memory_space<semaphore_mem>>)
      %dma_wait3A_228 = arith.constant 12 : i32
      %dma_wait3A_229 = arith.constant 0 : i32
      %dma_wait3A_230 = tpu.memref_slice %arg7[%dma_wait3A_228, %dma_wait3A_229] : memref<40x125xi32, #tpu.memory_space<vmem>> -> memref<1x125xi32, #tpu.memory_space<vmem>>
      %dma_wait3A_231 = tpu.memref_squeeze %dma_wait3A_230 : memref<1x125xi32, #tpu.memory_space<vmem>> -> memref<125xi32, #tpu.memory_space<vmem>>
      %dma_wait3A_232 = arith.constant 0 : i32
      %dma_wait3A_233 = arith.constant 0 : i32
      %dma_wait3A_234 = tpu.memref_slice %arg2[%dma_wait3A_232, %dma_wait3A_233] : memref<10000x128xf32, #tpu.memory_space<hbm>> -> memref<10000x128xf32, #tpu.memory_space<hbm>>
      tpu.wait_indirect_dma semaphore(%arg11 : memref<!tpu.dma_semaphore, #tpu.memory_space<semaphore_mem>>) src(%dma_wait3A_234 : memref<10000x128xf32, #tpu.memory_space<hbm>>) dst(%arg9 : memref<125x128xf32, #tpu.memory_space<vmem>>)
      %run_scoped3A_235 = arith.constant 12 : i32
      "tpu.region"() ({
        %run_scoped3A_634 = tpu.sem_alloc : memref<!tpu.dma_semaphore, #tpu.memory_space<semaphore_mem>>
        %dma_start3A_635 = arith.constant 0 : i32
        %dma_start3A_636 = tpu.memref_slice %arg8[%run_scoped3A_235, %dma_start3A_635] : memref<40x125xi32, #tpu.memory_space<vmem>> -> memref<1x125xi32, #tpu.memory_space<vmem>>
        %dma_start3A_637 = tpu.memref_squeeze %dma_start3A_636 : memref<1x125xi32, #tpu.memory_space<vmem>> -> memref<125xi32, #tpu.memory_space<vmem>>
        %dma_start3A_638 = arith.constant 0 : i32
        %dma_start3A_639 = arith.constant 0 : i32
        %dma_start3A_640 = tpu.memref_slice %arg6[%dma_start3A_638, %dma_start3A_639] : memref<10000x128xf32, #tpu.memory_space<vmem_shared>> -> memref<10000x128xf32, #tpu.memory_space<vmem_shared>>
        tpu.enqueue_indirect_dma source(%arg9 : memref<125x128xf32, #tpu.memory_space<vmem>>) target(%dma_start3A_640 : memref<10000x128xf32, #tpu.memory_space<vmem_shared>>) offsets(%dma_start3A_637 : memref<125xi32, #tpu.memory_space<vmem>>) semaphore(%run_scoped3A_634 : memref<!tpu.dma_semaphore, #tpu.memory_space<semaphore_mem>>) {add = true}
        %dma_wait3A_641 = arith.constant 0 : i32
        %dma_wait3A_642 = tpu.memref_slice %arg8[%run_scoped3A_235, %dma_wait3A_641] : memref<40x125xi32, #tpu.memory_space<vmem>> -> memref<1x125xi32, #tpu.memory_space<vmem>>
        %dma_wait3A_643 = tpu.memref_squeeze %dma_wait3A_642 : memref<1x125xi32, #tpu.memory_space<vmem>> -> memref<125xi32, #tpu.memory_space<vmem>>
        %dma_wait3A_644 = arith.constant 0 : i32
        %dma_wait3A_645 = arith.constant 0 : i32
        %dma_wait3A_646 = tpu.memref_slice %arg6[%dma_wait3A_644, %dma_wait3A_645] : memref<10000x128xf32, #tpu.memory_space<vmem_shared>> -> memref<10000x128xf32, #tpu.memory_space<vmem_shared>>
        tpu.wait_indirect_dma semaphore(%run_scoped3A_634 : memref<!tpu.dma_semaphore, #tpu.memory_space<semaphore_mem>>) src(%arg9 : memref<125x128xf32, #tpu.memory_space<vmem>>) dst(%dma_wait3A_646 : memref<10000x128xf32, #tpu.memory_space<vmem_shared>>)
        tpu.yield
      }) : () -> ()
      %dma_start3A_236 = arith.constant 14 : i32
      %dma_start3A_237 = arith.constant 0 : i32
      %dma_start3A_238 = tpu.memref_slice %arg7[%dma_start3A_236, %dma_start3A_237] : memref<40x125xi32, #tpu.memory_space<vmem>> -> memref<1x125xi32, #tpu.memory_space<vmem>>
      %dma_start3A_239 = tpu.memref_squeeze %dma_start3A_238 : memref<1x125xi32, #tpu.memory_space<vmem>> -> memref<125xi32, #tpu.memory_space<vmem>>
      %dma_start3A_240 = arith.constant 0 : i32
      %dma_start3A_241 = arith.constant 0 : i32
      %dma_start3A_242 = tpu.memref_slice %arg2[%dma_start3A_240, %dma_start3A_241] : memref<10000x128xf32, #tpu.memory_space<hbm>> -> memref<10000x128xf32, #tpu.memory_space<hbm>>
      tpu.enqueue_indirect_dma source(%dma_start3A_242 : memref<10000x128xf32, #tpu.memory_space<hbm>>) target(%arg9 : memref<125x128xf32, #tpu.memory_space<vmem>>) offsets(%dma_start3A_239 : memref<125xi32, #tpu.memory_space<vmem>>) semaphore(%arg11 : memref<!tpu.dma_semaphore, #tpu.memory_space<semaphore_mem>>)
      %dma_wait3A_243 = arith.constant 13 : i32
      %dma_wait3A_244 = arith.constant 0 : i32
      %dma_wait3A_245 = tpu.memref_slice %arg7[%dma_wait3A_243, %dma_wait3A_244] : memref<40x125xi32, #tpu.memory_space<vmem>> -> memref<1x125xi32, #tpu.memory_space<vmem>>
      %dma_wait3A_246 = tpu.memref_squeeze %dma_wait3A_245 : memref<1x125xi32, #tpu.memory_space<vmem>> -> memref<125xi32, #tpu.memory_space<vmem>>
      %dma_wait3A_247 = arith.constant 0 : i32
      %dma_wait3A_248 = arith.constant 0 : i32
      %dma_wait3A_249 = tpu.memref_slice %arg2[%dma_wait3A_247, %dma_wait3A_248] : memref<10000x128xf32, #tpu.memory_space<hbm>> -> memref<10000x128xf32, #tpu.memory_space<hbm>>
      tpu.wait_indirect_dma semaphore(%arg11 : memref<!tpu.dma_semaphore, #tpu.memory_space<semaphore_mem>>) src(%dma_wait3A_249 : memref<10000x128xf32, #tpu.memory_space<hbm>>) dst(%arg10 : memref<125x128xf32, #tpu.memory_space<vmem>>)
      %run_scoped3A_250 = arith.constant 13 : i32
      "tpu.region"() ({
        %run_scoped3A_634 = tpu.sem_alloc : memref<!tpu.dma_semaphore, #tpu.memory_space<semaphore_mem>>
        %dma_start3A_635 = arith.constant 0 : i32
        %dma_start3A_636 = tpu.memref_slice %arg8[%run_scoped3A_250, %dma_start3A_635] : memref<40x125xi32, #tpu.memory_space<vmem>> -> memref<1x125xi32, #tpu.memory_space<vmem>>
        %dma_start3A_637 = tpu.memref_squeeze %dma_start3A_636 : memref<1x125xi32, #tpu.memory_space<vmem>> -> memref<125xi32, #tpu.memory_space<vmem>>
        %dma_start3A_638 = arith.constant 0 : i32
        %dma_start3A_639 = arith.constant 0 : i32
        %dma_start3A_640 = tpu.memref_slice %arg6[%dma_start3A_638, %dma_start3A_639] : memref<10000x128xf32, #tpu.memory_space<vmem_shared>> -> memref<10000x128xf32, #tpu.memory_space<vmem_shared>>
        tpu.enqueue_indirect_dma source(%arg10 : memref<125x128xf32, #tpu.memory_space<vmem>>) target(%dma_start3A_640 : memref<10000x128xf32, #tpu.memory_space<vmem_shared>>) offsets(%dma_start3A_637 : memref<125xi32, #tpu.memory_space<vmem>>) semaphore(%run_scoped3A_634 : memref<!tpu.dma_semaphore, #tpu.memory_space<semaphore_mem>>) {add = true}
        %dma_wait3A_641 = arith.constant 0 : i32
        %dma_wait3A_642 = tpu.memref_slice %arg8[%run_scoped3A_250, %dma_wait3A_641] : memref<40x125xi32, #tpu.memory_space<vmem>> -> memref<1x125xi32, #tpu.memory_space<vmem>>
        %dma_wait3A_643 = tpu.memref_squeeze %dma_wait3A_642 : memref<1x125xi32, #tpu.memory_space<vmem>> -> memref<125xi32, #tpu.memory_space<vmem>>
        %dma_wait3A_644 = arith.constant 0 : i32
        %dma_wait3A_645 = arith.constant 0 : i32
        %dma_wait3A_646 = tpu.memref_slice %arg6[%dma_wait3A_644, %dma_wait3A_645] : memref<10000x128xf32, #tpu.memory_space<vmem_shared>> -> memref<10000x128xf32, #tpu.memory_space<vmem_shared>>
        tpu.wait_indirect_dma semaphore(%run_scoped3A_634 : memref<!tpu.dma_semaphore, #tpu.memory_space<semaphore_mem>>) src(%arg10 : memref<125x128xf32, #tpu.memory_space<vmem>>) dst(%dma_wait3A_646 : memref<10000x128xf32, #tpu.memory_space<vmem_shared>>)
        tpu.yield
      }) : () -> ()
      %dma_start3A_251 = arith.constant 15 : i32
      %dma_start3A_252 = arith.constant 0 : i32
      %dma_start3A_253 = tpu.memref_slice %arg7[%dma_start3A_251, %dma_start3A_252] : memref<40x125xi32, #tpu.memory_space<vmem>> -> memref<1x125xi32, #tpu.memory_space<vmem>>
      %dma_start3A_254 = tpu.memref_squeeze %dma_start3A_253 : memref<1x125xi32, #tpu.memory_space<vmem>> -> memref<125xi32, #tpu.memory_space<vmem>>
      %dma_start3A_255 = arith.constant 0 : i32
      %dma_start3A_256 = arith.constant 0 : i32
      %dma_start3A_257 = tpu.memref_slice %arg2[%dma_start3A_255, %dma_start3A_256] : memref<10000x128xf32, #tpu.memory_space<hbm>> -> memref<10000x128xf32, #tpu.memory_space<hbm>>
      tpu.enqueue_indirect_dma source(%dma_start3A_257 : memref<10000x128xf32, #tpu.memory_space<hbm>>) target(%arg10 : memref<125x128xf32, #tpu.memory_space<vmem>>) offsets(%dma_start3A_254 : memref<125xi32, #tpu.memory_space<vmem>>) semaphore(%arg11 : memref<!tpu.dma_semaphore, #tpu.memory_space<semaphore_mem>>)
      %dma_wait3A_258 = arith.constant 14 : i32
      %dma_wait3A_259 = arith.constant 0 : i32
      %dma_wait3A_260 = tpu.memref_slice %arg7[%dma_wait3A_258, %dma_wait3A_259] : memref<40x125xi32, #tpu.memory_space<vmem>> -> memref<1x125xi32, #tpu.memory_space<vmem>>
      %dma_wait3A_261 = tpu.memref_squeeze %dma_wait3A_260 : memref<1x125xi32, #tpu.memory_space<vmem>> -> memref<125xi32, #tpu.memory_space<vmem>>
      %dma_wait3A_262 = arith.constant 0 : i32
      %dma_wait3A_263 = arith.constant 0 : i32
      %dma_wait3A_264 = tpu.memref_slice %arg2[%dma_wait3A_262, %dma_wait3A_263] : memref<10000x128xf32, #tpu.memory_space<hbm>> -> memref<10000x128xf32, #tpu.memory_space<hbm>>
      tpu.wait_indirect_dma semaphore(%arg11 : memref<!tpu.dma_semaphore, #tpu.memory_space<semaphore_mem>>) src(%dma_wait3A_264 : memref<10000x128xf32, #tpu.memory_space<hbm>>) dst(%arg9 : memref<125x128xf32, #tpu.memory_space<vmem>>)
      %run_scoped3A_265 = arith.constant 14 : i32
      "tpu.region"() ({
        %run_scoped3A_634 = tpu.sem_alloc : memref<!tpu.dma_semaphore, #tpu.memory_space<semaphore_mem>>
        %dma_start3A_635 = arith.constant 0 : i32
        %dma_start3A_636 = tpu.memref_slice %arg8[%run_scoped3A_265, %dma_start3A_635] : memref<40x125xi32, #tpu.memory_space<vmem>> -> memref<1x125xi32, #tpu.memory_space<vmem>>
        %dma_start3A_637 = tpu.memref_squeeze %dma_start3A_636 : memref<1x125xi32, #tpu.memory_space<vmem>> -> memref<125xi32, #tpu.memory_space<vmem>>
        %dma_start3A_638 = arith.constant 0 : i32
        %dma_start3A_639 = arith.constant 0 : i32
        %dma_start3A_640 = tpu.memref_slice %arg6[%dma_start3A_638, %dma_start3A_639] : memref<10000x128xf32, #tpu.memory_space<vmem_shared>> -> memref<10000x128xf32, #tpu.memory_space<vmem_shared>>
        tpu.enqueue_indirect_dma source(%arg9 : memref<125x128xf32, #tpu.memory_space<vmem>>) target(%dma_start3A_640 : memref<10000x128xf32, #tpu.memory_space<vmem_shared>>) offsets(%dma_start3A_637 : memref<125xi32, #tpu.memory_space<vmem>>) semaphore(%run_scoped3A_634 : memref<!tpu.dma_semaphore, #tpu.memory_space<semaphore_mem>>) {add = true}
        %dma_wait3A_641 = arith.constant 0 : i32
        %dma_wait3A_642 = tpu.memref_slice %arg8[%run_scoped3A_265, %dma_wait3A_641] : memref<40x125xi32, #tpu.memory_space<vmem>> -> memref<1x125xi32, #tpu.memory_space<vmem>>
        %dma_wait3A_643 = tpu.memref_squeeze %dma_wait3A_642 : memref<1x125xi32, #tpu.memory_space<vmem>> -> memref<125xi32, #tpu.memory_space<vmem>>
        %dma_wait3A_644 = arith.constant 0 : i32
        %dma_wait3A_645 = arith.constant 0 : i32
        %dma_wait3A_646 = tpu.memref_slice %arg6[%dma_wait3A_644, %dma_wait3A_645] : memref<10000x128xf32, #tpu.memory_space<vmem_shared>> -> memref<10000x128xf32, #tpu.memory_space<vmem_shared>>
        tpu.wait_indirect_dma semaphore(%run_scoped3A_634 : memref<!tpu.dma_semaphore, #tpu.memory_space<semaphore_mem>>) src(%arg9 : memref<125x128xf32, #tpu.memory_space<vmem>>) dst(%dma_wait3A_646 : memref<10000x128xf32, #tpu.memory_space<vmem_shared>>)
        tpu.yield
      }) : () -> ()
      %dma_start3A_266 = arith.constant 16 : i32
      %dma_start3A_267 = arith.constant 0 : i32
      %dma_start3A_268 = tpu.memref_slice %arg7[%dma_start3A_266, %dma_start3A_267] : memref<40x125xi32, #tpu.memory_space<vmem>> -> memref<1x125xi32, #tpu.memory_space<vmem>>
      %dma_start3A_269 = tpu.memref_squeeze %dma_start3A_268 : memref<1x125xi32, #tpu.memory_space<vmem>> -> memref<125xi32, #tpu.memory_space<vmem>>
      %dma_start3A_270 = arith.constant 0 : i32
      %dma_start3A_271 = arith.constant 0 : i32
      %dma_start3A_272 = tpu.memref_slice %arg2[%dma_start3A_270, %dma_start3A_271] : memref<10000x128xf32, #tpu.memory_space<hbm>> -> memref<10000x128xf32, #tpu.memory_space<hbm>>
      tpu.enqueue_indirect_dma source(%dma_start3A_272 : memref<10000x128xf32, #tpu.memory_space<hbm>>) target(%arg9 : memref<125x128xf32, #tpu.memory_space<vmem>>) offsets(%dma_start3A_269 : memref<125xi32, #tpu.memory_space<vmem>>) semaphore(%arg11 : memref<!tpu.dma_semaphore, #tpu.memory_space<semaphore_mem>>)
      %dma_wait3A_273 = arith.constant 15 : i32
      %dma_wait3A_274 = arith.constant 0 : i32
      %dma_wait3A_275 = tpu.memref_slice %arg7[%dma_wait3A_273, %dma_wait3A_274] : memref<40x125xi32, #tpu.memory_space<vmem>> -> memref<1x125xi32, #tpu.memory_space<vmem>>
      %dma_wait3A_276 = tpu.memref_squeeze %dma_wait3A_275 : memref<1x125xi32, #tpu.memory_space<vmem>> -> memref<125xi32, #tpu.memory_space<vmem>>
      %dma_wait3A_277 = arith.constant 0 : i32
      %dma_wait3A_278 = arith.constant 0 : i32
      %dma_wait3A_279 = tpu.memref_slice %arg2[%dma_wait3A_277, %dma_wait3A_278] : memref<10000x128xf32, #tpu.memory_space<hbm>> -> memref<10000x128xf32, #tpu.memory_space<hbm>>
      tpu.wait_indirect_dma semaphore(%arg11 : memref<!tpu.dma_semaphore, #tpu.memory_space<semaphore_mem>>) src(%dma_wait3A_279 : memref<10000x128xf32, #tpu.memory_space<hbm>>) dst(%arg10 : memref<125x128xf32, #tpu.memory_space<vmem>>)
      %run_scoped3A_280 = arith.constant 15 : i32
      "tpu.region"() ({
        %run_scoped3A_634 = tpu.sem_alloc : memref<!tpu.dma_semaphore, #tpu.memory_space<semaphore_mem>>
        %dma_start3A_635 = arith.constant 0 : i32
        %dma_start3A_636 = tpu.memref_slice %arg8[%run_scoped3A_280, %dma_start3A_635] : memref<40x125xi32, #tpu.memory_space<vmem>> -> memref<1x125xi32, #tpu.memory_space<vmem>>
        %dma_start3A_637 = tpu.memref_squeeze %dma_start3A_636 : memref<1x125xi32, #tpu.memory_space<vmem>> -> memref<125xi32, #tpu.memory_space<vmem>>
        %dma_start3A_638 = arith.constant 0 : i32
        %dma_start3A_639 = arith.constant 0 : i32
        %dma_start3A_640 = tpu.memref_slice %arg6[%dma_start3A_638, %dma_start3A_639] : memref<10000x128xf32, #tpu.memory_space<vmem_shared>> -> memref<10000x128xf32, #tpu.memory_space<vmem_shared>>
        tpu.enqueue_indirect_dma source(%arg10 : memref<125x128xf32, #tpu.memory_space<vmem>>) target(%dma_start3A_640 : memref<10000x128xf32, #tpu.memory_space<vmem_shared>>) offsets(%dma_start3A_637 : memref<125xi32, #tpu.memory_space<vmem>>) semaphore(%run_scoped3A_634 : memref<!tpu.dma_semaphore, #tpu.memory_space<semaphore_mem>>) {add = true}
        %dma_wait3A_641 = arith.constant 0 : i32
        %dma_wait3A_642 = tpu.memref_slice %arg8[%run_scoped3A_280, %dma_wait3A_641] : memref<40x125xi32, #tpu.memory_space<vmem>> -> memref<1x125xi32, #tpu.memory_space<vmem>>
        %dma_wait3A_643 = tpu.memref_squeeze %dma_wait3A_642 : memref<1x125xi32, #tpu.memory_space<vmem>> -> memref<125xi32, #tpu.memory_space<vmem>>
        %dma_wait3A_644 = arith.constant 0 : i32
        %dma_wait3A_645 = arith.constant 0 : i32
        %dma_wait3A_646 = tpu.memref_slice %arg6[%dma_wait3A_644, %dma_wait3A_645] : memref<10000x128xf32, #tpu.memory_space<vmem_shared>> -> memref<10000x128xf32, #tpu.memory_space<vmem_shared>>
        tpu.wait_indirect_dma semaphore(%run_scoped3A_634 : memref<!tpu.dma_semaphore, #tpu.memory_space<semaphore_mem>>) src(%arg10 : memref<125x128xf32, #tpu.memory_space<vmem>>) dst(%dma_wait3A_646 : memref<10000x128xf32, #tpu.memory_space<vmem_shared>>)
        tpu.yield
      }) : () -> ()
      %dma_start3A_281 = arith.constant 17 : i32
      %dma_start3A_282 = arith.constant 0 : i32
      %dma_start3A_283 = tpu.memref_slice %arg7[%dma_start3A_281, %dma_start3A_282] : memref<40x125xi32, #tpu.memory_space<vmem>> -> memref<1x125xi32, #tpu.memory_space<vmem>>
      %dma_start3A_284 = tpu.memref_squeeze %dma_start3A_283 : memref<1x125xi32, #tpu.memory_space<vmem>> -> memref<125xi32, #tpu.memory_space<vmem>>
      %dma_start3A_285 = arith.constant 0 : i32
      %dma_start3A_286 = arith.constant 0 : i32
      %dma_start3A_287 = tpu.memref_slice %arg2[%dma_start3A_285, %dma_start3A_286] : memref<10000x128xf32, #tpu.memory_space<hbm>> -> memref<10000x128xf32, #tpu.memory_space<hbm>>
      tpu.enqueue_indirect_dma source(%dma_start3A_287 : memref<10000x128xf32, #tpu.memory_space<hbm>>) target(%arg10 : memref<125x128xf32, #tpu.memory_space<vmem>>) offsets(%dma_start3A_284 : memref<125xi32, #tpu.memory_space<vmem>>) semaphore(%arg11 : memref<!tpu.dma_semaphore, #tpu.memory_space<semaphore_mem>>)
      %dma_wait3A_288 = arith.constant 16 : i32
      %dma_wait3A_289 = arith.constant 0 : i32
      %dma_wait3A_290 = tpu.memref_slice %arg7[%dma_wait3A_288, %dma_wait3A_289] : memref<40x125xi32, #tpu.memory_space<vmem>> -> memref<1x125xi32, #tpu.memory_space<vmem>>
      %dma_wait3A_291 = tpu.memref_squeeze %dma_wait3A_290 : memref<1x125xi32, #tpu.memory_space<vmem>> -> memref<125xi32, #tpu.memory_space<vmem>>
      %dma_wait3A_292 = arith.constant 0 : i32
      %dma_wait3A_293 = arith.constant 0 : i32
      %dma_wait3A_294 = tpu.memref_slice %arg2[%dma_wait3A_292, %dma_wait3A_293] : memref<10000x128xf32, #tpu.memory_space<hbm>> -> memref<10000x128xf32, #tpu.memory_space<hbm>>
      tpu.wait_indirect_dma semaphore(%arg11 : memref<!tpu.dma_semaphore, #tpu.memory_space<semaphore_mem>>) src(%dma_wait3A_294 : memref<10000x128xf32, #tpu.memory_space<hbm>>) dst(%arg9 : memref<125x128xf32, #tpu.memory_space<vmem>>)
      %run_scoped3A_295 = arith.constant 16 : i32
      "tpu.region"() ({
        %run_scoped3A_634 = tpu.sem_alloc : memref<!tpu.dma_semaphore, #tpu.memory_space<semaphore_mem>>
        %dma_start3A_635 = arith.constant 0 : i32
        %dma_start3A_636 = tpu.memref_slice %arg8[%run_scoped3A_295, %dma_start3A_635] : memref<40x125xi32, #tpu.memory_space<vmem>> -> memref<1x125xi32, #tpu.memory_space<vmem>>
        %dma_start3A_637 = tpu.memref_squeeze %dma_start3A_636 : memref<1x125xi32, #tpu.memory_space<vmem>> -> memref<125xi32, #tpu.memory_space<vmem>>
        %dma_start3A_638 = arith.constant 0 : i32
        %dma_start3A_639 = arith.constant 0 : i32
        %dma_start3A_640 = tpu.memref_slice %arg6[%dma_start3A_638, %dma_start3A_639] : memref<10000x128xf32, #tpu.memory_space<vmem_shared>> -> memref<10000x128xf32, #tpu.memory_space<vmem_shared>>
        tpu.enqueue_indirect_dma source(%arg9 : memref<125x128xf32, #tpu.memory_space<vmem>>) target(%dma_start3A_640 : memref<10000x128xf32, #tpu.memory_space<vmem_shared>>) offsets(%dma_start3A_637 : memref<125xi32, #tpu.memory_space<vmem>>) semaphore(%run_scoped3A_634 : memref<!tpu.dma_semaphore, #tpu.memory_space<semaphore_mem>>) {add = true}
        %dma_wait3A_641 = arith.constant 0 : i32
        %dma_wait3A_642 = tpu.memref_slice %arg8[%run_scoped3A_295, %dma_wait3A_641] : memref<40x125xi32, #tpu.memory_space<vmem>> -> memref<1x125xi32, #tpu.memory_space<vmem>>
        %dma_wait3A_643 = tpu.memref_squeeze %dma_wait3A_642 : memref<1x125xi32, #tpu.memory_space<vmem>> -> memref<125xi32, #tpu.memory_space<vmem>>
        %dma_wait3A_644 = arith.constant 0 : i32
        %dma_wait3A_645 = arith.constant 0 : i32
        %dma_wait3A_646 = tpu.memref_slice %arg6[%dma_wait3A_644, %dma_wait3A_645] : memref<10000x128xf32, #tpu.memory_space<vmem_shared>> -> memref<10000x128xf32, #tpu.memory_space<vmem_shared>>
        tpu.wait_indirect_dma semaphore(%run_scoped3A_634 : memref<!tpu.dma_semaphore, #tpu.memory_space<semaphore_mem>>) src(%arg9 : memref<125x128xf32, #tpu.memory_space<vmem>>) dst(%dma_wait3A_646 : memref<10000x128xf32, #tpu.memory_space<vmem_shared>>)
        tpu.yield
      }) : () -> ()
      %dma_start3A_296 = arith.constant 18 : i32
      %dma_start3A_297 = arith.constant 0 : i32
      %dma_start3A_298 = tpu.memref_slice %arg7[%dma_start3A_296, %dma_start3A_297] : memref<40x125xi32, #tpu.memory_space<vmem>> -> memref<1x125xi32, #tpu.memory_space<vmem>>
      %dma_start3A_299 = tpu.memref_squeeze %dma_start3A_298 : memref<1x125xi32, #tpu.memory_space<vmem>> -> memref<125xi32, #tpu.memory_space<vmem>>
      %dma_start3A_300 = arith.constant 0 : i32
      %dma_start3A_301 = arith.constant 0 : i32
      %dma_start3A_302 = tpu.memref_slice %arg2[%dma_start3A_300, %dma_start3A_301] : memref<10000x128xf32, #tpu.memory_space<hbm>> -> memref<10000x128xf32, #tpu.memory_space<hbm>>
      tpu.enqueue_indirect_dma source(%dma_start3A_302 : memref<10000x128xf32, #tpu.memory_space<hbm>>) target(%arg9 : memref<125x128xf32, #tpu.memory_space<vmem>>) offsets(%dma_start3A_299 : memref<125xi32, #tpu.memory_space<vmem>>) semaphore(%arg11 : memref<!tpu.dma_semaphore, #tpu.memory_space<semaphore_mem>>)
      %dma_wait3A_303 = arith.constant 17 : i32
      %dma_wait3A_304 = arith.constant 0 : i32
      %dma_wait3A_305 = tpu.memref_slice %arg7[%dma_wait3A_303, %dma_wait3A_304] : memref<40x125xi32, #tpu.memory_space<vmem>> -> memref<1x125xi32, #tpu.memory_space<vmem>>
      %dma_wait3A_306 = tpu.memref_squeeze %dma_wait3A_305 : memref<1x125xi32, #tpu.memory_space<vmem>> -> memref<125xi32, #tpu.memory_space<vmem>>
      %dma_wait3A_307 = arith.constant 0 : i32
      %dma_wait3A_308 = arith.constant 0 : i32
      %dma_wait3A_309 = tpu.memref_slice %arg2[%dma_wait3A_307, %dma_wait3A_308] : memref<10000x128xf32, #tpu.memory_space<hbm>> -> memref<10000x128xf32, #tpu.memory_space<hbm>>
      tpu.wait_indirect_dma semaphore(%arg11 : memref<!tpu.dma_semaphore, #tpu.memory_space<semaphore_mem>>) src(%dma_wait3A_309 : memref<10000x128xf32, #tpu.memory_space<hbm>>) dst(%arg10 : memref<125x128xf32, #tpu.memory_space<vmem>>)
      %run_scoped3A_310 = arith.constant 17 : i32
      "tpu.region"() ({
        %run_scoped3A_634 = tpu.sem_alloc : memref<!tpu.dma_semaphore, #tpu.memory_space<semaphore_mem>>
        %dma_start3A_635 = arith.constant 0 : i32
        %dma_start3A_636 = tpu.memref_slice %arg8[%run_scoped3A_310, %dma_start3A_635] : memref<40x125xi32, #tpu.memory_space<vmem>> -> memref<1x125xi32, #tpu.memory_space<vmem>>
        %dma_start3A_637 = tpu.memref_squeeze %dma_start3A_636 : memref<1x125xi32, #tpu.memory_space<vmem>> -> memref<125xi32, #tpu.memory_space<vmem>>
        %dma_start3A_638 = arith.constant 0 : i32
        %dma_start3A_639 = arith.constant 0 : i32
        %dma_start3A_640 = tpu.memref_slice %arg6[%dma_start3A_638, %dma_start3A_639] : memref<10000x128xf32, #tpu.memory_space<vmem_shared>> -> memref<10000x128xf32, #tpu.memory_space<vmem_shared>>
        tpu.enqueue_indirect_dma source(%arg10 : memref<125x128xf32, #tpu.memory_space<vmem>>) target(%dma_start3A_640 : memref<10000x128xf32, #tpu.memory_space<vmem_shared>>) offsets(%dma_start3A_637 : memref<125xi32, #tpu.memory_space<vmem>>) semaphore(%run_scoped3A_634 : memref<!tpu.dma_semaphore, #tpu.memory_space<semaphore_mem>>) {add = true}
        %dma_wait3A_641 = arith.constant 0 : i32
        %dma_wait3A_642 = tpu.memref_slice %arg8[%run_scoped3A_310, %dma_wait3A_641] : memref<40x125xi32, #tpu.memory_space<vmem>> -> memref<1x125xi32, #tpu.memory_space<vmem>>
        %dma_wait3A_643 = tpu.memref_squeeze %dma_wait3A_642 : memref<1x125xi32, #tpu.memory_space<vmem>> -> memref<125xi32, #tpu.memory_space<vmem>>
        %dma_wait3A_644 = arith.constant 0 : i32
        %dma_wait3A_645 = arith.constant 0 : i32
        %dma_wait3A_646 = tpu.memref_slice %arg6[%dma_wait3A_644, %dma_wait3A_645] : memref<10000x128xf32, #tpu.memory_space<vmem_shared>> -> memref<10000x128xf32, #tpu.memory_space<vmem_shared>>
        tpu.wait_indirect_dma semaphore(%run_scoped3A_634 : memref<!tpu.dma_semaphore, #tpu.memory_space<semaphore_mem>>) src(%arg10 : memref<125x128xf32, #tpu.memory_space<vmem>>) dst(%dma_wait3A_646 : memref<10000x128xf32, #tpu.memory_space<vmem_shared>>)
        tpu.yield
      }) : () -> ()
      %dma_start3A_311 = arith.constant 19 : i32
      %dma_start3A_312 = arith.constant 0 : i32
      %dma_start3A_313 = tpu.memref_slice %arg7[%dma_start3A_311, %dma_start3A_312] : memref<40x125xi32, #tpu.memory_space<vmem>> -> memref<1x125xi32, #tpu.memory_space<vmem>>
      %dma_start3A_314 = tpu.memref_squeeze %dma_start3A_313 : memref<1x125xi32, #tpu.memory_space<vmem>> -> memref<125xi32, #tpu.memory_space<vmem>>
      %dma_start3A_315 = arith.constant 0 : i32
      %dma_start3A_316 = arith.constant 0 : i32
      %dma_start3A_317 = tpu.memref_slice %arg2[%dma_start3A_315, %dma_start3A_316] : memref<10000x128xf32, #tpu.memory_space<hbm>> -> memref<10000x128xf32, #tpu.memory_space<hbm>>
      tpu.enqueue_indirect_dma source(%dma_start3A_317 : memref<10000x128xf32, #tpu.memory_space<hbm>>) target(%arg10 : memref<125x128xf32, #tpu.memory_space<vmem>>) offsets(%dma_start3A_314 : memref<125xi32, #tpu.memory_space<vmem>>) semaphore(%arg11 : memref<!tpu.dma_semaphore, #tpu.memory_space<semaphore_mem>>)
      %dma_wait3A_318 = arith.constant 18 : i32
      %dma_wait3A_319 = arith.constant 0 : i32
      %dma_wait3A_320 = tpu.memref_slice %arg7[%dma_wait3A_318, %dma_wait3A_319] : memref<40x125xi32, #tpu.memory_space<vmem>> -> memref<1x125xi32, #tpu.memory_space<vmem>>
      %dma_wait3A_321 = tpu.memref_squeeze %dma_wait3A_320 : memref<1x125xi32, #tpu.memory_space<vmem>> -> memref<125xi32, #tpu.memory_space<vmem>>
      %dma_wait3A_322 = arith.constant 0 : i32
      %dma_wait3A_323 = arith.constant 0 : i32
      %dma_wait3A_324 = tpu.memref_slice %arg2[%dma_wait3A_322, %dma_wait3A_323] : memref<10000x128xf32, #tpu.memory_space<hbm>> -> memref<10000x128xf32, #tpu.memory_space<hbm>>
      tpu.wait_indirect_dma semaphore(%arg11 : memref<!tpu.dma_semaphore, #tpu.memory_space<semaphore_mem>>) src(%dma_wait3A_324 : memref<10000x128xf32, #tpu.memory_space<hbm>>) dst(%arg9 : memref<125x128xf32, #tpu.memory_space<vmem>>)
      %run_scoped3A_325 = arith.constant 18 : i32
      "tpu.region"() ({
        %run_scoped3A_634 = tpu.sem_alloc : memref<!tpu.dma_semaphore, #tpu.memory_space<semaphore_mem>>
        %dma_start3A_635 = arith.constant 0 : i32
        %dma_start3A_636 = tpu.memref_slice %arg8[%run_scoped3A_325, %dma_start3A_635] : memref<40x125xi32, #tpu.memory_space<vmem>> -> memref<1x125xi32, #tpu.memory_space<vmem>>
        %dma_start3A_637 = tpu.memref_squeeze %dma_start3A_636 : memref<1x125xi32, #tpu.memory_space<vmem>> -> memref<125xi32, #tpu.memory_space<vmem>>
        %dma_start3A_638 = arith.constant 0 : i32
        %dma_start3A_639 = arith.constant 0 : i32
        %dma_start3A_640 = tpu.memref_slice %arg6[%dma_start3A_638, %dma_start3A_639] : memref<10000x128xf32, #tpu.memory_space<vmem_shared>> -> memref<10000x128xf32, #tpu.memory_space<vmem_shared>>
        tpu.enqueue_indirect_dma source(%arg9 : memref<125x128xf32, #tpu.memory_space<vmem>>) target(%dma_start3A_640 : memref<10000x128xf32, #tpu.memory_space<vmem_shared>>) offsets(%dma_start3A_637 : memref<125xi32, #tpu.memory_space<vmem>>) semaphore(%run_scoped3A_634 : memref<!tpu.dma_semaphore, #tpu.memory_space<semaphore_mem>>) {add = true}
        %dma_wait3A_641 = arith.constant 0 : i32
        %dma_wait3A_642 = tpu.memref_slice %arg8[%run_scoped3A_325, %dma_wait3A_641] : memref<40x125xi32, #tpu.memory_space<vmem>> -> memref<1x125xi32, #tpu.memory_space<vmem>>
        %dma_wait3A_643 = tpu.memref_squeeze %dma_wait3A_642 : memref<1x125xi32, #tpu.memory_space<vmem>> -> memref<125xi32, #tpu.memory_space<vmem>>
        %dma_wait3A_644 = arith.constant 0 : i32
        %dma_wait3A_645 = arith.constant 0 : i32
        %dma_wait3A_646 = tpu.memref_slice %arg6[%dma_wait3A_644, %dma_wait3A_645] : memref<10000x128xf32, #tpu.memory_space<vmem_shared>> -> memref<10000x128xf32, #tpu.memory_space<vmem_shared>>
        tpu.wait_indirect_dma semaphore(%run_scoped3A_634 : memref<!tpu.dma_semaphore, #tpu.memory_space<semaphore_mem>>) src(%arg9 : memref<125x128xf32, #tpu.memory_space<vmem>>) dst(%dma_wait3A_646 : memref<10000x128xf32, #tpu.memory_space<vmem_shared>>)
        tpu.yield
      }) : () -> ()
      %dma_start3A_326 = arith.constant 20 : i32
      %dma_start3A_327 = arith.constant 0 : i32
      %dma_start3A_328 = tpu.memref_slice %arg7[%dma_start3A_326, %dma_start3A_327] : memref<40x125xi32, #tpu.memory_space<vmem>> -> memref<1x125xi32, #tpu.memory_space<vmem>>
      %dma_start3A_329 = tpu.memref_squeeze %dma_start3A_328 : memref<1x125xi32, #tpu.memory_space<vmem>> -> memref<125xi32, #tpu.memory_space<vmem>>
      %dma_start3A_330 = arith.constant 0 : i32
      %dma_start3A_331 = arith.constant 0 : i32
      %dma_start3A_332 = tpu.memref_slice %arg2[%dma_start3A_330, %dma_start3A_331] : memref<10000x128xf32, #tpu.memory_space<hbm>> -> memref<10000x128xf32, #tpu.memory_space<hbm>>
      tpu.enqueue_indirect_dma source(%dma_start3A_332 : memref<10000x128xf32, #tpu.memory_space<hbm>>) target(%arg9 : memref<125x128xf32, #tpu.memory_space<vmem>>) offsets(%dma_start3A_329 : memref<125xi32, #tpu.memory_space<vmem>>) semaphore(%arg11 : memref<!tpu.dma_semaphore, #tpu.memory_space<semaphore_mem>>)
      %dma_wait3A_333 = arith.constant 19 : i32
      %dma_wait3A_334 = arith.constant 0 : i32
      %dma_wait3A_335 = tpu.memref_slice %arg7[%dma_wait3A_333, %dma_wait3A_334] : memref<40x125xi32, #tpu.memory_space<vmem>> -> memref<1x125xi32, #tpu.memory_space<vmem>>
      %dma_wait3A_336 = tpu.memref_squeeze %dma_wait3A_335 : memref<1x125xi32, #tpu.memory_space<vmem>> -> memref<125xi32, #tpu.memory_space<vmem>>
      %dma_wait3A_337 = arith.constant 0 : i32
      %dma_wait3A_338 = arith.constant 0 : i32
      %dma_wait3A_339 = tpu.memref_slice %arg2[%dma_wait3A_337, %dma_wait3A_338] : memref<10000x128xf32, #tpu.memory_space<hbm>> -> memref<10000x128xf32, #tpu.memory_space<hbm>>
      tpu.wait_indirect_dma semaphore(%arg11 : memref<!tpu.dma_semaphore, #tpu.memory_space<semaphore_mem>>) src(%dma_wait3A_339 : memref<10000x128xf32, #tpu.memory_space<hbm>>) dst(%arg10 : memref<125x128xf32, #tpu.memory_space<vmem>>)
      %run_scoped3A_340 = arith.constant 19 : i32
      "tpu.region"() ({
        %run_scoped3A_634 = tpu.sem_alloc : memref<!tpu.dma_semaphore, #tpu.memory_space<semaphore_mem>>
        %dma_start3A_635 = arith.constant 0 : i32
        %dma_start3A_636 = tpu.memref_slice %arg8[%run_scoped3A_340, %dma_start3A_635] : memref<40x125xi32, #tpu.memory_space<vmem>> -> memref<1x125xi32, #tpu.memory_space<vmem>>
        %dma_start3A_637 = tpu.memref_squeeze %dma_start3A_636 : memref<1x125xi32, #tpu.memory_space<vmem>> -> memref<125xi32, #tpu.memory_space<vmem>>
        %dma_start3A_638 = arith.constant 0 : i32
        %dma_start3A_639 = arith.constant 0 : i32
        %dma_start3A_640 = tpu.memref_slice %arg6[%dma_start3A_638, %dma_start3A_639] : memref<10000x128xf32, #tpu.memory_space<vmem_shared>> -> memref<10000x128xf32, #tpu.memory_space<vmem_shared>>
        tpu.enqueue_indirect_dma source(%arg10 : memref<125x128xf32, #tpu.memory_space<vmem>>) target(%dma_start3A_640 : memref<10000x128xf32, #tpu.memory_space<vmem_shared>>) offsets(%dma_start3A_637 : memref<125xi32, #tpu.memory_space<vmem>>) semaphore(%run_scoped3A_634 : memref<!tpu.dma_semaphore, #tpu.memory_space<semaphore_mem>>) {add = true}
        %dma_wait3A_641 = arith.constant 0 : i32
        %dma_wait3A_642 = tpu.memref_slice %arg8[%run_scoped3A_340, %dma_wait3A_641] : memref<40x125xi32, #tpu.memory_space<vmem>> -> memref<1x125xi32, #tpu.memory_space<vmem>>
        %dma_wait3A_643 = tpu.memref_squeeze %dma_wait3A_642 : memref<1x125xi32, #tpu.memory_space<vmem>> -> memref<125xi32, #tpu.memory_space<vmem>>
        %dma_wait3A_644 = arith.constant 0 : i32
        %dma_wait3A_645 = arith.constant 0 : i32
        %dma_wait3A_646 = tpu.memref_slice %arg6[%dma_wait3A_644, %dma_wait3A_645] : memref<10000x128xf32, #tpu.memory_space<vmem_shared>> -> memref<10000x128xf32, #tpu.memory_space<vmem_shared>>
        tpu.wait_indirect_dma semaphore(%run_scoped3A_634 : memref<!tpu.dma_semaphore, #tpu.memory_space<semaphore_mem>>) src(%arg10 : memref<125x128xf32, #tpu.memory_space<vmem>>) dst(%dma_wait3A_646 : memref<10000x128xf32, #tpu.memory_space<vmem_shared>>)
        tpu.yield
      }) : () -> ()
      %dma_start3A_341 = arith.constant 21 : i32
      %dma_start3A_342 = arith.constant 0 : i32
      %dma_start3A_343 = tpu.memref_slice %arg7[%dma_start3A_341, %dma_start3A_342] : memref<40x125xi32, #tpu.memory_space<vmem>> -> memref<1x125xi32, #tpu.memory_space<vmem>>
      %dma_start3A_344 = tpu.memref_squeeze %dma_start3A_343 : memref<1x125xi32, #tpu.memory_space<vmem>> -> memref<125xi32, #tpu.memory_space<vmem>>
      %dma_start3A_345 = arith.constant 0 : i32
      %dma_start3A_346 = arith.constant 0 : i32
      %dma_start3A_347 = tpu.memref_slice %arg2[%dma_start3A_345, %dma_start3A_346] : memref<10000x128xf32, #tpu.memory_space<hbm>> -> memref<10000x128xf32, #tpu.memory_space<hbm>>
      tpu.enqueue_indirect_dma source(%dma_start3A_347 : memref<10000x128xf32, #tpu.memory_space<hbm>>) target(%arg10 : memref<125x128xf32, #tpu.memory_space<vmem>>) offsets(%dma_start3A_344 : memref<125xi32, #tpu.memory_space<vmem>>) semaphore(%arg11 : memref<!tpu.dma_semaphore, #tpu.memory_space<semaphore_mem>>)
      %dma_wait3A_348 = arith.constant 20 : i32
      %dma_wait3A_349 = arith.constant 0 : i32
      %dma_wait3A_350 = tpu.memref_slice %arg7[%dma_wait3A_348, %dma_wait3A_349] : memref<40x125xi32, #tpu.memory_space<vmem>> -> memref<1x125xi32, #tpu.memory_space<vmem>>
      %dma_wait3A_351 = tpu.memref_squeeze %dma_wait3A_350 : memref<1x125xi32, #tpu.memory_space<vmem>> -> memref<125xi32, #tpu.memory_space<vmem>>
      %dma_wait3A_352 = arith.constant 0 : i32
      %dma_wait3A_353 = arith.constant 0 : i32
      %dma_wait3A_354 = tpu.memref_slice %arg2[%dma_wait3A_352, %dma_wait3A_353] : memref<10000x128xf32, #tpu.memory_space<hbm>> -> memref<10000x128xf32, #tpu.memory_space<hbm>>
      tpu.wait_indirect_dma semaphore(%arg11 : memref<!tpu.dma_semaphore, #tpu.memory_space<semaphore_mem>>) src(%dma_wait3A_354 : memref<10000x128xf32, #tpu.memory_space<hbm>>) dst(%arg9 : memref<125x128xf32, #tpu.memory_space<vmem>>)
      %run_scoped3A_355 = arith.constant 20 : i32
      "tpu.region"() ({
        %run_scoped3A_634 = tpu.sem_alloc : memref<!tpu.dma_semaphore, #tpu.memory_space<semaphore_mem>>
        %dma_start3A_635 = arith.constant 0 : i32
        %dma_start3A_636 = tpu.memref_slice %arg8[%run_scoped3A_355, %dma_start3A_635] : memref<40x125xi32, #tpu.memory_space<vmem>> -> memref<1x125xi32, #tpu.memory_space<vmem>>
        %dma_start3A_637 = tpu.memref_squeeze %dma_start3A_636 : memref<1x125xi32, #tpu.memory_space<vmem>> -> memref<125xi32, #tpu.memory_space<vmem>>
        %dma_start3A_638 = arith.constant 0 : i32
        %dma_start3A_639 = arith.constant 0 : i32
        %dma_start3A_640 = tpu.memref_slice %arg6[%dma_start3A_638, %dma_start3A_639] : memref<10000x128xf32, #tpu.memory_space<vmem_shared>> -> memref<10000x128xf32, #tpu.memory_space<vmem_shared>>
        tpu.enqueue_indirect_dma source(%arg9 : memref<125x128xf32, #tpu.memory_space<vmem>>) target(%dma_start3A_640 : memref<10000x128xf32, #tpu.memory_space<vmem_shared>>) offsets(%dma_start3A_637 : memref<125xi32, #tpu.memory_space<vmem>>) semaphore(%run_scoped3A_634 : memref<!tpu.dma_semaphore, #tpu.memory_space<semaphore_mem>>) {add = true}
        %dma_wait3A_641 = arith.constant 0 : i32
        %dma_wait3A_642 = tpu.memref_slice %arg8[%run_scoped3A_355, %dma_wait3A_641] : memref<40x125xi32, #tpu.memory_space<vmem>> -> memref<1x125xi32, #tpu.memory_space<vmem>>
        %dma_wait3A_643 = tpu.memref_squeeze %dma_wait3A_642 : memref<1x125xi32, #tpu.memory_space<vmem>> -> memref<125xi32, #tpu.memory_space<vmem>>
        %dma_wait3A_644 = arith.constant 0 : i32
        %dma_wait3A_645 = arith.constant 0 : i32
        %dma_wait3A_646 = tpu.memref_slice %arg6[%dma_wait3A_644, %dma_wait3A_645] : memref<10000x128xf32, #tpu.memory_space<vmem_shared>> -> memref<10000x128xf32, #tpu.memory_space<vmem_shared>>
        tpu.wait_indirect_dma semaphore(%run_scoped3A_634 : memref<!tpu.dma_semaphore, #tpu.memory_space<semaphore_mem>>) src(%arg9 : memref<125x128xf32, #tpu.memory_space<vmem>>) dst(%dma_wait3A_646 : memref<10000x128xf32, #tpu.memory_space<vmem_shared>>)
        tpu.yield
      }) : () -> ()
      %dma_start3A_356 = arith.constant 22 : i32
      %dma_start3A_357 = arith.constant 0 : i32
      %dma_start3A_358 = tpu.memref_slice %arg7[%dma_start3A_356, %dma_start3A_357] : memref<40x125xi32, #tpu.memory_space<vmem>> -> memref<1x125xi32, #tpu.memory_space<vmem>>
      %dma_start3A_359 = tpu.memref_squeeze %dma_start3A_358 : memref<1x125xi32, #tpu.memory_space<vmem>> -> memref<125xi32, #tpu.memory_space<vmem>>
      %dma_start3A_360 = arith.constant 0 : i32
      %dma_start3A_361 = arith.constant 0 : i32
      %dma_start3A_362 = tpu.memref_slice %arg2[%dma_start3A_360, %dma_start3A_361] : memref<10000x128xf32, #tpu.memory_space<hbm>> -> memref<10000x128xf32, #tpu.memory_space<hbm>>
      tpu.enqueue_indirect_dma source(%dma_start3A_362 : memref<10000x128xf32, #tpu.memory_space<hbm>>) target(%arg9 : memref<125x128xf32, #tpu.memory_space<vmem>>) offsets(%dma_start3A_359 : memref<125xi32, #tpu.memory_space<vmem>>) semaphore(%arg11 : memref<!tpu.dma_semaphore, #tpu.memory_space<semaphore_mem>>)
      %dma_wait3A_363 = arith.constant 21 : i32
      %dma_wait3A_364 = arith.constant 0 : i32
      %dma_wait3A_365 = tpu.memref_slice %arg7[%dma_wait3A_363, %dma_wait3A_364] : memref<40x125xi32, #tpu.memory_space<vmem>> -> memref<1x125xi32, #tpu.memory_space<vmem>>
      %dma_wait3A_366 = tpu.memref_squeeze %dma_wait3A_365 : memref<1x125xi32, #tpu.memory_space<vmem>> -> memref<125xi32, #tpu.memory_space<vmem>>
      %dma_wait3A_367 = arith.constant 0 : i32
      %dma_wait3A_368 = arith.constant 0 : i32
      %dma_wait3A_369 = tpu.memref_slice %arg2[%dma_wait3A_367, %dma_wait3A_368] : memref<10000x128xf32, #tpu.memory_space<hbm>> -> memref<10000x128xf32, #tpu.memory_space<hbm>>
      tpu.wait_indirect_dma semaphore(%arg11 : memref<!tpu.dma_semaphore, #tpu.memory_space<semaphore_mem>>) src(%dma_wait3A_369 : memref<10000x128xf32, #tpu.memory_space<hbm>>) dst(%arg10 : memref<125x128xf32, #tpu.memory_space<vmem>>)
      %run_scoped3A_370 = arith.constant 21 : i32
      "tpu.region"() ({
        %run_scoped3A_634 = tpu.sem_alloc : memref<!tpu.dma_semaphore, #tpu.memory_space<semaphore_mem>>
        %dma_start3A_635 = arith.constant 0 : i32
        %dma_start3A_636 = tpu.memref_slice %arg8[%run_scoped3A_370, %dma_start3A_635] : memref<40x125xi32, #tpu.memory_space<vmem>> -> memref<1x125xi32, #tpu.memory_space<vmem>>
        %dma_start3A_637 = tpu.memref_squeeze %dma_start3A_636 : memref<1x125xi32, #tpu.memory_space<vmem>> -> memref<125xi32, #tpu.memory_space<vmem>>
        %dma_start3A_638 = arith.constant 0 : i32
        %dma_start3A_639 = arith.constant 0 : i32
        %dma_start3A_640 = tpu.memref_slice %arg6[%dma_start3A_638, %dma_start3A_639] : memref<10000x128xf32, #tpu.memory_space<vmem_shared>> -> memref<10000x128xf32, #tpu.memory_space<vmem_shared>>
        tpu.enqueue_indirect_dma source(%arg10 : memref<125x128xf32, #tpu.memory_space<vmem>>) target(%dma_start3A_640 : memref<10000x128xf32, #tpu.memory_space<vmem_shared>>) offsets(%dma_start3A_637 : memref<125xi32, #tpu.memory_space<vmem>>) semaphore(%run_scoped3A_634 : memref<!tpu.dma_semaphore, #tpu.memory_space<semaphore_mem>>) {add = true}
        %dma_wait3A_641 = arith.constant 0 : i32
        %dma_wait3A_642 = tpu.memref_slice %arg8[%run_scoped3A_370, %dma_wait3A_641] : memref<40x125xi32, #tpu.memory_space<vmem>> -> memref<1x125xi32, #tpu.memory_space<vmem>>
        %dma_wait3A_643 = tpu.memref_squeeze %dma_wait3A_642 : memref<1x125xi32, #tpu.memory_space<vmem>> -> memref<125xi32, #tpu.memory_space<vmem>>
        %dma_wait3A_644 = arith.constant 0 : i32
        %dma_wait3A_645 = arith.constant 0 : i32
        %dma_wait3A_646 = tpu.memref_slice %arg6[%dma_wait3A_644, %dma_wait3A_645] : memref<10000x128xf32, #tpu.memory_space<vmem_shared>> -> memref<10000x128xf32, #tpu.memory_space<vmem_shared>>
        tpu.wait_indirect_dma semaphore(%run_scoped3A_634 : memref<!tpu.dma_semaphore, #tpu.memory_space<semaphore_mem>>) src(%arg10 : memref<125x128xf32, #tpu.memory_space<vmem>>) dst(%dma_wait3A_646 : memref<10000x128xf32, #tpu.memory_space<vmem_shared>>)
        tpu.yield
      }) : () -> ()
      %dma_start3A_371 = arith.constant 23 : i32
      %dma_start3A_372 = arith.constant 0 : i32
      %dma_start3A_373 = tpu.memref_slice %arg7[%dma_start3A_371, %dma_start3A_372] : memref<40x125xi32, #tpu.memory_space<vmem>> -> memref<1x125xi32, #tpu.memory_space<vmem>>
      %dma_start3A_374 = tpu.memref_squeeze %dma_start3A_373 : memref<1x125xi32, #tpu.memory_space<vmem>> -> memref<125xi32, #tpu.memory_space<vmem>>
      %dma_start3A_375 = arith.constant 0 : i32
      %dma_start3A_376 = arith.constant 0 : i32
      %dma_start3A_377 = tpu.memref_slice %arg2[%dma_start3A_375, %dma_start3A_376] : memref<10000x128xf32, #tpu.memory_space<hbm>> -> memref<10000x128xf32, #tpu.memory_space<hbm>>
      tpu.enqueue_indirect_dma source(%dma_start3A_377 : memref<10000x128xf32, #tpu.memory_space<hbm>>) target(%arg10 : memref<125x128xf32, #tpu.memory_space<vmem>>) offsets(%dma_start3A_374 : memref<125xi32, #tpu.memory_space<vmem>>) semaphore(%arg11 : memref<!tpu.dma_semaphore, #tpu.memory_space<semaphore_mem>>)
      %dma_wait3A_378 = arith.constant 22 : i32
      %dma_wait3A_379 = arith.constant 0 : i32
      %dma_wait3A_380 = tpu.memref_slice %arg7[%dma_wait3A_378, %dma_wait3A_379] : memref<40x125xi32, #tpu.memory_space<vmem>> -> memref<1x125xi32, #tpu.memory_space<vmem>>
      %dma_wait3A_381 = tpu.memref_squeeze %dma_wait3A_380 : memref<1x125xi32, #tpu.memory_space<vmem>> -> memref<125xi32, #tpu.memory_space<vmem>>
      %dma_wait3A_382 = arith.constant 0 : i32
      %dma_wait3A_383 = arith.constant 0 : i32
      %dma_wait3A_384 = tpu.memref_slice %arg2[%dma_wait3A_382, %dma_wait3A_383] : memref<10000x128xf32, #tpu.memory_space<hbm>> -> memref<10000x128xf32, #tpu.memory_space<hbm>>
      tpu.wait_indirect_dma semaphore(%arg11 : memref<!tpu.dma_semaphore, #tpu.memory_space<semaphore_mem>>) src(%dma_wait3A_384 : memref<10000x128xf32, #tpu.memory_space<hbm>>) dst(%arg9 : memref<125x128xf32, #tpu.memory_space<vmem>>)
      %run_scoped3A_385 = arith.constant 22 : i32
      "tpu.region"() ({
        %run_scoped3A_634 = tpu.sem_alloc : memref<!tpu.dma_semaphore, #tpu.memory_space<semaphore_mem>>
        %dma_start3A_635 = arith.constant 0 : i32
        %dma_start3A_636 = tpu.memref_slice %arg8[%run_scoped3A_385, %dma_start3A_635] : memref<40x125xi32, #tpu.memory_space<vmem>> -> memref<1x125xi32, #tpu.memory_space<vmem>>
        %dma_start3A_637 = tpu.memref_squeeze %dma_start3A_636 : memref<1x125xi32, #tpu.memory_space<vmem>> -> memref<125xi32, #tpu.memory_space<vmem>>
        %dma_start3A_638 = arith.constant 0 : i32
        %dma_start3A_639 = arith.constant 0 : i32
        %dma_start3A_640 = tpu.memref_slice %arg6[%dma_start3A_638, %dma_start3A_639] : memref<10000x128xf32, #tpu.memory_space<vmem_shared>> -> memref<10000x128xf32, #tpu.memory_space<vmem_shared>>
        tpu.enqueue_indirect_dma source(%arg9 : memref<125x128xf32, #tpu.memory_space<vmem>>) target(%dma_start3A_640 : memref<10000x128xf32, #tpu.memory_space<vmem_shared>>) offsets(%dma_start3A_637 : memref<125xi32, #tpu.memory_space<vmem>>) semaphore(%run_scoped3A_634 : memref<!tpu.dma_semaphore, #tpu.memory_space<semaphore_mem>>) {add = true}
        %dma_wait3A_641 = arith.constant 0 : i32
        %dma_wait3A_642 = tpu.memref_slice %arg8[%run_scoped3A_385, %dma_wait3A_641] : memref<40x125xi32, #tpu.memory_space<vmem>> -> memref<1x125xi32, #tpu.memory_space<vmem>>
        %dma_wait3A_643 = tpu.memref_squeeze %dma_wait3A_642 : memref<1x125xi32, #tpu.memory_space<vmem>> -> memref<125xi32, #tpu.memory_space<vmem>>
        %dma_wait3A_644 = arith.constant 0 : i32
        %dma_wait3A_645 = arith.constant 0 : i32
        %dma_wait3A_646 = tpu.memref_slice %arg6[%dma_wait3A_644, %dma_wait3A_645] : memref<10000x128xf32, #tpu.memory_space<vmem_shared>> -> memref<10000x128xf32, #tpu.memory_space<vmem_shared>>
        tpu.wait_indirect_dma semaphore(%run_scoped3A_634 : memref<!tpu.dma_semaphore, #tpu.memory_space<semaphore_mem>>) src(%arg9 : memref<125x128xf32, #tpu.memory_space<vmem>>) dst(%dma_wait3A_646 : memref<10000x128xf32, #tpu.memory_space<vmem_shared>>)
        tpu.yield
      }) : () -> ()
      %dma_start3A_386 = arith.constant 24 : i32
      %dma_start3A_387 = arith.constant 0 : i32
      %dma_start3A_388 = tpu.memref_slice %arg7[%dma_start3A_386, %dma_start3A_387] : memref<40x125xi32, #tpu.memory_space<vmem>> -> memref<1x125xi32, #tpu.memory_space<vmem>>
      %dma_start3A_389 = tpu.memref_squeeze %dma_start3A_388 : memref<1x125xi32, #tpu.memory_space<vmem>> -> memref<125xi32, #tpu.memory_space<vmem>>
      %dma_start3A_390 = arith.constant 0 : i32
      %dma_start3A_391 = arith.constant 0 : i32
      %dma_start3A_392 = tpu.memref_slice %arg2[%dma_start3A_390, %dma_start3A_391] : memref<10000x128xf32, #tpu.memory_space<hbm>> -> memref<10000x128xf32, #tpu.memory_space<hbm>>
      tpu.enqueue_indirect_dma source(%dma_start3A_392 : memref<10000x128xf32, #tpu.memory_space<hbm>>) target(%arg9 : memref<125x128xf32, #tpu.memory_space<vmem>>) offsets(%dma_start3A_389 : memref<125xi32, #tpu.memory_space<vmem>>) semaphore(%arg11 : memref<!tpu.dma_semaphore, #tpu.memory_space<semaphore_mem>>)
      %dma_wait3A_393 = arith.constant 23 : i32
      %dma_wait3A_394 = arith.constant 0 : i32
      %dma_wait3A_395 = tpu.memref_slice %arg7[%dma_wait3A_393, %dma_wait3A_394] : memref<40x125xi32, #tpu.memory_space<vmem>> -> memref<1x125xi32, #tpu.memory_space<vmem>>
      %dma_wait3A_396 = tpu.memref_squeeze %dma_wait3A_395 : memref<1x125xi32, #tpu.memory_space<vmem>> -> memref<125xi32, #tpu.memory_space<vmem>>
      %dma_wait3A_397 = arith.constant 0 : i32
      %dma_wait3A_398 = arith.constant 0 : i32
      %dma_wait3A_399 = tpu.memref_slice %arg2[%dma_wait3A_397, %dma_wait3A_398] : memref<10000x128xf32, #tpu.memory_space<hbm>> -> memref<10000x128xf32, #tpu.memory_space<hbm>>
      tpu.wait_indirect_dma semaphore(%arg11 : memref<!tpu.dma_semaphore, #tpu.memory_space<semaphore_mem>>) src(%dma_wait3A_399 : memref<10000x128xf32, #tpu.memory_space<hbm>>) dst(%arg10 : memref<125x128xf32, #tpu.memory_space<vmem>>)
      %run_scoped3A_400 = arith.constant 23 : i32
      "tpu.region"() ({
        %run_scoped3A_634 = tpu.sem_alloc : memref<!tpu.dma_semaphore, #tpu.memory_space<semaphore_mem>>
        %dma_start3A_635 = arith.constant 0 : i32
        %dma_start3A_636 = tpu.memref_slice %arg8[%run_scoped3A_400, %dma_start3A_635] : memref<40x125xi32, #tpu.memory_space<vmem>> -> memref<1x125xi32, #tpu.memory_space<vmem>>
        %dma_start3A_637 = tpu.memref_squeeze %dma_start3A_636 : memref<1x125xi32, #tpu.memory_space<vmem>> -> memref<125xi32, #tpu.memory_space<vmem>>
        %dma_start3A_638 = arith.constant 0 : i32
        %dma_start3A_639 = arith.constant 0 : i32
        %dma_start3A_640 = tpu.memref_slice %arg6[%dma_start3A_638, %dma_start3A_639] : memref<10000x128xf32, #tpu.memory_space<vmem_shared>> -> memref<10000x128xf32, #tpu.memory_space<vmem_shared>>
        tpu.enqueue_indirect_dma source(%arg10 : memref<125x128xf32, #tpu.memory_space<vmem>>) target(%dma_start3A_640 : memref<10000x128xf32, #tpu.memory_space<vmem_shared>>) offsets(%dma_start3A_637 : memref<125xi32, #tpu.memory_space<vmem>>) semaphore(%run_scoped3A_634 : memref<!tpu.dma_semaphore, #tpu.memory_space<semaphore_mem>>) {add = true}
        %dma_wait3A_641 = arith.constant 0 : i32
        %dma_wait3A_642 = tpu.memref_slice %arg8[%run_scoped3A_400, %dma_wait3A_641] : memref<40x125xi32, #tpu.memory_space<vmem>> -> memref<1x125xi32, #tpu.memory_space<vmem>>
        %dma_wait3A_643 = tpu.memref_squeeze %dma_wait3A_642 : memref<1x125xi32, #tpu.memory_space<vmem>> -> memref<125xi32, #tpu.memory_space<vmem>>
        %dma_wait3A_644 = arith.constant 0 : i32
        %dma_wait3A_645 = arith.constant 0 : i32
        %dma_wait3A_646 = tpu.memref_slice %arg6[%dma_wait3A_644, %dma_wait3A_645] : memref<10000x128xf32, #tpu.memory_space<vmem_shared>> -> memref<10000x128xf32, #tpu.memory_space<vmem_shared>>
        tpu.wait_indirect_dma semaphore(%run_scoped3A_634 : memref<!tpu.dma_semaphore, #tpu.memory_space<semaphore_mem>>) src(%arg10 : memref<125x128xf32, #tpu.memory_space<vmem>>) dst(%dma_wait3A_646 : memref<10000x128xf32, #tpu.memory_space<vmem_shared>>)
        tpu.yield
      }) : () -> ()
      %dma_start3A_401 = arith.constant 25 : i32
      %dma_start3A_402 = arith.constant 0 : i32
      %dma_start3A_403 = tpu.memref_slice %arg7[%dma_start3A_401, %dma_start3A_402] : memref<40x125xi32, #tpu.memory_space<vmem>> -> memref<1x125xi32, #tpu.memory_space<vmem>>
      %dma_start3A_404 = tpu.memref_squeeze %dma_start3A_403 : memref<1x125xi32, #tpu.memory_space<vmem>> -> memref<125xi32, #tpu.memory_space<vmem>>
      %dma_start3A_405 = arith.constant 0 : i32
      %dma_start3A_406 = arith.constant 0 : i32
      %dma_start3A_407 = tpu.memref_slice %arg2[%dma_start3A_405, %dma_start3A_406] : memref<10000x128xf32, #tpu.memory_space<hbm>> -> memref<10000x128xf32, #tpu.memory_space<hbm>>
      tpu.enqueue_indirect_dma source(%dma_start3A_407 : memref<10000x128xf32, #tpu.memory_space<hbm>>) target(%arg10 : memref<125x128xf32, #tpu.memory_space<vmem>>) offsets(%dma_start3A_404 : memref<125xi32, #tpu.memory_space<vmem>>) semaphore(%arg11 : memref<!tpu.dma_semaphore, #tpu.memory_space<semaphore_mem>>)
      %dma_wait3A_408 = arith.constant 24 : i32
      %dma_wait3A_409 = arith.constant 0 : i32
      %dma_wait3A_410 = tpu.memref_slice %arg7[%dma_wait3A_408, %dma_wait3A_409] : memref<40x125xi32, #tpu.memory_space<vmem>> -> memref<1x125xi32, #tpu.memory_space<vmem>>
      %dma_wait3A_411 = tpu.memref_squeeze %dma_wait3A_410 : memref<1x125xi32, #tpu.memory_space<vmem>> -> memref<125xi32, #tpu.memory_space<vmem>>
      %dma_wait3A_412 = arith.constant 0 : i32
      %dma_wait3A_413 = arith.constant 0 : i32
      %dma_wait3A_414 = tpu.memref_slice %arg2[%dma_wait3A_412, %dma_wait3A_413] : memref<10000x128xf32, #tpu.memory_space<hbm>> -> memref<10000x128xf32, #tpu.memory_space<hbm>>
      tpu.wait_indirect_dma semaphore(%arg11 : memref<!tpu.dma_semaphore, #tpu.memory_space<semaphore_mem>>) src(%dma_wait3A_414 : memref<10000x128xf32, #tpu.memory_space<hbm>>) dst(%arg9 : memref<125x128xf32, #tpu.memory_space<vmem>>)
      %run_scoped3A_415 = arith.constant 24 : i32
      "tpu.region"() ({
        %run_scoped3A_634 = tpu.sem_alloc : memref<!tpu.dma_semaphore, #tpu.memory_space<semaphore_mem>>
        %dma_start3A_635 = arith.constant 0 : i32
        %dma_start3A_636 = tpu.memref_slice %arg8[%run_scoped3A_415, %dma_start3A_635] : memref<40x125xi32, #tpu.memory_space<vmem>> -> memref<1x125xi32, #tpu.memory_space<vmem>>
        %dma_start3A_637 = tpu.memref_squeeze %dma_start3A_636 : memref<1x125xi32, #tpu.memory_space<vmem>> -> memref<125xi32, #tpu.memory_space<vmem>>
        %dma_start3A_638 = arith.constant 0 : i32
        %dma_start3A_639 = arith.constant 0 : i32
        %dma_start3A_640 = tpu.memref_slice %arg6[%dma_start3A_638, %dma_start3A_639] : memref<10000x128xf32, #tpu.memory_space<vmem_shared>> -> memref<10000x128xf32, #tpu.memory_space<vmem_shared>>
        tpu.enqueue_indirect_dma source(%arg9 : memref<125x128xf32, #tpu.memory_space<vmem>>) target(%dma_start3A_640 : memref<10000x128xf32, #tpu.memory_space<vmem_shared>>) offsets(%dma_start3A_637 : memref<125xi32, #tpu.memory_space<vmem>>) semaphore(%run_scoped3A_634 : memref<!tpu.dma_semaphore, #tpu.memory_space<semaphore_mem>>) {add = true}
        %dma_wait3A_641 = arith.constant 0 : i32
        %dma_wait3A_642 = tpu.memref_slice %arg8[%run_scoped3A_415, %dma_wait3A_641] : memref<40x125xi32, #tpu.memory_space<vmem>> -> memref<1x125xi32, #tpu.memory_space<vmem>>
        %dma_wait3A_643 = tpu.memref_squeeze %dma_wait3A_642 : memref<1x125xi32, #tpu.memory_space<vmem>> -> memref<125xi32, #tpu.memory_space<vmem>>
        %dma_wait3A_644 = arith.constant 0 : i32
        %dma_wait3A_645 = arith.constant 0 : i32
        %dma_wait3A_646 = tpu.memref_slice %arg6[%dma_wait3A_644, %dma_wait3A_645] : memref<10000x128xf32, #tpu.memory_space<vmem_shared>> -> memref<10000x128xf32, #tpu.memory_space<vmem_shared>>
        tpu.wait_indirect_dma semaphore(%run_scoped3A_634 : memref<!tpu.dma_semaphore, #tpu.memory_space<semaphore_mem>>) src(%arg9 : memref<125x128xf32, #tpu.memory_space<vmem>>) dst(%dma_wait3A_646 : memref<10000x128xf32, #tpu.memory_space<vmem_shared>>)
        tpu.yield
      }) : () -> ()
      %dma_start3A_416 = arith.constant 26 : i32
      %dma_start3A_417 = arith.constant 0 : i32
      %dma_start3A_418 = tpu.memref_slice %arg7[%dma_start3A_416, %dma_start3A_417] : memref<40x125xi32, #tpu.memory_space<vmem>> -> memref<1x125xi32, #tpu.memory_space<vmem>>
      %dma_start3A_419 = tpu.memref_squeeze %dma_start3A_418 : memref<1x125xi32, #tpu.memory_space<vmem>> -> memref<125xi32, #tpu.memory_space<vmem>>
      %dma_start3A_420 = arith.constant 0 : i32
      %dma_start3A_421 = arith.constant 0 : i32
      %dma_start3A_422 = tpu.memref_slice %arg2[%dma_start3A_420, %dma_start3A_421] : memref<10000x128xf32, #tpu.memory_space<hbm>> -> memref<10000x128xf32, #tpu.memory_space<hbm>>
      tpu.enqueue_indirect_dma source(%dma_start3A_422 : memref<10000x128xf32, #tpu.memory_space<hbm>>) target(%arg9 : memref<125x128xf32, #tpu.memory_space<vmem>>) offsets(%dma_start3A_419 : memref<125xi32, #tpu.memory_space<vmem>>) semaphore(%arg11 : memref<!tpu.dma_semaphore, #tpu.memory_space<semaphore_mem>>)
      %dma_wait3A_423 = arith.constant 25 : i32
      %dma_wait3A_424 = arith.constant 0 : i32
      %dma_wait3A_425 = tpu.memref_slice %arg7[%dma_wait3A_423, %dma_wait3A_424] : memref<40x125xi32, #tpu.memory_space<vmem>> -> memref<1x125xi32, #tpu.memory_space<vmem>>
      %dma_wait3A_426 = tpu.memref_squeeze %dma_wait3A_425 : memref<1x125xi32, #tpu.memory_space<vmem>> -> memref<125xi32, #tpu.memory_space<vmem>>
      %dma_wait3A_427 = arith.constant 0 : i32
      %dma_wait3A_428 = arith.constant 0 : i32
      %dma_wait3A_429 = tpu.memref_slice %arg2[%dma_wait3A_427, %dma_wait3A_428] : memref<10000x128xf32, #tpu.memory_space<hbm>> -> memref<10000x128xf32, #tpu.memory_space<hbm>>
      tpu.wait_indirect_dma semaphore(%arg11 : memref<!tpu.dma_semaphore, #tpu.memory_space<semaphore_mem>>) src(%dma_wait3A_429 : memref<10000x128xf32, #tpu.memory_space<hbm>>) dst(%arg10 : memref<125x128xf32, #tpu.memory_space<vmem>>)
      %run_scoped3A_430 = arith.constant 25 : i32
      "tpu.region"() ({
        %run_scoped3A_634 = tpu.sem_alloc : memref<!tpu.dma_semaphore, #tpu.memory_space<semaphore_mem>>
        %dma_start3A_635 = arith.constant 0 : i32
        %dma_start3A_636 = tpu.memref_slice %arg8[%run_scoped3A_430, %dma_start3A_635] : memref<40x125xi32, #tpu.memory_space<vmem>> -> memref<1x125xi32, #tpu.memory_space<vmem>>
        %dma_start3A_637 = tpu.memref_squeeze %dma_start3A_636 : memref<1x125xi32, #tpu.memory_space<vmem>> -> memref<125xi32, #tpu.memory_space<vmem>>
        %dma_start3A_638 = arith.constant 0 : i32
        %dma_start3A_639 = arith.constant 0 : i32
        %dma_start3A_640 = tpu.memref_slice %arg6[%dma_start3A_638, %dma_start3A_639] : memref<10000x128xf32, #tpu.memory_space<vmem_shared>> -> memref<10000x128xf32, #tpu.memory_space<vmem_shared>>
        tpu.enqueue_indirect_dma source(%arg10 : memref<125x128xf32, #tpu.memory_space<vmem>>) target(%dma_start3A_640 : memref<10000x128xf32, #tpu.memory_space<vmem_shared>>) offsets(%dma_start3A_637 : memref<125xi32, #tpu.memory_space<vmem>>) semaphore(%run_scoped3A_634 : memref<!tpu.dma_semaphore, #tpu.memory_space<semaphore_mem>>) {add = true}
        %dma_wait3A_641 = arith.constant 0 : i32
        %dma_wait3A_642 = tpu.memref_slice %arg8[%run_scoped3A_430, %dma_wait3A_641] : memref<40x125xi32, #tpu.memory_space<vmem>> -> memref<1x125xi32, #tpu.memory_space<vmem>>
        %dma_wait3A_643 = tpu.memref_squeeze %dma_wait3A_642 : memref<1x125xi32, #tpu.memory_space<vmem>> -> memref<125xi32, #tpu.memory_space<vmem>>
        %dma_wait3A_644 = arith.constant 0 : i32
        %dma_wait3A_645 = arith.constant 0 : i32
        %dma_wait3A_646 = tpu.memref_slice %arg6[%dma_wait3A_644, %dma_wait3A_645] : memref<10000x128xf32, #tpu.memory_space<vmem_shared>> -> memref<10000x128xf32, #tpu.memory_space<vmem_shared>>
        tpu.wait_indirect_dma semaphore(%run_scoped3A_634 : memref<!tpu.dma_semaphore, #tpu.memory_space<semaphore_mem>>) src(%arg10 : memref<125x128xf32, #tpu.memory_space<vmem>>) dst(%dma_wait3A_646 : memref<10000x128xf32, #tpu.memory_space<vmem_shared>>)
        tpu.yield
      }) : () -> ()
      %dma_start3A_431 = arith.constant 27 : i32
      %dma_start3A_432 = arith.constant 0 : i32
      %dma_start3A_433 = tpu.memref_slice %arg7[%dma_start3A_431, %dma_start3A_432] : memref<40x125xi32, #tpu.memory_space<vmem>> -> memref<1x125xi32, #tpu.memory_space<vmem>>
      %dma_start3A_434 = tpu.memref_squeeze %dma_start3A_433 : memref<1x125xi32, #tpu.memory_space<vmem>> -> memref<125xi32, #tpu.memory_space<vmem>>
      %dma_start3A_435 = arith.constant 0 : i32
      %dma_start3A_436 = arith.constant 0 : i32
      %dma_start3A_437 = tpu.memref_slice %arg2[%dma_start3A_435, %dma_start3A_436] : memref<10000x128xf32, #tpu.memory_space<hbm>> -> memref<10000x128xf32, #tpu.memory_space<hbm>>
      tpu.enqueue_indirect_dma source(%dma_start3A_437 : memref<10000x128xf32, #tpu.memory_space<hbm>>) target(%arg10 : memref<125x128xf32, #tpu.memory_space<vmem>>) offsets(%dma_start3A_434 : memref<125xi32, #tpu.memory_space<vmem>>) semaphore(%arg11 : memref<!tpu.dma_semaphore, #tpu.memory_space<semaphore_mem>>)
      %dma_wait3A_438 = arith.constant 26 : i32
      %dma_wait3A_439 = arith.constant 0 : i32
      %dma_wait3A_440 = tpu.memref_slice %arg7[%dma_wait3A_438, %dma_wait3A_439] : memref<40x125xi32, #tpu.memory_space<vmem>> -> memref<1x125xi32, #tpu.memory_space<vmem>>
      %dma_wait3A_441 = tpu.memref_squeeze %dma_wait3A_440 : memref<1x125xi32, #tpu.memory_space<vmem>> -> memref<125xi32, #tpu.memory_space<vmem>>
      %dma_wait3A_442 = arith.constant 0 : i32
      %dma_wait3A_443 = arith.constant 0 : i32
      %dma_wait3A_444 = tpu.memref_slice %arg2[%dma_wait3A_442, %dma_wait3A_443] : memref<10000x128xf32, #tpu.memory_space<hbm>> -> memref<10000x128xf32, #tpu.memory_space<hbm>>
      tpu.wait_indirect_dma semaphore(%arg11 : memref<!tpu.dma_semaphore, #tpu.memory_space<semaphore_mem>>) src(%dma_wait3A_444 : memref<10000x128xf32, #tpu.memory_space<hbm>>) dst(%arg9 : memref<125x128xf32, #tpu.memory_space<vmem>>)
      %run_scoped3A_445 = arith.constant 26 : i32
      "tpu.region"() ({
        %run_scoped3A_634 = tpu.sem_alloc : memref<!tpu.dma_semaphore, #tpu.memory_space<semaphore_mem>>
        %dma_start3A_635 = arith.constant 0 : i32
        %dma_start3A_636 = tpu.memref_slice %arg8[%run_scoped3A_445, %dma_start3A_635] : memref<40x125xi32, #tpu.memory_space<vmem>> -> memref<1x125xi32, #tpu.memory_space<vmem>>
        %dma_start3A_637 = tpu.memref_squeeze %dma_start3A_636 : memref<1x125xi32, #tpu.memory_space<vmem>> -> memref<125xi32, #tpu.memory_space<vmem>>
        %dma_start3A_638 = arith.constant 0 : i32
        %dma_start3A_639 = arith.constant 0 : i32
        %dma_start3A_640 = tpu.memref_slice %arg6[%dma_start3A_638, %dma_start3A_639] : memref<10000x128xf32, #tpu.memory_space<vmem_shared>> -> memref<10000x128xf32, #tpu.memory_space<vmem_shared>>
        tpu.enqueue_indirect_dma source(%arg9 : memref<125x128xf32, #tpu.memory_space<vmem>>) target(%dma_start3A_640 : memref<10000x128xf32, #tpu.memory_space<vmem_shared>>) offsets(%dma_start3A_637 : memref<125xi32, #tpu.memory_space<vmem>>) semaphore(%run_scoped3A_634 : memref<!tpu.dma_semaphore, #tpu.memory_space<semaphore_mem>>) {add = true}
        %dma_wait3A_641 = arith.constant 0 : i32
        %dma_wait3A_642 = tpu.memref_slice %arg8[%run_scoped3A_445, %dma_wait3A_641] : memref<40x125xi32, #tpu.memory_space<vmem>> -> memref<1x125xi32, #tpu.memory_space<vmem>>
        %dma_wait3A_643 = tpu.memref_squeeze %dma_wait3A_642 : memref<1x125xi32, #tpu.memory_space<vmem>> -> memref<125xi32, #tpu.memory_space<vmem>>
        %dma_wait3A_644 = arith.constant 0 : i32
        %dma_wait3A_645 = arith.constant 0 : i32
        %dma_wait3A_646 = tpu.memref_slice %arg6[%dma_wait3A_644, %dma_wait3A_645] : memref<10000x128xf32, #tpu.memory_space<vmem_shared>> -> memref<10000x128xf32, #tpu.memory_space<vmem_shared>>
        tpu.wait_indirect_dma semaphore(%run_scoped3A_634 : memref<!tpu.dma_semaphore, #tpu.memory_space<semaphore_mem>>) src(%arg9 : memref<125x128xf32, #tpu.memory_space<vmem>>) dst(%dma_wait3A_646 : memref<10000x128xf32, #tpu.memory_space<vmem_shared>>)
        tpu.yield
      }) : () -> ()
      %dma_start3A_446 = arith.constant 28 : i32
      %dma_start3A_447 = arith.constant 0 : i32
      %dma_start3A_448 = tpu.memref_slice %arg7[%dma_start3A_446, %dma_start3A_447] : memref<40x125xi32, #tpu.memory_space<vmem>> -> memref<1x125xi32, #tpu.memory_space<vmem>>
      %dma_start3A_449 = tpu.memref_squeeze %dma_start3A_448 : memref<1x125xi32, #tpu.memory_space<vmem>> -> memref<125xi32, #tpu.memory_space<vmem>>
      %dma_start3A_450 = arith.constant 0 : i32
      %dma_start3A_451 = arith.constant 0 : i32
      %dma_start3A_452 = tpu.memref_slice %arg2[%dma_start3A_450, %dma_start3A_451] : memref<10000x128xf32, #tpu.memory_space<hbm>> -> memref<10000x128xf32, #tpu.memory_space<hbm>>
      tpu.enqueue_indirect_dma source(%dma_start3A_452 : memref<10000x128xf32, #tpu.memory_space<hbm>>) target(%arg9 : memref<125x128xf32, #tpu.memory_space<vmem>>) offsets(%dma_start3A_449 : memref<125xi32, #tpu.memory_space<vmem>>) semaphore(%arg11 : memref<!tpu.dma_semaphore, #tpu.memory_space<semaphore_mem>>)
      %dma_wait3A_453 = arith.constant 27 : i32
      %dma_wait3A_454 = arith.constant 0 : i32
      %dma_wait3A_455 = tpu.memref_slice %arg7[%dma_wait3A_453, %dma_wait3A_454] : memref<40x125xi32, #tpu.memory_space<vmem>> -> memref<1x125xi32, #tpu.memory_space<vmem>>
      %dma_wait3A_456 = tpu.memref_squeeze %dma_wait3A_455 : memref<1x125xi32, #tpu.memory_space<vmem>> -> memref<125xi32, #tpu.memory_space<vmem>>
      %dma_wait3A_457 = arith.constant 0 : i32
      %dma_wait3A_458 = arith.constant 0 : i32
      %dma_wait3A_459 = tpu.memref_slice %arg2[%dma_wait3A_457, %dma_wait3A_458] : memref<10000x128xf32, #tpu.memory_space<hbm>> -> memref<10000x128xf32, #tpu.memory_space<hbm>>
      tpu.wait_indirect_dma semaphore(%arg11 : memref<!tpu.dma_semaphore, #tpu.memory_space<semaphore_mem>>) src(%dma_wait3A_459 : memref<10000x128xf32, #tpu.memory_space<hbm>>) dst(%arg10 : memref<125x128xf32, #tpu.memory_space<vmem>>)
      %run_scoped3A_460 = arith.constant 27 : i32
      "tpu.region"() ({
        %run_scoped3A_634 = tpu.sem_alloc : memref<!tpu.dma_semaphore, #tpu.memory_space<semaphore_mem>>
        %dma_start3A_635 = arith.constant 0 : i32
        %dma_start3A_636 = tpu.memref_slice %arg8[%run_scoped3A_460, %dma_start3A_635] : memref<40x125xi32, #tpu.memory_space<vmem>> -> memref<1x125xi32, #tpu.memory_space<vmem>>
        %dma_start3A_637 = tpu.memref_squeeze %dma_start3A_636 : memref<1x125xi32, #tpu.memory_space<vmem>> -> memref<125xi32, #tpu.memory_space<vmem>>
        %dma_start3A_638 = arith.constant 0 : i32
        %dma_start3A_639 = arith.constant 0 : i32
        %dma_start3A_640 = tpu.memref_slice %arg6[%dma_start3A_638, %dma_start3A_639] : memref<10000x128xf32, #tpu.memory_space<vmem_shared>> -> memref<10000x128xf32, #tpu.memory_space<vmem_shared>>
        tpu.enqueue_indirect_dma source(%arg10 : memref<125x128xf32, #tpu.memory_space<vmem>>) target(%dma_start3A_640 : memref<10000x128xf32, #tpu.memory_space<vmem_shared>>) offsets(%dma_start3A_637 : memref<125xi32, #tpu.memory_space<vmem>>) semaphore(%run_scoped3A_634 : memref<!tpu.dma_semaphore, #tpu.memory_space<semaphore_mem>>) {add = true}
        %dma_wait3A_641 = arith.constant 0 : i32
        %dma_wait3A_642 = tpu.memref_slice %arg8[%run_scoped3A_460, %dma_wait3A_641] : memref<40x125xi32, #tpu.memory_space<vmem>> -> memref<1x125xi32, #tpu.memory_space<vmem>>
        %dma_wait3A_643 = tpu.memref_squeeze %dma_wait3A_642 : memref<1x125xi32, #tpu.memory_space<vmem>> -> memref<125xi32, #tpu.memory_space<vmem>>
        %dma_wait3A_644 = arith.constant 0 : i32
        %dma_wait3A_645 = arith.constant 0 : i32
        %dma_wait3A_646 = tpu.memref_slice %arg6[%dma_wait3A_644, %dma_wait3A_645] : memref<10000x128xf32, #tpu.memory_space<vmem_shared>> -> memref<10000x128xf32, #tpu.memory_space<vmem_shared>>
        tpu.wait_indirect_dma semaphore(%run_scoped3A_634 : memref<!tpu.dma_semaphore, #tpu.memory_space<semaphore_mem>>) src(%arg10 : memref<125x128xf32, #tpu.memory_space<vmem>>) dst(%dma_wait3A_646 : memref<10000x128xf32, #tpu.memory_space<vmem_shared>>)
        tpu.yield
      }) : () -> ()
      %dma_start3A_461 = arith.constant 29 : i32
      %dma_start3A_462 = arith.constant 0 : i32
      %dma_start3A_463 = tpu.memref_slice %arg7[%dma_start3A_461, %dma_start3A_462] : memref<40x125xi32, #tpu.memory_space<vmem>> -> memref<1x125xi32, #tpu.memory_space<vmem>>
      %dma_start3A_464 = tpu.memref_squeeze %dma_start3A_463 : memref<1x125xi32, #tpu.memory_space<vmem>> -> memref<125xi32, #tpu.memory_space<vmem>>
      %dma_start3A_465 = arith.constant 0 : i32
      %dma_start3A_466 = arith.constant 0 : i32
      %dma_start3A_467 = tpu.memref_slice %arg2[%dma_start3A_465, %dma_start3A_466] : memref<10000x128xf32, #tpu.memory_space<hbm>> -> memref<10000x128xf32, #tpu.memory_space<hbm>>
      tpu.enqueue_indirect_dma source(%dma_start3A_467 : memref<10000x128xf32, #tpu.memory_space<hbm>>) target(%arg10 : memref<125x128xf32, #tpu.memory_space<vmem>>) offsets(%dma_start3A_464 : memref<125xi32, #tpu.memory_space<vmem>>) semaphore(%arg11 : memref<!tpu.dma_semaphore, #tpu.memory_space<semaphore_mem>>)
      %dma_wait3A_468 = arith.constant 28 : i32
      %dma_wait3A_469 = arith.constant 0 : i32
      %dma_wait3A_470 = tpu.memref_slice %arg7[%dma_wait3A_468, %dma_wait3A_469] : memref<40x125xi32, #tpu.memory_space<vmem>> -> memref<1x125xi32, #tpu.memory_space<vmem>>
      %dma_wait3A_471 = tpu.memref_squeeze %dma_wait3A_470 : memref<1x125xi32, #tpu.memory_space<vmem>> -> memref<125xi32, #tpu.memory_space<vmem>>
      %dma_wait3A_472 = arith.constant 0 : i32
      %dma_wait3A_473 = arith.constant 0 : i32
      %dma_wait3A_474 = tpu.memref_slice %arg2[%dma_wait3A_472, %dma_wait3A_473] : memref<10000x128xf32, #tpu.memory_space<hbm>> -> memref<10000x128xf32, #tpu.memory_space<hbm>>
      tpu.wait_indirect_dma semaphore(%arg11 : memref<!tpu.dma_semaphore, #tpu.memory_space<semaphore_mem>>) src(%dma_wait3A_474 : memref<10000x128xf32, #tpu.memory_space<hbm>>) dst(%arg9 : memref<125x128xf32, #tpu.memory_space<vmem>>)
      %run_scoped3A_475 = arith.constant 28 : i32
      "tpu.region"() ({
        %run_scoped3A_634 = tpu.sem_alloc : memref<!tpu.dma_semaphore, #tpu.memory_space<semaphore_mem>>
        %dma_start3A_635 = arith.constant 0 : i32
        %dma_start3A_636 = tpu.memref_slice %arg8[%run_scoped3A_475, %dma_start3A_635] : memref<40x125xi32, #tpu.memory_space<vmem>> -> memref<1x125xi32, #tpu.memory_space<vmem>>
        %dma_start3A_637 = tpu.memref_squeeze %dma_start3A_636 : memref<1x125xi32, #tpu.memory_space<vmem>> -> memref<125xi32, #tpu.memory_space<vmem>>
        %dma_start3A_638 = arith.constant 0 : i32
        %dma_start3A_639 = arith.constant 0 : i32
        %dma_start3A_640 = tpu.memref_slice %arg6[%dma_start3A_638, %dma_start3A_639] : memref<10000x128xf32, #tpu.memory_space<vmem_shared>> -> memref<10000x128xf32, #tpu.memory_space<vmem_shared>>
        tpu.enqueue_indirect_dma source(%arg9 : memref<125x128xf32, #tpu.memory_space<vmem>>) target(%dma_start3A_640 : memref<10000x128xf32, #tpu.memory_space<vmem_shared>>) offsets(%dma_start3A_637 : memref<125xi32, #tpu.memory_space<vmem>>) semaphore(%run_scoped3A_634 : memref<!tpu.dma_semaphore, #tpu.memory_space<semaphore_mem>>) {add = true}
        %dma_wait3A_641 = arith.constant 0 : i32
        %dma_wait3A_642 = tpu.memref_slice %arg8[%run_scoped3A_475, %dma_wait3A_641] : memref<40x125xi32, #tpu.memory_space<vmem>> -> memref<1x125xi32, #tpu.memory_space<vmem>>
        %dma_wait3A_643 = tpu.memref_squeeze %dma_wait3A_642 : memref<1x125xi32, #tpu.memory_space<vmem>> -> memref<125xi32, #tpu.memory_space<vmem>>
        %dma_wait3A_644 = arith.constant 0 : i32
        %dma_wait3A_645 = arith.constant 0 : i32
        %dma_wait3A_646 = tpu.memref_slice %arg6[%dma_wait3A_644, %dma_wait3A_645] : memref<10000x128xf32, #tpu.memory_space<vmem_shared>> -> memref<10000x128xf32, #tpu.memory_space<vmem_shared>>
        tpu.wait_indirect_dma semaphore(%run_scoped3A_634 : memref<!tpu.dma_semaphore, #tpu.memory_space<semaphore_mem>>) src(%arg9 : memref<125x128xf32, #tpu.memory_space<vmem>>) dst(%dma_wait3A_646 : memref<10000x128xf32, #tpu.memory_space<vmem_shared>>)
        tpu.yield
      }) : () -> ()
      %dma_start3A_476 = arith.constant 30 : i32
      %dma_start3A_477 = arith.constant 0 : i32
      %dma_start3A_478 = tpu.memref_slice %arg7[%dma_start3A_476, %dma_start3A_477] : memref<40x125xi32, #tpu.memory_space<vmem>> -> memref<1x125xi32, #tpu.memory_space<vmem>>
      %dma_start3A_479 = tpu.memref_squeeze %dma_start3A_478 : memref<1x125xi32, #tpu.memory_space<vmem>> -> memref<125xi32, #tpu.memory_space<vmem>>
      %dma_start3A_480 = arith.constant 0 : i32
      %dma_start3A_481 = arith.constant 0 : i32
      %dma_start3A_482 = tpu.memref_slice %arg2[%dma_start3A_480, %dma_start3A_481] : memref<10000x128xf32, #tpu.memory_space<hbm>> -> memref<10000x128xf32, #tpu.memory_space<hbm>>
      tpu.enqueue_indirect_dma source(%dma_start3A_482 : memref<10000x128xf32, #tpu.memory_space<hbm>>) target(%arg9 : memref<125x128xf32, #tpu.memory_space<vmem>>) offsets(%dma_start3A_479 : memref<125xi32, #tpu.memory_space<vmem>>) semaphore(%arg11 : memref<!tpu.dma_semaphore, #tpu.memory_space<semaphore_mem>>)
      %dma_wait3A_483 = arith.constant 29 : i32
      %dma_wait3A_484 = arith.constant 0 : i32
      %dma_wait3A_485 = tpu.memref_slice %arg7[%dma_wait3A_483, %dma_wait3A_484] : memref<40x125xi32, #tpu.memory_space<vmem>> -> memref<1x125xi32, #tpu.memory_space<vmem>>
      %dma_wait3A_486 = tpu.memref_squeeze %dma_wait3A_485 : memref<1x125xi32, #tpu.memory_space<vmem>> -> memref<125xi32, #tpu.memory_space<vmem>>
      %dma_wait3A_487 = arith.constant 0 : i32
      %dma_wait3A_488 = arith.constant 0 : i32
      %dma_wait3A_489 = tpu.memref_slice %arg2[%dma_wait3A_487, %dma_wait3A_488] : memref<10000x128xf32, #tpu.memory_space<hbm>> -> memref<10000x128xf32, #tpu.memory_space<hbm>>
      tpu.wait_indirect_dma semaphore(%arg11 : memref<!tpu.dma_semaphore, #tpu.memory_space<semaphore_mem>>) src(%dma_wait3A_489 : memref<10000x128xf32, #tpu.memory_space<hbm>>) dst(%arg10 : memref<125x128xf32, #tpu.memory_space<vmem>>)
      %run_scoped3A_490 = arith.constant 29 : i32
      "tpu.region"() ({
        %run_scoped3A_634 = tpu.sem_alloc : memref<!tpu.dma_semaphore, #tpu.memory_space<semaphore_mem>>
        %dma_start3A_635 = arith.constant 0 : i32
        %dma_start3A_636 = tpu.memref_slice %arg8[%run_scoped3A_490, %dma_start3A_635] : memref<40x125xi32, #tpu.memory_space<vmem>> -> memref<1x125xi32, #tpu.memory_space<vmem>>
        %dma_start3A_637 = tpu.memref_squeeze %dma_start3A_636 : memref<1x125xi32, #tpu.memory_space<vmem>> -> memref<125xi32, #tpu.memory_space<vmem>>
        %dma_start3A_638 = arith.constant 0 : i32
        %dma_start3A_639 = arith.constant 0 : i32
        %dma_start3A_640 = tpu.memref_slice %arg6[%dma_start3A_638, %dma_start3A_639] : memref<10000x128xf32, #tpu.memory_space<vmem_shared>> -> memref<10000x128xf32, #tpu.memory_space<vmem_shared>>
        tpu.enqueue_indirect_dma source(%arg10 : memref<125x128xf32, #tpu.memory_space<vmem>>) target(%dma_start3A_640 : memref<10000x128xf32, #tpu.memory_space<vmem_shared>>) offsets(%dma_start3A_637 : memref<125xi32, #tpu.memory_space<vmem>>) semaphore(%run_scoped3A_634 : memref<!tpu.dma_semaphore, #tpu.memory_space<semaphore_mem>>) {add = true}
        %dma_wait3A_641 = arith.constant 0 : i32
        %dma_wait3A_642 = tpu.memref_slice %arg8[%run_scoped3A_490, %dma_wait3A_641] : memref<40x125xi32, #tpu.memory_space<vmem>> -> memref<1x125xi32, #tpu.memory_space<vmem>>
        %dma_wait3A_643 = tpu.memref_squeeze %dma_wait3A_642 : memref<1x125xi32, #tpu.memory_space<vmem>> -> memref<125xi32, #tpu.memory_space<vmem>>
        %dma_wait3A_644 = arith.constant 0 : i32
        %dma_wait3A_645 = arith.constant 0 : i32
        %dma_wait3A_646 = tpu.memref_slice %arg6[%dma_wait3A_644, %dma_wait3A_645] : memref<10000x128xf32, #tpu.memory_space<vmem_shared>> -> memref<10000x128xf32, #tpu.memory_space<vmem_shared>>
        tpu.wait_indirect_dma semaphore(%run_scoped3A_634 : memref<!tpu.dma_semaphore, #tpu.memory_space<semaphore_mem>>) src(%arg10 : memref<125x128xf32, #tpu.memory_space<vmem>>) dst(%dma_wait3A_646 : memref<10000x128xf32, #tpu.memory_space<vmem_shared>>)
        tpu.yield
      }) : () -> ()
      %dma_start3A_491 = arith.constant 31 : i32
      %dma_start3A_492 = arith.constant 0 : i32
      %dma_start3A_493 = tpu.memref_slice %arg7[%dma_start3A_491, %dma_start3A_492] : memref<40x125xi32, #tpu.memory_space<vmem>> -> memref<1x125xi32, #tpu.memory_space<vmem>>
      %dma_start3A_494 = tpu.memref_squeeze %dma_start3A_493 : memref<1x125xi32, #tpu.memory_space<vmem>> -> memref<125xi32, #tpu.memory_space<vmem>>
      %dma_start3A_495 = arith.constant 0 : i32
      %dma_start3A_496 = arith.constant 0 : i32
      %dma_start3A_497 = tpu.memref_slice %arg2[%dma_start3A_495, %dma_start3A_496] : memref<10000x128xf32, #tpu.memory_space<hbm>> -> memref<10000x128xf32, #tpu.memory_space<hbm>>
      tpu.enqueue_indirect_dma source(%dma_start3A_497 : memref<10000x128xf32, #tpu.memory_space<hbm>>) target(%arg10 : memref<125x128xf32, #tpu.memory_space<vmem>>) offsets(%dma_start3A_494 : memref<125xi32, #tpu.memory_space<vmem>>) semaphore(%arg11 : memref<!tpu.dma_semaphore, #tpu.memory_space<semaphore_mem>>)
      %dma_wait3A_498 = arith.constant 30 : i32
      %dma_wait3A_499 = arith.constant 0 : i32
      %dma_wait3A_500 = tpu.memref_slice %arg7[%dma_wait3A_498, %dma_wait3A_499] : memref<40x125xi32, #tpu.memory_space<vmem>> -> memref<1x125xi32, #tpu.memory_space<vmem>>
      %dma_wait3A_501 = tpu.memref_squeeze %dma_wait3A_500 : memref<1x125xi32, #tpu.memory_space<vmem>> -> memref<125xi32, #tpu.memory_space<vmem>>
      %dma_wait3A_502 = arith.constant 0 : i32
      %dma_wait3A_503 = arith.constant 0 : i32
      %dma_wait3A_504 = tpu.memref_slice %arg2[%dma_wait3A_502, %dma_wait3A_503] : memref<10000x128xf32, #tpu.memory_space<hbm>> -> memref<10000x128xf32, #tpu.memory_space<hbm>>
      tpu.wait_indirect_dma semaphore(%arg11 : memref<!tpu.dma_semaphore, #tpu.memory_space<semaphore_mem>>) src(%dma_wait3A_504 : memref<10000x128xf32, #tpu.memory_space<hbm>>) dst(%arg9 : memref<125x128xf32, #tpu.memory_space<vmem>>)
      %run_scoped3A_505 = arith.constant 30 : i32
      "tpu.region"() ({
        %run_scoped3A_634 = tpu.sem_alloc : memref<!tpu.dma_semaphore, #tpu.memory_space<semaphore_mem>>
        %dma_start3A_635 = arith.constant 0 : i32
        %dma_start3A_636 = tpu.memref_slice %arg8[%run_scoped3A_505, %dma_start3A_635] : memref<40x125xi32, #tpu.memory_space<vmem>> -> memref<1x125xi32, #tpu.memory_space<vmem>>
        %dma_start3A_637 = tpu.memref_squeeze %dma_start3A_636 : memref<1x125xi32, #tpu.memory_space<vmem>> -> memref<125xi32, #tpu.memory_space<vmem>>
        %dma_start3A_638 = arith.constant 0 : i32
        %dma_start3A_639 = arith.constant 0 : i32
        %dma_start3A_640 = tpu.memref_slice %arg6[%dma_start3A_638, %dma_start3A_639] : memref<10000x128xf32, #tpu.memory_space<vmem_shared>> -> memref<10000x128xf32, #tpu.memory_space<vmem_shared>>
        tpu.enqueue_indirect_dma source(%arg9 : memref<125x128xf32, #tpu.memory_space<vmem>>) target(%dma_start3A_640 : memref<10000x128xf32, #tpu.memory_space<vmem_shared>>) offsets(%dma_start3A_637 : memref<125xi32, #tpu.memory_space<vmem>>) semaphore(%run_scoped3A_634 : memref<!tpu.dma_semaphore, #tpu.memory_space<semaphore_mem>>) {add = true}
        %dma_wait3A_641 = arith.constant 0 : i32
        %dma_wait3A_642 = tpu.memref_slice %arg8[%run_scoped3A_505, %dma_wait3A_641] : memref<40x125xi32, #tpu.memory_space<vmem>> -> memref<1x125xi32, #tpu.memory_space<vmem>>
        %dma_wait3A_643 = tpu.memref_squeeze %dma_wait3A_642 : memref<1x125xi32, #tpu.memory_space<vmem>> -> memref<125xi32, #tpu.memory_space<vmem>>
        %dma_wait3A_644 = arith.constant 0 : i32
        %dma_wait3A_645 = arith.constant 0 : i32
        %dma_wait3A_646 = tpu.memref_slice %arg6[%dma_wait3A_644, %dma_wait3A_645] : memref<10000x128xf32, #tpu.memory_space<vmem_shared>> -> memref<10000x128xf32, #tpu.memory_space<vmem_shared>>
        tpu.wait_indirect_dma semaphore(%run_scoped3A_634 : memref<!tpu.dma_semaphore, #tpu.memory_space<semaphore_mem>>) src(%arg9 : memref<125x128xf32, #tpu.memory_space<vmem>>) dst(%dma_wait3A_646 : memref<10000x128xf32, #tpu.memory_space<vmem_shared>>)
        tpu.yield
      }) : () -> ()
      %dma_start3A_506 = arith.constant 32 : i32
      %dma_start3A_507 = arith.constant 0 : i32
      %dma_start3A_508 = tpu.memref_slice %arg7[%dma_start3A_506, %dma_start3A_507] : memref<40x125xi32, #tpu.memory_space<vmem>> -> memref<1x125xi32, #tpu.memory_space<vmem>>
      %dma_start3A_509 = tpu.memref_squeeze %dma_start3A_508 : memref<1x125xi32, #tpu.memory_space<vmem>> -> memref<125xi32, #tpu.memory_space<vmem>>
      %dma_start3A_510 = arith.constant 0 : i32
      %dma_start3A_511 = arith.constant 0 : i32
      %dma_start3A_512 = tpu.memref_slice %arg2[%dma_start3A_510, %dma_start3A_511] : memref<10000x128xf32, #tpu.memory_space<hbm>> -> memref<10000x128xf32, #tpu.memory_space<hbm>>
      tpu.enqueue_indirect_dma source(%dma_start3A_512 : memref<10000x128xf32, #tpu.memory_space<hbm>>) target(%arg9 : memref<125x128xf32, #tpu.memory_space<vmem>>) offsets(%dma_start3A_509 : memref<125xi32, #tpu.memory_space<vmem>>) semaphore(%arg11 : memref<!tpu.dma_semaphore, #tpu.memory_space<semaphore_mem>>)
      %dma_wait3A_513 = arith.constant 31 : i32
      %dma_wait3A_514 = arith.constant 0 : i32
      %dma_wait3A_515 = tpu.memref_slice %arg7[%dma_wait3A_513, %dma_wait3A_514] : memref<40x125xi32, #tpu.memory_space<vmem>> -> memref<1x125xi32, #tpu.memory_space<vmem>>
      %dma_wait3A_516 = tpu.memref_squeeze %dma_wait3A_515 : memref<1x125xi32, #tpu.memory_space<vmem>> -> memref<125xi32, #tpu.memory_space<vmem>>
      %dma_wait3A_517 = arith.constant 0 : i32
      %dma_wait3A_518 = arith.constant 0 : i32
      %dma_wait3A_519 = tpu.memref_slice %arg2[%dma_wait3A_517, %dma_wait3A_518] : memref<10000x128xf32, #tpu.memory_space<hbm>> -> memref<10000x128xf32, #tpu.memory_space<hbm>>
      tpu.wait_indirect_dma semaphore(%arg11 : memref<!tpu.dma_semaphore, #tpu.memory_space<semaphore_mem>>) src(%dma_wait3A_519 : memref<10000x128xf32, #tpu.memory_space<hbm>>) dst(%arg10 : memref<125x128xf32, #tpu.memory_space<vmem>>)
      %run_scoped3A_520 = arith.constant 31 : i32
      "tpu.region"() ({
        %run_scoped3A_634 = tpu.sem_alloc : memref<!tpu.dma_semaphore, #tpu.memory_space<semaphore_mem>>
        %dma_start3A_635 = arith.constant 0 : i32
        %dma_start3A_636 = tpu.memref_slice %arg8[%run_scoped3A_520, %dma_start3A_635] : memref<40x125xi32, #tpu.memory_space<vmem>> -> memref<1x125xi32, #tpu.memory_space<vmem>>
        %dma_start3A_637 = tpu.memref_squeeze %dma_start3A_636 : memref<1x125xi32, #tpu.memory_space<vmem>> -> memref<125xi32, #tpu.memory_space<vmem>>
        %dma_start3A_638 = arith.constant 0 : i32
        %dma_start3A_639 = arith.constant 0 : i32
        %dma_start3A_640 = tpu.memref_slice %arg6[%dma_start3A_638, %dma_start3A_639] : memref<10000x128xf32, #tpu.memory_space<vmem_shared>> -> memref<10000x128xf32, #tpu.memory_space<vmem_shared>>
        tpu.enqueue_indirect_dma source(%arg10 : memref<125x128xf32, #tpu.memory_space<vmem>>) target(%dma_start3A_640 : memref<10000x128xf32, #tpu.memory_space<vmem_shared>>) offsets(%dma_start3A_637 : memref<125xi32, #tpu.memory_space<vmem>>) semaphore(%run_scoped3A_634 : memref<!tpu.dma_semaphore, #tpu.memory_space<semaphore_mem>>) {add = true}
        %dma_wait3A_641 = arith.constant 0 : i32
        %dma_wait3A_642 = tpu.memref_slice %arg8[%run_scoped3A_520, %dma_wait3A_641] : memref<40x125xi32, #tpu.memory_space<vmem>> -> memref<1x125xi32, #tpu.memory_space<vmem>>
        %dma_wait3A_643 = tpu.memref_squeeze %dma_wait3A_642 : memref<1x125xi32, #tpu.memory_space<vmem>> -> memref<125xi32, #tpu.memory_space<vmem>>
        %dma_wait3A_644 = arith.constant 0 : i32
        %dma_wait3A_645 = arith.constant 0 : i32
        %dma_wait3A_646 = tpu.memref_slice %arg6[%dma_wait3A_644, %dma_wait3A_645] : memref<10000x128xf32, #tpu.memory_space<vmem_shared>> -> memref<10000x128xf32, #tpu.memory_space<vmem_shared>>
        tpu.wait_indirect_dma semaphore(%run_scoped3A_634 : memref<!tpu.dma_semaphore, #tpu.memory_space<semaphore_mem>>) src(%arg10 : memref<125x128xf32, #tpu.memory_space<vmem>>) dst(%dma_wait3A_646 : memref<10000x128xf32, #tpu.memory_space<vmem_shared>>)
        tpu.yield
      }) : () -> ()
      %dma_start3A_521 = arith.constant 33 : i32
      %dma_start3A_522 = arith.constant 0 : i32
      %dma_start3A_523 = tpu.memref_slice %arg7[%dma_start3A_521, %dma_start3A_522] : memref<40x125xi32, #tpu.memory_space<vmem>> -> memref<1x125xi32, #tpu.memory_space<vmem>>
      %dma_start3A_524 = tpu.memref_squeeze %dma_start3A_523 : memref<1x125xi32, #tpu.memory_space<vmem>> -> memref<125xi32, #tpu.memory_space<vmem>>
      %dma_start3A_525 = arith.constant 0 : i32
      %dma_start3A_526 = arith.constant 0 : i32
      %dma_start3A_527 = tpu.memref_slice %arg2[%dma_start3A_525, %dma_start3A_526] : memref<10000x128xf32, #tpu.memory_space<hbm>> -> memref<10000x128xf32, #tpu.memory_space<hbm>>
      tpu.enqueue_indirect_dma source(%dma_start3A_527 : memref<10000x128xf32, #tpu.memory_space<hbm>>) target(%arg10 : memref<125x128xf32, #tpu.memory_space<vmem>>) offsets(%dma_start3A_524 : memref<125xi32, #tpu.memory_space<vmem>>) semaphore(%arg11 : memref<!tpu.dma_semaphore, #tpu.memory_space<semaphore_mem>>)
      %dma_wait3A_528 = arith.constant 32 : i32
      %dma_wait3A_529 = arith.constant 0 : i32
      %dma_wait3A_530 = tpu.memref_slice %arg7[%dma_wait3A_528, %dma_wait3A_529] : memref<40x125xi32, #tpu.memory_space<vmem>> -> memref<1x125xi32, #tpu.memory_space<vmem>>
      %dma_wait3A_531 = tpu.memref_squeeze %dma_wait3A_530 : memref<1x125xi32, #tpu.memory_space<vmem>> -> memref<125xi32, #tpu.memory_space<vmem>>
      %dma_wait3A_532 = arith.constant 0 : i32
      %dma_wait3A_533 = arith.constant 0 : i32
      %dma_wait3A_534 = tpu.memref_slice %arg2[%dma_wait3A_532, %dma_wait3A_533] : memref<10000x128xf32, #tpu.memory_space<hbm>> -> memref<10000x128xf32, #tpu.memory_space<hbm>>
      tpu.wait_indirect_dma semaphore(%arg11 : memref<!tpu.dma_semaphore, #tpu.memory_space<semaphore_mem>>) src(%dma_wait3A_534 : memref<10000x128xf32, #tpu.memory_space<hbm>>) dst(%arg9 : memref<125x128xf32, #tpu.memory_space<vmem>>)
      %run_scoped3A_535 = arith.constant 32 : i32
      "tpu.region"() ({
        %run_scoped3A_634 = tpu.sem_alloc : memref<!tpu.dma_semaphore, #tpu.memory_space<semaphore_mem>>
        %dma_start3A_635 = arith.constant 0 : i32
        %dma_start3A_636 = tpu.memref_slice %arg8[%run_scoped3A_535, %dma_start3A_635] : memref<40x125xi32, #tpu.memory_space<vmem>> -> memref<1x125xi32, #tpu.memory_space<vmem>>
        %dma_start3A_637 = tpu.memref_squeeze %dma_start3A_636 : memref<1x125xi32, #tpu.memory_space<vmem>> -> memref<125xi32, #tpu.memory_space<vmem>>
        %dma_start3A_638 = arith.constant 0 : i32
        %dma_start3A_639 = arith.constant 0 : i32
        %dma_start3A_640 = tpu.memref_slice %arg6[%dma_start3A_638, %dma_start3A_639] : memref<10000x128xf32, #tpu.memory_space<vmem_shared>> -> memref<10000x128xf32, #tpu.memory_space<vmem_shared>>
        tpu.enqueue_indirect_dma source(%arg9 : memref<125x128xf32, #tpu.memory_space<vmem>>) target(%dma_start3A_640 : memref<10000x128xf32, #tpu.memory_space<vmem_shared>>) offsets(%dma_start3A_637 : memref<125xi32, #tpu.memory_space<vmem>>) semaphore(%run_scoped3A_634 : memref<!tpu.dma_semaphore, #tpu.memory_space<semaphore_mem>>) {add = true}
        %dma_wait3A_641 = arith.constant 0 : i32
        %dma_wait3A_642 = tpu.memref_slice %arg8[%run_scoped3A_535, %dma_wait3A_641] : memref<40x125xi32, #tpu.memory_space<vmem>> -> memref<1x125xi32, #tpu.memory_space<vmem>>
        %dma_wait3A_643 = tpu.memref_squeeze %dma_wait3A_642 : memref<1x125xi32, #tpu.memory_space<vmem>> -> memref<125xi32, #tpu.memory_space<vmem>>
        %dma_wait3A_644 = arith.constant 0 : i32
        %dma_wait3A_645 = arith.constant 0 : i32
        %dma_wait3A_646 = tpu.memref_slice %arg6[%dma_wait3A_644, %dma_wait3A_645] : memref<10000x128xf32, #tpu.memory_space<vmem_shared>> -> memref<10000x128xf32, #tpu.memory_space<vmem_shared>>
        tpu.wait_indirect_dma semaphore(%run_scoped3A_634 : memref<!tpu.dma_semaphore, #tpu.memory_space<semaphore_mem>>) src(%arg9 : memref<125x128xf32, #tpu.memory_space<vmem>>) dst(%dma_wait3A_646 : memref<10000x128xf32, #tpu.memory_space<vmem_shared>>)
        tpu.yield
      }) : () -> ()
      %dma_start3A_536 = arith.constant 34 : i32
      %dma_start3A_537 = arith.constant 0 : i32
      %dma_start3A_538 = tpu.memref_slice %arg7[%dma_start3A_536, %dma_start3A_537] : memref<40x125xi32, #tpu.memory_space<vmem>> -> memref<1x125xi32, #tpu.memory_space<vmem>>
      %dma_start3A_539 = tpu.memref_squeeze %dma_start3A_538 : memref<1x125xi32, #tpu.memory_space<vmem>> -> memref<125xi32, #tpu.memory_space<vmem>>
      %dma_start3A_540 = arith.constant 0 : i32
      %dma_start3A_541 = arith.constant 0 : i32
      %dma_start3A_542 = tpu.memref_slice %arg2[%dma_start3A_540, %dma_start3A_541] : memref<10000x128xf32, #tpu.memory_space<hbm>> -> memref<10000x128xf32, #tpu.memory_space<hbm>>
      tpu.enqueue_indirect_dma source(%dma_start3A_542 : memref<10000x128xf32, #tpu.memory_space<hbm>>) target(%arg9 : memref<125x128xf32, #tpu.memory_space<vmem>>) offsets(%dma_start3A_539 : memref<125xi32, #tpu.memory_space<vmem>>) semaphore(%arg11 : memref<!tpu.dma_semaphore, #tpu.memory_space<semaphore_mem>>)
      %dma_wait3A_543 = arith.constant 33 : i32
      %dma_wait3A_544 = arith.constant 0 : i32
      %dma_wait3A_545 = tpu.memref_slice %arg7[%dma_wait3A_543, %dma_wait3A_544] : memref<40x125xi32, #tpu.memory_space<vmem>> -> memref<1x125xi32, #tpu.memory_space<vmem>>
      %dma_wait3A_546 = tpu.memref_squeeze %dma_wait3A_545 : memref<1x125xi32, #tpu.memory_space<vmem>> -> memref<125xi32, #tpu.memory_space<vmem>>
      %dma_wait3A_547 = arith.constant 0 : i32
      %dma_wait3A_548 = arith.constant 0 : i32
      %dma_wait3A_549 = tpu.memref_slice %arg2[%dma_wait3A_547, %dma_wait3A_548] : memref<10000x128xf32, #tpu.memory_space<hbm>> -> memref<10000x128xf32, #tpu.memory_space<hbm>>
      tpu.wait_indirect_dma semaphore(%arg11 : memref<!tpu.dma_semaphore, #tpu.memory_space<semaphore_mem>>) src(%dma_wait3A_549 : memref<10000x128xf32, #tpu.memory_space<hbm>>) dst(%arg10 : memref<125x128xf32, #tpu.memory_space<vmem>>)
      %run_scoped3A_550 = arith.constant 33 : i32
      "tpu.region"() ({
        %run_scoped3A_634 = tpu.sem_alloc : memref<!tpu.dma_semaphore, #tpu.memory_space<semaphore_mem>>
        %dma_start3A_635 = arith.constant 0 : i32
        %dma_start3A_636 = tpu.memref_slice %arg8[%run_scoped3A_550, %dma_start3A_635] : memref<40x125xi32, #tpu.memory_space<vmem>> -> memref<1x125xi32, #tpu.memory_space<vmem>>
        %dma_start3A_637 = tpu.memref_squeeze %dma_start3A_636 : memref<1x125xi32, #tpu.memory_space<vmem>> -> memref<125xi32, #tpu.memory_space<vmem>>
        %dma_start3A_638 = arith.constant 0 : i32
        %dma_start3A_639 = arith.constant 0 : i32
        %dma_start3A_640 = tpu.memref_slice %arg6[%dma_start3A_638, %dma_start3A_639] : memref<10000x128xf32, #tpu.memory_space<vmem_shared>> -> memref<10000x128xf32, #tpu.memory_space<vmem_shared>>
        tpu.enqueue_indirect_dma source(%arg10 : memref<125x128xf32, #tpu.memory_space<vmem>>) target(%dma_start3A_640 : memref<10000x128xf32, #tpu.memory_space<vmem_shared>>) offsets(%dma_start3A_637 : memref<125xi32, #tpu.memory_space<vmem>>) semaphore(%run_scoped3A_634 : memref<!tpu.dma_semaphore, #tpu.memory_space<semaphore_mem>>) {add = true}
        %dma_wait3A_641 = arith.constant 0 : i32
        %dma_wait3A_642 = tpu.memref_slice %arg8[%run_scoped3A_550, %dma_wait3A_641] : memref<40x125xi32, #tpu.memory_space<vmem>> -> memref<1x125xi32, #tpu.memory_space<vmem>>
        %dma_wait3A_643 = tpu.memref_squeeze %dma_wait3A_642 : memref<1x125xi32, #tpu.memory_space<vmem>> -> memref<125xi32, #tpu.memory_space<vmem>>
        %dma_wait3A_644 = arith.constant 0 : i32
        %dma_wait3A_645 = arith.constant 0 : i32
        %dma_wait3A_646 = tpu.memref_slice %arg6[%dma_wait3A_644, %dma_wait3A_645] : memref<10000x128xf32, #tpu.memory_space<vmem_shared>> -> memref<10000x128xf32, #tpu.memory_space<vmem_shared>>
        tpu.wait_indirect_dma semaphore(%run_scoped3A_634 : memref<!tpu.dma_semaphore, #tpu.memory_space<semaphore_mem>>) src(%arg10 : memref<125x128xf32, #tpu.memory_space<vmem>>) dst(%dma_wait3A_646 : memref<10000x128xf32, #tpu.memory_space<vmem_shared>>)
        tpu.yield
      }) : () -> ()
      %dma_start3A_551 = arith.constant 35 : i32
      %dma_start3A_552 = arith.constant 0 : i32
      %dma_start3A_553 = tpu.memref_slice %arg7[%dma_start3A_551, %dma_start3A_552] : memref<40x125xi32, #tpu.memory_space<vmem>> -> memref<1x125xi32, #tpu.memory_space<vmem>>
      %dma_start3A_554 = tpu.memref_squeeze %dma_start3A_553 : memref<1x125xi32, #tpu.memory_space<vmem>> -> memref<125xi32, #tpu.memory_space<vmem>>
      %dma_start3A_555 = arith.constant 0 : i32
      %dma_start3A_556 = arith.constant 0 : i32
      %dma_start3A_557 = tpu.memref_slice %arg2[%dma_start3A_555, %dma_start3A_556] : memref<10000x128xf32, #tpu.memory_space<hbm>> -> memref<10000x128xf32, #tpu.memory_space<hbm>>
      tpu.enqueue_indirect_dma source(%dma_start3A_557 : memref<10000x128xf32, #tpu.memory_space<hbm>>) target(%arg10 : memref<125x128xf32, #tpu.memory_space<vmem>>) offsets(%dma_start3A_554 : memref<125xi32, #tpu.memory_space<vmem>>) semaphore(%arg11 : memref<!tpu.dma_semaphore, #tpu.memory_space<semaphore_mem>>)
      %dma_wait3A_558 = arith.constant 34 : i32
      %dma_wait3A_559 = arith.constant 0 : i32
      %dma_wait3A_560 = tpu.memref_slice %arg7[%dma_wait3A_558, %dma_wait3A_559] : memref<40x125xi32, #tpu.memory_space<vmem>> -> memref<1x125xi32, #tpu.memory_space<vmem>>
      %dma_wait3A_561 = tpu.memref_squeeze %dma_wait3A_560 : memref<1x125xi32, #tpu.memory_space<vmem>> -> memref<125xi32, #tpu.memory_space<vmem>>
      %dma_wait3A_562 = arith.constant 0 : i32
      %dma_wait3A_563 = arith.constant 0 : i32
      %dma_wait3A_564 = tpu.memref_slice %arg2[%dma_wait3A_562, %dma_wait3A_563] : memref<10000x128xf32, #tpu.memory_space<hbm>> -> memref<10000x128xf32, #tpu.memory_space<hbm>>
      tpu.wait_indirect_dma semaphore(%arg11 : memref<!tpu.dma_semaphore, #tpu.memory_space<semaphore_mem>>) src(%dma_wait3A_564 : memref<10000x128xf32, #tpu.memory_space<hbm>>) dst(%arg9 : memref<125x128xf32, #tpu.memory_space<vmem>>)
      %run_scoped3A_565 = arith.constant 34 : i32
      "tpu.region"() ({
        %run_scoped3A_634 = tpu.sem_alloc : memref<!tpu.dma_semaphore, #tpu.memory_space<semaphore_mem>>
        %dma_start3A_635 = arith.constant 0 : i32
        %dma_start3A_636 = tpu.memref_slice %arg8[%run_scoped3A_565, %dma_start3A_635] : memref<40x125xi32, #tpu.memory_space<vmem>> -> memref<1x125xi32, #tpu.memory_space<vmem>>
        %dma_start3A_637 = tpu.memref_squeeze %dma_start3A_636 : memref<1x125xi32, #tpu.memory_space<vmem>> -> memref<125xi32, #tpu.memory_space<vmem>>
        %dma_start3A_638 = arith.constant 0 : i32
        %dma_start3A_639 = arith.constant 0 : i32
        %dma_start3A_640 = tpu.memref_slice %arg6[%dma_start3A_638, %dma_start3A_639] : memref<10000x128xf32, #tpu.memory_space<vmem_shared>> -> memref<10000x128xf32, #tpu.memory_space<vmem_shared>>
        tpu.enqueue_indirect_dma source(%arg9 : memref<125x128xf32, #tpu.memory_space<vmem>>) target(%dma_start3A_640 : memref<10000x128xf32, #tpu.memory_space<vmem_shared>>) offsets(%dma_start3A_637 : memref<125xi32, #tpu.memory_space<vmem>>) semaphore(%run_scoped3A_634 : memref<!tpu.dma_semaphore, #tpu.memory_space<semaphore_mem>>) {add = true}
        %dma_wait3A_641 = arith.constant 0 : i32
        %dma_wait3A_642 = tpu.memref_slice %arg8[%run_scoped3A_565, %dma_wait3A_641] : memref<40x125xi32, #tpu.memory_space<vmem>> -> memref<1x125xi32, #tpu.memory_space<vmem>>
        %dma_wait3A_643 = tpu.memref_squeeze %dma_wait3A_642 : memref<1x125xi32, #tpu.memory_space<vmem>> -> memref<125xi32, #tpu.memory_space<vmem>>
        %dma_wait3A_644 = arith.constant 0 : i32
        %dma_wait3A_645 = arith.constant 0 : i32
        %dma_wait3A_646 = tpu.memref_slice %arg6[%dma_wait3A_644, %dma_wait3A_645] : memref<10000x128xf32, #tpu.memory_space<vmem_shared>> -> memref<10000x128xf32, #tpu.memory_space<vmem_shared>>
        tpu.wait_indirect_dma semaphore(%run_scoped3A_634 : memref<!tpu.dma_semaphore, #tpu.memory_space<semaphore_mem>>) src(%arg9 : memref<125x128xf32, #tpu.memory_space<vmem>>) dst(%dma_wait3A_646 : memref<10000x128xf32, #tpu.memory_space<vmem_shared>>)
        tpu.yield
      }) : () -> ()
      %dma_start3A_566 = arith.constant 36 : i32
      %dma_start3A_567 = arith.constant 0 : i32
      %dma_start3A_568 = tpu.memref_slice %arg7[%dma_start3A_566, %dma_start3A_567] : memref<40x125xi32, #tpu.memory_space<vmem>> -> memref<1x125xi32, #tpu.memory_space<vmem>>
      %dma_start3A_569 = tpu.memref_squeeze %dma_start3A_568 : memref<1x125xi32, #tpu.memory_space<vmem>> -> memref<125xi32, #tpu.memory_space<vmem>>
      %dma_start3A_570 = arith.constant 0 : i32
      %dma_start3A_571 = arith.constant 0 : i32
      %dma_start3A_572 = tpu.memref_slice %arg2[%dma_start3A_570, %dma_start3A_571] : memref<10000x128xf32, #tpu.memory_space<hbm>> -> memref<10000x128xf32, #tpu.memory_space<hbm>>
      tpu.enqueue_indirect_dma source(%dma_start3A_572 : memref<10000x128xf32, #tpu.memory_space<hbm>>) target(%arg9 : memref<125x128xf32, #tpu.memory_space<vmem>>) offsets(%dma_start3A_569 : memref<125xi32, #tpu.memory_space<vmem>>) semaphore(%arg11 : memref<!tpu.dma_semaphore, #tpu.memory_space<semaphore_mem>>)
      %dma_wait3A_573 = arith.constant 35 : i32
      %dma_wait3A_574 = arith.constant 0 : i32
      %dma_wait3A_575 = tpu.memref_slice %arg7[%dma_wait3A_573, %dma_wait3A_574] : memref<40x125xi32, #tpu.memory_space<vmem>> -> memref<1x125xi32, #tpu.memory_space<vmem>>
      %dma_wait3A_576 = tpu.memref_squeeze %dma_wait3A_575 : memref<1x125xi32, #tpu.memory_space<vmem>> -> memref<125xi32, #tpu.memory_space<vmem>>
      %dma_wait3A_577 = arith.constant 0 : i32
      %dma_wait3A_578 = arith.constant 0 : i32
      %dma_wait3A_579 = tpu.memref_slice %arg2[%dma_wait3A_577, %dma_wait3A_578] : memref<10000x128xf32, #tpu.memory_space<hbm>> -> memref<10000x128xf32, #tpu.memory_space<hbm>>
      tpu.wait_indirect_dma semaphore(%arg11 : memref<!tpu.dma_semaphore, #tpu.memory_space<semaphore_mem>>) src(%dma_wait3A_579 : memref<10000x128xf32, #tpu.memory_space<hbm>>) dst(%arg10 : memref<125x128xf32, #tpu.memory_space<vmem>>)
      %run_scoped3A_580 = arith.constant 35 : i32
      "tpu.region"() ({
        %run_scoped3A_634 = tpu.sem_alloc : memref<!tpu.dma_semaphore, #tpu.memory_space<semaphore_mem>>
        %dma_start3A_635 = arith.constant 0 : i32
        %dma_start3A_636 = tpu.memref_slice %arg8[%run_scoped3A_580, %dma_start3A_635] : memref<40x125xi32, #tpu.memory_space<vmem>> -> memref<1x125xi32, #tpu.memory_space<vmem>>
        %dma_start3A_637 = tpu.memref_squeeze %dma_start3A_636 : memref<1x125xi32, #tpu.memory_space<vmem>> -> memref<125xi32, #tpu.memory_space<vmem>>
        %dma_start3A_638 = arith.constant 0 : i32
        %dma_start3A_639 = arith.constant 0 : i32
        %dma_start3A_640 = tpu.memref_slice %arg6[%dma_start3A_638, %dma_start3A_639] : memref<10000x128xf32, #tpu.memory_space<vmem_shared>> -> memref<10000x128xf32, #tpu.memory_space<vmem_shared>>
        tpu.enqueue_indirect_dma source(%arg10 : memref<125x128xf32, #tpu.memory_space<vmem>>) target(%dma_start3A_640 : memref<10000x128xf32, #tpu.memory_space<vmem_shared>>) offsets(%dma_start3A_637 : memref<125xi32, #tpu.memory_space<vmem>>) semaphore(%run_scoped3A_634 : memref<!tpu.dma_semaphore, #tpu.memory_space<semaphore_mem>>) {add = true}
        %dma_wait3A_641 = arith.constant 0 : i32
        %dma_wait3A_642 = tpu.memref_slice %arg8[%run_scoped3A_580, %dma_wait3A_641] : memref<40x125xi32, #tpu.memory_space<vmem>> -> memref<1x125xi32, #tpu.memory_space<vmem>>
        %dma_wait3A_643 = tpu.memref_squeeze %dma_wait3A_642 : memref<1x125xi32, #tpu.memory_space<vmem>> -> memref<125xi32, #tpu.memory_space<vmem>>
        %dma_wait3A_644 = arith.constant 0 : i32
        %dma_wait3A_645 = arith.constant 0 : i32
        %dma_wait3A_646 = tpu.memref_slice %arg6[%dma_wait3A_644, %dma_wait3A_645] : memref<10000x128xf32, #tpu.memory_space<vmem_shared>> -> memref<10000x128xf32, #tpu.memory_space<vmem_shared>>
        tpu.wait_indirect_dma semaphore(%run_scoped3A_634 : memref<!tpu.dma_semaphore, #tpu.memory_space<semaphore_mem>>) src(%arg10 : memref<125x128xf32, #tpu.memory_space<vmem>>) dst(%dma_wait3A_646 : memref<10000x128xf32, #tpu.memory_space<vmem_shared>>)
        tpu.yield
      }) : () -> ()
      %dma_start3A_581 = arith.constant 37 : i32
      %dma_start3A_582 = arith.constant 0 : i32
      %dma_start3A_583 = tpu.memref_slice %arg7[%dma_start3A_581, %dma_start3A_582] : memref<40x125xi32, #tpu.memory_space<vmem>> -> memref<1x125xi32, #tpu.memory_space<vmem>>
      %dma_start3A_584 = tpu.memref_squeeze %dma_start3A_583 : memref<1x125xi32, #tpu.memory_space<vmem>> -> memref<125xi32, #tpu.memory_space<vmem>>
      %dma_start3A_585 = arith.constant 0 : i32
      %dma_start3A_586 = arith.constant 0 : i32
      %dma_start3A_587 = tpu.memref_slice %arg2[%dma_start3A_585, %dma_start3A_586] : memref<10000x128xf32, #tpu.memory_space<hbm>> -> memref<10000x128xf32, #tpu.memory_space<hbm>>
      tpu.enqueue_indirect_dma source(%dma_start3A_587 : memref<10000x128xf32, #tpu.memory_space<hbm>>) target(%arg10 : memref<125x128xf32, #tpu.memory_space<vmem>>) offsets(%dma_start3A_584 : memref<125xi32, #tpu.memory_space<vmem>>) semaphore(%arg11 : memref<!tpu.dma_semaphore, #tpu.memory_space<semaphore_mem>>)
      %dma_wait3A_588 = arith.constant 36 : i32
      %dma_wait3A_589 = arith.constant 0 : i32
      %dma_wait3A_590 = tpu.memref_slice %arg7[%dma_wait3A_588, %dma_wait3A_589] : memref<40x125xi32, #tpu.memory_space<vmem>> -> memref<1x125xi32, #tpu.memory_space<vmem>>
      %dma_wait3A_591 = tpu.memref_squeeze %dma_wait3A_590 : memref<1x125xi32, #tpu.memory_space<vmem>> -> memref<125xi32, #tpu.memory_space<vmem>>
      %dma_wait3A_592 = arith.constant 0 : i32
      %dma_wait3A_593 = arith.constant 0 : i32
      %dma_wait3A_594 = tpu.memref_slice %arg2[%dma_wait3A_592, %dma_wait3A_593] : memref<10000x128xf32, #tpu.memory_space<hbm>> -> memref<10000x128xf32, #tpu.memory_space<hbm>>
      tpu.wait_indirect_dma semaphore(%arg11 : memref<!tpu.dma_semaphore, #tpu.memory_space<semaphore_mem>>) src(%dma_wait3A_594 : memref<10000x128xf32, #tpu.memory_space<hbm>>) dst(%arg9 : memref<125x128xf32, #tpu.memory_space<vmem>>)
      %run_scoped3A_595 = arith.constant 36 : i32
      "tpu.region"() ({
        %run_scoped3A_634 = tpu.sem_alloc : memref<!tpu.dma_semaphore, #tpu.memory_space<semaphore_mem>>
        %dma_start3A_635 = arith.constant 0 : i32
        %dma_start3A_636 = tpu.memref_slice %arg8[%run_scoped3A_595, %dma_start3A_635] : memref<40x125xi32, #tpu.memory_space<vmem>> -> memref<1x125xi32, #tpu.memory_space<vmem>>
        %dma_start3A_637 = tpu.memref_squeeze %dma_start3A_636 : memref<1x125xi32, #tpu.memory_space<vmem>> -> memref<125xi32, #tpu.memory_space<vmem>>
        %dma_start3A_638 = arith.constant 0 : i32
        %dma_start3A_639 = arith.constant 0 : i32
        %dma_start3A_640 = tpu.memref_slice %arg6[%dma_start3A_638, %dma_start3A_639] : memref<10000x128xf32, #tpu.memory_space<vmem_shared>> -> memref<10000x128xf32, #tpu.memory_space<vmem_shared>>
        tpu.enqueue_indirect_dma source(%arg9 : memref<125x128xf32, #tpu.memory_space<vmem>>) target(%dma_start3A_640 : memref<10000x128xf32, #tpu.memory_space<vmem_shared>>) offsets(%dma_start3A_637 : memref<125xi32, #tpu.memory_space<vmem>>) semaphore(%run_scoped3A_634 : memref<!tpu.dma_semaphore, #tpu.memory_space<semaphore_mem>>) {add = true}
        %dma_wait3A_641 = arith.constant 0 : i32
        %dma_wait3A_642 = tpu.memref_slice %arg8[%run_scoped3A_595, %dma_wait3A_641] : memref<40x125xi32, #tpu.memory_space<vmem>> -> memref<1x125xi32, #tpu.memory_space<vmem>>
        %dma_wait3A_643 = tpu.memref_squeeze %dma_wait3A_642 : memref<1x125xi32, #tpu.memory_space<vmem>> -> memref<125xi32, #tpu.memory_space<vmem>>
        %dma_wait3A_644 = arith.constant 0 : i32
        %dma_wait3A_645 = arith.constant 0 : i32
        %dma_wait3A_646 = tpu.memref_slice %arg6[%dma_wait3A_644, %dma_wait3A_645] : memref<10000x128xf32, #tpu.memory_space<vmem_shared>> -> memref<10000x128xf32, #tpu.memory_space<vmem_shared>>
        tpu.wait_indirect_dma semaphore(%run_scoped3A_634 : memref<!tpu.dma_semaphore, #tpu.memory_space<semaphore_mem>>) src(%arg9 : memref<125x128xf32, #tpu.memory_space<vmem>>) dst(%dma_wait3A_646 : memref<10000x128xf32, #tpu.memory_space<vmem_shared>>)
        tpu.yield
      }) : () -> ()
      %dma_start3A_596 = arith.constant 38 : i32
      %dma_start3A_597 = arith.constant 0 : i32
      %dma_start3A_598 = tpu.memref_slice %arg7[%dma_start3A_596, %dma_start3A_597] : memref<40x125xi32, #tpu.memory_space<vmem>> -> memref<1x125xi32, #tpu.memory_space<vmem>>
      %dma_start3A_599 = tpu.memref_squeeze %dma_start3A_598 : memref<1x125xi32, #tpu.memory_space<vmem>> -> memref<125xi32, #tpu.memory_space<vmem>>
      %dma_start3A_600 = arith.constant 0 : i32
      %dma_start3A_601 = arith.constant 0 : i32
      %dma_start3A_602 = tpu.memref_slice %arg2[%dma_start3A_600, %dma_start3A_601] : memref<10000x128xf32, #tpu.memory_space<hbm>> -> memref<10000x128xf32, #tpu.memory_space<hbm>>
      tpu.enqueue_indirect_dma source(%dma_start3A_602 : memref<10000x128xf32, #tpu.memory_space<hbm>>) target(%arg9 : memref<125x128xf32, #tpu.memory_space<vmem>>) offsets(%dma_start3A_599 : memref<125xi32, #tpu.memory_space<vmem>>) semaphore(%arg11 : memref<!tpu.dma_semaphore, #tpu.memory_space<semaphore_mem>>)
      %dma_wait3A_603 = arith.constant 37 : i32
      %dma_wait3A_604 = arith.constant 0 : i32
      %dma_wait3A_605 = tpu.memref_slice %arg7[%dma_wait3A_603, %dma_wait3A_604] : memref<40x125xi32, #tpu.memory_space<vmem>> -> memref<1x125xi32, #tpu.memory_space<vmem>>
      %dma_wait3A_606 = tpu.memref_squeeze %dma_wait3A_605 : memref<1x125xi32, #tpu.memory_space<vmem>> -> memref<125xi32, #tpu.memory_space<vmem>>
      %dma_wait3A_607 = arith.constant 0 : i32
      %dma_wait3A_608 = arith.constant 0 : i32
      %dma_wait3A_609 = tpu.memref_slice %arg2[%dma_wait3A_607, %dma_wait3A_608] : memref<10000x128xf32, #tpu.memory_space<hbm>> -> memref<10000x128xf32, #tpu.memory_space<hbm>>
      tpu.wait_indirect_dma semaphore(%arg11 : memref<!tpu.dma_semaphore, #tpu.memory_space<semaphore_mem>>) src(%dma_wait3A_609 : memref<10000x128xf32, #tpu.memory_space<hbm>>) dst(%arg10 : memref<125x128xf32, #tpu.memory_space<vmem>>)
      %run_scoped3A_610 = arith.constant 37 : i32
      "tpu.region"() ({
        %run_scoped3A_634 = tpu.sem_alloc : memref<!tpu.dma_semaphore, #tpu.memory_space<semaphore_mem>>
        %dma_start3A_635 = arith.constant 0 : i32
        %dma_start3A_636 = tpu.memref_slice %arg8[%run_scoped3A_610, %dma_start3A_635] : memref<40x125xi32, #tpu.memory_space<vmem>> -> memref<1x125xi32, #tpu.memory_space<vmem>>
        %dma_start3A_637 = tpu.memref_squeeze %dma_start3A_636 : memref<1x125xi32, #tpu.memory_space<vmem>> -> memref<125xi32, #tpu.memory_space<vmem>>
        %dma_start3A_638 = arith.constant 0 : i32
        %dma_start3A_639 = arith.constant 0 : i32
        %dma_start3A_640 = tpu.memref_slice %arg6[%dma_start3A_638, %dma_start3A_639] : memref<10000x128xf32, #tpu.memory_space<vmem_shared>> -> memref<10000x128xf32, #tpu.memory_space<vmem_shared>>
        tpu.enqueue_indirect_dma source(%arg10 : memref<125x128xf32, #tpu.memory_space<vmem>>) target(%dma_start3A_640 : memref<10000x128xf32, #tpu.memory_space<vmem_shared>>) offsets(%dma_start3A_637 : memref<125xi32, #tpu.memory_space<vmem>>) semaphore(%run_scoped3A_634 : memref<!tpu.dma_semaphore, #tpu.memory_space<semaphore_mem>>) {add = true}
        %dma_wait3A_641 = arith.constant 0 : i32
        %dma_wait3A_642 = tpu.memref_slice %arg8[%run_scoped3A_610, %dma_wait3A_641] : memref<40x125xi32, #tpu.memory_space<vmem>> -> memref<1x125xi32, #tpu.memory_space<vmem>>
        %dma_wait3A_643 = tpu.memref_squeeze %dma_wait3A_642 : memref<1x125xi32, #tpu.memory_space<vmem>> -> memref<125xi32, #tpu.memory_space<vmem>>
        %dma_wait3A_644 = arith.constant 0 : i32
        %dma_wait3A_645 = arith.constant 0 : i32
        %dma_wait3A_646 = tpu.memref_slice %arg6[%dma_wait3A_644, %dma_wait3A_645] : memref<10000x128xf32, #tpu.memory_space<vmem_shared>> -> memref<10000x128xf32, #tpu.memory_space<vmem_shared>>
        tpu.wait_indirect_dma semaphore(%run_scoped3A_634 : memref<!tpu.dma_semaphore, #tpu.memory_space<semaphore_mem>>) src(%arg10 : memref<125x128xf32, #tpu.memory_space<vmem>>) dst(%dma_wait3A_646 : memref<10000x128xf32, #tpu.memory_space<vmem_shared>>)
        tpu.yield
      }) : () -> ()
      %dma_start3A_611 = arith.constant 39 : i32
      %dma_start3A_612 = arith.constant 0 : i32
      %dma_start3A_613 = tpu.memref_slice %arg7[%dma_start3A_611, %dma_start3A_612] : memref<40x125xi32, #tpu.memory_space<vmem>> -> memref<1x125xi32, #tpu.memory_space<vmem>>
      %dma_start3A_614 = tpu.memref_squeeze %dma_start3A_613 : memref<1x125xi32, #tpu.memory_space<vmem>> -> memref<125xi32, #tpu.memory_space<vmem>>
      %dma_start3A_615 = arith.constant 0 : i32
      %dma_start3A_616 = arith.constant 0 : i32
      %dma_start3A_617 = tpu.memref_slice %arg2[%dma_start3A_615, %dma_start3A_616] : memref<10000x128xf32, #tpu.memory_space<hbm>> -> memref<10000x128xf32, #tpu.memory_space<hbm>>
      tpu.enqueue_indirect_dma source(%dma_start3A_617 : memref<10000x128xf32, #tpu.memory_space<hbm>>) target(%arg10 : memref<125x128xf32, #tpu.memory_space<vmem>>) offsets(%dma_start3A_614 : memref<125xi32, #tpu.memory_space<vmem>>) semaphore(%arg11 : memref<!tpu.dma_semaphore, #tpu.memory_space<semaphore_mem>>)
      %dma_wait3A_618 = arith.constant 38 : i32
      %dma_wait3A_619 = arith.constant 0 : i32
      %dma_wait3A_620 = tpu.memref_slice %arg7[%dma_wait3A_618, %dma_wait3A_619] : memref<40x125xi32, #tpu.memory_space<vmem>> -> memref<1x125xi32, #tpu.memory_space<vmem>>
      %dma_wait3A_621 = tpu.memref_squeeze %dma_wait3A_620 : memref<1x125xi32, #tpu.memory_space<vmem>> -> memref<125xi32, #tpu.memory_space<vmem>>
      %dma_wait3A_622 = arith.constant 0 : i32
      %dma_wait3A_623 = arith.constant 0 : i32
      %dma_wait3A_624 = tpu.memref_slice %arg2[%dma_wait3A_622, %dma_wait3A_623] : memref<10000x128xf32, #tpu.memory_space<hbm>> -> memref<10000x128xf32, #tpu.memory_space<hbm>>
      tpu.wait_indirect_dma semaphore(%arg11 : memref<!tpu.dma_semaphore, #tpu.memory_space<semaphore_mem>>) src(%dma_wait3A_624 : memref<10000x128xf32, #tpu.memory_space<hbm>>) dst(%arg9 : memref<125x128xf32, #tpu.memory_space<vmem>>)
      %run_scoped3A_625 = arith.constant 38 : i32
      "tpu.region"() ({
        %run_scoped3A_634 = tpu.sem_alloc : memref<!tpu.dma_semaphore, #tpu.memory_space<semaphore_mem>>
        %dma_start3A_635 = arith.constant 0 : i32
        %dma_start3A_636 = tpu.memref_slice %arg8[%run_scoped3A_625, %dma_start3A_635] : memref<40x125xi32, #tpu.memory_space<vmem>> -> memref<1x125xi32, #tpu.memory_space<vmem>>
        %dma_start3A_637 = tpu.memref_squeeze %dma_start3A_636 : memref<1x125xi32, #tpu.memory_space<vmem>> -> memref<125xi32, #tpu.memory_space<vmem>>
        %dma_start3A_638 = arith.constant 0 : i32
        %dma_start3A_639 = arith.constant 0 : i32
        %dma_start3A_640 = tpu.memref_slice %arg6[%dma_start3A_638, %dma_start3A_639] : memref<10000x128xf32, #tpu.memory_space<vmem_shared>> -> memref<10000x128xf32, #tpu.memory_space<vmem_shared>>
        tpu.enqueue_indirect_dma source(%arg9 : memref<125x128xf32, #tpu.memory_space<vmem>>) target(%dma_start3A_640 : memref<10000x128xf32, #tpu.memory_space<vmem_shared>>) offsets(%dma_start3A_637 : memref<125xi32, #tpu.memory_space<vmem>>) semaphore(%run_scoped3A_634 : memref<!tpu.dma_semaphore, #tpu.memory_space<semaphore_mem>>) {add = true}
        %dma_wait3A_641 = arith.constant 0 : i32
        %dma_wait3A_642 = tpu.memref_slice %arg8[%run_scoped3A_625, %dma_wait3A_641] : memref<40x125xi32, #tpu.memory_space<vmem>> -> memref<1x125xi32, #tpu.memory_space<vmem>>
        %dma_wait3A_643 = tpu.memref_squeeze %dma_wait3A_642 : memref<1x125xi32, #tpu.memory_space<vmem>> -> memref<125xi32, #tpu.memory_space<vmem>>
        %dma_wait3A_644 = arith.constant 0 : i32
        %dma_wait3A_645 = arith.constant 0 : i32
        %dma_wait3A_646 = tpu.memref_slice %arg6[%dma_wait3A_644, %dma_wait3A_645] : memref<10000x128xf32, #tpu.memory_space<vmem_shared>> -> memref<10000x128xf32, #tpu.memory_space<vmem_shared>>
        tpu.wait_indirect_dma semaphore(%run_scoped3A_634 : memref<!tpu.dma_semaphore, #tpu.memory_space<semaphore_mem>>) src(%arg9 : memref<125x128xf32, #tpu.memory_space<vmem>>) dst(%dma_wait3A_646 : memref<10000x128xf32, #tpu.memory_space<vmem_shared>>)
        tpu.yield
      }) : () -> ()
      %dma_wait3A_626 = arith.constant 39 : i32
      %dma_wait3A_627 = arith.constant 0 : i32
      %dma_wait3A_628 = tpu.memref_slice %arg7[%dma_wait3A_626, %dma_wait3A_627] : memref<40x125xi32, #tpu.memory_space<vmem>> -> memref<1x125xi32, #tpu.memory_space<vmem>>
      %dma_wait3A_629 = tpu.memref_squeeze %dma_wait3A_628 : memref<1x125xi32, #tpu.memory_space<vmem>> -> memref<125xi32, #tpu.memory_space<vmem>>
      %dma_wait3A_630 = arith.constant 0 : i32
      %dma_wait3A_631 = arith.constant 0 : i32
      %dma_wait3A_632 = tpu.memref_slice %arg2[%dma_wait3A_630, %dma_wait3A_631] : memref<10000x128xf32, #tpu.memory_space<hbm>> -> memref<10000x128xf32, #tpu.memory_space<hbm>>
      tpu.wait_indirect_dma semaphore(%arg11 : memref<!tpu.dma_semaphore, #tpu.memory_space<semaphore_mem>>) src(%dma_wait3A_632 : memref<10000x128xf32, #tpu.memory_space<hbm>>) dst(%arg10 : memref<125x128xf32, #tpu.memory_space<vmem>>)
      %run_scoped3A_633 = arith.constant 39 : i32
      "tpu.region"() ({
        %run_scoped3A_634 = tpu.sem_alloc : memref<!tpu.dma_semaphore, #tpu.memory_space<semaphore_mem>>
        %dma_start3A_635 = arith.constant 0 : i32
        %dma_start3A_636 = tpu.memref_slice %arg8[%run_scoped3A_633, %dma_start3A_635] : memref<40x125xi32, #tpu.memory_space<vmem>> -> memref<1x125xi32, #tpu.memory_space<vmem>>
        %dma_start3A_637 = tpu.memref_squeeze %dma_start3A_636 : memref<1x125xi32, #tpu.memory_space<vmem>> -> memref<125xi32, #tpu.memory_space<vmem>>
        %dma_start3A_638 = arith.constant 0 : i32
        %dma_start3A_639 = arith.constant 0 : i32
        %dma_start3A_640 = tpu.memref_slice %arg6[%dma_start3A_638, %dma_start3A_639] : memref<10000x128xf32, #tpu.memory_space<vmem_shared>> -> memref<10000x128xf32, #tpu.memory_space<vmem_shared>>
        tpu.enqueue_indirect_dma source(%arg10 : memref<125x128xf32, #tpu.memory_space<vmem>>) target(%dma_start3A_640 : memref<10000x128xf32, #tpu.memory_space<vmem_shared>>) offsets(%dma_start3A_637 : memref<125xi32, #tpu.memory_space<vmem>>) semaphore(%run_scoped3A_634 : memref<!tpu.dma_semaphore, #tpu.memory_space<semaphore_mem>>) {add = true}
        %dma_wait3A_641 = arith.constant 0 : i32
        %dma_wait3A_642 = tpu.memref_slice %arg8[%run_scoped3A_633, %dma_wait3A_641] : memref<40x125xi32, #tpu.memory_space<vmem>> -> memref<1x125xi32, #tpu.memory_space<vmem>>
        %dma_wait3A_643 = tpu.memref_squeeze %dma_wait3A_642 : memref<1x125xi32, #tpu.memory_space<vmem>> -> memref<125xi32, #tpu.memory_space<vmem>>
        %dma_wait3A_644 = arith.constant 0 : i32
        %dma_wait3A_645 = arith.constant 0 : i32
        %dma_wait3A_646 = tpu.memref_slice %arg6[%dma_wait3A_644, %dma_wait3A_645] : memref<10000x128xf32, #tpu.memory_space<vmem_shared>> -> memref<10000x128xf32, #tpu.memory_space<vmem_shared>>
        tpu.wait_indirect_dma semaphore(%run_scoped3A_634 : memref<!tpu.dma_semaphore, #tpu.memory_space<semaphore_mem>>) src(%arg10 : memref<125x128xf32, #tpu.memory_space<vmem>>) dst(%dma_wait3A_646 : memref<10000x128xf32, #tpu.memory_space<vmem_shared>>)
        tpu.yield
      }) : () -> ()
    }
    %scan3A_16 = arith.constant 2 : i32
    %barrier3A_17 = arith.constant 0 : index
    tpu.barrier barrier_id(%barrier3A_17)
    %mul3A_18 = arith.constant 624 : i32
    %mul3A_19 = arith.muli %arg1, %mul3A_18 : i32
    %mul3A_20 = arith.constant 624 : i32
    %mul3A_21 = arith.muli %arg1, %mul3A_20 : i32
    "tpu.region"() ({
      %run_scoped3A = tpu.sem_alloc : memref<!tpu.dma_semaphore, #tpu.memory_space<semaphore_mem>>
      %dma_start3A = arith.constant 0 : i32
      %dma_start3A_27 = tpu.memref_slice %arg5[%arg0, %mul3A_21, %dma_start3A] : memref<2x10000x128xf32, #tpu.memory_space<hbm>> -> memref<1x624x128xf32, #tpu.memory_space<hbm>>
      %dma_start3A_28 = tpu.memref_squeeze %dma_start3A_27 : memref<1x624x128xf32, #tpu.memory_space<hbm>> -> memref<624x128xf32, #tpu.memory_space<hbm>>
      %dma_start3A_29 = arith.constant 0 : i32
      %dma_start3A_30 = tpu.memref_slice %arg6[%mul3A_19, %dma_start3A_29] : memref<10000x128xf32, #tpu.memory_space<vmem_shared>> -> memref<624x128xf32, #tpu.memory_space<vmem_shared>>
      tpu.enqueue_dma source(%dma_start3A_30 : memref<624x128xf32, #tpu.memory_space<vmem_shared>>) target(%dma_start3A_28 : memref<624x128xf32, #tpu.memory_space<hbm>>) target_semaphore(%run_scoped3A : memref<!tpu.dma_semaphore, #tpu.memory_space<semaphore_mem>>)
      %dma_wait3A = arith.constant 0 : i32
      %dma_wait3A_31 = tpu.memref_slice %arg5[%arg0, %mul3A_21, %dma_wait3A] : memref<2x10000x128xf32, #tpu.memory_space<hbm>> -> memref<1x624x128xf32, #tpu.memory_space<hbm>>
      %dma_wait3A_32 = tpu.memref_squeeze %dma_wait3A_31 : memref<1x624x128xf32, #tpu.memory_space<hbm>> -> memref<624x128xf32, #tpu.memory_space<hbm>>
      %dma_wait3A_33 = arith.constant 0 : i32
      %dma_wait3A_34 = tpu.memref_slice %arg6[%mul3A_19, %dma_wait3A_33] : memref<10000x128xf32, #tpu.memory_space<vmem_shared>> -> memref<624x128xf32, #tpu.memory_space<vmem_shared>>
      tpu.wait_dma2 semaphore(%run_scoped3A : memref<!tpu.dma_semaphore, #tpu.memory_space<semaphore_mem>>) src(%dma_wait3A_34 : memref<624x128xf32, #tpu.memory_space<vmem_shared>>) dst(%dma_wait3A_32 : memref<624x128xf32, #tpu.memory_space<hbm>>)
      tpu.yield
    }) : () -> ()
    %eq3A_22 = arith.constant 15 : i32
    %eq3A_23 = arith.cmpi eq, %arg1, %eq3A_22 : i32
    %convert_element_type3A_24 = arith.extui %eq3A_23 : i1 to i32
    %cond3A_25 = arith.constant 0 : i32
    %cond3A_26 = arith.cmpi ne, %convert_element_type3A_24, %cond3A_25 : i32
    scf.if %cond3A_26 {
      "tpu.region"() ({
        %run_scoped3A = tpu.sem_alloc : memref<!tpu.dma_semaphore, #tpu.memory_space<semaphore_mem>>
        %dma_start3A = arith.constant 9984 : i32
        %dma_start3A_27 = arith.constant 0 : i32
        %dma_start3A_28 = tpu.memref_slice %arg5[%arg0, %dma_start3A, %dma_start3A_27] : memref<2x10000x128xf32, #tpu.memory_space<hbm>> -> memref<1x16x128xf32, #tpu.memory_space<hbm>>
        %dma_start3A_29 = tpu.memref_squeeze %dma_start3A_28 : memref<1x16x128xf32, #tpu.memory_space<hbm>> -> memref<16x128xf32, #tpu.memory_space<hbm>>
        %dma_start3A_30 = arith.constant 9984 : i32
        %dma_start3A_31 = arith.constant 0 : i32
        %dma_start3A_32 = tpu.memref_slice %arg6[%dma_start3A_30, %dma_start3A_31] : memref<10000x128xf32, #tpu.memory_space<vmem_shared>> -> memref<16x128xf32, #tpu.memory_space<vmem_shared>>
        tpu.enqueue_dma source(%dma_start3A_32 : memref<16x128xf32, #tpu.memory_space<vmem_shared>>) target(%dma_start3A_29 : memref<16x128xf32, #tpu.memory_space<hbm>>) target_semaphore(%run_scoped3A : memref<!tpu.dma_semaphore, #tpu.memory_space<semaphore_mem>>)
        %dma_wait3A = arith.constant 9984 : i32
        %dma_wait3A_33 = arith.constant 0 : i32
        %dma_wait3A_34 = tpu.memref_slice %arg5[%arg0, %dma_wait3A, %dma_wait3A_33] : memref<2x10000x128xf32, #tpu.memory_space<hbm>> -> memref<1x16x128xf32, #tpu.memory_space<hbm>>
        %dma_wait3A_35 = tpu.memref_squeeze %dma_wait3A_34 : memref<1x16x128xf32, #tpu.memory_space<hbm>> -> memref<16x128xf32, #tpu.memory_space<hbm>>
        %dma_wait3A_36 = arith.constant 9984 : i32
        %dma_wait3A_37 = arith.constant 0 : i32
        %dma_wait3A_38 = tpu.memref_slice %arg6[%dma_wait3A_36, %dma_wait3A_37] : memref<10000x128xf32, #tpu.memory_space<vmem_shared>> -> memref<16x128xf32, #tpu.memory_space<vmem_shared>>
        tpu.wait_dma2 semaphore(%run_scoped3A : memref<!tpu.dma_semaphore, #tpu.memory_space<semaphore_mem>>) src(%dma_wait3A_38 : memref<16x128xf32, #tpu.memory_space<vmem_shared>>) dst(%dma_wait3A_35 : memref<16x128xf32, #tpu.memory_space<hbm>>)
        tpu.yield
      }) : () -> ()
    } else {
    }
    return
  }
}

module attributes {stable_mosaic.version = 14 : i64} {
  func.func @_tc1_body(%arg0: i32, %arg1: memref<2000x768xf32, #tpu.memory_space<vmem>>, %arg2: memref<2000x768xf32, #tpu.memory_space<vmem>>, %arg3: memref<2000x7xf32, #tpu.memory_space<vmem>>, %arg4: memref<2000x11xf32, #tpu.memory_space<vmem>>, %arg5: memref<2000x1xf32, #tpu.memory_space<vmem>>, %arg6: memref<2000x32xf32, #tpu.memory_space<vmem>>, %arg7: memref<768x28xbf16, #tpu.memory_space<vmem>>, %arg8: memref<1x28xf32, #tpu.memory_space<vmem>>, %arg9: memref<768x36xbf16, #tpu.memory_space<vmem>>, %arg10: memref<1x36xf32, #tpu.memory_space<vmem>>, %arg11: memref<7x12xf32, #tpu.memory_space<vmem>>, %arg12: memref<1x12xf32, #tpu.memory_space<vmem>>, %arg13: memref<11x40xf32, #tpu.memory_space<vmem>>, %arg14: memref<1x40xf32, #tpu.memory_space<vmem>>, %arg15: memref<1x12xf32, #tpu.memory_space<vmem>>, %arg16: memref<1x12xf32, #tpu.memory_space<vmem>>, %arg17: memref<28x128xf32, #tpu.memory_space<vmem>>, %arg18: memref<36x128xf32, #tpu.memory_space<vmem>>, %arg19: memref<12x128xf32, #tpu.memory_space<vmem>>, %arg20: memref<40x128xf32, #tpu.memory_space<vmem>>, %arg21: memref<12x128xf32, #tpu.memory_space<vmem>>, %arg22: memref<1x128xf32, #tpu.memory_space<vmem>>, %arg23: memref<128x128xf32, #tpu.memory_space<vmem>>, %arg24: memref<2000x128xf32, #tpu.memory_space<vmem>>, %arg25: memref<2000x1xf32, #tpu.memory_space<vmem>>) attributes {dimension_semantics = [#tpu.dimension_semantics<arbitrary>], iteration_bounds = array<i64: 5>, scalar_prefetch = 0 : i64, scratch_operands = 0 : i64, tpu.core_type = #tpu.core_type<tc>, window_params = [{transform_indices = @transform_0, window_bounds = array<i64: 2000, 768>}, {transform_indices = @transform_1, window_bounds = array<i64: 2000, 768>}, {transform_indices = @transform_2, window_bounds = array<i64: 2000, 7>}, {transform_indices = @transform_3, window_bounds = array<i64: 2000, 11>}, {transform_indices = @transform_4, window_bounds = array<i64: 2000, 1>}, {transform_indices = @transform_5, window_bounds = array<i64: 2000, 32>}, {pipeline_mode = #tpu.pipeline_mode<synchronous>, transform_indices = @transform_6, window_bounds = array<i64: 768, 28>}, {pipeline_mode = #tpu.pipeline_mode<synchronous>, transform_indices = @transform_7, window_bounds = array<i64: 1, 28>}, {pipeline_mode = #tpu.pipeline_mode<synchronous>, transform_indices = @transform_8, window_bounds = array<i64: 768, 36>}, {pipeline_mode = #tpu.pipeline_mode<synchronous>, transform_indices = @transform_9, window_bounds = array<i64: 1, 36>}, {pipeline_mode = #tpu.pipeline_mode<synchronous>, transform_indices = @transform_10, window_bounds = array<i64: 7, 12>}, {pipeline_mode = #tpu.pipeline_mode<synchronous>, transform_indices = @transform_11, window_bounds = array<i64: 1, 12>}, {pipeline_mode = #tpu.pipeline_mode<synchronous>, transform_indices = @transform_12, window_bounds = array<i64: 11, 40>}, {pipeline_mode = #tpu.pipeline_mode<synchronous>, transform_indices = @transform_13, window_bounds = array<i64: 1, 40>}, {pipeline_mode = #tpu.pipeline_mode<synchronous>, transform_indices = @transform_14, window_bounds = array<i64: 1, 12>}, {pipeline_mode = #tpu.pipeline_mode<synchronous>, transform_indices = @transform_15, window_bounds = array<i64: 1, 12>}, {pipeline_mode = #tpu.pipeline_mode<synchronous>, transform_indices = @transform_16, window_bounds = array<i64: 28, 128>}, {pipeline_mode = #tpu.pipeline_mode<synchronous>, transform_indices = @transform_17, window_bounds = array<i64: 36, 128>}, {pipeline_mode = #tpu.pipeline_mode<synchronous>, transform_indices = @transform_18, window_bounds = array<i64: 12, 128>}, {pipeline_mode = #tpu.pipeline_mode<synchronous>, transform_indices = @transform_19, window_bounds = array<i64: 40, 128>}, {pipeline_mode = #tpu.pipeline_mode<synchronous>, transform_indices = @transform_20, window_bounds = array<i64: 12, 128>}, {pipeline_mode = #tpu.pipeline_mode<synchronous>, transform_indices = @transform_21, window_bounds = array<i64: 1, 128>}, {pipeline_mode = #tpu.pipeline_mode<synchronous>, transform_indices = @transform_22, window_bounds = array<i64: 128, 128>}, {transform_indices = @transform_23, window_bounds = array<i64: 2000, 128>}, {transform_indices = @transform_24, window_bounds = array<i64: 2000, 1>}]} {
    %get3A = arith.constant 0 : index
    %get3A_0 = arith.constant 0 : index
    %get3A_1 = vector.load %arg1[%get3A, %get3A_0] : memref<2000x768xf32, #tpu.memory_space<vmem>>, vector<2000x768xf32>
    %convert_element_type3A = arith.truncf %get3A_1 : vector<2000x768xf32> to vector<2000x768xbf16>
    %get3A_2 = arith.constant 0 : index
    %get3A_3 = arith.constant 0 : index
    %get3A_4 = vector.load %arg7[%get3A_2, %get3A_3] : memref<768x28xbf16, #tpu.memory_space<vmem>>, vector<768x28xbf16>
    %dot_general3A = arith.constant dense<0.000000e+00> : vector<2000x28xf32>
    %dot_general3A_5 = tpu.matmul %convert_element_type3A, %get3A_4, %dot_general3A {dimension_numbers = #tpu.dot_dimension_numbers<[1], [0], [0], [1], [0, 0, 1, 1], [], []>, transpose_lhs_hint = false} : vector<2000x768xbf16>, vector<768x28xbf16>, vector<2000x28xf32> -> vector<2000x28xf32>
    %get3A_6 = arith.constant 0 : index
    %get3A_7 = arith.constant 0 : index
    %get3A_8 = vector.load %arg8[%get3A_6, %get3A_7] : memref<1x28xf32, #tpu.memory_space<vmem>>, vector<1x28xf32>
    %add3A = vector.broadcast %get3A_8 : vector<1x28xf32> to vector<2000x28xf32>
    %add3A_9 = arith.addf %dot_general3A_5, %add3A : vector<2000x28xf32>
    %gt3A = arith.constant 0.000000e+00 : f32
    %gt3A_10 = vector.broadcast %gt3A : f32 to vector<2000x28xf32>
    %gt3A_11 = arith.cmpf ogt, %add3A_9, %gt3A_10 : vector<2000x28xf32>
    %mul3A = arith.constant 0.00999999977 : f32
    %mul3A_12 = vector.broadcast %mul3A : f32 to vector<2000x28xf32>
    %mul3A_13 = arith.mulf %mul3A_12, %add3A_9 : vector<2000x28xf32>
    %select_n3A = arith.select %gt3A_11, %add3A_9, %mul3A_13 : vector<2000x28xi1>, vector<2000x28xf32>
    %get3A_14 = arith.constant 0 : index
    %get3A_15 = arith.constant 0 : index
    %get3A_16 = vector.load %arg2[%get3A_14, %get3A_15] : memref<2000x768xf32, #tpu.memory_space<vmem>>, vector<2000x768xf32>
    %convert_element_type3A_17 = arith.truncf %get3A_16 : vector<2000x768xf32> to vector<2000x768xbf16>
    %get3A_18 = arith.constant 0 : index
    %get3A_19 = arith.constant 0 : index
    %get3A_20 = vector.load %arg9[%get3A_18, %get3A_19] : memref<768x36xbf16, #tpu.memory_space<vmem>>, vector<768x36xbf16>
    %dot_general3A_21 = arith.constant dense<0.000000e+00> : vector<2000x36xf32>
    %dot_general3A_22 = tpu.matmul %convert_element_type3A_17, %get3A_20, %dot_general3A_21 {dimension_numbers = #tpu.dot_dimension_numbers<[1], [0], [0], [1], [0, 0, 1, 1], [], []>, transpose_lhs_hint = false} : vector<2000x768xbf16>, vector<768x36xbf16>, vector<2000x36xf32> -> vector<2000x36xf32>
    %get3A_23 = arith.constant 0 : index
    %get3A_24 = arith.constant 0 : index
    %get3A_25 = vector.load %arg10[%get3A_23, %get3A_24] : memref<1x36xf32, #tpu.memory_space<vmem>>, vector<1x36xf32>
    %add3A_26 = vector.broadcast %get3A_25 : vector<1x36xf32> to vector<2000x36xf32>
    %add3A_27 = arith.addf %dot_general3A_22, %add3A_26 : vector<2000x36xf32>
    %gt3A_28 = arith.constant 0.000000e+00 : f32
    %gt3A_29 = vector.broadcast %gt3A_28 : f32 to vector<2000x36xf32>
    %gt3A_30 = arith.cmpf ogt, %add3A_27, %gt3A_29 : vector<2000x36xf32>
    %mul3A_31 = arith.constant 0.00999999977 : f32
    %mul3A_32 = vector.broadcast %mul3A_31 : f32 to vector<2000x36xf32>
    %mul3A_33 = arith.mulf %mul3A_32, %add3A_27 : vector<2000x36xf32>
    %select_n3A_34 = arith.select %gt3A_30, %add3A_27, %mul3A_33 : vector<2000x36xi1>, vector<2000x36xf32>
    %get3A_35 = arith.constant 0 : index
    %get3A_36 = arith.constant 0 : index
    %get3A_37 = vector.load %arg3[%get3A_35, %get3A_36] : memref<2000x7xf32, #tpu.memory_space<vmem>>, vector<2000x7xf32>
    %get3A_38 = arith.constant 0 : index
    %get3A_39 = arith.constant 0 : index
    %get3A_40 = vector.load %arg11[%get3A_38, %get3A_39] : memref<7x12xf32, #tpu.memory_space<vmem>>, vector<7x12xf32>
    %dot_general3A_41 = arith.constant dense<0.000000e+00> : vector<2000x12xf32>
    %dot_general3A_42 = tpu.matmul %get3A_37, %get3A_40, %dot_general3A_41 {dimension_numbers = #tpu.dot_dimension_numbers<[1], [0], [0], [1], [0, 0, 1, 1], [], []>, transpose_lhs_hint = false} : vector<2000x7xf32>, vector<7x12xf32>, vector<2000x12xf32> -> vector<2000x12xf32>
    %get3A_43 = arith.constant 0 : index
    %get3A_44 = arith.constant 0 : index
    %get3A_45 = vector.load %arg12[%get3A_43, %get3A_44] : memref<1x12xf32, #tpu.memory_space<vmem>>, vector<1x12xf32>
    %add3A_46 = vector.broadcast %get3A_45 : vector<1x12xf32> to vector<2000x12xf32>
    %add3A_47 = arith.addf %dot_general3A_42, %add3A_46 : vector<2000x12xf32>
    %gt3A_48 = arith.constant 0.000000e+00 : f32
    %gt3A_49 = vector.broadcast %gt3A_48 : f32 to vector<2000x12xf32>
    %gt3A_50 = arith.cmpf ogt, %add3A_47, %gt3A_49 : vector<2000x12xf32>
    %mul3A_51 = arith.constant 0.00999999977 : f32
    %mul3A_52 = vector.broadcast %mul3A_51 : f32 to vector<2000x12xf32>
    %mul3A_53 = arith.mulf %mul3A_52, %add3A_47 : vector<2000x12xf32>
    %select_n3A_54 = arith.select %gt3A_50, %add3A_47, %mul3A_53 : vector<2000x12xi1>, vector<2000x12xf32>
    %get3A_55 = arith.constant 0 : index
    %get3A_56 = arith.constant 0 : index
    %get3A_57 = vector.load %arg4[%get3A_55, %get3A_56] : memref<2000x11xf32, #tpu.memory_space<vmem>>, vector<2000x11xf32>
    %get3A_58 = arith.constant 0 : index
    %get3A_59 = arith.constant 0 : index
    %get3A_60 = vector.load %arg13[%get3A_58, %get3A_59] : memref<11x40xf32, #tpu.memory_space<vmem>>, vector<11x40xf32>
    %dot_general3A_61 = arith.constant dense<0.000000e+00> : vector<2000x40xf32>
    %dot_general3A_62 = tpu.matmul %get3A_57, %get3A_60, %dot_general3A_61 {dimension_numbers = #tpu.dot_dimension_numbers<[1], [0], [0], [1], [0, 0, 1, 1], [], []>, transpose_lhs_hint = false} : vector<2000x11xf32>, vector<11x40xf32>, vector<2000x40xf32> -> vector<2000x40xf32>
    %get3A_63 = arith.constant 0 : index
    %get3A_64 = arith.constant 0 : index
    %get3A_65 = vector.load %arg14[%get3A_63, %get3A_64] : memref<1x40xf32, #tpu.memory_space<vmem>>, vector<1x40xf32>
    %add3A_66 = vector.broadcast %get3A_65 : vector<1x40xf32> to vector<2000x40xf32>
    %add3A_67 = arith.addf %dot_general3A_62, %add3A_66 : vector<2000x40xf32>
    %gt3A_68 = arith.constant 0.000000e+00 : f32
    %gt3A_69 = vector.broadcast %gt3A_68 : f32 to vector<2000x40xf32>
    %gt3A_70 = arith.cmpf ogt, %add3A_67, %gt3A_69 : vector<2000x40xf32>
    %mul3A_71 = arith.constant 0.00999999977 : f32
    %mul3A_72 = vector.broadcast %mul3A_71 : f32 to vector<2000x40xf32>
    %mul3A_73 = arith.mulf %mul3A_72, %add3A_67 : vector<2000x40xf32>
    %select_n3A_74 = arith.select %gt3A_70, %add3A_67, %mul3A_73 : vector<2000x40xi1>, vector<2000x40xf32>
    %get3A_75 = arith.constant 0 : index
    %get3A_76 = arith.constant 0 : index
    %get3A_77 = vector.load %arg5[%get3A_75, %get3A_76] : memref<2000x1xf32, #tpu.memory_space<vmem>>, vector<2000x1xf32>
    %get3A_78 = arith.constant 0 : index
    %get3A_79 = arith.constant 0 : index
    %get3A_80 = vector.load %arg15[%get3A_78, %get3A_79] : memref<1x12xf32, #tpu.memory_space<vmem>>, vector<1x12xf32>
    %dot_general3A_81 = arith.constant dense<0.000000e+00> : vector<2000x12xf32>
    %dot_general3A_82 = tpu.matmul %get3A_77, %get3A_80, %dot_general3A_81 {dimension_numbers = #tpu.dot_dimension_numbers<[1], [0], [0], [1], [0, 0, 1, 1], [], []>, transpose_lhs_hint = false} : vector<2000x1xf32>, vector<1x12xf32>, vector<2000x12xf32> -> vector<2000x12xf32>
    %get3A_83 = arith.constant 0 : index
    %get3A_84 = arith.constant 0 : index
    %get3A_85 = vector.load %arg16[%get3A_83, %get3A_84] : memref<1x12xf32, #tpu.memory_space<vmem>>, vector<1x12xf32>
    %add3A_86 = vector.broadcast %get3A_85 : vector<1x12xf32> to vector<2000x12xf32>
    %add3A_87 = arith.addf %dot_general3A_82, %add3A_86 : vector<2000x12xf32>
    %gt3A_88 = arith.constant 0.000000e+00 : f32
    %gt3A_89 = vector.broadcast %gt3A_88 : f32 to vector<2000x12xf32>
    %gt3A_90 = arith.cmpf ogt, %add3A_87, %gt3A_89 : vector<2000x12xf32>
    %mul3A_91 = arith.constant 0.00999999977 : f32
    %mul3A_92 = vector.broadcast %mul3A_91 : f32 to vector<2000x12xf32>
    %mul3A_93 = arith.mulf %mul3A_92, %add3A_87 : vector<2000x12xf32>
    %select_n3A_94 = arith.select %gt3A_90, %add3A_87, %mul3A_93 : vector<2000x12xi1>, vector<2000x12xf32>
    %get3A_95 = arith.constant 0 : index
    %get3A_96 = arith.constant 0 : index
    %get3A_97 = vector.load %arg17[%get3A_95, %get3A_96] : memref<28x128xf32, #tpu.memory_space<vmem>>, vector<28x128xf32>
    %dot_general3A_98 = arith.constant dense<0.000000e+00> : vector<2000x128xf32>
    %dot_general3A_99 = tpu.matmul %select_n3A, %get3A_97, %dot_general3A_98 {dimension_numbers = #tpu.dot_dimension_numbers<[1], [0], [0], [1], [0, 0, 1, 1], [], []>, transpose_lhs_hint = false} : vector<2000x28xf32>, vector<28x128xf32>, vector<2000x128xf32> -> vector<2000x128xf32>
    %get3A_100 = arith.constant 0 : index
    %get3A_101 = arith.constant 0 : index
    %get3A_102 = vector.load %arg18[%get3A_100, %get3A_101] : memref<36x128xf32, #tpu.memory_space<vmem>>, vector<36x128xf32>
    %dot_general3A_103 = arith.constant dense<0.000000e+00> : vector<2000x128xf32>
    %dot_general3A_104 = tpu.matmul %select_n3A_34, %get3A_102, %dot_general3A_103 {dimension_numbers = #tpu.dot_dimension_numbers<[1], [0], [0], [1], [0, 0, 1, 1], [], []>, transpose_lhs_hint = false} : vector<2000x36xf32>, vector<36x128xf32>, vector<2000x128xf32> -> vector<2000x128xf32>
    %add3A_105 = arith.addf %dot_general3A_99, %dot_general3A_104 : vector<2000x128xf32>
    %get3A_106 = arith.constant 0 : index
    %get3A_107 = arith.constant 0 : index
    %get3A_108 = vector.load %arg19[%get3A_106, %get3A_107] : memref<12x128xf32, #tpu.memory_space<vmem>>, vector<12x128xf32>
    %dot_general3A_109 = arith.constant dense<0.000000e+00> : vector<2000x128xf32>
    %dot_general3A_110 = tpu.matmul %select_n3A_54, %get3A_108, %dot_general3A_109 {dimension_numbers = #tpu.dot_dimension_numbers<[1], [0], [0], [1], [0, 0, 1, 1], [], []>, transpose_lhs_hint = false} : vector<2000x12xf32>, vector<12x128xf32>, vector<2000x128xf32> -> vector<2000x128xf32>
    %add3A_111 = arith.addf %add3A_105, %dot_general3A_110 : vector<2000x128xf32>
    %get3A_112 = arith.constant 0 : index
    %get3A_113 = arith.constant 0 : index
    %get3A_114 = vector.load %arg20[%get3A_112, %get3A_113] : memref<40x128xf32, #tpu.memory_space<vmem>>, vector<40x128xf32>
    %dot_general3A_115 = arith.constant dense<0.000000e+00> : vector<2000x128xf32>
    %dot_general3A_116 = tpu.matmul %select_n3A_74, %get3A_114, %dot_general3A_115 {dimension_numbers = #tpu.dot_dimension_numbers<[1], [0], [0], [1], [0, 0, 1, 1], [], []>, transpose_lhs_hint = false} : vector<2000x40xf32>, vector<40x128xf32>, vector<2000x128xf32> -> vector<2000x128xf32>
    %add3A_117 = arith.addf %add3A_111, %dot_general3A_116 : vector<2000x128xf32>
    %get3A_118 = arith.constant 0 : index
    %get3A_119 = arith.constant 0 : index
    %get3A_120 = vector.load %arg21[%get3A_118, %get3A_119] : memref<12x128xf32, #tpu.memory_space<vmem>>, vector<12x128xf32>
    %dot_general3A_121 = arith.constant dense<0.000000e+00> : vector<2000x128xf32>
    %dot_general3A_122 = tpu.matmul %select_n3A_94, %get3A_120, %dot_general3A_121 {dimension_numbers = #tpu.dot_dimension_numbers<[1], [0], [0], [1], [0, 0, 1, 1], [], []>, transpose_lhs_hint = false} : vector<2000x12xf32>, vector<12x128xf32>, vector<2000x128xf32> -> vector<2000x128xf32>
    %add3A_123 = arith.addf %add3A_117, %dot_general3A_122 : vector<2000x128xf32>
    %get3A_124 = arith.constant 0 : index
    %get3A_125 = arith.constant 0 : index
    %get3A_126 = vector.load %arg22[%get3A_124, %get3A_125] : memref<1x128xf32, #tpu.memory_space<vmem>>, vector<1x128xf32>
    %add3A_127 = vector.broadcast %get3A_126 : vector<1x128xf32> to vector<2000x128xf32>
    %add3A_128 = arith.addf %add3A_123, %add3A_127 : vector<2000x128xf32>
    %gt3A_129 = arith.constant 0.000000e+00 : f32
    %gt3A_130 = vector.broadcast %gt3A_129 : f32 to vector<2000x128xf32>
    %gt3A_131 = arith.cmpf ogt, %add3A_128, %gt3A_130 : vector<2000x128xf32>
    %mul3A_132 = arith.constant 0.00999999977 : f32
    %mul3A_133 = vector.broadcast %mul3A_132 : f32 to vector<2000x128xf32>
    %mul3A_134 = arith.mulf %mul3A_133, %add3A_128 : vector<2000x128xf32>
    %select_n3A_135 = arith.select %gt3A_131, %add3A_128, %mul3A_134 : vector<2000x128xi1>, vector<2000x128xf32>
    %get3A_136 = arith.constant 0 : index
    %get3A_137 = arith.constant 0 : index
    %get3A_138 = vector.load %arg23[%get3A_136, %get3A_137] : memref<128x128xf32, #tpu.memory_space<vmem>>, vector<128x128xf32>
    %dot_general3A_139 = arith.constant dense<0.000000e+00> : vector<2000x128xf32>
    %dot_general3A_140 = tpu.matmul %select_n3A_135, %get3A_138, %dot_general3A_139 {dimension_numbers = #tpu.dot_dimension_numbers<[1], [0], [0], [1], [0, 0, 1, 1], [], []>, transpose_lhs_hint = false} : vector<2000x128xf32>, vector<128x128xf32>, vector<2000x128xf32> -> vector<2000x128xf32>
    %get3A_141 = arith.constant 0 : index
    %get3A_142 = arith.constant 0 : index
    %get3A_143 = vector.load %arg6[%get3A_141, %get3A_142] : memref<2000x32xf32, #tpu.memory_space<vmem>>, vector<2000x32xf32>
    %reduce_sum3A = arith.constant dense<0.000000e+00> : vector<2000xf32>
    %reduce_sum3A_144 = vector.multi_reduction <add>, %get3A_143, %reduce_sum3A [1] : vector<2000x32xf32> to vector<2000xf32>
    %add3A_145 = arith.constant 1.000000e+00 : f32
    %add3A_146 = vector.broadcast %add3A_145 : f32 to vector<2000xf32>
    %add3A_147 = arith.addf %reduce_sum3A_144, %add3A_146 : vector<2000xf32>
    %rsqrt3A = math.rsqrt %add3A_147 : vector<2000xf32>
    %broadcast_in_dim3A = vector.shape_cast %rsqrt3A : vector<2000xf32> to vector<2000x1xf32>
    %swap3A = arith.constant 0 : index
    %swap3A_148 = arith.constant 0 : index
    %swap3A_149 = vector.load %arg25[%swap3A, %swap3A_148] : memref<2000x1xf32, #tpu.memory_space<vmem>>, vector<2000x1xf32>
    tpu.vector_store %arg25[%swap3A, %swap3A_148], %broadcast_in_dim3A {strides = array<i32>} : memref<2000x1xf32, #tpu.memory_space<vmem>>, vector<2000x1xf32>,
    %mul3A_150 = vector.broadcast %broadcast_in_dim3A : vector<2000x1xf32> to vector<2000x128xf32>
    %mul3A_151 = arith.mulf %dot_general3A_140, %mul3A_150 : vector<2000x128xf32>
    %swap3A_152 = arith.constant 0 : index
    %swap3A_153 = arith.constant 0 : index
    %swap3A_154 = vector.load %arg24[%swap3A_152, %swap3A_153] : memref<2000x128xf32, #tpu.memory_space<vmem>>, vector<2000x128xf32>
    tpu.vector_store %arg24[%swap3A_152, %swap3A_153], %mul3A_151 {strides = array<i32>} : memref<2000x128xf32, #tpu.memory_space<vmem>>, vector<2000x128xf32>,
    return
  }
  func.func @transform_0(%arg0: i32) -> (i32, i32) {
    %c0_i32 = arith.constant 0 : i32
    %c0_i32_0 = arith.constant 0 : i32
    return %arg0, %c0_i32 : i32, i32
  }
  func.func @transform_1(%arg0: i32) -> (i32, i32) {
    %c0_i32 = arith.constant 0 : i32
    %c0_i32_0 = arith.constant 0 : i32
    return %arg0, %c0_i32 : i32, i32
  }
  func.func @transform_2(%arg0: i32) -> (i32, i32) {
    %c0_i32 = arith.constant 0 : i32
    %c0_i32_0 = arith.constant 0 : i32
    return %arg0, %c0_i32 : i32, i32
  }
  func.func @transform_3(%arg0: i32) -> (i32, i32) {
    %c0_i32 = arith.constant 0 : i32
    %c0_i32_0 = arith.constant 0 : i32
    return %arg0, %c0_i32 : i32, i32
  }
  func.func @transform_4(%arg0: i32) -> (i32, i32) {
    %c0_i32 = arith.constant 0 : i32
    %c0_i32_0 = arith.constant 0 : i32
    return %arg0, %c0_i32 : i32, i32
  }
  func.func @transform_5(%arg0: i32) -> (i32, i32) {
    %c0_i32 = arith.constant 0 : i32
    %c0_i32_0 = arith.constant 0 : i32
    return %arg0, %c0_i32 : i32, i32
  }
  func.func @transform_6(%arg0: i32) -> (i32, i32) {
    %c0_i32 = arith.constant 0 : i32
    %c0_i32_0 = arith.constant 0 : i32
    %c0_i32_1 = arith.constant 0 : i32
    return %c0_i32, %c0_i32_0 : i32, i32
  }
  func.func @transform_7(%arg0: i32) -> (i32, i32) {
    %c0_i32 = arith.constant 0 : i32
    %c0_i32_0 = arith.constant 0 : i32
    %c0_i32_1 = arith.constant 0 : i32
    return %c0_i32, %c0_i32_0 : i32, i32
  }
  func.func @transform_8(%arg0: i32) -> (i32, i32) {
    %c0_i32 = arith.constant 0 : i32
    %c0_i32_0 = arith.constant 0 : i32
    %c0_i32_1 = arith.constant 0 : i32
    return %c0_i32, %c0_i32_0 : i32, i32
  }
  func.func @transform_9(%arg0: i32) -> (i32, i32) {
    %c0_i32 = arith.constant 0 : i32
    %c0_i32_0 = arith.constant 0 : i32
    %c0_i32_1 = arith.constant 0 : i32
    return %c0_i32, %c0_i32_0 : i32, i32
  }
  func.func @transform_10(%arg0: i32) -> (i32, i32) {
    %c0_i32 = arith.constant 0 : i32
    %c0_i32_0 = arith.constant 0 : i32
    %c0_i32_1 = arith.constant 0 : i32
    return %c0_i32, %c0_i32_0 : i32, i32
  }
  func.func @transform_11(%arg0: i32) -> (i32, i32) {
    %c0_i32 = arith.constant 0 : i32
    %c0_i32_0 = arith.constant 0 : i32
    %c0_i32_1 = arith.constant 0 : i32
    return %c0_i32, %c0_i32_0 : i32, i32
  }
  func.func @transform_12(%arg0: i32) -> (i32, i32) {
    %c0_i32 = arith.constant 0 : i32
    %c0_i32_0 = arith.constant 0 : i32
    %c0_i32_1 = arith.constant 0 : i32
    return %c0_i32, %c0_i32_0 : i32, i32
  }
  func.func @transform_13(%arg0: i32) -> (i32, i32) {
    %c0_i32 = arith.constant 0 : i32
    %c0_i32_0 = arith.constant 0 : i32
    %c0_i32_1 = arith.constant 0 : i32
    return %c0_i32, %c0_i32_0 : i32, i32
  }
  func.func @transform_14(%arg0: i32) -> (i32, i32) {
    %c0_i32 = arith.constant 0 : i32
    %c0_i32_0 = arith.constant 0 : i32
    %c0_i32_1 = arith.constant 0 : i32
    return %c0_i32, %c0_i32_0 : i32, i32
  }
  func.func @transform_15(%arg0: i32) -> (i32, i32) {
    %c0_i32 = arith.constant 0 : i32
    %c0_i32_0 = arith.constant 0 : i32
    %c0_i32_1 = arith.constant 0 : i32
    return %c0_i32, %c0_i32_0 : i32, i32
  }
  func.func @transform_16(%arg0: i32) -> (i32, i32) {
    %c0_i32 = arith.constant 0 : i32
    %c0_i32_0 = arith.constant 0 : i32
    %c0_i32_1 = arith.constant 0 : i32
    return %c0_i32, %c0_i32_0 : i32, i32
  }
  func.func @transform_17(%arg0: i32) -> (i32, i32) {
    %c0_i32 = arith.constant 0 : i32
    %c0_i32_0 = arith.constant 0 : i32
    %c0_i32_1 = arith.constant 0 : i32
    return %c0_i32, %c0_i32_0 : i32, i32
  }
  func.func @transform_18(%arg0: i32) -> (i32, i32) {
    %c0_i32 = arith.constant 0 : i32
    %c0_i32_0 = arith.constant 0 : i32
    %c0_i32_1 = arith.constant 0 : i32
    return %c0_i32, %c0_i32_0 : i32, i32
  }
  func.func @transform_19(%arg0: i32) -> (i32, i32) {
    %c0_i32 = arith.constant 0 : i32
    %c0_i32_0 = arith.constant 0 : i32
    %c0_i32_1 = arith.constant 0 : i32
    return %c0_i32, %c0_i32_0 : i32, i32
  }
  func.func @transform_20(%arg0: i32) -> (i32, i32) {
    %c0_i32 = arith.constant 0 : i32
    %c0_i32_0 = arith.constant 0 : i32
    %c0_i32_1 = arith.constant 0 : i32
    return %c0_i32, %c0_i32_0 : i32, i32
  }
  func.func @transform_21(%arg0: i32) -> (i32, i32) {
    %c0_i32 = arith.constant 0 : i32
    %c0_i32_0 = arith.constant 0 : i32
    %c0_i32_1 = arith.constant 0 : i32
    return %c0_i32, %c0_i32_0 : i32, i32
  }
  func.func @transform_22(%arg0: i32) -> (i32, i32) {
    %c0_i32 = arith.constant 0 : i32
    %c0_i32_0 = arith.constant 0 : i32
    %c0_i32_1 = arith.constant 0 : i32
    return %c0_i32, %c0_i32_0 : i32, i32
  }
  func.func @transform_23(%arg0: i32) -> (i32, i32) {
    %c0_i32 = arith.constant 0 : i32
    %c0_i32_0 = arith.constant 0 : i32
    return %arg0, %c0_i32 : i32, i32
  }
  func.func @transform_24(%arg0: i32) -> (i32, i32) {
    %c0_i32 = arith.constant 0 : i32
    %c0_i32_0 = arith.constant 0 : i32
    return %arg0, %c0_i32 : i32, i32
  }
}

module attributes {stable_mosaic.version = 14 : i64} {
  func.func @_tc2_body(%arg0: i32, %arg1: memref<1x2000x128xf32, #tpu.memory_space<vmem>>, %arg2: memref<1x2000x128xf32, #tpu.memory_space<vmem>>, %arg3: memref<2000x128xf32, #tpu.memory_space<vmem>>, %arg4: memref<2000x1xf32, #tpu.memory_space<vmem>>, %arg5: memref<1x128xf32, #tpu.memory_space<vmem>>, %arg6: memref<128x128xf32, #tpu.memory_space<vmem>>, %arg7: memref<2000x128xf32, #tpu.memory_space<vmem>>) attributes {dimension_semantics = [#tpu.dimension_semantics<arbitrary>], iteration_bounds = array<i64: 5>, scalar_prefetch = 0 : i64, scratch_operands = 0 : i64, tpu.core_type = #tpu.core_type<tc>, window_params = [{transform_indices = @transform_0, window_bounds = array<i64: 1, 2000, 128>}, {transform_indices = @transform_1, window_bounds = array<i64: 1, 2000, 128>}, {transform_indices = @transform_2, window_bounds = array<i64: 2000, 128>}, {transform_indices = @transform_3, window_bounds = array<i64: 2000, 1>}, {pipeline_mode = #tpu.pipeline_mode<synchronous>, transform_indices = @transform_4, window_bounds = array<i64: 1, 128>}, {pipeline_mode = #tpu.pipeline_mode<synchronous>, transform_indices = @transform_5, window_bounds = array<i64: 128, 128>}, {transform_indices = @transform_6, window_bounds = array<i64: 2000, 128>}]} {
    %get3A = arith.constant 0 : index
    %get3A_0 = arith.constant 0 : index
    %get3A_1 = vector.load %arg4[%get3A, %get3A_0] : memref<2000x1xf32, #tpu.memory_space<vmem>>, vector<2000x1xf32>
    %get3A_2 = arith.constant 0 : index
    %get3A_3 = arith.constant 0 : index
    %get3A_4 = arith.constant 0 : index
    %get3A_5 = vector.load %arg1[%get3A_2, %get3A_3, %get3A_4] : memref<1x2000x128xf32, #tpu.memory_space<vmem>>, vector<1x2000x128xf32>
    %get3A_6 = vector.shape_cast %get3A_5 : vector<1x2000x128xf32> to vector<2000x128xf32>
    %get3A_7 = arith.constant 0 : index
    %get3A_8 = arith.constant 0 : index
    %get3A_9 = arith.constant 0 : index
    %get3A_10 = vector.load %arg2[%get3A_7, %get3A_8, %get3A_9] : memref<1x2000x128xf32, #tpu.memory_space<vmem>>, vector<1x2000x128xf32>
    %get3A_11 = vector.shape_cast %get3A_10 : vector<1x2000x128xf32> to vector<2000x128xf32>
    %add3A = arith.addf %get3A_6, %get3A_11 : vector<2000x128xf32>
    %get3A_12 = arith.constant 0 : index
    %get3A_13 = arith.constant 0 : index
    %get3A_14 = vector.load %arg3[%get3A_12, %get3A_13] : memref<2000x128xf32, #tpu.memory_space<vmem>>, vector<2000x128xf32>
    %add3A_15 = arith.addf %add3A, %get3A_14 : vector<2000x128xf32>
    %mul3A = vector.broadcast %get3A_1 : vector<2000x1xf32> to vector<2000x128xf32>
    %mul3A_16 = arith.mulf %add3A_15, %mul3A : vector<2000x128xf32>
    %get3A_17 = arith.constant 0 : index
    %get3A_18 = arith.constant 0 : index
    %get3A_19 = vector.load %arg5[%get3A_17, %get3A_18] : memref<1x128xf32, #tpu.memory_space<vmem>>, vector<1x128xf32>
    %add3A_20 = vector.broadcast %get3A_19 : vector<1x128xf32> to vector<2000x128xf32>
    %add3A_21 = arith.addf %mul3A_16, %add3A_20 : vector<2000x128xf32>
    %get3A_22 = arith.constant 0 : index
    %get3A_23 = arith.constant 0 : index
    %get3A_24 = vector.load %arg6[%get3A_22, %get3A_23] : memref<128x128xf32, #tpu.memory_space<vmem>>, vector<128x128xf32>
    %dot_general3A = arith.constant dense<0.000000e+00> : vector<2000x128xf32>
    %dot_general3A_25 = tpu.matmul %add3A_21, %get3A_24, %dot_general3A {dimension_numbers = #tpu.dot_dimension_numbers<[1], [0], [0], [1], [0, 0, 1, 1], [], []>, transpose_lhs_hint = false} : vector<2000x128xf32>, vector<128x128xf32>, vector<2000x128xf32> -> vector<2000x128xf32>
    %mul3A_26 = vector.broadcast %get3A_1 : vector<2000x1xf32> to vector<2000x128xf32>
    %mul3A_27 = arith.mulf %dot_general3A_25, %mul3A_26 : vector<2000x128xf32>
    %swap3A = arith.constant 0 : index
    %swap3A_28 = arith.constant 0 : index
    %swap3A_29 = vector.load %arg7[%swap3A, %swap3A_28] : memref<2000x128xf32, #tpu.memory_space<vmem>>, vector<2000x128xf32>
    tpu.vector_store %arg7[%swap3A, %swap3A_28], %mul3A_27 {strides = array<i32>} : memref<2000x128xf32, #tpu.memory_space<vmem>>, vector<2000x128xf32>,
    return
  }
  func.func @transform_0(%arg0: i32) -> (i32, i32, i32) {
    %c0_i32 = arith.constant 0 : i32
    %c0_i32_0 = arith.constant 0 : i32
    %c0_i32_1 = arith.constant 0 : i32
    return %c0_i32, %arg0, %c0_i32_0 : i32, i32, i32
  }
  func.func @transform_1(%arg0: i32) -> (i32, i32, i32) {
    %c1_i32 = arith.constant 1 : i32
    %c0_i32 = arith.constant 0 : i32
    %c0_i32_0 = arith.constant 0 : i32
    return %c1_i32, %arg0, %c0_i32 : i32, i32, i32
  }
  func.func @transform_2(%arg0: i32) -> (i32, i32) {
    %c0_i32 = arith.constant 0 : i32
    %c0_i32_0 = arith.constant 0 : i32
    return %arg0, %c0_i32 : i32, i32
  }
  func.func @transform_3(%arg0: i32) -> (i32, i32) {
    %c0_i32 = arith.constant 0 : i32
    %c0_i32_0 = arith.constant 0 : i32
    return %arg0, %c0_i32 : i32, i32
  }
  func.func @transform_4(%arg0: i32) -> (i32, i32) {
    %c0_i32 = arith.constant 0 : i32
    %c0_i32_0 = arith.constant 0 : i32
    %c0_i32_1 = arith.constant 0 : i32
    return %c0_i32, %c0_i32_0 : i32, i32
  }
  func.func @transform_5(%arg0: i32) -> (i32, i32) {
    %c0_i32 = arith.constant 0 : i32
    %c0_i32_0 = arith.constant 0 : i32
    %c0_i32_1 = arith.constant 0 : i32
    return %c0_i32, %c0_i32_0 : i32, i32
  }
  func.func @transform_6(%arg0: i32) -> (i32, i32) {
    %c0_i32 = arith.constant 0 : i32
    %c0_i32_0 = arith.constant 0 : i32
    return %arg0, %c0_i32 : i32, i32
  }
}

module attributes {stable_mosaic.version = 14 : i64} {
  func.func @_tc3_body(%arg0: i32, %arg1: memref<1x2000x128xf32, #tpu.memory_space<vmem>>, %arg2: memref<1x2000x128xf32, #tpu.memory_space<vmem>>, %arg3: memref<2000x128xf32, #tpu.memory_space<vmem>>, %arg4: memref<2000x1xf32, #tpu.memory_space<vmem>>, %arg5: memref<1x128xf32, #tpu.memory_space<vmem>>, %arg6: memref<128x128xf32, #tpu.memory_space<vmem>>, %arg7: memref<1x128xf32, #tpu.memory_space<vmem>>, %arg8: memref<128x2xf32, #tpu.memory_space<vmem>>, %arg9: memref<1x2xf32, #tpu.memory_space<vmem>>, %arg10: memref<2000x2xf32, #tpu.memory_space<vmem>>) attributes {dimension_semantics = [#tpu.dimension_semantics<arbitrary>], iteration_bounds = array<i64: 5>, scalar_prefetch = 0 : i64, scratch_operands = 0 : i64, tpu.core_type = #tpu.core_type<tc>, window_params = [{transform_indices = @transform_0, window_bounds = array<i64: 1, 2000, 128>}, {transform_indices = @transform_1, window_bounds = array<i64: 1, 2000, 128>}, {transform_indices = @transform_2, window_bounds = array<i64: 2000, 128>}, {transform_indices = @transform_3, window_bounds = array<i64: 2000, 1>}, {pipeline_mode = #tpu.pipeline_mode<synchronous>, transform_indices = @transform_4, window_bounds = array<i64: 1, 128>}, {pipeline_mode = #tpu.pipeline_mode<synchronous>, transform_indices = @transform_5, window_bounds = array<i64: 128, 128>}, {pipeline_mode = #tpu.pipeline_mode<synchronous>, transform_indices = @transform_6, window_bounds = array<i64: 1, 128>}, {pipeline_mode = #tpu.pipeline_mode<synchronous>, transform_indices = @transform_7, window_bounds = array<i64: 128, 2>}, {pipeline_mode = #tpu.pipeline_mode<synchronous>, transform_indices = @transform_8, window_bounds = array<i64: 1, 2>}, {transform_indices = @transform_9, window_bounds = array<i64: 2000, 2>}]} {
    %get3A = arith.constant 0 : index
    %get3A_0 = arith.constant 0 : index
    %get3A_1 = arith.constant 0 : index
    %get3A_2 = vector.load %arg1[%get3A, %get3A_0, %get3A_1] : memref<1x2000x128xf32, #tpu.memory_space<vmem>>, vector<1x2000x128xf32>
    %get3A_3 = vector.shape_cast %get3A_2 : vector<1x2000x128xf32> to vector<2000x128xf32>
    %get3A_4 = arith.constant 0 : index
    %get3A_5 = arith.constant 0 : index
    %get3A_6 = arith.constant 0 : index
    %get3A_7 = vector.load %arg2[%get3A_4, %get3A_5, %get3A_6] : memref<1x2000x128xf32, #tpu.memory_space<vmem>>, vector<1x2000x128xf32>
    %get3A_8 = vector.shape_cast %get3A_7 : vector<1x2000x128xf32> to vector<2000x128xf32>
    %add3A = arith.addf %get3A_3, %get3A_8 : vector<2000x128xf32>
    %get3A_9 = arith.constant 0 : index
    %get3A_10 = arith.constant 0 : index
    %get3A_11 = vector.load %arg3[%get3A_9, %get3A_10] : memref<2000x128xf32, #tpu.memory_space<vmem>>, vector<2000x128xf32>
    %add3A_12 = arith.addf %add3A, %get3A_11 : vector<2000x128xf32>
    %get3A_13 = arith.constant 0 : index
    %get3A_14 = arith.constant 0 : index
    %get3A_15 = vector.load %arg4[%get3A_13, %get3A_14] : memref<2000x1xf32, #tpu.memory_space<vmem>>, vector<2000x1xf32>
    %mul3A = vector.broadcast %get3A_15 : vector<2000x1xf32> to vector<2000x128xf32>
    %mul3A_16 = arith.mulf %add3A_12, %mul3A : vector<2000x128xf32>
    %get3A_17 = arith.constant 0 : index
    %get3A_18 = arith.constant 0 : index
    %get3A_19 = vector.load %arg5[%get3A_17, %get3A_18] : memref<1x128xf32, #tpu.memory_space<vmem>>, vector<1x128xf32>
    %add3A_20 = vector.broadcast %get3A_19 : vector<1x128xf32> to vector<2000x128xf32>
    %add3A_21 = arith.addf %mul3A_16, %add3A_20 : vector<2000x128xf32>
    %get3A_22 = arith.constant 0 : index
    %get3A_23 = arith.constant 0 : index
    %get3A_24 = vector.load %arg6[%get3A_22, %get3A_23] : memref<128x128xf32, #tpu.memory_space<vmem>>, vector<128x128xf32>
    %dot_general3A = arith.constant dense<0.000000e+00> : vector<2000x128xf32>
    %dot_general3A_25 = tpu.matmul %add3A_21, %get3A_24, %dot_general3A {dimension_numbers = #tpu.dot_dimension_numbers<[1], [0], [0], [1], [0, 0, 1, 1], [], []>, transpose_lhs_hint = false} : vector<2000x128xf32>, vector<128x128xf32>, vector<2000x128xf32> -> vector<2000x128xf32>
    %get3A_26 = arith.constant 0 : index
    %get3A_27 = arith.constant 0 : index
    %get3A_28 = vector.load %arg7[%get3A_26, %get3A_27] : memref<1x128xf32, #tpu.memory_space<vmem>>, vector<1x128xf32>
    %add3A_29 = vector.broadcast %get3A_28 : vector<1x128xf32> to vector<2000x128xf32>
    %add3A_30 = arith.addf %dot_general3A_25, %add3A_29 : vector<2000x128xf32>
    %gt3A = arith.constant 0.000000e+00 : f32
    %gt3A_31 = vector.broadcast %gt3A : f32 to vector<2000x128xf32>
    %gt3A_32 = arith.cmpf ogt, %add3A_30, %gt3A_31 : vector<2000x128xf32>
    %mul3A_33 = arith.constant 0.00999999977 : f32
    %mul3A_34 = vector.broadcast %mul3A_33 : f32 to vector<2000x128xf32>
    %mul3A_35 = arith.mulf %mul3A_34, %add3A_30 : vector<2000x128xf32>
    %select_n3A = arith.select %gt3A_32, %add3A_30, %mul3A_35 : vector<2000x128xi1>, vector<2000x128xf32>
    %get3A_36 = arith.constant 0 : index
    %get3A_37 = arith.constant 0 : index
    %get3A_38 = vector.load %arg8[%get3A_36, %get3A_37] : memref<128x2xf32, #tpu.memory_space<vmem>>, vector<128x2xf32>
    %dot_general3A_39 = arith.constant dense<0.000000e+00> : vector<2000x2xf32>
    %dot_general3A_40 = tpu.matmul %select_n3A, %get3A_38, %dot_general3A_39 {dimension_numbers = #tpu.dot_dimension_numbers<[1], [0], [0], [1], [0, 0, 1, 1], [], []>, transpose_lhs_hint = false} : vector<2000x128xf32>, vector<128x2xf32>, vector<2000x2xf32> -> vector<2000x2xf32>
    %get3A_41 = arith.constant 0 : index
    %get3A_42 = arith.constant 0 : index
    %get3A_43 = vector.load %arg9[%get3A_41, %get3A_42] : memref<1x2xf32, #tpu.memory_space<vmem>>, vector<1x2xf32>
    %add3A_44 = vector.broadcast %get3A_43 : vector<1x2xf32> to vector<2000x2xf32>
    %add3A_45 = arith.addf %dot_general3A_40, %add3A_44 : vector<2000x2xf32>
    %swap3A = arith.constant 0 : index
    %swap3A_46 = arith.constant 0 : index
    %swap3A_47 = vector.load %arg10[%swap3A, %swap3A_46] : memref<2000x2xf32, #tpu.memory_space<vmem>>, vector<2000x2xf32>
    tpu.vector_store %arg10[%swap3A, %swap3A_46], %add3A_45 {strides = array<i32>} : memref<2000x2xf32, #tpu.memory_space<vmem>>, vector<2000x2xf32>,
    return
  }
  func.func @transform_0(%arg0: i32) -> (i32, i32, i32) {
    %c0_i32 = arith.constant 0 : i32
    %c0_i32_0 = arith.constant 0 : i32
    %c0_i32_1 = arith.constant 0 : i32
    return %c0_i32, %arg0, %c0_i32_0 : i32, i32, i32
  }
  func.func @transform_1(%arg0: i32) -> (i32, i32, i32) {
    %c1_i32 = arith.constant 1 : i32
    %c0_i32 = arith.constant 0 : i32
    %c0_i32_0 = arith.constant 0 : i32
    return %c1_i32, %arg0, %c0_i32 : i32, i32, i32
  }
  func.func @transform_2(%arg0: i32) -> (i32, i32) {
    %c0_i32 = arith.constant 0 : i32
    %c0_i32_0 = arith.constant 0 : i32
    return %arg0, %c0_i32 : i32, i32
  }
  func.func @transform_3(%arg0: i32) -> (i32, i32) {
    %c0_i32 = arith.constant 0 : i32
    %c0_i32_0 = arith.constant 0 : i32
    return %arg0, %c0_i32 : i32, i32
  }
  func.func @transform_4(%arg0: i32) -> (i32, i32) {
    %c0_i32 = arith.constant 0 : i32
    %c0_i32_0 = arith.constant 0 : i32
    %c0_i32_1 = arith.constant 0 : i32
    return %c0_i32, %c0_i32_0 : i32, i32
  }
  func.func @transform_5(%arg0: i32) -> (i32, i32) {
    %c0_i32 = arith.constant 0 : i32
    %c0_i32_0 = arith.constant 0 : i32
    %c0_i32_1 = arith.constant 0 : i32
    return %c0_i32, %c0_i32_0 : i32, i32
  }
  func.func @transform_6(%arg0: i32) -> (i32, i32) {
    %c0_i32 = arith.constant 0 : i32
    %c0_i32_0 = arith.constant 0 : i32
    %c0_i32_1 = arith.constant 0 : i32
    return %c0_i32, %c0_i32_0 : i32, i32
  }
  func.func @transform_7(%arg0: i32) -> (i32, i32) {
    %c0_i32 = arith.constant 0 : i32
    %c0_i32_0 = arith.constant 0 : i32
    %c0_i32_1 = arith.constant 0 : i32
    return %c0_i32, %c0_i32_0 : i32, i32
  }
  func.func @transform_8(%arg0: i32) -> (i32, i32) {
    %c0_i32 = arith.constant 0 : i32
    %c0_i32_0 = arith.constant 0 : i32
    %c0_i32_1 = arith.constant 0 : i32
    return %c0_i32, %c0_i32_0 : i32, i32
  }
  func.func @transform_9(%arg0: i32) -> (i32, i32) {
    %c0_i32 = arith.constant 0 : i32
    %c0_i32_0 = arith.constant 0 : i32
    return %arg0, %c0_i32 : i32, i32
  }
}

</mosaic_0001>

<sc_bundles>
// kernel: kernel.11.cloned.1.call-start
scs
__scs_entry_jumppad:
0x0: {  	(pc) =	sbr.rel $0x88, $3  }
0x1: {  	(tag) =	ssettag $0x0;
	lr =	simm.s32 $0x1  }
0x2: {  	[smem:$0x3F87] =	sst lr;
	_ =	strace $0xD0000000  }
0x3: {  	_ = 	snop  }
0x4: {  	_ = 	snop  }
0x5: {  	_ = 	snop  }
0x6: {  	_ = 	snop  }
0x7: {  	_ = 	snop  }
__scs_overlays_trampoline_lowered:
0x8: {  	[smem:$0x3F96] =	sst s0  }
0x9: {  	[smem:$0x3F97] =	sst s1  }
0xa: {  	[smem:$0x3F98] =	sst s2  }
0xb: {  	[smem:$0x3F99] =	sst s3  }
0xc: {  	[smem:$0x3F9A] =	sst s4  }
0xd: {  	[smem:$0x3F9B] =	sst s5  }
0xe: {  	[smem:$0x3F9C] =	sst s6  }
0xf: {  	[smem:$0x3F9D] =	sst s7  }
0x10: {  	[smem:$0x3F9E] =	sst s8  }
0x11: {  	[smem:$0x3F9F] =	sst s9;
	s0 =	simm.s32 @!p0 $0x0  }
0x12: {  	s1 =	sld [smem:$0x3F85];
	s0 =	simm.s32 @p0 $0x1  }
0x13: {  	[smem:$0x3FA0] =	sst s0;
	s0 =	simm.s32 @!p1 $0x0  }
0x14: {  	s2 =	sld [smem:$0x3F84];
	s0 =	simm.s32 @p1 $0x1  }
0x15: {  	[smem:$0x3FA1] =	sst s0;
	s0 =	simm.s32 @!p2 $0x0  }
0x16: {  	s3 =	sld [smem:$0x3FDB];
	s0 =	simm.s32 @p2 $0x1  }
0x17: {  	s4 =	simm.s32 $0x1BF5;
	[smem:$0x3FA3] =	sst s0  }
0x18: {  	s0 =	sld [smem:$0x3F86];
	_ =	swait.ge [sflag:s4], $0x0  }
0x19: {  	s7 =	sld [smem:$0x3F87]  }
0x1a: {  	s8 =	sadd.s32 $0xFFFFE003, lr  }
0x1b: {  	s9 =	sadd.s32 $0xFFFFFEF7, lr;
	s5 =	simm.s32 $0xFFFFFFFF;
	p2 =	slt.u32 s8, $0xFFFFF086  }
0x1c: {  	p1 =	slt.u32 s9, $0xF7A;
	s5 =	simm.s32 @!p2 $0x0  }
0x1d: {  	s5 =	simm.s32 @p1 $0x1;
	p0 =	seq.s32 s7, s2  }
0x1e: {  	s7 =	smul.u32 @!p0 $0xF7A, s2;
	p2 =	seq.s32 @!p0 s5, $0x0  }
0x1f: {  	s9 =	smul.u32 $0xF7A, s1;
	s8 =	simm.s32 @!p0 $0x1BF5;
	p2 =	por !p2, p0  }
0x20: {  	[sflag:s8] =	ssyncset.s32 @!p0 $0xFFFFF086;
	s6 =	sadd.s32 @!p0 s3, s7;
	s7 =	simm.s32 @!p0 $0x108  }
0x21: {  	s3 =	sadd.s32 s3, s9;
	s6 =	sadd.s32 @!p0 $0x88, s6;
	s7 =	simm.s32 @p2 $0x1082  }
0x22: {  	[simem:s7], [sflag:s8] =	dma.local @!p0 [hbm:s6], $0xF7A  }
0x23: {  	s9 =	sor.u32 $0xD0000000, s2;
	s6 =	simm.s32 $0x108;
	_ =	swait.ge @!p0 [sflag:s8], $0x0  }
0x24: {  	s3 =	sadd.s32 $0x88, s3;
	s6 =	simm.s32 @!p1 $0x1082;
	[sflag:s4] =	ssyncset.s32 $0xFFFFF086  }
0x25: {  	[simem:s6], [sflag:s4] =	dma.local [hbm:s3], $0xF7A  }
0x26: {  	[smem:$0x3F87] =	sst s1;
	(tag) =	ssettag s2;
	_ =	strace s9  }
0x27: {  	s1 =	sld [smem:$0x3F97]  }
0x28: {  	s2 =	sld [smem:$0x3F98]  }
0x29: {  	s4 =	sld [smem:$0x3F9A]  }
0x2a: {  	p0 =	seq.s32 s5, $0x0;
	s5 =	sld [smem:$0x3F9B]  }
0x2b: {  	s6 =	sld [smem:$0x3F9C]  }
0x2c: {  	s7 =	sld [smem:$0x3F9D]  }
0x2d: {  	s3 =	simm.s32 $0x108;
	s8 =	sld [smem:$0x3F9E]  }
0x2e: {  	s3 =	simm.s32 @!p0 $0x1082;
	s9 =	sld [smem:$0x3F9F]  }
0x2f: {  	lr =	sadd.s32 s0, s3;
	s0 =	sld [smem:$0x3F96]  }
0x30: {  	s3 =	sld [smem:$0x3F99]  }
0x31: {  	[smem:$0x3FA2] =	sst s10  }
0x32: {  	s10 =	sld [smem:$0x3FA0];
	_ =	sdelay $0x3  }
0x33: {  	p0 =	seq.s32 s10, $0x1;
	s10 =	sld [smem:$0x3FA2];
	_ =	sdelay $0x3  }
0x34: {  	[smem:$0x3FA2] =	sst s10  }
0x35: {  	s10 =	sld [smem:$0x3FA1];
	_ =	sdelay $0x3  }
0x36: {  	p1 =	seq.s32 s10, $0x1;
	s10 =	sld [smem:$0x3FA2];
	_ =	sdelay $0x3  }
0x37: {  	[smem:$0x3FA2] =	sst s10  }
0x38: {  	s10 =	sld [smem:$0x3FA3]  }
0x39: {  	_ = 	snop;
	(pc) =	sbr.ind lr, $3  }
0x3a: {  	_ = 	snop  }
0x3b: {  	_ = 	snop  }
0x3c: {  	p2 =	seq.s32 s10, $0x1;
	s10 =	sld [smem:$0x3FA2]  }
0x3d: {  	_ =	shalt  }
0x3e: {  	_ =	shalt  }
0x3f: {  	_ =	shalt  }
0x40: {  	_ =	shalt  }
0x41: {  	_ =	shalt  }
0x42: {  	_ =	shalt  }
0x43: {  	_ =	shalt  }
0x44: {  	_ =	shalt  }
0x45: {  	_ =	shalt  }
0x46: {  	_ =	shalt  }
0x47: {  	_ =	shalt  }
0x48: {  	_ =	shalt  }
0x49: {  	_ =	shalt  }
0x4a: {  	_ =	shalt  }
0x4b: {  	_ =	shalt  }
0x4c: {  	_ =	shalt  }
0x4d: {  	_ =	shalt  }
0x4e: {  	_ =	shalt  }
0x4f: {  	_ =	shalt  }
0x50: {  	_ =	shalt  }
0x51: {  	_ =	shalt  }
0x52: {  	_ =	shalt  }
0x53: {  	_ =	shalt  }
0x54: {  	_ =	shalt  }
0x55: {  	_ =	shalt  }
0x56: {  	_ =	shalt  }
0x57: {  	_ =	shalt  }
0x58: {  	_ =	shalt  }
0x59: {  	_ =	shalt  }
0x5a: {  	_ =	shalt  }
0x5b: {  	_ =	shalt  }
0x5c: {  	_ =	shalt  }
0x5d: {  	_ =	shalt  }
0x5e: {  	_ =	shalt  }
0x5f: {  	_ =	shalt  }
0x60: {  	_ =	shalt  }
0x61: {  	_ =	shalt  }
0x62: {  	_ =	shalt  }
0x63: {  	_ =	shalt  }
0x64: {  	_ =	shalt  }
0x65: {  	_ =	shalt  }
0x66: {  	_ =	shalt  }
0x67: {  	_ =	shalt  }
0x68: {  	_ =	shalt  }
0x69: {  	_ =	shalt  }
0x6a: {  	_ =	shalt  }
0x6b: {  	_ =	shalt  }
0x6c: {  	_ =	shalt  }
0x6d: {  	_ =	shalt  }
0x6e: {  	_ =	shalt  }
0x6f: {  	_ =	shalt  }
0x70: {  	_ =	shalt  }
0x71: {  	_ =	shalt  }
0x72: {  	_ =	shalt  }
0x73: {  	_ =	shalt  }
0x74: {  	_ =	shalt  }
0x75: {  	_ =	shalt  }
0x76: {  	_ =	shalt  }
0x77: {  	_ =	shalt  }
0x78: {  	_ =	shalt  }
0x79: {  	_ =	shalt  }
0x7a: {  	_ =	shalt  }
0x7b: {  	_ =	shalt  }
0x7c: {  	_ =	shalt  }
0x7d: {  	_ =	shalt  }
0x7e: {  	_ =	shalt  }
0x7f: {  	_ =	shalt  }
0x80: {  	_ =	shalt  }
0x81: {  	_ =	shalt  }
0x82: {  	_ =	shalt  }
0x83: {  	_ =	shalt  }
0x84: {  	_ =	shalt  }
0x85: {  	_ =	shalt  }
0x86: {  	_ =	shalt  }
0x87: {  	_ =	shalt  }
.Lfunc_end0:
.L_simem_size_0:
called_computation.1_lowered:
.L_overlay_start_0:
0x88: {  	s2 =	sld [smem:$0x3FD9]  }
0x89: {  	s3 =	sld [smem:$0x3FFE];
	_ =	sdelay $0x1  }
0x8a: {  	s1 =	srdreg.scid  }
0x8b: {  	s0 =	sand.u32 $0x1, s1  }
0x8c: {  	s16 =	sshll.u32 s0, $0xA;
	s2 =	sadd.s32 s3, s2  }
0x8d: {  	s2 =	sadd.s32 s2, s16  }
0x8e: {  	[smem:$0x3FAE] =	sst s2  }
0x8f: {  	_ = 	snop  }
0x90: {  	(tm) =	ssettm $0x1  }
0x91: {  	s17 =	sld [smem:$0x3FFB];
	_ =	sdelay $0x3  }
0x92: {  	_ =	strace s17  }
0x93: {  	s2 =	sld [smem:$0x3FFC];
	_ =	sdelay $0x3  }
0x94: {  	_ =	strace s2  }
0x95: {  	s2 =	sld [smem:$0x3FFD];
	_ =	sdelay $0x3  }
0x96: {  	_ =	strace s2  }
0x97: {  	_ =	strace $0x8FFFFFFF  }
0x98: {  	s18 =	sld [smem:$0x3FDB];
	_ =	sdelay $0x1  }
0x99: {  	s19 =	simm.s32 $_scs_section_size  }
0x9a: {  	s4 =	simm.s32 $_size__tile_overlayer_lowered;
	s5 =	simm.s32 $_tile_overlayer_lowered  }
0x9b: {  	s22 =	simm.s32 $0x1BFF;
	s21 =	sshll.u32 s5, $0x1;
	s2 =	sadd.s32 s19, s18  }
0x9c: {  	s6 =	simm.s32 $0x0;
	s20 =	sshll.u32 s4, $0x1;
	s4 =	sadd.s32 s21, s2  }
0x9d: {  	[timem:s6], [sflag:s22] =	dma.local [hbm:s4], s20  }
0x9e: {  	_ =	swait.ge [sflag:s22], s20  }
0x9f: {  	s3 =	ssub.s32 $0x0, s20;
	[sflag:s22] =	ssyncset.done $0x0  }
0xa0: {  	[sflag:s22] =	ssyncadd.s32 s3;
	_ =	sdelay $0x1  }
0xa1: {  	s23 =	simm.s32 $0x1B8B  }
0xa2: {  	_ =	swait.ge [sflag:s23], $0x1  }
0xa3: {  	[sflag:s23] =	ssyncset.done $0x0  }
0xa4: {  	s25 =	simm.s32 $0x1B8E;
	s24 =	sld [smem:$0x3FFE];
	[sflag:s23] =	ssyncadd.s32 $0xFFFFFFFF  }
0xa5: {  	s26 =	simm.s32 $execute0_lowered;
	[smem:$0x3FD2] =	sst s25  }
0xa6: {  	s4 =	sshll.u32 s26, $0x1;
	_ =	strace $0x80000049;
	[dreg:$0x1] =	wrdreg $0xFFFFFFFF  }
0xa7: {  	s28 =	simm.s32 $_size_execute0_lowered;
	s2 =	sadd.s32 s2, s4;
	[dreg:$0x0] =	wrdreg $0x0  }
0xa8: {  	s4 =	sshll.u32 s28, $0x1;
	[dreg:$0x2] =	wrdreg s2  }
0xa9: {  	[dreg:$0x3] =	wrdreg s4  }
0xaa: {  	[dreg:$0x4] =	wrdreg $0xC0  }
0xab: {  	_ =	task [dreg:s6], $0x5FFFF  }
0xac: {  	[dreg:$0x1] =	wrdreg $0xFFFFFFFF  }
0xad: {  	[dreg:$0x0] =	wrdreg $0x60  }
0xae: {  	[dreg:$0x2] =	wrdreg s24  }
0xaf: {  	[dreg:$0x3] =	wrdreg $0x0  }
0xb0: {  	[dreg:$0x4] =	wrdreg $0x9  }
0xb1: {  	_ =	task.clear_ibuf [dreg:s6], $0x5FFFF;
	_ =	strace $0x90000049  }
0xb2: {  	s29 =	simm.s32 $0x9;
	_ =	strace $0x8000004B  }
0xb3: {  	_ =	swait.ge [sflag:s29], $0x1  }
0xb4: {  	[sflag:s29] =	ssyncadd.s32 $0xFFFFFFFF  }
0xb5: {  	_ =	strace $0x9000004B  }
0xb6: {  	_ =	sfence  }
0xb7: {  	s30 =	sld [smem:$0x0];
	_ =	sdelay $0x2  }
0xb8: {  	s31 =	sshll.u32 s1, $0xD;
	s1 =	sshrl.u32 s1, $0x2  }
0xb9: {  	s3 =	sand.u32 $0x4000, s31;
	s1 =	sadd.s32 s1, s30  }
0xba: {  	s0 =	sor.u32 s3, s0;
	s1 =	sshll.u32 s1, $0x11  }
0xbb: {  	s0 =	sor.u32 s1, s0  }
0xbc: {  	s0 =	sadd.s32 $0x8F2B, s0  }
0xbd: {  	[sflag:s0] =	ssyncadd.remote.s32 $0x1  }
0xbe: {  	_ =	sfence.sel $0xFFFF  }
0xbf: {  	[dreg:$0x0] =	wrdreg $0xFFFFFFFF;
	(pc) =	sbr.abs _section_cstart, $3  }
0xc0: {  	[dreg:$0x1] =	wrdreg $0xFFFFFFFF  }
0xc1: {  	_ =	task.clear_ibuf [dreg:s6], $0x2FFFF;
	_ =	strace $0x9FFFFFFF  }
0xc2: {  	(tm) =	ssettm $0x7FFFFFFF  }
0xc3: {  	_ =	shalt  }
tec
execute0_lowered:
.L_overlay_start_1:
0x0: {  	(tag) =	ssettag $0x1  }
0x1: {  	s0 =	rddreg [dreg:$0x0]  }
0x2: {  	s1 =	rddreg [dreg:$0x1];
	s2 =	simm.s32 $0x0;
	s3 =	srdreg.scid  }
0x3: {  	s15 =	stileid.u32;
	s13 =	simm.s32 $0x16080;
	s14 =	simm.s32 $0x2  }
0x4: {  	s16 =	simm.s32 $0x14C80;
	s17 =	simm.s32 $0x7D;
	s19 =	simm.s32 $0x1A080  }
0x5: {  	s20 =	simm.s32 $0x1;
	s18 =	simm.s32 $0x14500;
	s21 =	simm.s32 $0x15880  }
0x6: {  	s28 =	simm.s32 $0x15A00;
	s29 =	simm.s32 $0x14700;
	s30 =	simm.s32 $0x15A80  }
0x7: {  	[smem:$0x7FF] =	sst s2;
	s4 =	sadd.s32 $0x21C00, s0;
	s5 =	sadd.s32 $0x48E00, s0  }
0x8: {  	s3 =	sand.u32 $0x1, s3;
	s6 =	sadd.s32 $0x17C00, s0;
	s8 =	smul.u32 $0x4E000, s15  }
0x9: {  	s0 =	sadd.s32 $0x52E00, s0;
	s11 =	smul.u32 $0x13800, s15;
	s22 =	sadd.s32 $0x138000, s1  }
0xa: {  	p0 =	sne.s32 s15, $0xF;
	_ =	strace $0x8000004A;
	s7 =	ssub.s32 $0x2, s3  }
0xb: {  	s10 =	smul.u32 $0x138800, s3;
	s3 =	sshll.u32 s3, $0x4;
	[dreg:$0x3] =	wrdreg s22  }
0xc: {  	s22 =	simm.s32 $0x14580;
	s9 =	sshrl.u32 s7, $0x1;
	s8 =	sshrl.u32 s8, $0x2  }
0xd: {  	s3 =	sor.u32 s15, s3;
	s15 =	simm.s32 $0x13880;
	s12 =	ssub.s32 s7, s9  }
0xe: {  	s7 =	sadd.s32 s8, s1;
	s23 =	sadd.s32 s11, s10;
	s10 =	sshrl.u32 s10, $0x3  }
0xf: {  	s9 =	smul.u32 $0x50, s3;
	s3 =	simm.s32 $0x13900;
	s8 =	simm.s32 $0x0  }
0x10: {  	s11 =	simm.s32 $0x15780;
	s24 =	sshrl.u32 s23, $0x3;
	s25 =	sadd.s32 s0, s10  }
0x11: {  	s31 =	smax.u32 s12, $0x1;
	s12 =	simm.s32 $0x14480;
	s23 =	simm.s32 $0x15900  }
0x12: {  	s10 =	simm.s32 $0x14780;
	s0 =	sadd.s32 s0, s24;
	[dreg:$0x6] =	wrdreg s31  }
0x13: {  	s26 =	sadd.s32 $0x27000, s25;
	s24 =	simm.s32 $0x14600;
	[dreg:$0x4] =	wrdreg s0  }
0x14: {  	v0 =	vimm.f32 $0.0e+00;
	s25 =	simm.s32 $0x15980;
	[dreg:$0x5] =	wrdreg s26;
	s26 =	simm.s32 $0x14680  }
.LBB2_1:
0x15: {  	s31 =	simm.s32 $0x0;
	s0 =	simm.s32 $0x200  }
.LBB2_2:
0x16: {  	p1 =	sne.s32 s0, $0x1E00;
	[tilespmem:s31+$0x160F0] =	vst v0  }
0x17: {  	[tilespmem:s31+$0x16080] =	vst v0  }
0x18: {  	[tilespmem:s31+$0x16090] =	vst v0  }
.Ltmp0:
0x19: {  	[tilespmem:s31+$0x160A0] =	vst v0;
	(pc) =	sbr.rel @p1 .LBB2_2-.Ltmp0, $4  }
0x1a: {  	[tilespmem:s31+$0x160B0] =	vst v0  }
0x1b: {  	[tilespmem:s31+$0x160C0] =	vst v0  }
0x1c: {  	[tilespmem:s31+$0x160D0] =	vst v0  }
0x1d: {  	[tilespmem:s31+$0x160E0] =	vst v0;
	s31 =	sshra.s32 s0, $0x2;
	s0 =	sadd.s32 $0x200, s0  }
0x1e: {  	[tilespmem:s31+$0x160F0] =	vst v0  }
0x1f: {  	[tilespmem:s31+$0x16080] =	vst v0  }
0x20: {  	[tilespmem:s31+$0x16090] =	vst v0  }
0x21: {  	[tilespmem:s31+$0x160A0] =	vst v0  }
0x22: {  	[tilespmem:s31+$0x160B0] =	vst v0  }
0x23: {  	[tilespmem:s31+$0x160C0] =	vst v0  }
0x24: {  	[tilespmem:s31+$0x160D0] =	vst v0  }
0x25: {  	[dreg:$0x7] =	wrdreg s8;
	[tilespmem:s31+$0x160E0] =	vst v0;
	s0 =	sadd.s32 $0x0, s7  }
0x26: {  	[spmem:s0] =	stream.linear.scatter [tilespmem:s13], [sflag:$0x2], $0x800, $0x38;
	[tilespmem:$0x1E080] =	vst v63  }
0x27: {  	s0 =	simm.s32 $0x2000;
	_ =	swait.ge [sflag:s14], $0x800  }
.LBB2_4:
0x28: {  	s31 =	sshra.s32 s0, $0x2;
	[sflag:s14] =	ssyncset.done $0x0;
	p1 =	sne.s32 s0, $0x4C000  }
.Ltmp1:
0x29: {  	s31 =	sadd.s32 s31, s7;
	[sflag:s14] =	ssyncadd.s32 $0xFFFFF800;
	(pc) =	sbr.rel @p1 .LBB2_4-.Ltmp1, $3  }
0x2a: {  	[spmem:s31] =	stream.linear.scatter [tilespmem:s13], [sflag:$0x2], $0x800, $0x38;
	[tilespmem:$0x1E080] =	vst v63  }
0x2b: {  	s0 =	sadd.s32 $0x2000, s0;
	_ =	sdelay $0x1  }
0x2c: {  	_ =	swait.ge [sflag:s14], $0x800  }
0x2d: {  	[sflag:s14] =	ssyncset.done $0x0  }
0x2e: {  	s0 =	simm.s32 @!p0 $0x16080;
	s31 =	rddreg [dreg:$0x3];
	[sflag:s14] =	ssyncadd.s32 $0xFFFFF800  }
0x2f: {  	[spmem:s31] =	stream.linear.scatter @!p0 [tilespmem:s0], [sflag:$0x2], $0x800, $0x38;
	[tilespmem:$0x1E080] =	vst v63  }
0x30: {  	s0 =	simm.s32 @!p0 $0x2  }
0x31: {  	_ =	swait.ge @!p0 [sflag:s0], $0x800  }
0x32: {  	[sflag:s0] =	ssyncset.done @!p0 $0x0  }
0x33: {  	p1 =	por $0x1, $0x1;
	[sflag:s0] =	ssyncadd.s32 @!p0 $0xFFFFF800  }
0x34: {  	s8 =	simm.s32 $0x15800;
	s0 =	simm.s32 $0x0;
	[bflag:$0x0] =	sbarrier.arrive $0xFFFF  }
.LBB2_6:
0x35: {  	s0 =	sadd.s32 s9, s0  }
0x36: {  	s0 =	sshll.u32 s0, $0x4  }
0x37: {  	s31 =	sadd.s32 s5, s0  }
0x38: {  	[tilespmem:s15], [sflag:$0x2] =	stream.linear.gather [hbm4b:s31+s2], $0x1400, $0x38;
	[tilespmem:$0x1E080] =	vst v63  }
0x39: {  	_ =	swait.ge [sflag:s14], $0x1400  }
0x3a: {  	[sflag:s14] =	ssyncset.done $0x0  }
0x3b: {  	s0 =	sadd.s32 s6, s0;
	[sflag:s14] =	ssyncadd.s32 $0xFFFFEC00  }
0x3c: {  	[tilespmem:s16], [sflag:$0x2] =	stream.linear.gather [hbm4b:s0+s2], $0x1400, $0x38;
	[tilespmem:$0x1E080] =	vst v63  }
0x3d: {  	_ =	swait.ge [sflag:s14], $0x1400  }
0x3e: {  	[sflag:s14] =	ssyncset.done $0x0  }
0x3f: {  	[sflag:s14] =	ssyncadd.s32 $0xFFFFEC00  }
0x40: {  	[tilespmem:s13], [sflag:$0x1] =	stream.indirect.gather [hbm4b:s4+s17], $0x80, s15, s17, $0xb8;
	[tilespmem:$0x1E080] =	vst v63  }
0x41: {  	_ = 	snop  }
0x42: {  	[tilespmem:s19], [sflag:$0x1] =	stream.indirect.gather [hbm4b:s4+s17], $0x80, s3, s17, $0xb8;
	[tilespmem:$0x1E080] =	vst v63  }
0x43: {  	_ =	swait.ge [sflag:s20], $0x3E80  }
0x44: {  	[sflag:s20] =	ssyncset.done $0x0  }
0x45: {  	[sflag:s20] =	ssyncadd.s32 $0xFFFFC180  }
0x46: {  	[spmem:s1] =	stream.indirect.scatter.add.f32 [tilespmem:s13], [sflag:$0x2], $0x80, s16, s17, $0xb8;
	[tilespmem:$0x1E080] =	vst v63  }
0x47: {  	_ =	swait.ge [sflag:s14], $0x3E80  }
0x48: {  	[sflag:s14] =	ssyncset.done $0x0  }
0x49: {  	s31 =	simm.s32 $0x13980;
	[sflag:s14] =	ssyncadd.s32 $0xFFFFC180  }
0x4a: {  	[tilespmem:s13], [sflag:$0x1] =	stream.indirect.gather [hbm4b:s4+s17], $0x80, s31, s17, $0xb8;
	[tilespmem:$0x1E080] =	vst v63  }
0x4b: {  	_ =	swait.ge [sflag:s20], $0x3E80  }
0x4c: {  	[sflag:s20] =	ssyncset.done $0x0  }
0x4d: {  	s31 =	simm.s32 $0x14D00;
	[sflag:s20] =	ssyncadd.s32 $0xFFFFC180  }
0x4e: {  	[spmem:s1] =	stream.indirect.scatter.add.f32 [tilespmem:s19], [sflag:$0x2], $0x80, s31, s17, $0xb8;
	[tilespmem:$0x1E080] =	vst v63  }
0x4f: {  	_ =	swait.ge [sflag:s14], $0x3E80  }
0x50: {  	[sflag:s14] =	ssyncset.done $0x0  }
0x51: {  	s31 =	simm.s32 $0x13A00;
	[sflag:s14] =	ssyncadd.s32 $0xFFFFC180  }
0x52: {  	[tilespmem:s19], [sflag:$0x1] =	stream.indirect.gather [hbm4b:s4+s17], $0x80, s31, s17, $0xb8;
	[tilespmem:$0x1E080] =	vst v63  }
0x53: {  	_ =	swait.ge [sflag:s20], $0x3E80  }
0x54: {  	[sflag:s20] =	ssyncset.done $0x0  }
0x55: {  	s31 =	simm.s32 $0x14D80;
	[sflag:s20] =	ssyncadd.s32 $0xFFFFC180  }
0x56: {  	[spmem:s1] =	stream.indirect.scatter.add.f32 [tilespmem:s13], [sflag:$0x2], $0x80, s31, s17, $0xb8;
	[tilespmem:$0x1E080] =	vst v63  }
0x57: {  	_ =	swait.ge [sflag:s14], $0x3E80  }
0x58: {  	[sflag:s14] =	ssyncset.done $0x0  }
0x59: {  	s31 =	simm.s32 $0x13A80;
	[sflag:s14] =	ssyncadd.s32 $0xFFFFC180  }
0x5a: {  	[tilespmem:s13], [sflag:$0x1] =	stream.indirect.gather [hbm4b:s4+s17], $0x80, s31, s17, $0xb8;
	[tilespmem:$0x1E080] =	vst v63  }
0x5b: {  	_ =	swait.ge [sflag:s20], $0x3E80  }
0x5c: {  	[sflag:s20] =	ssyncset.done $0x0  }
0x5d: {  	s31 =	simm.s32 $0x14E00;
	[sflag:s20] =	ssyncadd.s32 $0xFFFFC180  }
0x5e: {  	[spmem:s1] =	stream.indirect.scatter.add.f32 [tilespmem:s19], [sflag:$0x2], $0x80, s31, s17, $0xb8;
	[tilespmem:$0x1E080] =	vst v63  }
0x5f: {  	_ =	swait.ge [sflag:s14], $0x3E80  }
0x60: {  	[sflag:s14] =	ssyncset.done $0x0  }
0x61: {  	s31 =	simm.s32 $0x13B00;
	[sflag:s14] =	ssyncadd.s32 $0xFFFFC180  }
0x62: {  	[tilespmem:s19], [sflag:$0x1] =	stream.indirect.gather [hbm4b:s4+s17], $0x80, s31, s17, $0xb8;
	[tilespmem:$0x1E080] =	vst v63  }
0x63: {  	_ =	swait.ge [sflag:s20], $0x3E80  }
0x64: {  	[sflag:s20] =	ssyncset.done $0x0  }
0x65: {  	s31 =	simm.s32 $0x14E80;
	[sflag:s20] =	ssyncadd.s32 $0xFFFFC180  }
0x66: {  	[spmem:s1] =	stream.indirect.scatter.add.f32 [tilespmem:s13], [sflag:$0x2], $0x80, s31, s17, $0xb8;
	[tilespmem:$0x1E080] =	vst v63  }
0x67: {  	_ =	swait.ge [sflag:s14], $0x3E80  }
0x68: {  	[sflag:s14] =	ssyncset.done $0x0  }
0x69: {  	s31 =	simm.s32 $0x13B80;
	[sflag:s14] =	ssyncadd.s32 $0xFFFFC180  }
0x6a: {  	[tilespmem:s13], [sflag:$0x1] =	stream.indirect.gather [hbm4b:s4+s17], $0x80, s31, s17, $0xb8;
	[tilespmem:$0x1E080] =	vst v63  }
0x6b: {  	_ =	swait.ge [sflag:s20], $0x3E80  }
0x6c: {  	[sflag:s20] =	ssyncset.done $0x0  }
0x6d: {  	s31 =	simm.s32 $0x14F00;
	[sflag:s20] =	ssyncadd.s32 $0xFFFFC180  }
0x6e: {  	[spmem:s1] =	stream.indirect.scatter.add.f32 [tilespmem:s19], [sflag:$0x2], $0x80, s31, s17, $0xb8;
	[tilespmem:$0x1E080] =	vst v63  }
0x6f: {  	_ =	swait.ge [sflag:s14], $0x3E80  }
0x70: {  	[sflag:s14] =	ssyncset.done $0x0  }
0x71: {  	s31 =	simm.s32 $0x13C00;
	[sflag:s14] =	ssyncadd.s32 $0xFFFFC180  }
0x72: {  	[tilespmem:s19], [sflag:$0x1] =	stream.indirect.gather [hbm4b:s4+s17], $0x80, s31, s17, $0xb8;
	[tilespmem:$0x1E080] =	vst v63  }
0x73: {  	_ =	swait.ge [sflag:s20], $0x3E80  }
0x74: {  	[sflag:s20] =	ssyncset.done $0x0  }
0x75: {  	s31 =	simm.s32 $0x14F80;
	[sflag:s20] =	ssyncadd.s32 $0xFFFFC180  }
0x76: {  	[spmem:s1] =	stream.indirect.scatter.add.f32 [tilespmem:s13], [sflag:$0x2], $0x80, s31, s17, $0xb8;
	[tilespmem:$0x1E080] =	vst v63  }
0x77: {  	_ =	swait.ge [sflag:s14], $0x3E80  }
0x78: {  	[sflag:s14] =	ssyncset.done $0x0  }
0x79: {  	s31 =	simm.s32 $0x13C80;
	[sflag:s14] =	ssyncadd.s32 $0xFFFFC180  }
0x7a: {  	[tilespmem:s13], [sflag:$0x1] =	stream.indirect.gather [hbm4b:s4+s17], $0x80, s31, s17, $0xb8;
	[tilespmem:$0x1E080] =	vst v63  }
0x7b: {  	_ =	swait.ge [sflag:s20], $0x3E80  }
0x7c: {  	[sflag:s20] =	ssyncset.done $0x0  }
0x7d: {  	s31 =	simm.s32 $0x15000;
	[sflag:s20] =	ssyncadd.s32 $0xFFFFC180  }
0x7e: {  	[spmem:s1] =	stream.indirect.scatter.add.f32 [tilespmem:s19], [sflag:$0x2], $0x80, s31, s17, $0xb8;
	[tilespmem:$0x1E080] =	vst v63  }
0x7f: {  	_ =	swait.ge [sflag:s14], $0x3E80  }
0x80: {  	[sflag:s14] =	ssyncset.done $0x0  }
0x81: {  	s31 =	simm.s32 $0x13D00;
	[sflag:s14] =	ssyncadd.s32 $0xFFFFC180  }
0x82: {  	[tilespmem:s19], [sflag:$0x1] =	stream.indirect.gather [hbm4b:s4+s17], $0x80, s31, s17, $0xb8;
	[tilespmem:$0x1E080] =	vst v63  }
0x83: {  	_ =	swait.ge [sflag:s20], $0x3E80  }
0x84: {  	[sflag:s20] =	ssyncset.done $0x0  }
0x85: {  	s31 =	simm.s32 $0x15080;
	[sflag:s20] =	ssyncadd.s32 $0xFFFFC180  }
0x86: {  	[spmem:s1] =	stream.indirect.scatter.add.f32 [tilespmem:s13], [sflag:$0x2], $0x80, s31, s17, $0xb8;
	[tilespmem:$0x1E080] =	vst v63  }
0x87: {  	_ =	swait.ge [sflag:s14], $0x3E80  }
0x88: {  	[sflag:s14] =	ssyncset.done $0x0  }
0x89: {  	s31 =	simm.s32 $0x13D80;
	[sflag:s14] =	ssyncadd.s32 $0xFFFFC180  }
0x8a: {  	[tilespmem:s13], [sflag:$0x1] =	stream.indirect.gather [hbm4b:s4+s17], $0x80, s31, s17, $0xb8;
	[tilespmem:$0x1E080] =	vst v63  }
0x8b: {  	_ =	swait.ge [sflag:s20], $0x3E80  }
0x8c: {  	[sflag:s20] =	ssyncset.done $0x0  }
0x8d: {  	s31 =	simm.s32 $0x15100;
	[sflag:s20] =	ssyncadd.s32 $0xFFFFC180  }
0x8e: {  	[spmem:s1] =	stream.indirect.scatter.add.f32 [tilespmem:s19], [sflag:$0x2], $0x80, s31, s17, $0xb8;
	[tilespmem:$0x1E080] =	vst v63  }
0x8f: {  	_ =	swait.ge [sflag:s14], $0x3E80  }
0x90: {  	[sflag:s14] =	ssyncset.done $0x0  }
0x91: {  	s31 =	simm.s32 $0x13E00;
	[sflag:s14] =	ssyncadd.s32 $0xFFFFC180  }
0x92: {  	[tilespmem:s19], [sflag:$0x1] =	stream.indirect.gather [hbm4b:s4+s17], $0x80, s31, s17, $0xb8;
	[tilespmem:$0x1E080] =	vst v63  }
0x93: {  	_ =	swait.ge [sflag:s20], $0x3E80  }
0x94: {  	[sflag:s20] =	ssyncset.done $0x0  }
0x95: {  	s31 =	simm.s32 $0x15180;
	[sflag:s20] =	ssyncadd.s32 $0xFFFFC180  }
0x96: {  	[spmem:s1] =	stream.indirect.scatter.add.f32 [tilespmem:s13], [sflag:$0x2], $0x80, s31, s17, $0xb8;
	[tilespmem:$0x1E080] =	vst v63  }
0x97: {  	_ =	swait.ge [sflag:s14], $0x3E80  }
0x98: {  	[sflag:s14] =	ssyncset.done $0x0  }
0x99: {  	s31 =	simm.s32 $0x13E80;
	[sflag:s14] =	ssyncadd.s32 $0xFFFFC180  }
0x9a: {  	[tilespmem:s13], [sflag:$0x1] =	stream.indirect.gather [hbm4b:s4+s17], $0x80, s31, s17, $0xb8;
	[tilespmem:$0x1E080] =	vst v63  }
0x9b: {  	_ =	swait.ge [sflag:s20], $0x3E80  }
0x9c: {  	[sflag:s20] =	ssyncset.done $0x0  }
0x9d: {  	s31 =	simm.s32 $0x15200;
	[sflag:s20] =	ssyncadd.s32 $0xFFFFC180  }
0x9e: {  	[spmem:s1] =	stream.indirect.scatter.add.f32 [tilespmem:s19], [sflag:$0x2], $0x80, s31, s17, $0xb8;
	[tilespmem:$0x1E080] =	vst v63  }
0x9f: {  	_ =	swait.ge [sflag:s14], $0x3E80  }
0xa0: {  	[sflag:s14] =	ssyncset.done $0x0  }
0xa1: {  	s31 =	simm.s32 $0x13F00;
	[sflag:s14] =	ssyncadd.s32 $0xFFFFC180  }
0xa2: {  	[tilespmem:s19], [sflag:$0x1] =	stream.indirect.gather [hbm4b:s4+s17], $0x80, s31, s17, $0xb8;
	[tilespmem:$0x1E080] =	vst v63  }
0xa3: {  	_ =	swait.ge [sflag:s20], $0x3E80  }
0xa4: {  	[sflag:s20] =	ssyncset.done $0x0  }
0xa5: {  	s31 =	simm.s32 $0x15280;
	[sflag:s20] =	ssyncadd.s32 $0xFFFFC180  }
0xa6: {  	[spmem:s1] =	stream.indirect.scatter.add.f32 [tilespmem:s13], [sflag:$0x2], $0x80, s31, s17, $0xb8;
	[tilespmem:$0x1E080] =	vst v63  }
0xa7: {  	_ =	swait.ge [sflag:s14], $0x3E80  }
0xa8: {  	[sflag:s14] =	ssyncset.done $0x0  }
0xa9: {  	s31 =	simm.s32 $0x13F80;
	[sflag:s14] =	ssyncadd.s32 $0xFFFFC180  }
0xaa: {  	[tilespmem:s13], [sflag:$0x1] =	stream.indirect.gather [hbm4b:s4+s17], $0x80, s31, s17, $0xb8;
	[tilespmem:$0x1E080] =	vst v63  }
0xab: {  	_ =	swait.ge [sflag:s20], $0x3E80  }
0xac: {  	[sflag:s20] =	ssyncset.done $0x0  }
0xad: {  	s31 =	simm.s32 $0x15300;
	[sflag:s20] =	ssyncadd.s32 $0xFFFFC180  }
0xae: {  	[spmem:s1] =	stream.indirect.scatter.add.f32 [tilespmem:s19], [sflag:$0x2], $0x80, s31, s17, $0xb8;
	[tilespmem:$0x1E080] =	vst v63  }
0xaf: {  	_ =	swait.ge [sflag:s14], $0x3E80  }
0xb0: {  	[sflag:s14] =	ssyncset.done $0x0  }
0xb1: {  	s31 =	simm.s32 $0x14000;
	[sflag:s14] =	ssyncadd.s32 $0xFFFFC180  }
0xb2: {  	[tilespmem:s19], [sflag:$0x1] =	stream.indirect.gather [hbm4b:s4+s17], $0x80, s31, s17, $0xb8;
	[tilespmem:$0x1E080] =	vst v63  }
0xb3: {  	_ =	swait.ge [sflag:s20], $0x3E80  }
0xb4: {  	[sflag:s20] =	ssyncset.done $0x0  }
0xb5: {  	s31 =	simm.s32 $0x15380;
	[sflag:s20] =	ssyncadd.s32 $0xFFFFC180  }
0xb6: {  	[spmem:s1] =	stream.indirect.scatter.add.f32 [tilespmem:s13], [sflag:$0x2], $0x80, s31, s17, $0xb8;
	[tilespmem:$0x1E080] =	vst v63  }
0xb7: {  	_ =	swait.ge [sflag:s14], $0x3E80  }
0xb8: {  	[sflag:s14] =	ssyncset.done $0x0  }
0xb9: {  	s31 =	simm.s32 $0x14080;
	[sflag:s14] =	ssyncadd.s32 $0xFFFFC180  }
0xba: {  	[tilespmem:s13], [sflag:$0x1] =	stream.indirect.gather [hbm4b:s4+s17], $0x80, s31, s17, $0xb8;
	[tilespmem:$0x1E080] =	vst v63  }
0xbb: {  	_ =	swait.ge [sflag:s20], $0x3E80  }
0xbc: {  	[sflag:s20] =	ssyncset.done $0x0  }
0xbd: {  	s31 =	simm.s32 $0x15400;
	[sflag:s20] =	ssyncadd.s32 $0xFFFFC180  }
0xbe: {  	[spmem:s1] =	stream.indirect.scatter.add.f32 [tilespmem:s19], [sflag:$0x2], $0x80, s31, s17, $0xb8;
	[tilespmem:$0x1E080] =	vst v63  }
0xbf: {  	_ =	swait.ge [sflag:s14], $0x3E80  }
0xc0: {  	[sflag:s14] =	ssyncset.done $0x0  }
0xc1: {  	s31 =	simm.s32 $0x14100;
	[sflag:s14] =	ssyncadd.s32 $0xFFFFC180  }
0xc2: {  	[tilespmem:s19], [sflag:$0x1] =	stream.indirect.gather [hbm4b:s4+s17], $0x80, s31, s17, $0xb8;
	[tilespmem:$0x1E080] =	vst v63  }
0xc3: {  	_ =	swait.ge [sflag:s20], $0x3E80  }
0xc4: {  	[sflag:s20] =	ssyncset.done $0x0  }
0xc5: {  	s31 =	simm.s32 $0x15480;
	[sflag:s20] =	ssyncadd.s32 $0xFFFFC180  }
0xc6: {  	[spmem:s1] =	stream.indirect.scatter.add.f32 [tilespmem:s13], [sflag:$0x2], $0x80, s31, s17, $0xb8;
	[tilespmem:$0x1E080] =	vst v63  }
0xc7: {  	_ =	swait.ge [sflag:s14], $0x3E80  }
0xc8: {  	[sflag:s14] =	ssyncset.done $0x0  }
0xc9: {  	s31 =	simm.s32 $0x14180;
	[sflag:s14] =	ssyncadd.s32 $0xFFFFC180  }
0xca: {  	[tilespmem:s13], [sflag:$0x1] =	stream.indirect.gather [hbm4b:s4+s17], $0x80, s31, s17, $0xb8;
	[tilespmem:$0x1E080] =	vst v63  }
0xcb: {  	_ =	swait.ge [sflag:s20], $0x3E80  }
0xcc: {  	[sflag:s20] =	ssyncset.done $0x0  }
0xcd: {  	s31 =	simm.s32 $0x15500;
	[sflag:s20] =	ssyncadd.s32 $0xFFFFC180  }
0xce: {  	[spmem:s1] =	stream.indirect.scatter.add.f32 [tilespmem:s19], [sflag:$0x2], $0x80, s31, s17, $0xb8;
	[tilespmem:$0x1E080] =	vst v63  }
0xcf: {  	_ =	swait.ge [sflag:s14], $0x3E80  }
0xd0: {  	[sflag:s14] =	ssyncset.done $0x0  }
0xd1: {  	s31 =	simm.s32 $0x14200;
	[sflag:s14] =	ssyncadd.s32 $0xFFFFC180  }
0xd2: {  	[tilespmem:s19], [sflag:$0x1] =	stream.indirect.gather [hbm4b:s4+s17], $0x80, s31, s17, $0xb8;
	[tilespmem:$0x1E080] =	vst v63  }
0xd3: {  	_ =	swait.ge [sflag:s20], $0x3E80  }
0xd4: {  	[sflag:s20] =	ssyncset.done $0x0  }
0xd5: {  	s31 =	simm.s32 $0x15580;
	[sflag:s20] =	ssyncadd.s32 $0xFFFFC180  }
0xd6: {  	[spmem:s1] =	stream.indirect.scatter.add.f32 [tilespmem:s13], [sflag:$0x2], $0x80, s31, s17, $0xb8;
	[tilespmem:$0x1E080] =	vst v63  }
0xd7: {  	_ =	swait.ge [sflag:s14], $0x3E80  }
0xd8: {  	[sflag:s14] =	ssyncset.done $0x0  }
0xd9: {  	s31 =	simm.s32 $0x14280;
	[sflag:s14] =	ssyncadd.s32 $0xFFFFC180  }
0xda: {  	[tilespmem:s13], [sflag:$0x1] =	stream.indirect.gather [hbm4b:s4+s17], $0x80, s31, s17, $0xb8;
	[tilespmem:$0x1E080] =	vst v63  }
0xdb: {  	_ =	swait.ge [sflag:s20], $0x3E80  }
0xdc: {  	[sflag:s20] =	ssyncset.done $0x0  }
0xdd: {  	s31 =	simm.s32 $0x15600;
	[sflag:s20] =	ssyncadd.s32 $0xFFFFC180  }
0xde: {  	[spmem:s1] =	stream.indirect.scatter.add.f32 [tilespmem:s19], [sflag:$0x2], $0x80, s31, s17, $0xb8;
	[tilespmem:$0x1E080] =	vst v63  }
0xdf: {  	_ =	swait.ge [sflag:s14], $0x3E80  }
0xe0: {  	[sflag:s14] =	ssyncset.done $0x0  }
0xe1: {  	s31 =	simm.s32 $0x14300;
	[sflag:s14] =	ssyncadd.s32 $0xFFFFC180  }
0xe2: {  	[tilespmem:s19], [sflag:$0x1] =	stream.indirect.gather [hbm4b:s4+s17], $0x80, s31, s17, $0xb8;
	[tilespmem:$0x1E080] =	vst v63  }
0xe3: {  	_ =	swait.ge [sflag:s20], $0x3E80  }
0xe4: {  	[sflag:s20] =	ssyncset.done $0x0  }
0xe5: {  	s31 =	simm.s32 $0x15680;
	[sflag:s20] =	ssyncadd.s32 $0xFFFFC180  }
0xe6: {  	[spmem:s1] =	stream.indirect.scatter.add.f32 [tilespmem:s13], [sflag:$0x2], $0x80, s31, s17, $0xb8;
	[tilespmem:$0x1E080] =	vst v63  }
0xe7: {  	_ =	swait.ge [sflag:s14], $0x3E80  }
0xe8: {  	[sflag:s14] =	ssyncset.done $0x0  }
0xe9: {  	s31 =	simm.s32 $0x14380;
	[sflag:s14] =	ssyncadd.s32 $0xFFFFC180  }
0xea: {  	[tilespmem:s13], [sflag:$0x1] =	stream.indirect.gather [hbm4b:s4+s17], $0x80, s31, s17, $0xb8;
	[tilespmem:$0x1E080] =	vst v63  }
0xeb: {  	_ =	swait.ge [sflag:s20], $0x3E80  }
0xec: {  	[sflag:s20] =	ssyncset.done $0x0  }
0xed: {  	s31 =	simm.s32 $0x15700;
	[sflag:s20] =	ssyncadd.s32 $0xFFFFC180  }
0xee: {  	[spmem:s1] =	stream.indirect.scatter.add.f32 [tilespmem:s19], [sflag:$0x2], $0x80, s31, s17, $0xb8;
	[tilespmem:$0x1E080] =	vst v63  }
0xef: {  	_ =	swait.ge [sflag:s14], $0x3E80  }
0xf0: {  	[sflag:s14] =	ssyncset.done $0x0  }
0xf1: {  	s31 =	simm.s32 $0x14400;
	[sflag:s14] =	ssyncadd.s32 $0xFFFFC180  }
0xf2: {  	[tilespmem:s19], [sflag:$0x1] =	stream.indirect.gather [hbm4b:s4+s17], $0x80, s31, s17, $0xb8;
	[tilespmem:$0x1E080] =	vst v63  }
0xf3: {  	_ =	swait.ge [sflag:s20], $0x3E80  }
0xf4: {  	[sflag:s20] =	ssyncset.done $0x0  }
0xf5: {  	[sflag:s20] =	ssyncadd.s32 $0xFFFFC180  }
0xf6: {  	[spmem:s1] =	stream.indirect.scatter.add.f32 [tilespmem:s13], [sflag:$0x2], $0x80, s11, s17, $0xb8;
	[tilespmem:$0x1E080] =	vst v63  }
0xf7: {  	_ =	swait.ge [sflag:s14], $0x3E80  }
0xf8: {  	[sflag:s14] =	ssyncset.done $0x0  }
0xf9: {  	[sflag:s14] =	ssyncadd.s32 $0xFFFFC180  }
0xfa: {  	[tilespmem:s13], [sflag:$0x1] =	stream.indirect.gather [hbm4b:s4+s17], $0x80, s12, s17, $0xb8;
	[tilespmem:$0x1E080] =	vst v63  }
0xfb: {  	_ =	swait.ge [sflag:s20], $0x3E80  }
0xfc: {  	[sflag:s20] =	ssyncset.done $0x0  }
0xfd: {  	[sflag:s20] =	ssyncadd.s32 $0xFFFFC180  }
0xfe: {  	[spmem:s1] =	stream.indirect.scatter.add.f32 [tilespmem:s19], [sflag:$0x2], $0x80, s8, s17, $0xb8;
	[tilespmem:$0x1E080] =	vst v63  }
0xff: {  	_ =	swait.ge [sflag:s14], $0x3E80  }
0x100: {  	[sflag:s14] =	ssyncset.done $0x0  }
0x101: {  	[sflag:s14] =	ssyncadd.s32 $0xFFFFC180  }
0x102: {  	[tilespmem:s19], [sflag:$0x1] =	stream.indirect.gather [hbm4b:s4+s17], $0x80, s18, s17, $0xb8;
	[tilespmem:$0x1E080] =	vst v63  }
0x103: {  	_ =	swait.ge [sflag:s20], $0x3E80  }
0x104: {  	[sflag:s20] =	ssyncset.done $0x0  }
0x105: {  	[sflag:s20] =	ssyncadd.s32 $0xFFFFC180  }
0x106: {  	[spmem:s1] =	stream.indirect.scatter.add.f32 [tilespmem:s13], [sflag:$0x2], $0x80, s21, s17, $0xb8;
	[tilespmem:$0x1E080] =	vst v63  }
0x107: {  	_ =	swait.ge [sflag:s14], $0x3E80  }
0x108: {  	[sflag:s14] =	ssyncset.done $0x0  }
0x109: {  	[sflag:s14] =	ssyncadd.s32 $0xFFFFC180  }
0x10a: {  	[tilespmem:s13], [sflag:$0x1] =	stream.indirect.gather [hbm4b:s4+s17], $0x80, s22, s17, $0xb8;
	[tilespmem:$0x1E080] =	vst v63  }
0x10b: {  	_ =	swait.ge [sflag:s20], $0x3E80  }
0x10c: {  	[sflag:s20] =	ssyncset.done $0x0  }
0x10d: {  	[sflag:s20] =	ssyncadd.s32 $0xFFFFC180  }
0x10e: {  	[spmem:s1] =	stream.indirect.scatter.add.f32 [tilespmem:s19], [sflag:$0x2], $0x80, s23, s17, $0xb8;
	[tilespmem:$0x1E080] =	vst v63  }
0x10f: {  	_ =	swait.ge [sflag:s14], $0x3E80  }
0x110: {  	[sflag:s14] =	ssyncset.done $0x0  }
0x111: {  	[sflag:s14] =	ssyncadd.s32 $0xFFFFC180  }
0x112: {  	[tilespmem:s19], [sflag:$0x1] =	stream.indirect.gather [hbm4b:s4+s17], $0x80, s24, s17, $0xb8;
	[tilespmem:$0x1E080] =	vst v63  }
0x113: {  	_ =	swait.ge [sflag:s20], $0x3E80  }
0x114: {  	[sflag:s20] =	ssyncset.done $0x0  }
0x115: {  	[sflag:s20] =	ssyncadd.s32 $0xFFFFC180  }
0x116: {  	[spmem:s1] =	stream.indirect.scatter.add.f32 [tilespmem:s13], [sflag:$0x2], $0x80, s25, s17, $0xb8;
	[tilespmem:$0x1E080] =	vst v63  }
0x117: {  	_ =	swait.ge [sflag:s14], $0x3E80  }
0x118: {  	[sflag:s14] =	ssyncset.done $0x0  }
0x119: {  	[sflag:s14] =	ssyncadd.s32 $0xFFFFC180  }
0x11a: {  	[tilespmem:s13], [sflag:$0x1] =	stream.indirect.gather [hbm4b:s4+s17], $0x80, s26, s17, $0xb8;
	[tilespmem:$0x1E080] =	vst v63  }
0x11b: {  	_ =	swait.ge [sflag:s20], $0x3E80  }
0x11c: {  	[sflag:s20] =	ssyncset.done $0x0  }
0x11d: {  	[sflag:s20] =	ssyncadd.s32 $0xFFFFC180  }
0x11e: {  	[spmem:s1] =	stream.indirect.scatter.add.f32 [tilespmem:s19], [sflag:$0x2], $0x80, s28, s17, $0xb8;
	[tilespmem:$0x1E080] =	vst v63  }
0x11f: {  	_ =	swait.ge [sflag:s14], $0x3E80  }
0x120: {  	[sflag:s14] =	ssyncset.done $0x0  }
0x121: {  	[sflag:s14] =	ssyncadd.s32 $0xFFFFC180  }
0x122: {  	[tilespmem:s19], [sflag:$0x1] =	stream.indirect.gather [hbm4b:s4+s17], $0x80, s29, s17, $0xb8;
	[tilespmem:$0x1E080] =	vst v63  }
0x123: {  	_ =	swait.ge [sflag:s20], $0x3E80  }
0x124: {  	[sflag:s20] =	ssyncset.done $0x0  }
0x125: {  	[sflag:s20] =	ssyncadd.s32 $0xFFFFC180  }
0x126: {  	[spmem:s1] =	stream.indirect.scatter.add.f32 [tilespmem:s13], [sflag:$0x2], $0x80, s30, s17, $0xb8;
	[tilespmem:$0x1E080] =	vst v63  }
0x127: {  	_ =	swait.ge [sflag:s14], $0x3E80  }
0x128: {  	[sflag:s14] =	ssyncset.done $0x0  }
0x129: {  	[sflag:s14] =	ssyncadd.s32 $0xFFFFC180  }
0x12a: {  	[tilespmem:s13], [sflag:$0x1] =	stream.indirect.gather [hbm4b:s4+s17], $0x80, s10, s17, $0xb8;
	[tilespmem:$0x1E080] =	vst v63  }
0x12b: {  	_ =	swait.ge [sflag:s20], $0x3E80  }
0x12c: {  	[sflag:s20] =	ssyncset.done $0x0  }
0x12d: {  	s31 =	simm.s32 $0x15B00;
	[sflag:s20] =	ssyncadd.s32 $0xFFFFC180  }
0x12e: {  	[spmem:s1] =	stream.indirect.scatter.add.f32 [tilespmem:s19], [sflag:$0x2], $0x80, s31, s17, $0xb8;
	[tilespmem:$0x1E080] =	vst v63  }
0x12f: {  	_ =	swait.ge [sflag:s14], $0x3E80  }
0x130: {  	[sflag:s14] =	ssyncset.done $0x0  }
0x131: {  	s31 =	simm.s32 $0x14800;
	[sflag:s14] =	ssyncadd.s32 $0xFFFFC180  }
0x132: {  	[tilespmem:s19], [sflag:$0x1] =	stream.indirect.gather [hbm4b:s4+s17], $0x80, s31, s17, $0xb8;
	[tilespmem:$0x1E080] =	vst v63  }
0x133: {  	_ =	swait.ge [sflag:s20], $0x3E80  }
0x134: {  	[sflag:s20] =	ssyncset.done $0x0  }
0x135: {  	s31 =	simm.s32 $0x15B80;
	[sflag:s20] =	ssyncadd.s32 $0xFFFFC180  }
0x136: {  	[spmem:s1] =	stream.indirect.scatter.add.f32 [tilespmem:s13], [sflag:$0x2], $0x80, s31, s17, $0xb8;
	[tilespmem:$0x1E080] =	vst v63  }
0x137: {  	_ =	swait.ge [sflag:s14], $0x3E80  }
0x138: {  	[sflag:s14] =	ssyncset.done $0x0  }
0x139: {  	s31 =	simm.s32 $0x14880;
	[sflag:s14] =	ssyncadd.s32 $0xFFFFC180  }
0x13a: {  	[tilespmem:s13], [sflag:$0x1] =	stream.indirect.gather [hbm4b:s4+s17], $0x80, s31, s17, $0xb8;
	[tilespmem:$0x1E080] =	vst v63  }
0x13b: {  	_ =	swait.ge [sflag:s20], $0x3E80  }
0x13c: {  	[sflag:s20] =	ssyncset.done $0x0  }
0x13d: {  	s31 =	simm.s32 $0x15C00;
	[sflag:s20] =	ssyncadd.s32 $0xFFFFC180  }
0x13e: {  	[spmem:s1] =	stream.indirect.scatter.add.f32 [tilespmem:s19], [sflag:$0x2], $0x80, s31, s17, $0xb8;
	[tilespmem:$0x1E080] =	vst v63  }
0x13f: {  	_ =	swait.ge [sflag:s14], $0x3E80  }
0x140: {  	[sflag:s14] =	ssyncset.done $0x0  }
0x141: {  	s31 =	simm.s32 $0x14900;
	[sflag:s14] =	ssyncadd.s32 $0xFFFFC180  }
0x142: {  	[tilespmem:s19], [sflag:$0x1] =	stream.indirect.gather [hbm4b:s4+s17], $0x80, s31, s17, $0xb8;
	[tilespmem:$0x1E080] =	vst v63  }
0x143: {  	_ =	swait.ge [sflag:s20], $0x3E80  }
0x144: {  	[sflag:s20] =	ssyncset.done $0x0  }
0x145: {  	s31 =	simm.s32 $0x15C80;
	[sflag:s20] =	ssyncadd.s32 $0xFFFFC180  }
0x146: {  	[spmem:s1] =	stream.indirect.scatter.add.f32 [tilespmem:s13], [sflag:$0x2], $0x80, s31, s17, $0xb8;
	[tilespmem:$0x1E080] =	vst v63  }
0x147: {  	_ =	swait.ge [sflag:s14], $0x3E80  }
0x148: {  	[sflag:s14] =	ssyncset.done $0x0  }
0x149: {  	s31 =	simm.s32 $0x14980;
	[sflag:s14] =	ssyncadd.s32 $0xFFFFC180  }
0x14a: {  	[tilespmem:s13], [sflag:$0x1] =	stream.indirect.gather [hbm4b:s4+s17], $0x80, s31, s17, $0xb8;
	[tilespmem:$0x1E080] =	vst v63  }
0x14b: {  	_ =	swait.ge [sflag:s20], $0x3E80  }
0x14c: {  	[sflag:s20] =	ssyncset.done $0x0  }
0x14d: {  	s31 =	simm.s32 $0x15D00;
	[sflag:s20] =	ssyncadd.s32 $0xFFFFC180  }
0x14e: {  	[spmem:s1] =	stream.indirect.scatter.add.f32 [tilespmem:s19], [sflag:$0x2], $0x80, s31, s17, $0xb8;
	[tilespmem:$0x1E080] =	vst v63  }
0x14f: {  	_ =	swait.ge [sflag:s14], $0x3E80  }
0x150: {  	[sflag:s14] =	ssyncset.done $0x0  }
0x151: {  	s31 =	simm.s32 $0x14A00;
	[sflag:s14] =	ssyncadd.s32 $0xFFFFC180  }
0x152: {  	[tilespmem:s19], [sflag:$0x1] =	stream.indirect.gather [hbm4b:s4+s17], $0x80, s31, s17, $0xb8;
	[tilespmem:$0x1E080] =	vst v63  }
0x153: {  	_ =	swait.ge [sflag:s20], $0x3E80  }
0x154: {  	[sflag:s20] =	ssyncset.done $0x0  }
0x155: {  	s31 =	simm.s32 $0x15D80;
	[sflag:s20] =	ssyncadd.s32 $0xFFFFC180  }
0x156: {  	[spmem:s1] =	stream.indirect.scatter.add.f32 [tilespmem:s13], [sflag:$0x2], $0x80, s31, s17, $0xb8;
	[tilespmem:$0x1E080] =	vst v63  }
0x157: {  	_ =	swait.ge [sflag:s14], $0x3E80  }
0x158: {  	[sflag:s14] =	ssyncset.done $0x0  }
0x159: {  	s31 =	simm.s32 $0x14A80;
	[sflag:s14] =	ssyncadd.s32 $0xFFFFC180  }
0x15a: {  	[tilespmem:s13], [sflag:$0x1] =	stream.indirect.gather [hbm4b:s4+s17], $0x80, s31, s17, $0xb8;
	[tilespmem:$0x1E080] =	vst v63  }
0x15b: {  	_ =	swait.ge [sflag:s20], $0x3E80  }
0x15c: {  	[sflag:s20] =	ssyncset.done $0x0  }
0x15d: {  	s31 =	simm.s32 $0x15E00;
	[sflag:s20] =	ssyncadd.s32 $0xFFFFC180  }
0x15e: {  	[spmem:s1] =	stream.indirect.scatter.add.f32 [tilespmem:s19], [sflag:$0x2], $0x80, s31, s17, $0xb8;
	[tilespmem:$0x1E080] =	vst v63  }
0x15f: {  	_ =	swait.ge [sflag:s14], $0x3E80  }
0x160: {  	[sflag:s14] =	ssyncset.done $0x0  }
0x161: {  	s31 =	simm.s32 $0x14B00;
	[sflag:s14] =	ssyncadd.s32 $0xFFFFC180  }
0x162: {  	[tilespmem:s19], [sflag:$0x1] =	stream.indirect.gather [hbm4b:s4+s17], $0x80, s31, s17, $0xb8;
	[tilespmem:$0x1E080] =	vst v63  }
0x163: {  	_ =	swait.ge [sflag:s20], $0x3E80  }
0x164: {  	[sflag:s20] =	ssyncset.done $0x0  }
0x165: {  	s31 =	simm.s32 $0x15E80;
	[sflag:s20] =	ssyncadd.s32 $0xFFFFC180  }
0x166: {  	[spmem:s1] =	stream.indirect.scatter.add.f32 [tilespmem:s13], [sflag:$0x2], $0x80, s31, s17, $0xb8;
	[tilespmem:$0x1E080] =	vst v63  }
0x167: {  	_ =	swait.ge [sflag:s14], $0x3E80  }
0x168: {  	[sflag:s14] =	ssyncset.done $0x0  }
0x169: {  	s31 =	simm.s32 $0x14B80;
	[sflag:s14] =	ssyncadd.s32 $0xFFFFC180  }
0x16a: {  	[tilespmem:s13], [sflag:$0x1] =	stream.indirect.gather [hbm4b:s4+s17], $0x80, s31, s17, $0xb8;
	[tilespmem:$0x1E080] =	vst v63  }
0x16b: {  	_ =	swait.ge [sflag:s20], $0x3E80  }
0x16c: {  	[sflag:s20] =	ssyncset.done $0x0  }
0x16d: {  	s31 =	simm.s32 $0x15F00;
	[sflag:s20] =	ssyncadd.s32 $0xFFFFC180  }
0x16e: {  	[spmem:s1] =	stream.indirect.scatter.add.f32 [tilespmem:s19], [sflag:$0x2], $0x80, s31, s17, $0xb8;
	[tilespmem:$0x1E080] =	vst v63  }
0x16f: {  	_ =	swait.ge [sflag:s14], $0x3E80  }
0x170: {  	[sflag:s14] =	ssyncset.done $0x0  }
0x171: {  	s31 =	simm.s32 $0x14C00;
	[sflag:s14] =	ssyncadd.s32 $0xFFFFC180  }
0x172: {  	[tilespmem:s19], [sflag:$0x1] =	stream.indirect.gather [hbm4b:s4+s17], $0x80, s31, s17, $0xb8;
	[tilespmem:$0x1E080] =	vst v63  }
0x173: {  	_ =	swait.ge [sflag:s20], $0x3E80  }
0x174: {  	[sflag:s20] =	ssyncset.done $0x0  }
0x175: {  	s31 =	simm.s32 $0x15F80;
	[sflag:s20] =	ssyncadd.s32 $0xFFFFC180  }
0x176: {  	[spmem:s1] =	stream.indirect.scatter.add.f32 [tilespmem:s13], [sflag:$0x2], $0x80, s31, s17, $0xb8;
	[tilespmem:$0x1E080] =	vst v63  }
0x177: {  	_ =	swait.ge [sflag:s14], $0x3E80  }
0x178: {  	[sflag:s14] =	ssyncset.done $0x0  }
0x179: {  	[sflag:s14] =	ssyncadd.s32 $0xFFFFC180  }
0x17a: {  	_ =	swait.ge [sflag:s20], $0x3E80  }
0x17b: {  	p2 =	por p1, p1;
	[sflag:s20] =	ssyncset.done $0x0  }
.Ltmp2:
0x17c: {  	s31 =	simm.s32 $0x16000;
	[sflag:s20] =	ssyncadd.s32 $0xFFFFC180;
	(pc) =	sbr.rel @p2 .LBB2_6-.Ltmp2, $4  }
0x17d: {  	[spmem:s1] =	stream.indirect.scatter.add.f32 [tilespmem:s19], [sflag:$0x2], $0x80, s31, s17, $0xb8;
	[tilespmem:$0x1E080] =	vst v63  }
0x17e: {  	_ =	swait.ge [sflag:s14], $0x3E80  }
0x17f: {  	[sflag:s14] =	ssyncset.done $0x0  }
0x180: {  	p1 =	por $0x0, $0x0;
	s0 =	simm.s32 $0x28;
	[sflag:s14] =	ssyncadd.s32 $0xFFFFC180  }
0x181: {  	s0 =	stileid.u32  }
0x182: {  	[bflag:$0x0] =	sbarrier.arrive $0xFFFF;
	s0 =	sshll.u32 s0, $0x6  }
0x183: {  	s31 =	sshrl.u32 s7, $0x3;
	s3 =	rddreg [dreg:$0x4];
	s0 =	sor.u32 $0x1C02, s0  }
0x184: {  	[hbm:s3], [sflag:s0] =	dma.local [spmem:s31], $0x2700  }
0x185: {  	_ =	swait.ge [sflag:s14], $0x2700  }
0x186: {  	[sflag:s14] =	ssyncset.done $0x0;
	s31 =	rddreg [dreg:$0x3]  }
0x187: {  	s3 =	rddreg [dreg:$0x5];
	[sflag:s14] =	ssyncadd.s32 $0xFFFFD900;
	s31 =	sshrl.u32 @!p0 s31, $0x3  }
0x188: {  	[hbm:s3], [sflag:s0] =	dma.local @!p0 [spmem:s31], $0x100  }
0x189: {  	s0 =	simm.s32 @!p0 $0x2  }
0x18a: {  	_ =	swait.ge @!p0 [sflag:s0], $0x100  }
0x18b: {  	s8 =	rddreg [dreg:$0x7]  }
0x18c: {  	s31 =	rddreg [dreg:$0x6];
	s8 =	sadd.s32 $0x1, s8  }
0x18d: {  	p1 =	sne.s32 s8, s31  }
.Ltmp3:
0x18e: {  	_ = 	snop;
	(pc) =	sbr.rel @p1 .LBB2_1-.Ltmp3, $3  }
0x18f: {  	_ =	sdelay $0x1  }
0x190: {  	[sflag:s0] =	ssyncset.done @!p0 $0x0  }
0x191: {  	s3 =	simm.s32 $0x13900;
	[sflag:s0] =	ssyncadd.s32 @!p0 $0xFFFFFF00  }
0x192: {  	_ =	sfence.sel $0x180000  }
0x193: {  	[bflag:$0x0] =	sbarrier.arrive $0xFFFF  }
0x194: {  	_ =	strace $0x9000004A  }
0x195: {  	s0 =	stileid.u32;
	[bflag:$0x2] =	sbarrier.arrive $0xFFFF  }
0x196: {  	p0 =	sne.s32 s0, $0x0;
	s0 =	rddreg [dreg:$0x2]  }
0x197: {  	s0 =	sadd.s32 @!p0 $0x100000, s0  }
0x198: {  	[sflag:s0] =	ssyncadd.tile.s32 @!p0 $0x1;
	_ =	shalt  }
.Lfunc_end2:
_tile_overlayer_lowered:
.L_overlay_start_2:
0x199: {  	(tag) =	ssettag $0x2  }
0x19a: {  	s0 =	rddreg [dreg:$0x0];
	s2 =	stileid.u32  }
0x19b: {  	s1 =	rddreg [dreg:$0x1];
	p0 =	sne.s32 s2, $0x0  }
0x19c: {  	s3 =	rddreg [dreg:$0x2];
	[bflag:$0x3] =	sbarrier.arrive $0xFFFF;
	s2 =	simm.s32 @!p0 $0x1C02  }
0x19d: {  	[timem:s3], [sflag:s2] =	dma.local @!p0 [hbm:s0], s1  }
0x19e: {  	s0 =	simm.s32 @!p0 $0x2  }
0x19f: {  	_ =	swait.ge @!p0 [sflag:s0], s1  }
0x1a0: {  	s1 =	ssub.s32 @!p0 $0x0, s1;
	[sflag:s0] =	ssyncset.done @!p0 $0x0  }
0x1a1: {  	[sflag:s0] =	ssyncadd.s32 @!p0 s1  }
0x1a2: {  	[bflag:$0x3] =	sbarrier.arrive $0xFFFF  }
0x1a3: {  	_ =	shalt  }

// kernel: kernel.14.cloned.1.call-start
scs
__scs_entry_jumppad:
0x0: {  	(pc) =	sbr.rel $0x88, $3  }
0x1: {  	(tag) =	ssettag $0x0;
	lr =	simm.s32 $0x1  }
0x2: {  	[smem:$0x3F87] =	sst lr;
	_ =	strace $0xD0000000  }
0x3: {  	_ = 	snop  }
0x4: {  	_ = 	snop  }
0x5: {  	_ = 	snop  }
0x6: {  	_ = 	snop  }
0x7: {  	_ = 	snop  }
__scs_overlays_trampoline_lowered:
0x8: {  	[smem:$0x3F96] =	sst s0  }
0x9: {  	[smem:$0x3F97] =	sst s1  }
0xa: {  	[smem:$0x3F98] =	sst s2  }
0xb: {  	[smem:$0x3F99] =	sst s3  }
0xc: {  	[smem:$0x3F9A] =	sst s4  }
0xd: {  	[smem:$0x3F9B] =	sst s5  }
0xe: {  	[smem:$0x3F9C] =	sst s6  }
0xf: {  	[smem:$0x3F9D] =	sst s7  }
0x10: {  	[smem:$0x3F9E] =	sst s8  }
0x11: {  	[smem:$0x3F9F] =	sst s9;
	s0 =	simm.s32 @!p0 $0x0  }
0x12: {  	s1 =	sld [smem:$0x3F85];
	s0 =	simm.s32 @p0 $0x1  }
0x13: {  	[smem:$0x3FA0] =	sst s0;
	s0 =	simm.s32 @!p1 $0x0  }
0x14: {  	s2 =	sld [smem:$0x3F84];
	s0 =	simm.s32 @p1 $0x1  }
0x15: {  	[smem:$0x3FA1] =	sst s0;
	s0 =	simm.s32 @!p2 $0x0  }
0x16: {  	s3 =	sld [smem:$0x3FDB];
	s0 =	simm.s32 @p2 $0x1  }
0x17: {  	s4 =	simm.s32 $0x1BF5;
	[smem:$0x3FA3] =	sst s0  }
0x18: {  	s0 =	sld [smem:$0x3F86];
	_ =	swait.ge [sflag:s4], $0x0  }
0x19: {  	s7 =	sld [smem:$0x3F87]  }
0x1a: {  	s8 =	sadd.s32 $0xFFFFE003, lr  }
0x1b: {  	s9 =	sadd.s32 $0xFFFFFEF7, lr;
	s5 =	simm.s32 $0xFFFFFFFF;
	p2 =	slt.u32 s8, $0xFFFFF086  }
0x1c: {  	p1 =	slt.u32 s9, $0xF7A;
	s5 =	simm.s32 @!p2 $0x0  }
0x1d: {  	s5 =	simm.s32 @p1 $0x1;
	p0 =	seq.s32 s7, s2  }
0x1e: {  	s7 =	smul.u32 @!p0 $0xF7A, s2;
	p2 =	seq.s32 @!p0 s5, $0x0  }
0x1f: {  	s9 =	smul.u32 $0xF7A, s1;
	s8 =	simm.s32 @!p0 $0x1BF5;
	p2 =	por !p2, p0  }
0x20: {  	[sflag:s8] =	ssyncset.s32 @!p0 $0xFFFFF086;
	s6 =	sadd.s32 @!p0 s3, s7;
	s7 =	simm.s32 @!p0 $0x108  }
0x21: {  	s3 =	sadd.s32 s3, s9;
	s6 =	sadd.s32 @!p0 $0x88, s6;
	s7 =	simm.s32 @p2 $0x1082  }
0x22: {  	[simem:s7], [sflag:s8] =	dma.local @!p0 [hbm:s6], $0xF7A  }
0x23: {  	s9 =	sor.u32 $0xD0000000, s2;
	s6 =	simm.s32 $0x108;
	_ =	swait.ge @!p0 [sflag:s8], $0x0  }
0x24: {  	s3 =	sadd.s32 $0x88, s3;
	s6 =	simm.s32 @!p1 $0x1082;
	[sflag:s4] =	ssyncset.s32 $0xFFFFF086  }
0x25: {  	[simem:s6], [sflag:s4] =	dma.local [hbm:s3], $0xF7A  }
0x26: {  	[smem:$0x3F87] =	sst s1;
	(tag) =	ssettag s2;
	_ =	strace s9  }
0x27: {  	s1 =	sld [smem:$0x3F97]  }
0x28: {  	s2 =	sld [smem:$0x3F98]  }
0x29: {  	s4 =	sld [smem:$0x3F9A]  }
0x2a: {  	p0 =	seq.s32 s5, $0x0;
	s5 =	sld [smem:$0x3F9B]  }
0x2b: {  	s6 =	sld [smem:$0x3F9C]  }
0x2c: {  	s7 =	sld [smem:$0x3F9D]  }
0x2d: {  	s3 =	simm.s32 $0x108;
	s8 =	sld [smem:$0x3F9E]  }
0x2e: {  	s3 =	simm.s32 @!p0 $0x1082;
	s9 =	sld [smem:$0x3F9F]  }
0x2f: {  	lr =	sadd.s32 s0, s3;
	s0 =	sld [smem:$0x3F96]  }
0x30: {  	s3 =	sld [smem:$0x3F99]  }
0x31: {  	[smem:$0x3FA2] =	sst s10  }
0x32: {  	s10 =	sld [smem:$0x3FA0];
	_ =	sdelay $0x3  }
0x33: {  	p0 =	seq.s32 s10, $0x1;
	s10 =	sld [smem:$0x3FA2];
	_ =	sdelay $0x3  }
0x34: {  	[smem:$0x3FA2] =	sst s10  }
0x35: {  	s10 =	sld [smem:$0x3FA1];
	_ =	sdelay $0x3  }
0x36: {  	p1 =	seq.s32 s10, $0x1;
	s10 =	sld [smem:$0x3FA2];
	_ =	sdelay $0x3  }
0x37: {  	[smem:$0x3FA2] =	sst s10  }
0x38: {  	s10 =	sld [smem:$0x3FA3]  }
0x39: {  	_ = 	snop;
	(pc) =	sbr.ind lr, $3  }
0x3a: {  	_ = 	snop  }
0x3b: {  	_ = 	snop  }
0x3c: {  	p2 =	seq.s32 s10, $0x1;
	s10 =	sld [smem:$0x3FA2]  }
0x3d: {  	_ =	shalt  }
0x3e: {  	_ =	shalt  }
0x3f: {  	_ =	shalt  }
0x40: {  	_ =	shalt  }
0x41: {  	_ =	shalt  }
0x42: {  	_ =	shalt  }
0x43: {  	_ =	shalt  }
0x44: {  	_ =	shalt  }
0x45: {  	_ =	shalt  }
0x46: {  	_ =	shalt  }
0x47: {  	_ =	shalt  }
0x48: {  	_ =	shalt  }
0x49: {  	_ =	shalt  }
0x4a: {  	_ =	shalt  }
0x4b: {  	_ =	shalt  }
0x4c: {  	_ =	shalt  }
0x4d: {  	_ =	shalt  }
0x4e: {  	_ =	shalt  }
0x4f: {  	_ =	shalt  }
0x50: {  	_ =	shalt  }
0x51: {  	_ =	shalt  }
0x52: {  	_ =	shalt  }
0x53: {  	_ =	shalt  }
0x54: {  	_ =	shalt  }
0x55: {  	_ =	shalt  }
0x56: {  	_ =	shalt  }
0x57: {  	_ =	shalt  }
0x58: {  	_ =	shalt  }
0x59: {  	_ =	shalt  }
0x5a: {  	_ =	shalt  }
0x5b: {  	_ =	shalt  }
0x5c: {  	_ =	shalt  }
0x5d: {  	_ =	shalt  }
0x5e: {  	_ =	shalt  }
0x5f: {  	_ =	shalt  }
0x60: {  	_ =	shalt  }
0x61: {  	_ =	shalt  }
0x62: {  	_ =	shalt  }
0x63: {  	_ =	shalt  }
0x64: {  	_ =	shalt  }
0x65: {  	_ =	shalt  }
0x66: {  	_ =	shalt  }
0x67: {  	_ =	shalt  }
0x68: {  	_ =	shalt  }
0x69: {  	_ =	shalt  }
0x6a: {  	_ =	shalt  }
0x6b: {  	_ =	shalt  }
0x6c: {  	_ =	shalt  }
0x6d: {  	_ =	shalt  }
0x6e: {  	_ =	shalt  }
0x6f: {  	_ =	shalt  }
0x70: {  	_ =	shalt  }
0x71: {  	_ =	shalt  }
0x72: {  	_ =	shalt  }
0x73: {  	_ =	shalt  }
0x74: {  	_ =	shalt  }
0x75: {  	_ =	shalt  }
0x76: {  	_ =	shalt  }
0x77: {  	_ =	shalt  }
0x78: {  	_ =	shalt  }
0x79: {  	_ =	shalt  }
0x7a: {  	_ =	shalt  }
0x7b: {  	_ =	shalt  }
0x7c: {  	_ =	shalt  }
0x7d: {  	_ =	shalt  }
0x7e: {  	_ =	shalt  }
0x7f: {  	_ =	shalt  }
0x80: {  	_ =	shalt  }
0x81: {  	_ =	shalt  }
0x82: {  	_ =	shalt  }
0x83: {  	_ =	shalt  }
0x84: {  	_ =	shalt  }
0x85: {  	_ =	shalt  }
0x86: {  	_ =	shalt  }
0x87: {  	_ =	shalt  }
.Lfunc_end0:
.L_simem_size_0:
called_computation.2_lowered:
.L_overlay_start_0:
0x88: {  	s2 =	sld [smem:$0x3FD9]  }
0x89: {  	s3 =	sld [smem:$0x3FFE];
	_ =	sdelay $0x1  }
0x8a: {  	s1 =	srdreg.scid  }
0x8b: {  	s0 =	sand.u32 $0x1, s1  }
0x8c: {  	s16 =	sshll.u32 s0, $0xA;
	s2 =	sadd.s32 s3, s2  }
0x8d: {  	s2 =	sadd.s32 s2, s16  }
0x8e: {  	[smem:$0x3FAE] =	sst s2  }
0x8f: {  	_ = 	snop  }
0x90: {  	(tm) =	ssettm $0x1  }
0x91: {  	s17 =	sld [smem:$0x3FFB];
	_ =	sdelay $0x3  }
0x92: {  	_ =	strace s17  }
0x93: {  	s2 =	sld [smem:$0x3FFC];
	_ =	sdelay $0x3  }
0x94: {  	_ =	strace s2  }
0x95: {  	s2 =	sld [smem:$0x3FFD];
	_ =	sdelay $0x3  }
0x96: {  	_ =	strace s2  }
0x97: {  	_ =	strace $0x8FFFFFFF  }
0x98: {  	s18 =	sld [smem:$0x3FDB];
	_ =	sdelay $0x1  }
0x99: {  	s19 =	simm.s32 $_scs_section_size  }
0x9a: {  	s4 =	simm.s32 $_size__tile_overlayer_lowered;
	s5 =	simm.s32 $_tile_overlayer_lowered  }
0x9b: {  	s22 =	simm.s32 $0x1BFF;
	s21 =	sshll.u32 s5, $0x1;
	s2 =	sadd.s32 s19, s18  }
0x9c: {  	s6 =	simm.s32 $0x0;
	s20 =	sshll.u32 s4, $0x1;
	s4 =	sadd.s32 s21, s2  }
0x9d: {  	[timem:s6], [sflag:s22] =	dma.local [hbm:s4], s20  }
0x9e: {  	_ =	swait.ge [sflag:s22], s20  }
0x9f: {  	s3 =	ssub.s32 $0x0, s20;
	[sflag:s22] =	ssyncset.done $0x0  }
0xa0: {  	[sflag:s22] =	ssyncadd.s32 s3;
	_ =	sdelay $0x1  }
0xa1: {  	s23 =	simm.s32 $0x1B8B  }
0xa2: {  	_ =	swait.ge [sflag:s23], $0x1  }
0xa3: {  	[sflag:s23] =	ssyncset.done $0x0  }
0xa4: {  	s25 =	simm.s32 $0x1B8E;
	s24 =	sld [smem:$0x3FFE];
	[sflag:s23] =	ssyncadd.s32 $0xFFFFFFFF  }
0xa5: {  	s26 =	simm.s32 $execute0_lowered;
	[smem:$0x3FD2] =	sst s25  }
0xa6: {  	s4 =	sshll.u32 s26, $0x1;
	_ =	strace $0x8000004C;
	[dreg:$0x1] =	wrdreg $0xFFFFFFFF  }
0xa7: {  	s28 =	simm.s32 $_size_execute0_lowered;
	s2 =	sadd.s32 s2, s4;
	[dreg:$0x0] =	wrdreg $0x0  }
0xa8: {  	s4 =	sshll.u32 s28, $0x1;
	[dreg:$0x2] =	wrdreg s2  }
0xa9: {  	[dreg:$0x3] =	wrdreg s4  }
0xaa: {  	[dreg:$0x4] =	wrdreg $0xC0  }
0xab: {  	_ =	task [dreg:s6], $0x5FFFF  }
0xac: {  	[dreg:$0x1] =	wrdreg $0xFFFFFFFF  }
0xad: {  	[dreg:$0x0] =	wrdreg $0x60  }
0xae: {  	[dreg:$0x2] =	wrdreg s24  }
0xaf: {  	[dreg:$0x3] =	wrdreg $0x0  }
0xb0: {  	[dreg:$0x4] =	wrdreg $0x9  }
0xb1: {  	_ =	task.clear_ibuf [dreg:s6], $0x5FFFF;
	_ =	strace $0x9000004C  }
0xb2: {  	s29 =	simm.s32 $0x9;
	_ =	strace $0x8000004E  }
0xb3: {  	_ =	swait.ge [sflag:s29], $0x1  }
0xb4: {  	[sflag:s29] =	ssyncadd.s32 $0xFFFFFFFF  }
0xb5: {  	_ =	strace $0x9000004E  }
0xb6: {  	_ =	sfence  }
0xb7: {  	s30 =	sld [smem:$0x0];
	_ =	sdelay $0x2  }
0xb8: {  	s31 =	sshll.u32 s1, $0xD;
	s1 =	sshrl.u32 s1, $0x2  }
0xb9: {  	s3 =	sand.u32 $0x4000, s31;
	s1 =	sadd.s32 s1, s30  }
0xba: {  	s0 =	sor.u32 s3, s0;
	s1 =	sshll.u32 s1, $0x11  }
0xbb: {  	s0 =	sor.u32 s1, s0  }
0xbc: {  	s0 =	sadd.s32 $0x8F2B, s0  }
0xbd: {  	[sflag:s0] =	ssyncadd.remote.s32 $0x1  }
0xbe: {  	_ =	sfence.sel $0xFFFF  }
0xbf: {  	[dreg:$0x0] =	wrdreg $0xFFFFFFFF;
	(pc) =	sbr.abs _section_cstart, $3  }
0xc0: {  	[dreg:$0x1] =	wrdreg $0xFFFFFFFF  }
0xc1: {  	_ =	task.clear_ibuf [dreg:s6], $0x2FFFF;
	_ =	strace $0x9FFFFFFF  }
0xc2: {  	(tm) =	ssettm $0x7FFFFFFF  }
0xc3: {  	_ =	shalt  }
tec
execute0_lowered:
.L_overlay_start_1:
0x0: {  	(tag) =	ssettag $0x1  }
0x1: {  	s0 =	rddreg [dreg:$0x0]  }
0x2: {  	s1 =	rddreg [dreg:$0x1];
	s2 =	simm.s32 $0x0;
	s3 =	srdreg.scid  }
0x3: {  	s15 =	stileid.u32;
	s13 =	simm.s32 $0x16080;
	s14 =	simm.s32 $0x2  }
0x4: {  	s16 =	simm.s32 $0x14C80;
	s17 =	simm.s32 $0x7D;
	s19 =	simm.s32 $0x1A080  }
0x5: {  	s20 =	simm.s32 $0x1;
	s18 =	simm.s32 $0x14500;
	s21 =	simm.s32 $0x15880  }
0x6: {  	s28 =	simm.s32 $0x15A00;
	s29 =	simm.s32 $0x14700;
	s30 =	simm.s32 $0x15A80  }
0x7: {  	[smem:$0x7FF] =	sst s2;
	s4 =	sadd.s32 $0x21C00, s0;
	s5 =	sadd.s32 $0x48E00, s0  }
0x8: {  	s3 =	sand.u32 $0x1, s3;
	s6 =	sadd.s32 $0x17C00, s0;
	s8 =	smul.u32 $0x4E000, s15  }
0x9: {  	s0 =	sadd.s32 $0x52E00, s0;
	s11 =	smul.u32 $0x13800, s15;
	s22 =	sadd.s32 $0x138000, s1  }
0xa: {  	p0 =	sne.s32 s15, $0xF;
	_ =	strace $0x8000004D;
	s7 =	ssub.s32 $0x2, s3  }
0xb: {  	s10 =	smul.u32 $0x138800, s3;
	s3 =	sshll.u32 s3, $0x4;
	[dreg:$0x3] =	wrdreg s22  }
0xc: {  	s22 =	simm.s32 $0x14580;
	s9 =	sshrl.u32 s7, $0x1;
	s8 =	sshrl.u32 s8, $0x2  }
0xd: {  	s3 =	sor.u32 s15, s3;
	s15 =	simm.s32 $0x13880;
	s12 =	ssub.s32 s7, s9  }
0xe: {  	s7 =	sadd.s32 s8, s1;
	s23 =	sadd.s32 s11, s10;
	s10 =	sshrl.u32 s10, $0x3  }
0xf: {  	s9 =	smul.u32 $0x50, s3;
	s3 =	simm.s32 $0x13900;
	s8 =	simm.s32 $0x0  }
0x10: {  	s11 =	simm.s32 $0x15780;
	s24 =	sshrl.u32 s23, $0x3;
	s25 =	sadd.s32 s0, s10  }
0x11: {  	s31 =	smax.u32 s12, $0x1;
	s12 =	simm.s32 $0x14480;
	s23 =	simm.s32 $0x15900  }
0x12: {  	s10 =	simm.s32 $0x14780;
	s0 =	sadd.s32 s0, s24;
	[dreg:$0x6] =	wrdreg s31  }
0x13: {  	s26 =	sadd.s32 $0x27000, s25;
	s24 =	simm.s32 $0x14600;
	[dreg:$0x4] =	wrdreg s0  }
0x14: {  	v0 =	vimm.f32 $0.0e+00;
	s25 =	simm.s32 $0x15980;
	[dreg:$0x5] =	wrdreg s26;
	s26 =	simm.s32 $0x14680  }
.LBB2_1:
0x15: {  	s31 =	simm.s32 $0x0;
	s0 =	simm.s32 $0x200  }
.LBB2_2:
0x16: {  	p1 =	sne.s32 s0, $0x1E00;
	[tilespmem:s31+$0x160F0] =	vst v0  }
0x17: {  	[tilespmem:s31+$0x16080] =	vst v0  }
0x18: {  	[tilespmem:s31+$0x16090] =	vst v0  }
.Ltmp0:
0x19: {  	[tilespmem:s31+$0x160A0] =	vst v0;
	(pc) =	sbr.rel @p1 .LBB2_2-.Ltmp0, $4  }
0x1a: {  	[tilespmem:s31+$0x160B0] =	vst v0  }
0x1b: {  	[tilespmem:s31+$0x160C0] =	vst v0  }
0x1c: {  	[tilespmem:s31+$0x160D0] =	vst v0  }
0x1d: {  	[tilespmem:s31+$0x160E0] =	vst v0;
	s31 =	sshra.s32 s0, $0x2;
	s0 =	sadd.s32 $0x200, s0  }
0x1e: {  	[tilespmem:s31+$0x160F0] =	vst v0  }
0x1f: {  	[tilespmem:s31+$0x16080] =	vst v0  }
0x20: {  	[tilespmem:s31+$0x16090] =	vst v0  }
0x21: {  	[tilespmem:s31+$0x160A0] =	vst v0  }
0x22: {  	[tilespmem:s31+$0x160B0] =	vst v0  }
0x23: {  	[tilespmem:s31+$0x160C0] =	vst v0  }
0x24: {  	[tilespmem:s31+$0x160D0] =	vst v0  }
0x25: {  	[dreg:$0x7] =	wrdreg s8;
	[tilespmem:s31+$0x160E0] =	vst v0;
	s0 =	sadd.s32 $0x0, s7  }
0x26: {  	[spmem:s0] =	stream.linear.scatter [tilespmem:s13], [sflag:$0x2], $0x800, $0x38;
	[tilespmem:$0x1E080] =	vst v63  }
0x27: {  	s0 =	simm.s32 $0x2000;
	_ =	swait.ge [sflag:s14], $0x800  }
.LBB2_4:
0x28: {  	s31 =	sshra.s32 s0, $0x2;
	[sflag:s14] =	ssyncset.done $0x0;
	p1 =	sne.s32 s0, $0x4C000  }
.Ltmp1:
0x29: {  	s31 =	sadd.s32 s31, s7;
	[sflag:s14] =	ssyncadd.s32 $0xFFFFF800;
	(pc) =	sbr.rel @p1 .LBB2_4-.Ltmp1, $3  }
0x2a: {  	[spmem:s31] =	stream.linear.scatter [tilespmem:s13], [sflag:$0x2], $0x800, $0x38;
	[tilespmem:$0x1E080] =	vst v63  }
0x2b: {  	s0 =	sadd.s32 $0x2000, s0;
	_ =	sdelay $0x1  }
0x2c: {  	_ =	swait.ge [sflag:s14], $0x800  }
0x2d: {  	[sflag:s14] =	ssyncset.done $0x0  }
0x2e: {  	s0 =	simm.s32 @!p0 $0x16080;
	s31 =	rddreg [dreg:$0x3];
	[sflag:s14] =	ssyncadd.s32 $0xFFFFF800  }
0x2f: {  	[spmem:s31] =	stream.linear.scatter @!p0 [tilespmem:s0], [sflag:$0x2], $0x800, $0x38;
	[tilespmem:$0x1E080] =	vst v63  }
0x30: {  	s0 =	simm.s32 @!p0 $0x2  }
0x31: {  	_ =	swait.ge @!p0 [sflag:s0], $0x800  }
0x32: {  	[sflag:s0] =	ssyncset.done @!p0 $0x0  }
0x33: {  	p1 =	por $0x1, $0x1;
	[sflag:s0] =	ssyncadd.s32 @!p0 $0xFFFFF800  }
0x34: {  	s8 =	simm.s32 $0x15800;
	s0 =	simm.s32 $0x0;
	[bflag:$0x0] =	sbarrier.arrive $0xFFFF  }
.LBB2_6:
0x35: {  	s0 =	sadd.s32 s9, s0  }
0x36: {  	s0 =	sshll.u32 s0, $0x4  }
0x37: {  	s31 =	sadd.s32 s5, s0  }
0x38: {  	[tilespmem:s15], [sflag:$0x2] =	stream.linear.gather [hbm4b:s31+s2], $0x1400, $0x38;
	[tilespmem:$0x1E080] =	vst v63  }
0x39: {  	_ =	swait.ge [sflag:s14], $0x1400  }
0x3a: {  	[sflag:s14] =	ssyncset.done $0x0  }
0x3b: {  	s0 =	sadd.s32 s6, s0;
	[sflag:s14] =	ssyncadd.s32 $0xFFFFEC00  }
0x3c: {  	[tilespmem:s16], [sflag:$0x2] =	stream.linear.gather [hbm4b:s0+s2], $0x1400, $0x38;
	[tilespmem:$0x1E080] =	vst v63  }
0x3d: {  	_ =	swait.ge [sflag:s14], $0x1400  }
0x3e: {  	[sflag:s14] =	ssyncset.done $0x0  }
0x3f: {  	[sflag:s14] =	ssyncadd.s32 $0xFFFFEC00  }
0x40: {  	[tilespmem:s13], [sflag:$0x1] =	stream.indirect.gather [hbm4b:s4+s17], $0x80, s15, s17, $0xb8;
	[tilespmem:$0x1E080] =	vst v63  }
0x41: {  	_ = 	snop  }
0x42: {  	[tilespmem:s19], [sflag:$0x1] =	stream.indirect.gather [hbm4b:s4+s17], $0x80, s3, s17, $0xb8;
	[tilespmem:$0x1E080] =	vst v63  }
0x43: {  	_ =	swait.ge [sflag:s20], $0x3E80  }
0x44: {  	[sflag:s20] =	ssyncset.done $0x0  }
0x45: {  	[sflag:s20] =	ssyncadd.s32 $0xFFFFC180  }
0x46: {  	[spmem:s1] =	stream.indirect.scatter.add.f32 [tilespmem:s13], [sflag:$0x2], $0x80, s16, s17, $0xb8;
	[tilespmem:$0x1E080] =	vst v63  }
0x47: {  	_ =	swait.ge [sflag:s14], $0x3E80  }
0x48: {  	[sflag:s14] =	ssyncset.done $0x0  }
0x49: {  	s31 =	simm.s32 $0x13980;
	[sflag:s14] =	ssyncadd.s32 $0xFFFFC180  }
0x4a: {  	[tilespmem:s13], [sflag:$0x1] =	stream.indirect.gather [hbm4b:s4+s17], $0x80, s31, s17, $0xb8;
	[tilespmem:$0x1E080] =	vst v63  }
0x4b: {  	_ =	swait.ge [sflag:s20], $0x3E80  }
0x4c: {  	[sflag:s20] =	ssyncset.done $0x0  }
0x4d: {  	s31 =	simm.s32 $0x14D00;
	[sflag:s20] =	ssyncadd.s32 $0xFFFFC180  }
0x4e: {  	[spmem:s1] =	stream.indirect.scatter.add.f32 [tilespmem:s19], [sflag:$0x2], $0x80, s31, s17, $0xb8;
	[tilespmem:$0x1E080] =	vst v63  }
0x4f: {  	_ =	swait.ge [sflag:s14], $0x3E80  }
0x50: {  	[sflag:s14] =	ssyncset.done $0x0  }
0x51: {  	s31 =	simm.s32 $0x13A00;
	[sflag:s14] =	ssyncadd.s32 $0xFFFFC180  }
0x52: {  	[tilespmem:s19], [sflag:$0x1] =	stream.indirect.gather [hbm4b:s4+s17], $0x80, s31, s17, $0xb8;
	[tilespmem:$0x1E080] =	vst v63  }
0x53: {  	_ =	swait.ge [sflag:s20], $0x3E80  }
0x54: {  	[sflag:s20] =	ssyncset.done $0x0  }
0x55: {  	s31 =	simm.s32 $0x14D80;
	[sflag:s20] =	ssyncadd.s32 $0xFFFFC180  }
0x56: {  	[spmem:s1] =	stream.indirect.scatter.add.f32 [tilespmem:s13], [sflag:$0x2], $0x80, s31, s17, $0xb8;
	[tilespmem:$0x1E080] =	vst v63  }
0x57: {  	_ =	swait.ge [sflag:s14], $0x3E80  }
0x58: {  	[sflag:s14] =	ssyncset.done $0x0  }
0x59: {  	s31 =	simm.s32 $0x13A80;
	[sflag:s14] =	ssyncadd.s32 $0xFFFFC180  }
0x5a: {  	[tilespmem:s13], [sflag:$0x1] =	stream.indirect.gather [hbm4b:s4+s17], $0x80, s31, s17, $0xb8;
	[tilespmem:$0x1E080] =	vst v63  }
0x5b: {  	_ =	swait.ge [sflag:s20], $0x3E80  }
0x5c: {  	[sflag:s20] =	ssyncset.done $0x0  }
0x5d: {  	s31 =	simm.s32 $0x14E00;
	[sflag:s20] =	ssyncadd.s32 $0xFFFFC180  }
0x5e: {  	[spmem:s1] =	stream.indirect.scatter.add.f32 [tilespmem:s19], [sflag:$0x2], $0x80, s31, s17, $0xb8;
	[tilespmem:$0x1E080] =	vst v63  }
0x5f: {  	_ =	swait.ge [sflag:s14], $0x3E80  }
0x60: {  	[sflag:s14] =	ssyncset.done $0x0  }
0x61: {  	s31 =	simm.s32 $0x13B00;
	[sflag:s14] =	ssyncadd.s32 $0xFFFFC180  }
0x62: {  	[tilespmem:s19], [sflag:$0x1] =	stream.indirect.gather [hbm4b:s4+s17], $0x80, s31, s17, $0xb8;
	[tilespmem:$0x1E080] =	vst v63  }
0x63: {  	_ =	swait.ge [sflag:s20], $0x3E80  }
0x64: {  	[sflag:s20] =	ssyncset.done $0x0  }
0x65: {  	s31 =	simm.s32 $0x14E80;
	[sflag:s20] =	ssyncadd.s32 $0xFFFFC180  }
0x66: {  	[spmem:s1] =	stream.indirect.scatter.add.f32 [tilespmem:s13], [sflag:$0x2], $0x80, s31, s17, $0xb8;
	[tilespmem:$0x1E080] =	vst v63  }
0x67: {  	_ =	swait.ge [sflag:s14], $0x3E80  }
0x68: {  	[sflag:s14] =	ssyncset.done $0x0  }
0x69: {  	s31 =	simm.s32 $0x13B80;
	[sflag:s14] =	ssyncadd.s32 $0xFFFFC180  }
0x6a: {  	[tilespmem:s13], [sflag:$0x1] =	stream.indirect.gather [hbm4b:s4+s17], $0x80, s31, s17, $0xb8;
	[tilespmem:$0x1E080] =	vst v63  }
0x6b: {  	_ =	swait.ge [sflag:s20], $0x3E80  }
0x6c: {  	[sflag:s20] =	ssyncset.done $0x0  }
0x6d: {  	s31 =	simm.s32 $0x14F00;
	[sflag:s20] =	ssyncadd.s32 $0xFFFFC180  }
0x6e: {  	[spmem:s1] =	stream.indirect.scatter.add.f32 [tilespmem:s19], [sflag:$0x2], $0x80, s31, s17, $0xb8;
	[tilespmem:$0x1E080] =	vst v63  }
0x6f: {  	_ =	swait.ge [sflag:s14], $0x3E80  }
0x70: {  	[sflag:s14] =	ssyncset.done $0x0  }
0x71: {  	s31 =	simm.s32 $0x13C00;
	[sflag:s14] =	ssyncadd.s32 $0xFFFFC180  }
0x72: {  	[tilespmem:s19], [sflag:$0x1] =	stream.indirect.gather [hbm4b:s4+s17], $0x80, s31, s17, $0xb8;
	[tilespmem:$0x1E080] =	vst v63  }
0x73: {  	_ =	swait.ge [sflag:s20], $0x3E80  }
0x74: {  	[sflag:s20] =	ssyncset.done $0x0  }
0x75: {  	s31 =	simm.s32 $0x14F80;
	[sflag:s20] =	ssyncadd.s32 $0xFFFFC180  }
0x76: {  	[spmem:s1] =	stream.indirect.scatter.add.f32 [tilespmem:s13], [sflag:$0x2], $0x80, s31, s17, $0xb8;
	[tilespmem:$0x1E080] =	vst v63  }
0x77: {  	_ =	swait.ge [sflag:s14], $0x3E80  }
0x78: {  	[sflag:s14] =	ssyncset.done $0x0  }
0x79: {  	s31 =	simm.s32 $0x13C80;
	[sflag:s14] =	ssyncadd.s32 $0xFFFFC180  }
0x7a: {  	[tilespmem:s13], [sflag:$0x1] =	stream.indirect.gather [hbm4b:s4+s17], $0x80, s31, s17, $0xb8;
	[tilespmem:$0x1E080] =	vst v63  }
0x7b: {  	_ =	swait.ge [sflag:s20], $0x3E80  }
0x7c: {  	[sflag:s20] =	ssyncset.done $0x0  }
0x7d: {  	s31 =	simm.s32 $0x15000;
	[sflag:s20] =	ssyncadd.s32 $0xFFFFC180  }
0x7e: {  	[spmem:s1] =	stream.indirect.scatter.add.f32 [tilespmem:s19], [sflag:$0x2], $0x80, s31, s17, $0xb8;
	[tilespmem:$0x1E080] =	vst v63  }
0x7f: {  	_ =	swait.ge [sflag:s14], $0x3E80  }
0x80: {  	[sflag:s14] =	ssyncset.done $0x0  }
0x81: {  	s31 =	simm.s32 $0x13D00;
	[sflag:s14] =	ssyncadd.s32 $0xFFFFC180  }
0x82: {  	[tilespmem:s19], [sflag:$0x1] =	stream.indirect.gather [hbm4b:s4+s17], $0x80, s31, s17, $0xb8;
	[tilespmem:$0x1E080] =	vst v63  }
0x83: {  	_ =	swait.ge [sflag:s20], $0x3E80  }
0x84: {  	[sflag:s20] =	ssyncset.done $0x0  }
0x85: {  	s31 =	simm.s32 $0x15080;
	[sflag:s20] =	ssyncadd.s32 $0xFFFFC180  }
0x86: {  	[spmem:s1] =	stream.indirect.scatter.add.f32 [tilespmem:s13], [sflag:$0x2], $0x80, s31, s17, $0xb8;
	[tilespmem:$0x1E080] =	vst v63  }
0x87: {  	_ =	swait.ge [sflag:s14], $0x3E80  }
0x88: {  	[sflag:s14] =	ssyncset.done $0x0  }
0x89: {  	s31 =	simm.s32 $0x13D80;
	[sflag:s14] =	ssyncadd.s32 $0xFFFFC180  }
0x8a: {  	[tilespmem:s13], [sflag:$0x1] =	stream.indirect.gather [hbm4b:s4+s17], $0x80, s31, s17, $0xb8;
	[tilespmem:$0x1E080] =	vst v63  }
0x8b: {  	_ =	swait.ge [sflag:s20], $0x3E80  }
0x8c: {  	[sflag:s20] =	ssyncset.done $0x0  }
0x8d: {  	s31 =	simm.s32 $0x15100;
	[sflag:s20] =	ssyncadd.s32 $0xFFFFC180  }
0x8e: {  	[spmem:s1] =	stream.indirect.scatter.add.f32 [tilespmem:s19], [sflag:$0x2], $0x80, s31, s17, $0xb8;
	[tilespmem:$0x1E080] =	vst v63  }
0x8f: {  	_ =	swait.ge [sflag:s14], $0x3E80  }
0x90: {  	[sflag:s14] =	ssyncset.done $0x0  }
0x91: {  	s31 =	simm.s32 $0x13E00;
	[sflag:s14] =	ssyncadd.s32 $0xFFFFC180  }
0x92: {  	[tilespmem:s19], [sflag:$0x1] =	stream.indirect.gather [hbm4b:s4+s17], $0x80, s31, s17, $0xb8;
	[tilespmem:$0x1E080] =	vst v63  }
0x93: {  	_ =	swait.ge [sflag:s20], $0x3E80  }
0x94: {  	[sflag:s20] =	ssyncset.done $0x0  }
0x95: {  	s31 =	simm.s32 $0x15180;
	[sflag:s20] =	ssyncadd.s32 $0xFFFFC180  }
0x96: {  	[spmem:s1] =	stream.indirect.scatter.add.f32 [tilespmem:s13], [sflag:$0x2], $0x80, s31, s17, $0xb8;
	[tilespmem:$0x1E080] =	vst v63  }
0x97: {  	_ =	swait.ge [sflag:s14], $0x3E80  }
0x98: {  	[sflag:s14] =	ssyncset.done $0x0  }
0x99: {  	s31 =	simm.s32 $0x13E80;
	[sflag:s14] =	ssyncadd.s32 $0xFFFFC180  }
0x9a: {  	[tilespmem:s13], [sflag:$0x1] =	stream.indirect.gather [hbm4b:s4+s17], $0x80, s31, s17, $0xb8;
	[tilespmem:$0x1E080] =	vst v63  }
0x9b: {  	_ =	swait.ge [sflag:s20], $0x3E80  }
0x9c: {  	[sflag:s20] =	ssyncset.done $0x0  }
0x9d: {  	s31 =	simm.s32 $0x15200;
	[sflag:s20] =	ssyncadd.s32 $0xFFFFC180  }
0x9e: {  	[spmem:s1] =	stream.indirect.scatter.add.f32 [tilespmem:s19], [sflag:$0x2], $0x80, s31, s17, $0xb8;
	[tilespmem:$0x1E080] =	vst v63  }
0x9f: {  	_ =	swait.ge [sflag:s14], $0x3E80  }
0xa0: {  	[sflag:s14] =	ssyncset.done $0x0  }
0xa1: {  	s31 =	simm.s32 $0x13F00;
	[sflag:s14] =	ssyncadd.s32 $0xFFFFC180  }
0xa2: {  	[tilespmem:s19], [sflag:$0x1] =	stream.indirect.gather [hbm4b:s4+s17], $0x80, s31, s17, $0xb8;
	[tilespmem:$0x1E080] =	vst v63  }
0xa3: {  	_ =	swait.ge [sflag:s20], $0x3E80  }
0xa4: {  	[sflag:s20] =	ssyncset.done $0x0  }
0xa5: {  	s31 =	simm.s32 $0x15280;
	[sflag:s20] =	ssyncadd.s32 $0xFFFFC180  }
0xa6: {  	[spmem:s1] =	stream.indirect.scatter.add.f32 [tilespmem:s13], [sflag:$0x2], $0x80, s31, s17, $0xb8;
	[tilespmem:$0x1E080] =	vst v63  }
0xa7: {  	_ =	swait.ge [sflag:s14], $0x3E80  }
0xa8: {  	[sflag:s14] =	ssyncset.done $0x0  }
0xa9: {  	s31 =	simm.s32 $0x13F80;
	[sflag:s14] =	ssyncadd.s32 $0xFFFFC180  }
0xaa: {  	[tilespmem:s13], [sflag:$0x1] =	stream.indirect.gather [hbm4b:s4+s17], $0x80, s31, s17, $0xb8;
	[tilespmem:$0x1E080] =	vst v63  }
0xab: {  	_ =	swait.ge [sflag:s20], $0x3E80  }
0xac: {  	[sflag:s20] =	ssyncset.done $0x0  }
0xad: {  	s31 =	simm.s32 $0x15300;
	[sflag:s20] =	ssyncadd.s32 $0xFFFFC180  }
0xae: {  	[spmem:s1] =	stream.indirect.scatter.add.f32 [tilespmem:s19], [sflag:$0x2], $0x80, s31, s17, $0xb8;
	[tilespmem:$0x1E080] =	vst v63  }
0xaf: {  	_ =	swait.ge [sflag:s14], $0x3E80  }
0xb0: {  	[sflag:s14] =	ssyncset.done $0x0  }
0xb1: {  	s31 =	simm.s32 $0x14000;
	[sflag:s14] =	ssyncadd.s32 $0xFFFFC180  }
0xb2: {  	[tilespmem:s19], [sflag:$0x1] =	stream.indirect.gather [hbm4b:s4+s17], $0x80, s31, s17, $0xb8;
	[tilespmem:$0x1E080] =	vst v63  }
0xb3: {  	_ =	swait.ge [sflag:s20], $0x3E80  }
0xb4: {  	[sflag:s20] =	ssyncset.done $0x0  }
0xb5: {  	s31 =	simm.s32 $0x15380;
	[sflag:s20] =	ssyncadd.s32 $0xFFFFC180  }
0xb6: {  	[spmem:s1] =	stream.indirect.scatter.add.f32 [tilespmem:s13], [sflag:$0x2], $0x80, s31, s17, $0xb8;
	[tilespmem:$0x1E080] =	vst v63  }
0xb7: {  	_ =	swait.ge [sflag:s14], $0x3E80  }
0xb8: {  	[sflag:s14] =	ssyncset.done $0x0  }
0xb9: {  	s31 =	simm.s32 $0x14080;
	[sflag:s14] =	ssyncadd.s32 $0xFFFFC180  }
0xba: {  	[tilespmem:s13], [sflag:$0x1] =	stream.indirect.gather [hbm4b:s4+s17], $0x80, s31, s17, $0xb8;
	[tilespmem:$0x1E080] =	vst v63  }
0xbb: {  	_ =	swait.ge [sflag:s20], $0x3E80  }
0xbc: {  	[sflag:s20] =	ssyncset.done $0x0  }
0xbd: {  	s31 =	simm.s32 $0x15400;
	[sflag:s20] =	ssyncadd.s32 $0xFFFFC180  }
0xbe: {  	[spmem:s1] =	stream.indirect.scatter.add.f32 [tilespmem:s19], [sflag:$0x2], $0x80, s31, s17, $0xb8;
	[tilespmem:$0x1E080] =	vst v63  }
0xbf: {  	_ =	swait.ge [sflag:s14], $0x3E80  }
0xc0: {  	[sflag:s14] =	ssyncset.done $0x0  }
0xc1: {  	s31 =	simm.s32 $0x14100;
	[sflag:s14] =	ssyncadd.s32 $0xFFFFC180  }
0xc2: {  	[tilespmem:s19], [sflag:$0x1] =	stream.indirect.gather [hbm4b:s4+s17], $0x80, s31, s17, $0xb8;
	[tilespmem:$0x1E080] =	vst v63  }
0xc3: {  	_ =	swait.ge [sflag:s20], $0x3E80  }
0xc4: {  	[sflag:s20] =	ssyncset.done $0x0  }
0xc5: {  	s31 =	simm.s32 $0x15480;
	[sflag:s20] =	ssyncadd.s32 $0xFFFFC180  }
0xc6: {  	[spmem:s1] =	stream.indirect.scatter.add.f32 [tilespmem:s13], [sflag:$0x2], $0x80, s31, s17, $0xb8;
	[tilespmem:$0x1E080] =	vst v63  }
0xc7: {  	_ =	swait.ge [sflag:s14], $0x3E80  }
0xc8: {  	[sflag:s14] =	ssyncset.done $0x0  }
0xc9: {  	s31 =	simm.s32 $0x14180;
	[sflag:s14] =	ssyncadd.s32 $0xFFFFC180  }
0xca: {  	[tilespmem:s13], [sflag:$0x1] =	stream.indirect.gather [hbm4b:s4+s17], $0x80, s31, s17, $0xb8;
	[tilespmem:$0x1E080] =	vst v63  }
0xcb: {  	_ =	swait.ge [sflag:s20], $0x3E80  }
0xcc: {  	[sflag:s20] =	ssyncset.done $0x0  }
0xcd: {  	s31 =	simm.s32 $0x15500;
	[sflag:s20] =	ssyncadd.s32 $0xFFFFC180  }
0xce: {  	[spmem:s1] =	stream.indirect.scatter.add.f32 [tilespmem:s19], [sflag:$0x2], $0x80, s31, s17, $0xb8;
	[tilespmem:$0x1E080] =	vst v63  }
0xcf: {  	_ =	swait.ge [sflag:s14], $0x3E80  }
0xd0: {  	[sflag:s14] =	ssyncset.done $0x0  }
0xd1: {  	s31 =	simm.s32 $0x14200;
	[sflag:s14] =	ssyncadd.s32 $0xFFFFC180  }
0xd2: {  	[tilespmem:s19], [sflag:$0x1] =	stream.indirect.gather [hbm4b:s4+s17], $0x80, s31, s17, $0xb8;
	[tilespmem:$0x1E080] =	vst v63  }
0xd3: {  	_ =	swait.ge [sflag:s20], $0x3E80  }
0xd4: {  	[sflag:s20] =	ssyncset.done $0x0  }
0xd5: {  	s31 =	simm.s32 $0x15580;
	[sflag:s20] =	ssyncadd.s32 $0xFFFFC180  }
0xd6: {  	[spmem:s1] =	stream.indirect.scatter.add.f32 [tilespmem:s13], [sflag:$0x2], $0x80, s31, s17, $0xb8;
	[tilespmem:$0x1E080] =	vst v63  }
0xd7: {  	_ =	swait.ge [sflag:s14], $0x3E80  }
0xd8: {  	[sflag:s14] =	ssyncset.done $0x0  }
0xd9: {  	s31 =	simm.s32 $0x14280;
	[sflag:s14] =	ssyncadd.s32 $0xFFFFC180  }
0xda: {  	[tilespmem:s13], [sflag:$0x1] =	stream.indirect.gather [hbm4b:s4+s17], $0x80, s31, s17, $0xb8;
	[tilespmem:$0x1E080] =	vst v63  }
0xdb: {  	_ =	swait.ge [sflag:s20], $0x3E80  }
0xdc: {  	[sflag:s20] =	ssyncset.done $0x0  }
0xdd: {  	s31 =	simm.s32 $0x15600;
	[sflag:s20] =	ssyncadd.s32 $0xFFFFC180  }
0xde: {  	[spmem:s1] =	stream.indirect.scatter.add.f32 [tilespmem:s19], [sflag:$0x2], $0x80, s31, s17, $0xb8;
	[tilespmem:$0x1E080] =	vst v63  }
0xdf: {  	_ =	swait.ge [sflag:s14], $0x3E80  }
0xe0: {  	[sflag:s14] =	ssyncset.done $0x0  }
0xe1: {  	s31 =	simm.s32 $0x14300;
	[sflag:s14] =	ssyncadd.s32 $0xFFFFC180  }
0xe2: {  	[tilespmem:s19], [sflag:$0x1] =	stream.indirect.gather [hbm4b:s4+s17], $0x80, s31, s17, $0xb8;
	[tilespmem:$0x1E080] =	vst v63  }
0xe3: {  	_ =	swait.ge [sflag:s20], $0x3E80  }
0xe4: {  	[sflag:s20] =	ssyncset.done $0x0  }
0xe5: {  	s31 =	simm.s32 $0x15680;
	[sflag:s20] =	ssyncadd.s32 $0xFFFFC180  }
0xe6: {  	[spmem:s1] =	stream.indirect.scatter.add.f32 [tilespmem:s13], [sflag:$0x2], $0x80, s31, s17, $0xb8;
	[tilespmem:$0x1E080] =	vst v63  }
0xe7: {  	_ =	swait.ge [sflag:s14], $0x3E80  }
0xe8: {  	[sflag:s14] =	ssyncset.done $0x0  }
0xe9: {  	s31 =	simm.s32 $0x14380;
	[sflag:s14] =	ssyncadd.s32 $0xFFFFC180  }
0xea: {  	[tilespmem:s13], [sflag:$0x1] =	stream.indirect.gather [hbm4b:s4+s17], $0x80, s31, s17, $0xb8;
	[tilespmem:$0x1E080] =	vst v63  }
0xeb: {  	_ =	swait.ge [sflag:s20], $0x3E80  }
0xec: {  	[sflag:s20] =	ssyncset.done $0x0  }
0xed: {  	s31 =	simm.s32 $0x15700;
	[sflag:s20] =	ssyncadd.s32 $0xFFFFC180  }
0xee: {  	[spmem:s1] =	stream.indirect.scatter.add.f32 [tilespmem:s19], [sflag:$0x2], $0x80, s31, s17, $0xb8;
	[tilespmem:$0x1E080] =	vst v63  }
0xef: {  	_ =	swait.ge [sflag:s14], $0x3E80  }
0xf0: {  	[sflag:s14] =	ssyncset.done $0x0  }
0xf1: {  	s31 =	simm.s32 $0x14400;
	[sflag:s14] =	ssyncadd.s32 $0xFFFFC180  }
0xf2: {  	[tilespmem:s19], [sflag:$0x1] =	stream.indirect.gather [hbm4b:s4+s17], $0x80, s31, s17, $0xb8;
	[tilespmem:$0x1E080] =	vst v63  }
0xf3: {  	_ =	swait.ge [sflag:s20], $0x3E80  }
0xf4: {  	[sflag:s20] =	ssyncset.done $0x0  }
0xf5: {  	[sflag:s20] =	ssyncadd.s32 $0xFFFFC180  }
0xf6: {  	[spmem:s1] =	stream.indirect.scatter.add.f32 [tilespmem:s13], [sflag:$0x2], $0x80, s11, s17, $0xb8;
	[tilespmem:$0x1E080] =	vst v63  }
0xf7: {  	_ =	swait.ge [sflag:s14], $0x3E80  }
0xf8: {  	[sflag:s14] =	ssyncset.done $0x0  }
0xf9: {  	[sflag:s14] =	ssyncadd.s32 $0xFFFFC180  }
0xfa: {  	[tilespmem:s13], [sflag:$0x1] =	stream.indirect.gather [hbm4b:s4+s17], $0x80, s12, s17, $0xb8;
	[tilespmem:$0x1E080] =	vst v63  }
0xfb: {  	_ =	swait.ge [sflag:s20], $0x3E80  }
0xfc: {  	[sflag:s20] =	ssyncset.done $0x0  }
0xfd: {  	[sflag:s20] =	ssyncadd.s32 $0xFFFFC180  }
0xfe: {  	[spmem:s1] =	stream.indirect.scatter.add.f32 [tilespmem:s19], [sflag:$0x2], $0x80, s8, s17, $0xb8;
	[tilespmem:$0x1E080] =	vst v63  }
0xff: {  	_ =	swait.ge [sflag:s14], $0x3E80  }
0x100: {  	[sflag:s14] =	ssyncset.done $0x0  }
0x101: {  	[sflag:s14] =	ssyncadd.s32 $0xFFFFC180  }
0x102: {  	[tilespmem:s19], [sflag:$0x1] =	stream.indirect.gather [hbm4b:s4+s17], $0x80, s18, s17, $0xb8;
	[tilespmem:$0x1E080] =	vst v63  }
0x103: {  	_ =	swait.ge [sflag:s20], $0x3E80  }
0x104: {  	[sflag:s20] =	ssyncset.done $0x0  }
0x105: {  	[sflag:s20] =	ssyncadd.s32 $0xFFFFC180  }
0x106: {  	[spmem:s1] =	stream.indirect.scatter.add.f32 [tilespmem:s13], [sflag:$0x2], $0x80, s21, s17, $0xb8;
	[tilespmem:$0x1E080] =	vst v63  }
0x107: {  	_ =	swait.ge [sflag:s14], $0x3E80  }
0x108: {  	[sflag:s14] =	ssyncset.done $0x0  }
0x109: {  	[sflag:s14] =	ssyncadd.s32 $0xFFFFC180  }
0x10a: {  	[tilespmem:s13], [sflag:$0x1] =	stream.indirect.gather [hbm4b:s4+s17], $0x80, s22, s17, $0xb8;
	[tilespmem:$0x1E080] =	vst v63  }
0x10b: {  	_ =	swait.ge [sflag:s20], $0x3E80  }
0x10c: {  	[sflag:s20] =	ssyncset.done $0x0  }
0x10d: {  	[sflag:s20] =	ssyncadd.s32 $0xFFFFC180  }
0x10e: {  	[spmem:s1] =	stream.indirect.scatter.add.f32 [tilespmem:s19], [sflag:$0x2], $0x80, s23, s17, $0xb8;
	[tilespmem:$0x1E080] =	vst v63  }
0x10f: {  	_ =	swait.ge [sflag:s14], $0x3E80  }
0x110: {  	[sflag:s14] =	ssyncset.done $0x0  }
0x111: {  	[sflag:s14] =	ssyncadd.s32 $0xFFFFC180  }
0x112: {  	[tilespmem:s19], [sflag:$0x1] =	stream.indirect.gather [hbm4b:s4+s17], $0x80, s24, s17, $0xb8;
	[tilespmem:$0x1E080] =	vst v63  }
0x113: {  	_ =	swait.ge [sflag:s20], $0x3E80  }
0x114: {  	[sflag:s20] =	ssyncset.done $0x0  }
0x115: {  	[sflag:s20] =	ssyncadd.s32 $0xFFFFC180  }
0x116: {  	[spmem:s1] =	stream.indirect.scatter.add.f32 [tilespmem:s13], [sflag:$0x2], $0x80, s25, s17, $0xb8;
	[tilespmem:$0x1E080] =	vst v63  }
0x117: {  	_ =	swait.ge [sflag:s14], $0x3E80  }
0x118: {  	[sflag:s14] =	ssyncset.done $0x0  }
0x119: {  	[sflag:s14] =	ssyncadd.s32 $0xFFFFC180  }
0x11a: {  	[tilespmem:s13], [sflag:$0x1] =	stream.indirect.gather [hbm4b:s4+s17], $0x80, s26, s17, $0xb8;
	[tilespmem:$0x1E080] =	vst v63  }
0x11b: {  	_ =	swait.ge [sflag:s20], $0x3E80  }
0x11c: {  	[sflag:s20] =	ssyncset.done $0x0  }
0x11d: {  	[sflag:s20] =	ssyncadd.s32 $0xFFFFC180  }
0x11e: {  	[spmem:s1] =	stream.indirect.scatter.add.f32 [tilespmem:s19], [sflag:$0x2], $0x80, s28, s17, $0xb8;
	[tilespmem:$0x1E080] =	vst v63  }
0x11f: {  	_ =	swait.ge [sflag:s14], $0x3E80  }
0x120: {  	[sflag:s14] =	ssyncset.done $0x0  }
0x121: {  	[sflag:s14] =	ssyncadd.s32 $0xFFFFC180  }
0x122: {  	[tilespmem:s19], [sflag:$0x1] =	stream.indirect.gather [hbm4b:s4+s17], $0x80, s29, s17, $0xb8;
	[tilespmem:$0x1E080] =	vst v63  }
0x123: {  	_ =	swait.ge [sflag:s20], $0x3E80  }
0x124: {  	[sflag:s20] =	ssyncset.done $0x0  }
0x125: {  	[sflag:s20] =	ssyncadd.s32 $0xFFFFC180  }
0x126: {  	[spmem:s1] =	stream.indirect.scatter.add.f32 [tilespmem:s13], [sflag:$0x2], $0x80, s30, s17, $0xb8;
	[tilespmem:$0x1E080] =	vst v63  }
0x127: {  	_ =	swait.ge [sflag:s14], $0x3E80  }
0x128: {  	[sflag:s14] =	ssyncset.done $0x0  }
0x129: {  	[sflag:s14] =	ssyncadd.s32 $0xFFFFC180  }
0x12a: {  	[tilespmem:s13], [sflag:$0x1] =	stream.indirect.gather [hbm4b:s4+s17], $0x80, s10, s17, $0xb8;
	[tilespmem:$0x1E080] =	vst v63  }
0x12b: {  	_ =	swait.ge [sflag:s20], $0x3E80  }
0x12c: {  	[sflag:s20] =	ssyncset.done $0x0  }
0x12d: {  	s31 =	simm.s32 $0x15B00;
	[sflag:s20] =	ssyncadd.s32 $0xFFFFC180  }
0x12e: {  	[spmem:s1] =	stream.indirect.scatter.add.f32 [tilespmem:s19], [sflag:$0x2], $0x80, s31, s17, $0xb8;
	[tilespmem:$0x1E080] =	vst v63  }
0x12f: {  	_ =	swait.ge [sflag:s14], $0x3E80  }
0x130: {  	[sflag:s14] =	ssyncset.done $0x0  }
0x131: {  	s31 =	simm.s32 $0x14800;
	[sflag:s14] =	ssyncadd.s32 $0xFFFFC180  }
0x132: {  	[tilespmem:s19], [sflag:$0x1] =	stream.indirect.gather [hbm4b:s4+s17], $0x80, s31, s17, $0xb8;
	[tilespmem:$0x1E080] =	vst v63  }
0x133: {  	_ =	swait.ge [sflag:s20], $0x3E80  }
0x134: {  	[sflag:s20] =	ssyncset.done $0x0  }
0x135: {  	s31 =	simm.s32 $0x15B80;
	[sflag:s20] =	ssyncadd.s32 $0xFFFFC180  }
0x136: {  	[spmem:s1] =	stream.indirect.scatter.add.f32 [tilespmem:s13], [sflag:$0x2], $0x80, s31, s17, $0xb8;
	[tilespmem:$0x1E080] =	vst v63  }
0x137: {  	_ =	swait.ge [sflag:s14], $0x3E80  }
0x138: {  	[sflag:s14] =	ssyncset.done $0x0  }
0x139: {  	s31 =	simm.s32 $0x14880;
	[sflag:s14] =	ssyncadd.s32 $0xFFFFC180  }
0x13a: {  	[tilespmem:s13], [sflag:$0x1] =	stream.indirect.gather [hbm4b:s4+s17], $0x80, s31, s17, $0xb8;
	[tilespmem:$0x1E080] =	vst v63  }
0x13b: {  	_ =	swait.ge [sflag:s20], $0x3E80  }
0x13c: {  	[sflag:s20] =	ssyncset.done $0x0  }
0x13d: {  	s31 =	simm.s32 $0x15C00;
	[sflag:s20] =	ssyncadd.s32 $0xFFFFC180  }
0x13e: {  	[spmem:s1] =	stream.indirect.scatter.add.f32 [tilespmem:s19], [sflag:$0x2], $0x80, s31, s17, $0xb8;
	[tilespmem:$0x1E080] =	vst v63  }
0x13f: {  	_ =	swait.ge [sflag:s14], $0x3E80  }
0x140: {  	[sflag:s14] =	ssyncset.done $0x0  }
0x141: {  	s31 =	simm.s32 $0x14900;
	[sflag:s14] =	ssyncadd.s32 $0xFFFFC180  }
0x142: {  	[tilespmem:s19], [sflag:$0x1] =	stream.indirect.gather [hbm4b:s4+s17], $0x80, s31, s17, $0xb8;
	[tilespmem:$0x1E080] =	vst v63  }
0x143: {  	_ =	swait.ge [sflag:s20], $0x3E80  }
0x144: {  	[sflag:s20] =	ssyncset.done $0x0  }
0x145: {  	s31 =	simm.s32 $0x15C80;
	[sflag:s20] =	ssyncadd.s32 $0xFFFFC180  }
0x146: {  	[spmem:s1] =	stream.indirect.scatter.add.f32 [tilespmem:s13], [sflag:$0x2], $0x80, s31, s17, $0xb8;
	[tilespmem:$0x1E080] =	vst v63  }
0x147: {  	_ =	swait.ge [sflag:s14], $0x3E80  }
0x148: {  	[sflag:s14] =	ssyncset.done $0x0  }
0x149: {  	s31 =	simm.s32 $0x14980;
	[sflag:s14] =	ssyncadd.s32 $0xFFFFC180  }
0x14a: {  	[tilespmem:s13], [sflag:$0x1] =	stream.indirect.gather [hbm4b:s4+s17], $0x80, s31, s17, $0xb8;
	[tilespmem:$0x1E080] =	vst v63  }
0x14b: {  	_ =	swait.ge [sflag:s20], $0x3E80  }
0x14c: {  	[sflag:s20] =	ssyncset.done $0x0  }
0x14d: {  	s31 =	simm.s32 $0x15D00;
	[sflag:s20] =	ssyncadd.s32 $0xFFFFC180  }
0x14e: {  	[spmem:s1] =	stream.indirect.scatter.add.f32 [tilespmem:s19], [sflag:$0x2], $0x80, s31, s17, $0xb8;
	[tilespmem:$0x1E080] =	vst v63  }
0x14f: {  	_ =	swait.ge [sflag:s14], $0x3E80  }
0x150: {  	[sflag:s14] =	ssyncset.done $0x0  }
0x151: {  	s31 =	simm.s32 $0x14A00;
	[sflag:s14] =	ssyncadd.s32 $0xFFFFC180  }
0x152: {  	[tilespmem:s19], [sflag:$0x1] =	stream.indirect.gather [hbm4b:s4+s17], $0x80, s31, s17, $0xb8;
	[tilespmem:$0x1E080] =	vst v63  }
0x153: {  	_ =	swait.ge [sflag:s20], $0x3E80  }
0x154: {  	[sflag:s20] =	ssyncset.done $0x0  }
0x155: {  	s31 =	simm.s32 $0x15D80;
	[sflag:s20] =	ssyncadd.s32 $0xFFFFC180  }
0x156: {  	[spmem:s1] =	stream.indirect.scatter.add.f32 [tilespmem:s13], [sflag:$0x2], $0x80, s31, s17, $0xb8;
	[tilespmem:$0x1E080] =	vst v63  }
0x157: {  	_ =	swait.ge [sflag:s14], $0x3E80  }
0x158: {  	[sflag:s14] =	ssyncset.done $0x0  }
0x159: {  	s31 =	simm.s32 $0x14A80;
	[sflag:s14] =	ssyncadd.s32 $0xFFFFC180  }
0x15a: {  	[tilespmem:s13], [sflag:$0x1] =	stream.indirect.gather [hbm4b:s4+s17], $0x80, s31, s17, $0xb8;
	[tilespmem:$0x1E080] =	vst v63  }
0x15b: {  	_ =	swait.ge [sflag:s20], $0x3E80  }
0x15c: {  	[sflag:s20] =	ssyncset.done $0x0  }
0x15d: {  	s31 =	simm.s32 $0x15E00;
	[sflag:s20] =	ssyncadd.s32 $0xFFFFC180  }
0x15e: {  	[spmem:s1] =	stream.indirect.scatter.add.f32 [tilespmem:s19], [sflag:$0x2], $0x80, s31, s17, $0xb8;
	[tilespmem:$0x1E080] =	vst v63  }
0x15f: {  	_ =	swait.ge [sflag:s14], $0x3E80  }
0x160: {  	[sflag:s14] =	ssyncset.done $0x0  }
0x161: {  	s31 =	simm.s32 $0x14B00;
	[sflag:s14] =	ssyncadd.s32 $0xFFFFC180  }
0x162: {  	[tilespmem:s19], [sflag:$0x1] =	stream.indirect.gather [hbm4b:s4+s17], $0x80, s31, s17, $0xb8;
	[tilespmem:$0x1E080] =	vst v63  }
0x163: {  	_ =	swait.ge [sflag:s20], $0x3E80  }
0x164: {  	[sflag:s20] =	ssyncset.done $0x0  }
0x165: {  	s31 =	simm.s32 $0x15E80;
	[sflag:s20] =	ssyncadd.s32 $0xFFFFC180  }
0x166: {  	[spmem:s1] =	stream.indirect.scatter.add.f32 [tilespmem:s13], [sflag:$0x2], $0x80, s31, s17, $0xb8;
	[tilespmem:$0x1E080] =	vst v63  }
0x167: {  	_ =	swait.ge [sflag:s14], $0x3E80  }
0x168: {  	[sflag:s14] =	ssyncset.done $0x0  }
0x169: {  	s31 =	simm.s32 $0x14B80;
	[sflag:s14] =	ssyncadd.s32 $0xFFFFC180  }
0x16a: {  	[tilespmem:s13], [sflag:$0x1] =	stream.indirect.gather [hbm4b:s4+s17], $0x80, s31, s17, $0xb8;
	[tilespmem:$0x1E080] =	vst v63  }
0x16b: {  	_ =	swait.ge [sflag:s20], $0x3E80  }
0x16c: {  	[sflag:s20] =	ssyncset.done $0x0  }
0x16d: {  	s31 =	simm.s32 $0x15F00;
	[sflag:s20] =	ssyncadd.s32 $0xFFFFC180  }
0x16e: {  	[spmem:s1] =	stream.indirect.scatter.add.f32 [tilespmem:s19], [sflag:$0x2], $0x80, s31, s17, $0xb8;
	[tilespmem:$0x1E080] =	vst v63  }
0x16f: {  	_ =	swait.ge [sflag:s14], $0x3E80  }
0x170: {  	[sflag:s14] =	ssyncset.done $0x0  }
0x171: {  	s31 =	simm.s32 $0x14C00;
	[sflag:s14] =	ssyncadd.s32 $0xFFFFC180  }
0x172: {  	[tilespmem:s19], [sflag:$0x1] =	stream.indirect.gather [hbm4b:s4+s17], $0x80, s31, s17, $0xb8;
	[tilespmem:$0x1E080] =	vst v63  }
0x173: {  	_ =	swait.ge [sflag:s20], $0x3E80  }
0x174: {  	[sflag:s20] =	ssyncset.done $0x0  }
0x175: {  	s31 =	simm.s32 $0x15F80;
	[sflag:s20] =	ssyncadd.s32 $0xFFFFC180  }
0x176: {  	[spmem:s1] =	stream.indirect.scatter.add.f32 [tilespmem:s13], [sflag:$0x2], $0x80, s31, s17, $0xb8;
	[tilespmem:$0x1E080] =	vst v63  }
0x177: {  	_ =	swait.ge [sflag:s14], $0x3E80  }
0x178: {  	[sflag:s14] =	ssyncset.done $0x0  }
0x179: {  	[sflag:s14] =	ssyncadd.s32 $0xFFFFC180  }
0x17a: {  	_ =	swait.ge [sflag:s20], $0x3E80  }
0x17b: {  	p2 =	por p1, p1;
	[sflag:s20] =	ssyncset.done $0x0  }
.Ltmp2:
0x17c: {  	s31 =	simm.s32 $0x16000;
	[sflag:s20] =	ssyncadd.s32 $0xFFFFC180;
	(pc) =	sbr.rel @p2 .LBB2_6-.Ltmp2, $4  }
0x17d: {  	[spmem:s1] =	stream.indirect.scatter.add.f32 [tilespmem:s19], [sflag:$0x2], $0x80, s31, s17, $0xb8;
	[tilespmem:$0x1E080] =	vst v63  }
0x17e: {  	_ =	swait.ge [sflag:s14], $0x3E80  }
0x17f: {  	[sflag:s14] =	ssyncset.done $0x0  }
0x180: {  	p1 =	por $0x0, $0x0;
	s0 =	simm.s32 $0x28;
	[sflag:s14] =	ssyncadd.s32 $0xFFFFC180  }
0x181: {  	s0 =	stileid.u32  }
0x182: {  	[bflag:$0x0] =	sbarrier.arrive $0xFFFF;
	s0 =	sshll.u32 s0, $0x6  }
0x183: {  	s31 =	sshrl.u32 s7, $0x3;
	s3 =	rddreg [dreg:$0x4];
	s0 =	sor.u32 $0x1C02, s0  }
0x184: {  	[hbm:s3], [sflag:s0] =	dma.local [spmem:s31], $0x2700  }
0x185: {  	_ =	swait.ge [sflag:s14], $0x2700  }
0x186: {  	[sflag:s14] =	ssyncset.done $0x0;
	s31 =	rddreg [dreg:$0x3]  }
0x187: {  	s3 =	rddreg [dreg:$0x5];
	[sflag:s14] =	ssyncadd.s32 $0xFFFFD900;
	s31 =	sshrl.u32 @!p0 s31, $0x3  }
0x188: {  	[hbm:s3], [sflag:s0] =	dma.local @!p0 [spmem:s31], $0x100  }
0x189: {  	s0 =	simm.s32 @!p0 $0x2  }
0x18a: {  	_ =	swait.ge @!p0 [sflag:s0], $0x100  }
0x18b: {  	s8 =	rddreg [dreg:$0x7]  }
0x18c: {  	s31 =	rddreg [dreg:$0x6];
	s8 =	sadd.s32 $0x1, s8  }
0x18d: {  	p1 =	sne.s32 s8, s31  }
.Ltmp3:
0x18e: {  	_ = 	snop;
	(pc) =	sbr.rel @p1 .LBB2_1-.Ltmp3, $3  }
0x18f: {  	_ =	sdelay $0x1  }
0x190: {  	[sflag:s0] =	ssyncset.done @!p0 $0x0  }
0x191: {  	s3 =	simm.s32 $0x13900;
	[sflag:s0] =	ssyncadd.s32 @!p0 $0xFFFFFF00  }
0x192: {  	_ =	sfence.sel $0x180000  }
0x193: {  	[bflag:$0x0] =	sbarrier.arrive $0xFFFF  }
0x194: {  	_ =	strace $0x9000004D  }
0x195: {  	s0 =	stileid.u32;
	[bflag:$0x2] =	sbarrier.arrive $0xFFFF  }
0x196: {  	p0 =	sne.s32 s0, $0x0;
	s0 =	rddreg [dreg:$0x2]  }
0x197: {  	s0 =	sadd.s32 @!p0 $0x100000, s0  }
0x198: {  	[sflag:s0] =	ssyncadd.tile.s32 @!p0 $0x1;
	_ =	shalt  }
.Lfunc_end2:
_tile_overlayer_lowered:
.L_overlay_start_2:
0x199: {  	(tag) =	ssettag $0x2  }
0x19a: {  	s0 =	rddreg [dreg:$0x0];
	s2 =	stileid.u32  }
0x19b: {  	s1 =	rddreg [dreg:$0x1];
	p0 =	sne.s32 s2, $0x0  }
0x19c: {  	s3 =	rddreg [dreg:$0x2];
	[bflag:$0x3] =	sbarrier.arrive $0xFFFF;
	s2 =	simm.s32 @!p0 $0x1C02  }
0x19d: {  	[timem:s3], [sflag:s2] =	dma.local @!p0 [hbm:s0], s1  }
0x19e: {  	s0 =	simm.s32 @!p0 $0x2  }
0x19f: {  	_ =	swait.ge @!p0 [sflag:s0], s1  }
0x1a0: {  	s1 =	ssub.s32 @!p0 $0x0, s1;
	[sflag:s0] =	ssyncset.done @!p0 $0x0  }
0x1a1: {  	[sflag:s0] =	ssyncadd.s32 @!p0 s1  }
0x1a2: {  	[bflag:$0x3] =	sbarrier.arrive $0xFFFF  }
0x1a3: {  	_ =	shalt  }

// kernel: kernel.8.cloned.1.call-start
scs
__scs_entry_jumppad:
0x0: {  	(pc) =	sbr.rel $0x88, $3  }
0x1: {  	(tag) =	ssettag $0x0;
	lr =	simm.s32 $0x1  }
0x2: {  	[smem:$0x3F87] =	sst lr;
	_ =	strace $0xD0000000  }
0x3: {  	_ = 	snop  }
0x4: {  	_ = 	snop  }
0x5: {  	_ = 	snop  }
0x6: {  	_ = 	snop  }
0x7: {  	_ = 	snop  }
__scs_overlays_trampoline_lowered:
0x8: {  	[smem:$0x3F96] =	sst s0  }
0x9: {  	[smem:$0x3F97] =	sst s1  }
0xa: {  	[smem:$0x3F98] =	sst s2  }
0xb: {  	[smem:$0x3F99] =	sst s3  }
0xc: {  	[smem:$0x3F9A] =	sst s4  }
0xd: {  	[smem:$0x3F9B] =	sst s5  }
0xe: {  	[smem:$0x3F9C] =	sst s6  }
0xf: {  	[smem:$0x3F9D] =	sst s7  }
0x10: {  	[smem:$0x3F9E] =	sst s8  }
0x11: {  	[smem:$0x3F9F] =	sst s9;
	s0 =	simm.s32 @!p0 $0x0  }
0x12: {  	s1 =	sld [smem:$0x3F85];
	s0 =	simm.s32 @p0 $0x1  }
0x13: {  	[smem:$0x3FA0] =	sst s0;
	s0 =	simm.s32 @!p1 $0x0  }
0x14: {  	s2 =	sld [smem:$0x3F84];
	s0 =	simm.s32 @p1 $0x1  }
0x15: {  	[smem:$0x3FA1] =	sst s0;
	s0 =	simm.s32 @!p2 $0x0  }
0x16: {  	s3 =	sld [smem:$0x3FDB];
	s0 =	simm.s32 @p2 $0x1  }
0x17: {  	s4 =	simm.s32 $0x1BF5;
	[smem:$0x3FA3] =	sst s0  }
0x18: {  	s0 =	sld [smem:$0x3F86];
	_ =	swait.ge [sflag:s4], $0x0  }
0x19: {  	s7 =	sld [smem:$0x3F87]  }
0x1a: {  	s8 =	sadd.s32 $0xFFFFE003, lr  }
0x1b: {  	s9 =	sadd.s32 $0xFFFFFEF7, lr;
	s5 =	simm.s32 $0xFFFFFFFF;
	p2 =	slt.u32 s8, $0xFFFFF086  }
0x1c: {  	p1 =	slt.u32 s9, $0xF7A;
	s5 =	simm.s32 @!p2 $0x0  }
0x1d: {  	s5 =	simm.s32 @p1 $0x1;
	p0 =	seq.s32 s7, s2  }
0x1e: {  	s7 =	smul.u32 @!p0 $0xF7A, s2;
	p2 =	seq.s32 @!p0 s5, $0x0  }
0x1f: {  	s9 =	smul.u32 $0xF7A, s1;
	s8 =	simm.s32 @!p0 $0x1BF5;
	p2 =	por !p2, p0  }
0x20: {  	[sflag:s8] =	ssyncset.s32 @!p0 $0xFFFFF086;
	s6 =	sadd.s32 @!p0 s3, s7;
	s7 =	simm.s32 @!p0 $0x108  }
0x21: {  	s3 =	sadd.s32 s3, s9;
	s6 =	sadd.s32 @!p0 $0x88, s6;
	s7 =	simm.s32 @p2 $0x1082  }
0x22: {  	[simem:s7], [sflag:s8] =	dma.local @!p0 [hbm:s6], $0xF7A  }
0x23: {  	s9 =	sor.u32 $0xD0000000, s2;
	s6 =	simm.s32 $0x108;
	_ =	swait.ge @!p0 [sflag:s8], $0x0  }
0x24: {  	s3 =	sadd.s32 $0x88, s3;
	s6 =	simm.s32 @!p1 $0x1082;
	[sflag:s4] =	ssyncset.s32 $0xFFFFF086  }
0x25: {  	[simem:s6], [sflag:s4] =	dma.local [hbm:s3], $0xF7A  }
0x26: {  	[smem:$0x3F87] =	sst s1;
	(tag) =	ssettag s2;
	_ =	strace s9  }
0x27: {  	s1 =	sld [smem:$0x3F97]  }
0x28: {  	s2 =	sld [smem:$0x3F98]  }
0x29: {  	s4 =	sld [smem:$0x3F9A]  }
0x2a: {  	p0 =	seq.s32 s5, $0x0;
	s5 =	sld [smem:$0x3F9B]  }
0x2b: {  	s6 =	sld [smem:$0x3F9C]  }
0x2c: {  	s7 =	sld [smem:$0x3F9D]  }
0x2d: {  	s3 =	simm.s32 $0x108;
	s8 =	sld [smem:$0x3F9E]  }
0x2e: {  	s3 =	simm.s32 @!p0 $0x1082;
	s9 =	sld [smem:$0x3F9F]  }
0x2f: {  	lr =	sadd.s32 s0, s3;
	s0 =	sld [smem:$0x3F96]  }
0x30: {  	s3 =	sld [smem:$0x3F99]  }
0x31: {  	[smem:$0x3FA2] =	sst s10  }
0x32: {  	s10 =	sld [smem:$0x3FA0];
	_ =	sdelay $0x3  }
0x33: {  	p0 =	seq.s32 s10, $0x1;
	s10 =	sld [smem:$0x3FA2];
	_ =	sdelay $0x3  }
0x34: {  	[smem:$0x3FA2] =	sst s10  }
0x35: {  	s10 =	sld [smem:$0x3FA1];
	_ =	sdelay $0x3  }
0x36: {  	p1 =	seq.s32 s10, $0x1;
	s10 =	sld [smem:$0x3FA2];
	_ =	sdelay $0x3  }
0x37: {  	[smem:$0x3FA2] =	sst s10  }
0x38: {  	s10 =	sld [smem:$0x3FA3]  }
0x39: {  	_ = 	snop;
	(pc) =	sbr.ind lr, $3  }
0x3a: {  	_ = 	snop  }
0x3b: {  	_ = 	snop  }
0x3c: {  	p2 =	seq.s32 s10, $0x1;
	s10 =	sld [smem:$0x3FA2]  }
0x3d: {  	_ =	shalt  }
0x3e: {  	_ =	shalt  }
0x3f: {  	_ =	shalt  }
0x40: {  	_ =	shalt  }
0x41: {  	_ =	shalt  }
0x42: {  	_ =	shalt  }
0x43: {  	_ =	shalt  }
0x44: {  	_ =	shalt  }
0x45: {  	_ =	shalt  }
0x46: {  	_ =	shalt  }
0x47: {  	_ =	shalt  }
0x48: {  	_ =	shalt  }
0x49: {  	_ =	shalt  }
0x4a: {  	_ =	shalt  }
0x4b: {  	_ =	shalt  }
0x4c: {  	_ =	shalt  }
0x4d: {  	_ =	shalt  }
0x4e: {  	_ =	shalt  }
0x4f: {  	_ =	shalt  }
0x50: {  	_ =	shalt  }
0x51: {  	_ =	shalt  }
0x52: {  	_ =	shalt  }
0x53: {  	_ =	shalt  }
0x54: {  	_ =	shalt  }
0x55: {  	_ =	shalt  }
0x56: {  	_ =	shalt  }
0x57: {  	_ =	shalt  }
0x58: {  	_ =	shalt  }
0x59: {  	_ =	shalt  }
0x5a: {  	_ =	shalt  }
0x5b: {  	_ =	shalt  }
0x5c: {  	_ =	shalt  }
0x5d: {  	_ =	shalt  }
0x5e: {  	_ =	shalt  }
0x5f: {  	_ =	shalt  }
0x60: {  	_ =	shalt  }
0x61: {  	_ =	shalt  }
0x62: {  	_ =	shalt  }
0x63: {  	_ =	shalt  }
0x64: {  	_ =	shalt  }
0x65: {  	_ =	shalt  }
0x66: {  	_ =	shalt  }
0x67: {  	_ =	shalt  }
0x68: {  	_ =	shalt  }
0x69: {  	_ =	shalt  }
0x6a: {  	_ =	shalt  }
0x6b: {  	_ =	shalt  }
0x6c: {  	_ =	shalt  }
0x6d: {  	_ =	shalt  }
0x6e: {  	_ =	shalt  }
0x6f: {  	_ =	shalt  }
0x70: {  	_ =	shalt  }
0x71: {  	_ =	shalt  }
0x72: {  	_ =	shalt  }
0x73: {  	_ =	shalt  }
0x74: {  	_ =	shalt  }
0x75: {  	_ =	shalt  }
0x76: {  	_ =	shalt  }
0x77: {  	_ =	shalt  }
0x78: {  	_ =	shalt  }
0x79: {  	_ =	shalt  }
0x7a: {  	_ =	shalt  }
0x7b: {  	_ =	shalt  }
0x7c: {  	_ =	shalt  }
0x7d: {  	_ =	shalt  }
0x7e: {  	_ =	shalt  }
0x7f: {  	_ =	shalt  }
0x80: {  	_ =	shalt  }
0x81: {  	_ =	shalt  }
0x82: {  	_ =	shalt  }
0x83: {  	_ =	shalt  }
0x84: {  	_ =	shalt  }
0x85: {  	_ =	shalt  }
0x86: {  	_ =	shalt  }
0x87: {  	_ =	shalt  }
.Lfunc_end0:
.L_simem_size_0:
called_computation_lowered:
.L_overlay_start_0:
0x88: {  	s2 =	sld [smem:$0x3FD9]  }
0x89: {  	s3 =	sld [smem:$0x3FFE];
	_ =	sdelay $0x1  }
0x8a: {  	s1 =	srdreg.scid  }
0x8b: {  	s0 =	sand.u32 $0x1, s1  }
0x8c: {  	s16 =	sshll.u32 s0, $0xA;
	s2 =	sadd.s32 s3, s2  }
0x8d: {  	s2 =	sadd.s32 s2, s16  }
0x8e: {  	[smem:$0x3FAE] =	sst s2  }
0x8f: {  	_ = 	snop  }
0x90: {  	(tm) =	ssettm $0x1  }
0x91: {  	s17 =	sld [smem:$0x3FFB];
	_ =	sdelay $0x3  }
0x92: {  	_ =	strace s17  }
0x93: {  	s2 =	sld [smem:$0x3FFC];
	_ =	sdelay $0x3  }
0x94: {  	_ =	strace s2  }
0x95: {  	s2 =	sld [smem:$0x3FFD];
	_ =	sdelay $0x3  }
0x96: {  	_ =	strace s2  }
0x97: {  	_ =	strace $0x8FFFFFFF  }
0x98: {  	s18 =	sld [smem:$0x3FDB];
	_ =	sdelay $0x1  }
0x99: {  	s19 =	simm.s32 $_scs_section_size  }
0x9a: {  	s4 =	simm.s32 $_size__tile_overlayer_lowered;
	s5 =	simm.s32 $_tile_overlayer_lowered  }
0x9b: {  	s22 =	simm.s32 $0x1BFF;
	s21 =	sshll.u32 s5, $0x1;
	s2 =	sadd.s32 s19, s18  }
0x9c: {  	s6 =	simm.s32 $0x0;
	s20 =	sshll.u32 s4, $0x1;
	s4 =	sadd.s32 s21, s2  }
0x9d: {  	[timem:s6], [sflag:s22] =	dma.local [hbm:s4], s20  }
0x9e: {  	_ =	swait.ge [sflag:s22], s20  }
0x9f: {  	s3 =	ssub.s32 $0x0, s20;
	[sflag:s22] =	ssyncset.done $0x0  }
0xa0: {  	[sflag:s22] =	ssyncadd.s32 s3;
	_ =	sdelay $0x1  }
0xa1: {  	s23 =	simm.s32 $0x1B8B  }
0xa2: {  	_ =	swait.ge [sflag:s23], $0x1  }
0xa3: {  	[sflag:s23] =	ssyncset.done $0x0  }
0xa4: {  	s25 =	simm.s32 $0x1B8E;
	s24 =	sld [smem:$0x3FFE];
	[sflag:s23] =	ssyncadd.s32 $0xFFFFFFFF  }
0xa5: {  	s26 =	simm.s32 $execute0_lowered;
	[smem:$0x3FD2] =	sst s25  }
0xa6: {  	s4 =	sshll.u32 s26, $0x1;
	_ =	strace $0x80000046;
	[dreg:$0x1] =	wrdreg $0xFFFFFFFF  }
0xa7: {  	s28 =	simm.s32 $_size_execute0_lowered;
	s2 =	sadd.s32 s2, s4;
	[dreg:$0x0] =	wrdreg $0x0  }
0xa8: {  	s4 =	sshll.u32 s28, $0x1;
	[dreg:$0x2] =	wrdreg s2  }
0xa9: {  	[dreg:$0x3] =	wrdreg s4  }
0xaa: {  	[dreg:$0x4] =	wrdreg $0xC0  }
0xab: {  	_ =	task [dreg:s6], $0x5FFFF  }
0xac: {  	[dreg:$0x1] =	wrdreg $0xFFFFFFFF  }
0xad: {  	[dreg:$0x0] =	wrdreg $0x60  }
0xae: {  	[dreg:$0x2] =	wrdreg s24  }
0xaf: {  	[dreg:$0x3] =	wrdreg $0x9  }
0xb0: {  	_ =	task.clear_ibuf [dreg:s6], $0x4FFFF;
	_ =	strace $0x90000046  }
0xb1: {  	s29 =	simm.s32 $0x9;
	_ =	strace $0x80000048  }
0xb2: {  	_ =	swait.ge [sflag:s29], $0x1  }
0xb3: {  	[sflag:s29] =	ssyncadd.s32 $0xFFFFFFFF  }
0xb4: {  	_ =	strace $0x90000048  }
0xb5: {  	_ =	sfence  }
0xb6: {  	s30 =	sld [smem:$0x0];
	_ =	sdelay $0x2  }
0xb7: {  	s31 =	sshll.u32 s1, $0xD;
	s1 =	sshrl.u32 s1, $0x2  }
0xb8: {  	s3 =	sand.u32 $0x4000, s31;
	s1 =	sadd.s32 s1, s30  }
0xb9: {  	s0 =	sor.u32 s3, s0;
	s1 =	sshll.u32 s1, $0x11  }
0xba: {  	s0 =	sor.u32 s1, s0  }
0xbb: {  	s0 =	sadd.s32 $0x8F2B, s0  }
0xbc: {  	[sflag:s0] =	ssyncadd.remote.s32 $0x1  }
0xbd: {  	_ =	sfence.sel $0xFFFF  }
0xbe: {  	[dreg:$0x0] =	wrdreg $0xFFFFFFFF;
	(pc) =	sbr.abs _section_cstart, $3  }
0xbf: {  	[dreg:$0x1] =	wrdreg $0xFFFFFFFF  }
0xc0: {  	_ =	task.clear_ibuf [dreg:s6], $0x2FFFF;
	_ =	strace $0x9FFFFFFF  }
0xc1: {  	(tm) =	ssettm $0x7FFFFFFF  }
tec
execute0_lowered:
.L_overlay_start_1:
0x0: {  	(tag) =	ssettag $0x1  }
0x1: {  	s0 =	srdreg.scid  }
0x2: {  	s5 =	rddreg [dreg:$0x0];
	s3 =	sand.u32 $0x1, s0  }
0x3: {  	s2 =	simm.s32 $0x0;
	s0 =	stileid.u32;
	s1 =	sshll.u32 s3, $0x4  }
0x4: {  	s8 =	simm.s32 $0x80;
	s9 =	simm.s32 $0x400;
	s4 =	sor.u32 s0, s1  }
0x5: {  	s10 =	simm.s32 $0x0;
	[smem:$0x7FF] =	sst s2;
	s1 =	sshrl.u32 s4, $0x3  }
0x6: {  	s7 =	sshll.u32 s0, $0x7;
	s3 =	ssub.s32 $0x2, s3;
	s6 =	smul.u32 $0x13C00, s1  }
0x7: {  	s7 =	sand.u32 $0x380, s7;
	s31 =	sshrl.u32 s3, $0x1;
	s4 =	smul.u32 $0x4E2, s4  }
0x8: {  	s1 =	rddreg [dreg:$0x1];
	_ =	strace $0x80000047;
	s6 =	sor.u32 s7, s6  }
0x9: {  	s4 =	sadd.s32 s4, s5;
	s7 =	simm.s32 $0x1;
	s6 =	sshrl.u32 s6, $0x3  }
0xa: {  	s5 =	sadd.s32 s6, s5;
	s6 =	ssub.s32 s3, s31;
	s3 =	sadd.s32 $0x4000, s4  }
0xb: {  	v0 =	vimm.f32 $0.0e+00;
	v1 =	vimm.f32 $1.000000000e+00;
	s4 =	sadd.s32 $0xDE00, s5;
	s5 =	smax.u32 s6, $0x1;
	s6 =	simm.s32 $0x2780  }
.LBB2_1:
0xc: {  	s11 =	simm.s32 $0x40;
	s12 =	simm.s32 $0x0  }
.LBB2_2:
0xd: {  	p0 =	sne.s32 s11, $0x9C00;
	[tilespmem:s12+$0x0] =	vst v0;
	s12 =	smov.u32 s11;
	s11 =	sadd.s32 $0x40, s11  }
.Ltmp0:
0xe: {  	(pc) =	sbr.rel @p0 .LBB2_2-.Ltmp0, $2  }
0xf: {  	_ =	sdelay $0x2  }
0x10: {  	s12 =	sshra.s32 s12, $0x2  }
0x11: {  	[tilespmem:s12+$0x0] =	vst v0;
	s11 =	simm.s32 $0x0  }
0x12: {  	[tilespmem:s6], [sflag:$0x1] =	stream.linear.gather [hbm4b:s3+s11], $0x2710, $0x38;
	[tilespmem:$0x4F00] =	vst v63  }
0x13: {  	_ =	swait.ge [sflag:s7], $0x2710  }
0x14: {  	[sflag:s7] =	ssyncset.done $0x0  }
0x15: {  	s12 =	simm.s32 $0x0;
	s11 =	simm.s32 $0x40;
	[sflag:s7] =	ssyncadd.s32 $0xFFFFD8F0  }
.LBB2_4:
0x16: {  	p0 =	sne.s32 s11, $0x9C00;
	v2 =	vld [tilespmem:s12+$0x2780];
	_ =	sdelay $0x3  }
.Ltmp1:
0x17: {  	(pc) =	sbr.rel @p0 .LBB2_4-.Ltmp1, $2  }
0x18: {  	_ =	sdelay $0x2  }
0x19: {  	s12 =	sshra.s32 s11, $0x2;
	s11 =	sadd.s32 $0x40, s11;
	[tilespmem:v2+s2+$0x0] =	vst.idx.add.f32.msk $0xffff, v1  }
0x1a: {  	v2 =	vld [tilespmem:s12+$0x2780];
	_ =	sdelay $0x5  }
0x1b: {  	s10 =	sadd.s32 $0x1, s10  }
0x1c: {  	p0 =	sne.s32 s10, s5  }
.Ltmp2:
0x1d: {  	[tilespmem:v2+s2+$0x0] =	vst.idx.add.f32.msk $0xffff, v1;
	(pc) =	sbr.rel @p0 .LBB2_1-.Ltmp2, $4  }
0x1e: {  	[hbm4b:s4+s8] =	stream.strided.scatter [tilespmem:s2], [sflag:$0x1], $0x2780, s9, s8, $0x38;
	[tilespmem:$0x4F00] =	vst v63  }
0x1f: {  	_ =	swait.ge [sflag:s7], $0x2780  }
0x20: {  	[sflag:s7] =	ssyncset.done $0x0  }
0x21: {  	[sflag:s7] =	ssyncadd.s32 $0xFFFFD880  }
0x22: {  	_ =	sfence.sel $0x180000  }
0x23: {  	[bflag:$0x0] =	sbarrier.arrive $0xFFFF  }
0x24: {  	p0 =	sne.s32 s0, $0x0;
	_ =	strace $0x90000047  }
0x25: {  	s0 =	sadd.s32 @!p0 $0x100000, s1;
	[bflag:$0x2] =	sbarrier.arrive $0xFFFF  }
0x26: {  	[sflag:s0] =	ssyncadd.tile.s32 @!p0 $0x1;
	_ =	shalt  }
.Lfunc_end2:
_tile_overlayer_lowered:
.L_overlay_start_2:
0x27: {  	(tag) =	ssettag $0x2  }
0x28: {  	s0 =	rddreg [dreg:$0x0];
	s2 =	stileid.u32  }
0x29: {  	s1 =	rddreg [dreg:$0x1];
	p0 =	sne.s32 s2, $0x0  }
0x2a: {  	s3 =	rddreg [dreg:$0x2];
	[bflag:$0x3] =	sbarrier.arrive $0xFFFF;
	s2 =	simm.s32 @!p0 $0x1C01  }
0x2b: {  	[timem:s3], [sflag:s2] =	dma.local @!p0 [hbm:s0], s1  }
0x2c: {  	s0 =	simm.s32 @!p0 $0x1  }
0x2d: {  	_ =	swait.ge @!p0 [sflag:s0], s1  }
0x2e: {  	s1 =	ssub.s32 @!p0 $0x0, s1;
	[sflag:s0] =	ssyncset.done @!p0 $0x0  }
0x2f: {  	[sflag:s0] =	ssyncadd.s32 @!p0 s1  }
0x30: {  	[bflag:$0x3] =	sbarrier.arrive $0xFFFF  }
0x31: {  	_ =	shalt  }

</sc_bundles>
